<compile_context>
chip_gen: v7x
topology: tpu7x:2x2x1
jax: 0.10.2.dev20260603
libtpu: 0.0.44.dev20260713+nightly
codegen_flags: <defaults>
</compile_context>

<pallas_src>
import functools

import jax
import jax.numpy as jnp
from jax import lax
from jax.experimental import pallas as pl
from jax.experimental.pallas import tpu as pltpu
from jax.experimental.pallas import tpu_sc as plsc

_NC = 2
_NS = 16
_LANES = 16
_CHUNK = 16
_NBUF = 4
_PREFETCH = 2
_GRP = 8


@functools.partial(jax.jit, static_argnames=("n_rows", "d_half"))
def _sc_lookup_add(x2d, c1, c2, table1, table2, n_rows, d_half):
    d_model = 2 * d_half
    n_workers = _NC * _NS
    rows_per_worker = n_rows // n_workers
    n_chunks = rows_per_worker // _CHUNK
    assert n_rows % (n_workers * _CHUNK) == 0
    assert n_chunks % _NBUF == 0

    mesh = plsc.VectorSubcoreMesh(core_axis_name="c", subcore_axis_name="s")

    @functools.partial(
        pl.kernel,
        mesh=mesh,
        out_type=jax.ShapeDtypeStruct((n_rows, d_model), jnp.float32),
        scratch_types=[
            pltpu.VMEM((rows_per_worker,), jnp.int32),
            pltpu.VMEM((rows_per_worker,), jnp.int32),
            pltpu.VMEM((_NBUF, _CHUNK, d_half), jnp.float32),
            pltpu.VMEM((_NBUF, _CHUNK, d_half), jnp.float32),
            pltpu.VMEM((_NBUF, _CHUNK, d_model), jnp.float32),
            pltpu.SemaphoreType.DMA((_NBUF,)),
            pltpu.SemaphoreType.DMA((_NBUF,)),
        ],
    )
    def k(x_hbm, c1_hbm, c2_hbm, t1_hbm, t2_hbm, out_hbm,
          idx1_v, idx2_v, buf1, buf2, xbuf, sem_ld, sem_st):
        wid = lax.axis_index("s") * _NC + lax.axis_index("c")
        base = wid * rows_per_worker
        pltpu.sync_copy(c1_hbm.at[pl.ds(base, rows_per_worker)], idx1_v)
        pltpu.sync_copy(c2_hbm.at[pl.ds(base, rows_per_worker)], idx2_v)

        def start_gathers(c, b):
            pltpu.async_copy(
                t1_hbm.at[idx1_v.at[pl.ds(c * _CHUNK, _CHUNK)]],
                buf1.at[b], sem_ld.at[b])
            pltpu.async_copy(
                t2_hbm.at[idx2_v.at[pl.ds(c * _CHUNK, _CHUNK)]],
                buf2.at[b], sem_ld.at[b])

        def start_xload(c, b):
            pltpu.async_copy(
                x_hbm.at[pl.ds(base + c * _CHUNK, _CHUNK)],
                xbuf.at[b], sem_ld.at[b])

        def wait_loads(b):
            pltpu.make_async_copy(
                t1_hbm.at[idx1_v.at[pl.ds(0, _CHUNK)]],
                buf1.at[b], sem_ld.at[b]).wait()
            pltpu.make_async_copy(
                t2_hbm.at[idx2_v.at[pl.ds(0, _CHUNK)]],
                buf2.at[b], sem_ld.at[b]).wait()
            pltpu.make_async_copy(
                x_hbm.at[pl.ds(base, _CHUNK)],
                xbuf.at[b], sem_ld.at[b]).wait()

        def start_store(c, b):
            pltpu.async_copy(
                xbuf.at[b], out_hbm.at[pl.ds(base + c * _CHUNK, _CHUNK)],
                sem_st.at[b])

        def wait_store(b):
            pltpu.make_async_copy(
                xbuf.at[b], out_hbm.at[pl.ds(base, _CHUNK)],
                sem_st.at[b]).wait()

        for c0 in range(_PREFETCH):
            start_gathers(c0, c0 % _NBUF)
            start_xload(c0, c0 % _NBUF)

        def group_body(p, carry):
            for b in range(_NBUF):
                c = p * _NBUF + b
                cpf = c + _PREFETCH
                bpf = (b + _PREFETCH) % _NBUF

                @pl.when(cpf < n_chunks)
                def _():
                    @pl.when(cpf >= _NBUF)
                    def _():
                        wait_store(bpf)

                    start_gathers(cpf, bpf)
                    start_xload(cpf, bpf)

                wait_loads(b)

                n_sl = d_half // _LANES

                @plsc.parallel_loop(0, _CHUNK, step=1)
                def row_body(r):
                    for g in range(0, n_sl, _GRP):
                        v1s = [buf1[b, r, pl.ds((g + k) * _LANES, _LANES)]
                               for k in range(_GRP)]
                        v2s = [buf2[b, r, pl.ds((g + k) * _LANES, _LANES)]
                               for k in range(_GRP)]
                        for k in range(_GRP):
                            plsc.addupdate(
                                xbuf.at[b, r, pl.ds((g + k) * _LANES, _LANES)],
                                v1s[k])
                        for k in range(_GRP):
                            plsc.addupdate(
                                xbuf.at[b, r,
                                        pl.ds(d_half + (g + k) * _LANES, _LANES)],
                                v2s[k])
                start_store(c, b)
            return carry

        lax.fori_loop(0, n_chunks // _NBUF, group_body, 0)
        for b in range(_NBUF):
            wait_store(b)

    return k(x2d, c1, c2, table1, table2)


def kernel(x, coord1, coord2, table1, table2):
    b, s, d_model = x.shape
    n_rows = b * s
    d_half = table1.shape[1]
    x2d = x.reshape(n_rows, d_model)
    c1 = coord1.reshape(n_rows).astype(jnp.int32)
    c2 = coord2.reshape(n_rows).astype(jnp.int32)
    out = _sc_lookup_add(x2d, c1, c2, table1, table2, n_rows, d_half)
    return out.reshape(b, s, d_model)

# --- scband reference (transcript-rebuilt; emitter-appended) ---
"""Pipeline reference for scband-learned-position-encoding-87368224735423 (READ-ONLY COPY).

The authoritative reference and input builder live on the scoring server;
editing this copy changes nothing except your own understanding.
"""

import jax, jax.numpy as jnp
import numpy as np

D_MODEL = 768
MAX_LEN = 22118
B, S = 4, 8192

def setup_inputs(seed: int = 0) -> dict:
    key = jax.random.key(seed)
    k1, k2, k3, k4, k5 = jax.random.split(key, 5)
    x = jax.random.normal(k1, (B, S, D_MODEL), dtype=jnp.float32)
    coord1 = jax.random.randint(k2, (B, S), 0, MAX_LEN, dtype=jnp.int64 if jax.config.read('jax_enable_x64') else jnp.int32).astype(jnp.int32)
    coord2 = jax.random.randint(k3, (B, S), 0, MAX_LEN, dtype=jnp.int32)
    half = D_MODEL // 2
    table1 = jax.random.normal(k4, (MAX_LEN, half), dtype=jnp.float32)
    table2 = jax.random.normal(k5, (MAX_LEN, half), dtype=jnp.float32)
    return {"x": x, "coord1": coord1, "coord2": coord2, "table1": table1, "table2": table2}

def reference(x, coord1, coord2, table1, table2):
    coord1_encoded = jnp.take(table1, coord1, axis=0)
    coord2_encoded = jnp.take(table2, coord2, axis=0)
    position_encoded = jnp.concatenate((coord1_encoded, coord2_encoded), axis=-1)
    return x + position_encoded

if __name__ == "__main__":
    import jax
    _d = setup_inputs()
    print(jax.jit(kernel)(*tuple(_d.values())))

</pallas_src>

<mosaic_0001>
#map = affine_map<(d0, d1) -> (0, 0)>
#map1 = affine_map<(d0, d1) -> (0)>
module attributes {stable_mosaic.version = 14 : i64} {
  func.func @k(%arg0: i32, %arg1: i32, %arg2: memref<32768x768xf32, #tpu.memory_space<hbm>>, %arg3: memref<32768xi32, #tpu.memory_space<hbm>>, %arg4: memref<32768xi32, #tpu.memory_space<hbm>>, %arg5: memref<22118x384xf32, #tpu.memory_space<hbm>>, %arg6: memref<22118x384xf32, #tpu.memory_space<hbm>>, %arg7: memref<32768x768xf32, #tpu.memory_space<hbm>>, %arg8: memref<1024xi32, #tpu.memory_space<vmem>>, %arg9: memref<1024xi32, #tpu.memory_space<vmem>>, %arg10: memref<4x16x384xf32, #tpu.memory_space<vmem>>, %arg11: memref<4x16x384xf32, #tpu.memory_space<vmem>>, %arg12: memref<4x16x768xf32, #tpu.memory_space<vmem>>, %arg13: memref<4x!tpu.dma_semaphore, #tpu.memory_space<semaphore_mem>>, %arg14: memref<4x!tpu.dma_semaphore, #tpu.memory_space<semaphore_mem>>) attributes {dimension_semantics = [#tpu.dimension_semantics<core_parallel>, #tpu.dimension_semantics<subcore_parallel>], iteration_bounds = array<i64: 2, 16>, scalar_prefetch = 0 : i64, scratch_operands = 7 : i64, tpu.core_type = #tpu.core_type<sc_vector_subcore>, window_params = [{transform_indices = #map}, {transform_indices = #map1}, {transform_indices = #map1}, {transform_indices = #map}, {transform_indices = #map}, {transform_indices = #map}]} {
    %mul3A = arith.constant 2 : i32
    %mul3A_0 = arith.muli %arg1, %mul3A : i32
    %add3A = arith.addi %mul3A_0, %arg0 : i32
    %mul3A_1 = arith.constant 1024 : i32
    %mul3A_2 = arith.muli %add3A, %mul3A_1 : i32
    "tpu.region"() ({
      %run_scoped3A = tpu.sem_alloc : memref<!tpu.dma_semaphore, #tpu.memory_space<semaphore_mem>>
      %dma_start3A_158 = tpu.memref_slice %arg3[%mul3A_2] : memref<32768xi32, #tpu.memory_space<hbm>> -> memref<1024xi32, #tpu.memory_space<hbm>>
      %dma_start3A_159 = tpu.memref_slice %arg3[%mul3A_2] : memref<32768xi32, #tpu.memory_space<hbm>> -> memref<1024xi32, #tpu.memory_space<hbm>>
      tpu.enqueue_dma source(%dma_start3A_159 : memref<1024xi32, #tpu.memory_space<hbm>>) target(%arg8 : memref<1024xi32, #tpu.memory_space<vmem>>) target_semaphore(%run_scoped3A : memref<!tpu.dma_semaphore, #tpu.memory_space<semaphore_mem>>)
      %dma_wait3A_160 = tpu.memref_slice %arg3[%mul3A_2] : memref<32768xi32, #tpu.memory_space<hbm>> -> memref<1024xi32, #tpu.memory_space<hbm>>
      %dma_wait3A_161 = tpu.memref_slice %arg3[%mul3A_2] : memref<32768xi32, #tpu.memory_space<hbm>> -> memref<1024xi32, #tpu.memory_space<hbm>>
      tpu.wait_dma2 semaphore(%run_scoped3A : memref<!tpu.dma_semaphore, #tpu.memory_space<semaphore_mem>>) src(%dma_wait3A_161 : memref<1024xi32, #tpu.memory_space<hbm>>) dst(%arg8 : memref<1024xi32, #tpu.memory_space<vmem>>)
      tpu.yield
    }) : () -> ()
    "tpu.region"() ({
      %run_scoped3A = tpu.sem_alloc : memref<!tpu.dma_semaphore, #tpu.memory_space<semaphore_mem>>
      %dma_start3A_158 = tpu.memref_slice %arg4[%mul3A_2] : memref<32768xi32, #tpu.memory_space<hbm>> -> memref<1024xi32, #tpu.memory_space<hbm>>
      %dma_start3A_159 = tpu.memref_slice %arg4[%mul3A_2] : memref<32768xi32, #tpu.memory_space<hbm>> -> memref<1024xi32, #tpu.memory_space<hbm>>
      tpu.enqueue_dma source(%dma_start3A_159 : memref<1024xi32, #tpu.memory_space<hbm>>) target(%arg9 : memref<1024xi32, #tpu.memory_space<vmem>>) target_semaphore(%run_scoped3A : memref<!tpu.dma_semaphore, #tpu.memory_space<semaphore_mem>>)
      %dma_wait3A_160 = tpu.memref_slice %arg4[%mul3A_2] : memref<32768xi32, #tpu.memory_space<hbm>> -> memref<1024xi32, #tpu.memory_space<hbm>>
      %dma_wait3A_161 = tpu.memref_slice %arg4[%mul3A_2] : memref<32768xi32, #tpu.memory_space<hbm>> -> memref<1024xi32, #tpu.memory_space<hbm>>
      tpu.wait_dma2 semaphore(%run_scoped3A : memref<!tpu.dma_semaphore, #tpu.memory_space<semaphore_mem>>) src(%dma_wait3A_161 : memref<1024xi32, #tpu.memory_space<hbm>>) dst(%arg9 : memref<1024xi32, #tpu.memory_space<vmem>>)
      tpu.yield
    }) : () -> ()
    %dma_start3A = arith.constant 0 : i32
    %dma_start3A_3 = arith.constant 0 : i32
    %dma_start3A_4 = arith.constant 0 : i32
    %dma_start3A_5 = arith.constant 0 : i32
    %dma_start3A_6 = tpu.memref_slice %arg10[%dma_start3A, %dma_start3A_4, %dma_start3A_5] : memref<4x16x384xf32, #tpu.memory_space<vmem>> -> memref<1x16x384xf32, #tpu.memory_space<vmem>>
    %dma_start3A_7 = tpu.memref_squeeze %dma_start3A_6 : memref<1x16x384xf32, #tpu.memory_space<vmem>> -> memref<16x384xf32, #tpu.memory_space<vmem>>
    %dma_start3A_8 = arith.constant 0 : i32
    %dma_start3A_9 = tpu.memref_slice %arg8[%dma_start3A_8] : memref<1024xi32, #tpu.memory_space<vmem>> -> memref<16xi32, #tpu.memory_space<vmem>>
    %dma_start3A_10 = arith.constant 0 : i32
    %dma_start3A_11 = arith.constant 0 : i32
    %dma_start3A_12 = tpu.memref_slice %arg5[%dma_start3A_10, %dma_start3A_11] : memref<22118x384xf32, #tpu.memory_space<hbm>> -> memref<22118x384xf32, #tpu.memory_space<hbm>>
    %dma_start3A_13 = tpu.memref_slice %arg13[%dma_start3A_3] : memref<4x!tpu.dma_semaphore, #tpu.memory_space<semaphore_mem>> -> memref<1x!tpu.dma_semaphore, #tpu.memory_space<semaphore_mem>>
    %dma_start3A_14 = tpu.memref_squeeze %dma_start3A_13 : memref<1x!tpu.dma_semaphore, #tpu.memory_space<semaphore_mem>> -> memref<!tpu.dma_semaphore, #tpu.memory_space<semaphore_mem>>
    tpu.enqueue_indirect_dma source(%dma_start3A_12 : memref<22118x384xf32, #tpu.memory_space<hbm>>) target(%dma_start3A_7 : memref<16x384xf32, #tpu.memory_space<vmem>>) offsets(%dma_start3A_9 : memref<16xi32, #tpu.memory_space<vmem>>) semaphore(%dma_start3A_14 : memref<!tpu.dma_semaphore, #tpu.memory_space<semaphore_mem>>)
    %dma_start3A_15 = arith.constant 0 : i32
    %dma_start3A_16 = arith.constant 0 : i32
    %dma_start3A_17 = arith.constant 0 : i32
    %dma_start3A_18 = arith.constant 0 : i32
    %dma_start3A_19 = tpu.memref_slice %arg11[%dma_start3A_15, %dma_start3A_17, %dma_start3A_18] : memref<4x16x384xf32, #tpu.memory_space<vmem>> -> memref<1x16x384xf32, #tpu.memory_space<vmem>>
    %dma_start3A_20 = tpu.memref_squeeze %dma_start3A_19 : memref<1x16x384xf32, #tpu.memory_space<vmem>> -> memref<16x384xf32, #tpu.memory_space<vmem>>
    %dma_start3A_21 = arith.constant 0 : i32
    %dma_start3A_22 = tpu.memref_slice %arg9[%dma_start3A_21] : memref<1024xi32, #tpu.memory_space<vmem>> -> memref<16xi32, #tpu.memory_space<vmem>>
    %dma_start3A_23 = arith.constant 0 : i32
    %dma_start3A_24 = arith.constant 0 : i32
    %dma_start3A_25 = tpu.memref_slice %arg6[%dma_start3A_23, %dma_start3A_24] : memref<22118x384xf32, #tpu.memory_space<hbm>> -> memref<22118x384xf32, #tpu.memory_space<hbm>>
    %dma_start3A_26 = tpu.memref_slice %arg13[%dma_start3A_16] : memref<4x!tpu.dma_semaphore, #tpu.memory_space<semaphore_mem>> -> memref<1x!tpu.dma_semaphore, #tpu.memory_space<semaphore_mem>>
    %dma_start3A_27 = tpu.memref_squeeze %dma_start3A_26 : memref<1x!tpu.dma_semaphore, #tpu.memory_space<semaphore_mem>> -> memref<!tpu.dma_semaphore, #tpu.memory_space<semaphore_mem>>
    tpu.enqueue_indirect_dma source(%dma_start3A_25 : memref<22118x384xf32, #tpu.memory_space<hbm>>) target(%dma_start3A_20 : memref<16x384xf32, #tpu.memory_space<vmem>>) offsets(%dma_start3A_22 : memref<16xi32, #tpu.memory_space<vmem>>) semaphore(%dma_start3A_27 : memref<!tpu.dma_semaphore, #tpu.memory_space<semaphore_mem>>)
    %add3A_28 = arith.constant 0 : i32
    %add3A_29 = arith.addi %mul3A_2, %add3A_28 : i32
    %dma_start3A_30 = arith.constant 0 : i32
    %dma_start3A_31 = arith.constant 0 : i32
    %dma_start3A_32 = arith.constant 0 : i32
    %dma_start3A_33 = arith.constant 0 : i32
    %dma_start3A_34 = tpu.memref_slice %arg12[%dma_start3A_30, %dma_start3A_32, %dma_start3A_33] : memref<4x16x768xf32, #tpu.memory_space<vmem>> -> memref<1x16x768xf32, #tpu.memory_space<vmem>>
    %dma_start3A_35 = tpu.memref_squeeze %dma_start3A_34 : memref<1x16x768xf32, #tpu.memory_space<vmem>> -> memref<16x768xf32, #tpu.memory_space<vmem>>
    %dma_start3A_36 = arith.constant 0 : i32
    %dma_start3A_37 = tpu.memref_slice %arg2[%add3A_29, %dma_start3A_36] : memref<32768x768xf32, #tpu.memory_space<hbm>> -> memref<16x768xf32, #tpu.memory_space<hbm>>
    %dma_start3A_38 = tpu.memref_slice %arg13[%dma_start3A_31] : memref<4x!tpu.dma_semaphore, #tpu.memory_space<semaphore_mem>> -> memref<1x!tpu.dma_semaphore, #tpu.memory_space<semaphore_mem>>
    %dma_start3A_39 = tpu.memref_squeeze %dma_start3A_38 : memref<1x!tpu.dma_semaphore, #tpu.memory_space<semaphore_mem>> -> memref<!tpu.dma_semaphore, #tpu.memory_space<semaphore_mem>>
    %dma_start3A_40 = arith.constant 0 : i32
    %dma_start3A_41 = arith.constant 0 : i32
    %dma_start3A_42 = tpu.memref_slice %arg12[%dma_start3A_30, %dma_start3A_40, %dma_start3A_41] : memref<4x16x768xf32, #tpu.memory_space<vmem>> -> memref<1x16x768xf32, #tpu.memory_space<vmem>>
    %dma_start3A_43 = tpu.memref_squeeze %dma_start3A_42 : memref<1x16x768xf32, #tpu.memory_space<vmem>> -> memref<16x768xf32, #tpu.memory_space<vmem>>
    %dma_start3A_44 = arith.constant 0 : i32
    %dma_start3A_45 = tpu.memref_slice %arg2[%add3A_29, %dma_start3A_44] : memref<32768x768xf32, #tpu.memory_space<hbm>> -> memref<16x768xf32, #tpu.memory_space<hbm>>
    tpu.enqueue_dma source(%dma_start3A_45 : memref<16x768xf32, #tpu.memory_space<hbm>>) target(%dma_start3A_43 : memref<16x768xf32, #tpu.memory_space<vmem>>) target_semaphore(%dma_start3A_39 : memref<!tpu.dma_semaphore, #tpu.memory_space<semaphore_mem>>)
    %dma_start3A_46 = arith.constant 1 : i32
    %dma_start3A_47 = arith.constant 1 : i32
    %dma_start3A_48 = arith.constant 0 : i32
    %dma_start3A_49 = arith.constant 0 : i32
    %dma_start3A_50 = tpu.memref_slice %arg10[%dma_start3A_46, %dma_start3A_48, %dma_start3A_49] : memref<4x16x384xf32, #tpu.memory_space<vmem>> -> memref<1x16x384xf32, #tpu.memory_space<vmem>>
    %dma_start3A_51 = tpu.memref_squeeze %dma_start3A_50 : memref<1x16x384xf32, #tpu.memory_space<vmem>> -> memref<16x384xf32, #tpu.memory_space<vmem>>
    %dma_start3A_52 = arith.constant 16 : i32
    %dma_start3A_53 = tpu.memref_slice %arg8[%dma_start3A_52] : memref<1024xi32, #tpu.memory_space<vmem>> -> memref<16xi32, #tpu.memory_space<vmem>>
    %dma_start3A_54 = arith.constant 0 : i32
    %dma_start3A_55 = arith.constant 0 : i32
    %dma_start3A_56 = tpu.memref_slice %arg5[%dma_start3A_54, %dma_start3A_55] : memref<22118x384xf32, #tpu.memory_space<hbm>> -> memref<22118x384xf32, #tpu.memory_space<hbm>>
    %dma_start3A_57 = tpu.memref_slice %arg13[%dma_start3A_47] : memref<4x!tpu.dma_semaphore, #tpu.memory_space<semaphore_mem>> -> memref<1x!tpu.dma_semaphore, #tpu.memory_space<semaphore_mem>>
    %dma_start3A_58 = tpu.memref_squeeze %dma_start3A_57 : memref<1x!tpu.dma_semaphore, #tpu.memory_space<semaphore_mem>> -> memref<!tpu.dma_semaphore, #tpu.memory_space<semaphore_mem>>
    tpu.enqueue_indirect_dma source(%dma_start3A_56 : memref<22118x384xf32, #tpu.memory_space<hbm>>) target(%dma_start3A_51 : memref<16x384xf32, #tpu.memory_space<vmem>>) offsets(%dma_start3A_53 : memref<16xi32, #tpu.memory_space<vmem>>) semaphore(%dma_start3A_58 : memref<!tpu.dma_semaphore, #tpu.memory_space<semaphore_mem>>)
    %dma_start3A_59 = arith.constant 1 : i32
    %dma_start3A_60 = arith.constant 1 : i32
    %dma_start3A_61 = arith.constant 0 : i32
    %dma_start3A_62 = arith.constant 0 : i32
    %dma_start3A_63 = tpu.memref_slice %arg11[%dma_start3A_59, %dma_start3A_61, %dma_start3A_62] : memref<4x16x384xf32, #tpu.memory_space<vmem>> -> memref<1x16x384xf32, #tpu.memory_space<vmem>>
    %dma_start3A_64 = tpu.memref_squeeze %dma_start3A_63 : memref<1x16x384xf32, #tpu.memory_space<vmem>> -> memref<16x384xf32, #tpu.memory_space<vmem>>
    %dma_start3A_65 = arith.constant 16 : i32
    %dma_start3A_66 = tpu.memref_slice %arg9[%dma_start3A_65] : memref<1024xi32, #tpu.memory_space<vmem>> -> memref<16xi32, #tpu.memory_space<vmem>>
    %dma_start3A_67 = arith.constant 0 : i32
    %dma_start3A_68 = arith.constant 0 : i32
    %dma_start3A_69 = tpu.memref_slice %arg6[%dma_start3A_67, %dma_start3A_68] : memref<22118x384xf32, #tpu.memory_space<hbm>> -> memref<22118x384xf32, #tpu.memory_space<hbm>>
    %dma_start3A_70 = tpu.memref_slice %arg13[%dma_start3A_60] : memref<4x!tpu.dma_semaphore, #tpu.memory_space<semaphore_mem>> -> memref<1x!tpu.dma_semaphore, #tpu.memory_space<semaphore_mem>>
    %dma_start3A_71 = tpu.memref_squeeze %dma_start3A_70 : memref<1x!tpu.dma_semaphore, #tpu.memory_space<semaphore_mem>> -> memref<!tpu.dma_semaphore, #tpu.memory_space<semaphore_mem>>
    tpu.enqueue_indirect_dma source(%dma_start3A_69 : memref<22118x384xf32, #tpu.memory_space<hbm>>) target(%dma_start3A_64 : memref<16x384xf32, #tpu.memory_space<vmem>>) offsets(%dma_start3A_66 : memref<16xi32, #tpu.memory_space<vmem>>) semaphore(%dma_start3A_71 : memref<!tpu.dma_semaphore, #tpu.memory_space<semaphore_mem>>)
    %add3A_72 = arith.constant 16 : i32
    %add3A_73 = arith.addi %mul3A_2, %add3A_72 : i32
    %dma_start3A_74 = arith.constant 1 : i32
    %dma_start3A_75 = arith.constant 1 : i32
    %dma_start3A_76 = arith.constant 0 : i32
    %dma_start3A_77 = arith.constant 0 : i32
    %dma_start3A_78 = tpu.memref_slice %arg12[%dma_start3A_74, %dma_start3A_76, %dma_start3A_77] : memref<4x16x768xf32, #tpu.memory_space<vmem>> -> memref<1x16x768xf32, #tpu.memory_space<vmem>>
    %dma_start3A_79 = tpu.memref_squeeze %dma_start3A_78 : memref<1x16x768xf32, #tpu.memory_space<vmem>> -> memref<16x768xf32, #tpu.memory_space<vmem>>
    %dma_start3A_80 = arith.constant 0 : i32
    %dma_start3A_81 = tpu.memref_slice %arg2[%add3A_73, %dma_start3A_80] : memref<32768x768xf32, #tpu.memory_space<hbm>> -> memref<16x768xf32, #tpu.memory_space<hbm>>
    %dma_start3A_82 = tpu.memref_slice %arg13[%dma_start3A_75] : memref<4x!tpu.dma_semaphore, #tpu.memory_space<semaphore_mem>> -> memref<1x!tpu.dma_semaphore, #tpu.memory_space<semaphore_mem>>
    %dma_start3A_83 = tpu.memref_squeeze %dma_start3A_82 : memref<1x!tpu.dma_semaphore, #tpu.memory_space<semaphore_mem>> -> memref<!tpu.dma_semaphore, #tpu.memory_space<semaphore_mem>>
    %dma_start3A_84 = arith.constant 0 : i32
    %dma_start3A_85 = arith.constant 0 : i32
    %dma_start3A_86 = tpu.memref_slice %arg12[%dma_start3A_74, %dma_start3A_84, %dma_start3A_85] : memref<4x16x768xf32, #tpu.memory_space<vmem>> -> memref<1x16x768xf32, #tpu.memory_space<vmem>>
    %dma_start3A_87 = tpu.memref_squeeze %dma_start3A_86 : memref<1x16x768xf32, #tpu.memory_space<vmem>> -> memref<16x768xf32, #tpu.memory_space<vmem>>
    %dma_start3A_88 = arith.constant 0 : i32
    %dma_start3A_89 = tpu.memref_slice %arg2[%add3A_73, %dma_start3A_88] : memref<32768x768xf32, #tpu.memory_space<hbm>> -> memref<16x768xf32, #tpu.memory_space<hbm>>
    tpu.enqueue_dma source(%dma_start3A_89 : memref<16x768xf32, #tpu.memory_space<hbm>>) target(%dma_start3A_87 : memref<16x768xf32, #tpu.memory_space<vmem>>) target_semaphore(%dma_start3A_83 : memref<!tpu.dma_semaphore, #tpu.memory_space<semaphore_mem>>)
    %scan3A = arith.constant 0 : i32
    %scan3A_90 = arith.constant 0 : i32
    %scan3A_91 = arith.constant 16 : i32
    %scan3A_92 = arith.addi %scan3A_90, %scan3A_91 : i32
    %scan3A_93 = arith.constant 1 : i32
    scf.for %scan3A_158 = %scan3A_90 to %scan3A_92 step %scan3A_93  : i32 {
      %mul3A_159 = arith.constant 4 : i32
      %mul3A_160 = arith.muli %scan3A_158, %mul3A_159 : i32
      %add3A_161 = arith.constant 0 : i32
      %add3A_162 = arith.addi %mul3A_160, %add3A_161 : i32
      %add3A_163 = arith.constant 2 : i32
      %add3A_164 = arith.addi %add3A_162, %add3A_163 : i32
      %lt3A = arith.constant 64 : i32
      %lt3A_165 = arith.cmpi slt, %add3A_164, %lt3A : i32
      %convert_element_type3A = arith.extui %lt3A_165 : i1 to i32
      %cond3A = arith.constant 0 : i32
      %cond3A_166 = arith.cmpi ne, %convert_element_type3A, %cond3A : i32
      scf.if %cond3A_166 {
        %ge3A = arith.constant 4 : i32
        %ge3A_455 = arith.cmpi sge, %add3A_164, %ge3A : i32
        %convert_element_type3A_456 = arith.extui %ge3A_455 : i1 to i32
        %cond3A_457 = arith.constant 0 : i32
        %cond3A_458 = arith.cmpi ne, %convert_element_type3A_456, %cond3A_457 : i32
        scf.if %cond3A_458 {
          %dma_wait3A_506 = arith.constant 2 : i32
          %dma_wait3A_507 = arith.constant 2 : i32
          %dma_wait3A_508 = arith.constant 0 : i32
          %dma_wait3A_509 = arith.constant 0 : i32
          %dma_wait3A_510 = tpu.memref_slice %arg12[%dma_wait3A_506, %dma_wait3A_508, %dma_wait3A_509] : memref<4x16x768xf32, #tpu.memory_space<vmem>> -> memref<1x16x768xf32, #tpu.memory_space<vmem>>
          %dma_wait3A_511 = tpu.memref_squeeze %dma_wait3A_510 : memref<1x16x768xf32, #tpu.memory_space<vmem>> -> memref<16x768xf32, #tpu.memory_space<vmem>>
          %dma_wait3A_512 = arith.constant 0 : i32
          %dma_wait3A_513 = tpu.memref_slice %arg7[%mul3A_2, %dma_wait3A_512] : memref<32768x768xf32, #tpu.memory_space<hbm>> -> memref<16x768xf32, #tpu.memory_space<hbm>>
          %dma_wait3A_514 = tpu.memref_slice %arg14[%dma_wait3A_507] : memref<4x!tpu.dma_semaphore, #tpu.memory_space<semaphore_mem>> -> memref<1x!tpu.dma_semaphore, #tpu.memory_space<semaphore_mem>>
          %dma_wait3A_515 = tpu.memref_squeeze %dma_wait3A_514 : memref<1x!tpu.dma_semaphore, #tpu.memory_space<semaphore_mem>> -> memref<!tpu.dma_semaphore, #tpu.memory_space<semaphore_mem>>
          %dma_wait3A_516 = arith.constant 0 : i32
          %dma_wait3A_517 = tpu.memref_slice %arg7[%mul3A_2, %dma_wait3A_516] : memref<32768x768xf32, #tpu.memory_space<hbm>> -> memref<16x768xf32, #tpu.memory_space<hbm>>
          %dma_wait3A_518 = arith.constant 0 : i32
          %dma_wait3A_519 = arith.constant 0 : i32
          %dma_wait3A_520 = tpu.memref_slice %arg12[%dma_wait3A_506, %dma_wait3A_518, %dma_wait3A_519] : memref<4x16x768xf32, #tpu.memory_space<vmem>> -> memref<1x16x768xf32, #tpu.memory_space<vmem>>
          %dma_wait3A_521 = tpu.memref_squeeze %dma_wait3A_520 : memref<1x16x768xf32, #tpu.memory_space<vmem>> -> memref<16x768xf32, #tpu.memory_space<vmem>>
          tpu.wait_dma2 semaphore(%dma_wait3A_515 : memref<!tpu.dma_semaphore, #tpu.memory_space<semaphore_mem>>) src(%dma_wait3A_521 : memref<16x768xf32, #tpu.memory_space<vmem>>) dst(%dma_wait3A_517 : memref<16x768xf32, #tpu.memory_space<hbm>>)
        } else {
        }
        %mul3A_459 = arith.constant 16 : i32
        %mul3A_460 = arith.muli %add3A_164, %mul3A_459 : i32
        %dma_start3A_461 = arith.constant 2 : i32
        %dma_start3A_462 = arith.constant 2 : i32
        %dma_start3A_463 = arith.constant 0 : i32
        %dma_start3A_464 = arith.constant 0 : i32
        %dma_start3A_465 = tpu.memref_slice %arg10[%dma_start3A_461, %dma_start3A_463, %dma_start3A_464] : memref<4x16x384xf32, #tpu.memory_space<vmem>> -> memref<1x16x384xf32, #tpu.memory_space<vmem>>
        %dma_start3A_466 = tpu.memref_squeeze %dma_start3A_465 : memref<1x16x384xf32, #tpu.memory_space<vmem>> -> memref<16x384xf32, #tpu.memory_space<vmem>>
        %dma_start3A_467 = tpu.memref_slice %arg8[%mul3A_460] : memref<1024xi32, #tpu.memory_space<vmem>> -> memref<16xi32, #tpu.memory_space<vmem>>
        %dma_start3A_468 = arith.constant 0 : i32
        %dma_start3A_469 = arith.constant 0 : i32
        %dma_start3A_470 = tpu.memref_slice %arg5[%dma_start3A_468, %dma_start3A_469] : memref<22118x384xf32, #tpu.memory_space<hbm>> -> memref<22118x384xf32, #tpu.memory_space<hbm>>
        %dma_start3A_471 = tpu.memref_slice %arg13[%dma_start3A_462] : memref<4x!tpu.dma_semaphore, #tpu.memory_space<semaphore_mem>> -> memref<1x!tpu.dma_semaphore, #tpu.memory_space<semaphore_mem>>
        %dma_start3A_472 = tpu.memref_squeeze %dma_start3A_471 : memref<1x!tpu.dma_semaphore, #tpu.memory_space<semaphore_mem>> -> memref<!tpu.dma_semaphore, #tpu.memory_space<semaphore_mem>>
        tpu.enqueue_indirect_dma source(%dma_start3A_470 : memref<22118x384xf32, #tpu.memory_space<hbm>>) target(%dma_start3A_466 : memref<16x384xf32, #tpu.memory_space<vmem>>) offsets(%dma_start3A_467 : memref<16xi32, #tpu.memory_space<vmem>>) semaphore(%dma_start3A_472 : memref<!tpu.dma_semaphore, #tpu.memory_space<semaphore_mem>>)
        %mul3A_473 = arith.constant 16 : i32
        %mul3A_474 = arith.muli %add3A_164, %mul3A_473 : i32
        %dma_start3A_475 = arith.constant 2 : i32
        %dma_start3A_476 = arith.constant 2 : i32
        %dma_start3A_477 = arith.constant 0 : i32
        %dma_start3A_478 = arith.constant 0 : i32
        %dma_start3A_479 = tpu.memref_slice %arg11[%dma_start3A_475, %dma_start3A_477, %dma_start3A_478] : memref<4x16x384xf32, #tpu.memory_space<vmem>> -> memref<1x16x384xf32, #tpu.memory_space<vmem>>
        %dma_start3A_480 = tpu.memref_squeeze %dma_start3A_479 : memref<1x16x384xf32, #tpu.memory_space<vmem>> -> memref<16x384xf32, #tpu.memory_space<vmem>>
        %dma_start3A_481 = tpu.memref_slice %arg9[%mul3A_474] : memref<1024xi32, #tpu.memory_space<vmem>> -> memref<16xi32, #tpu.memory_space<vmem>>
        %dma_start3A_482 = arith.constant 0 : i32
        %dma_start3A_483 = arith.constant 0 : i32
        %dma_start3A_484 = tpu.memref_slice %arg6[%dma_start3A_482, %dma_start3A_483] : memref<22118x384xf32, #tpu.memory_space<hbm>> -> memref<22118x384xf32, #tpu.memory_space<hbm>>
        %dma_start3A_485 = tpu.memref_slice %arg13[%dma_start3A_476] : memref<4x!tpu.dma_semaphore, #tpu.memory_space<semaphore_mem>> -> memref<1x!tpu.dma_semaphore, #tpu.memory_space<semaphore_mem>>
        %dma_start3A_486 = tpu.memref_squeeze %dma_start3A_485 : memref<1x!tpu.dma_semaphore, #tpu.memory_space<semaphore_mem>> -> memref<!tpu.dma_semaphore, #tpu.memory_space<semaphore_mem>>
        tpu.enqueue_indirect_dma source(%dma_start3A_484 : memref<22118x384xf32, #tpu.memory_space<hbm>>) target(%dma_start3A_480 : memref<16x384xf32, #tpu.memory_space<vmem>>) offsets(%dma_start3A_481 : memref<16xi32, #tpu.memory_space<vmem>>) semaphore(%dma_start3A_486 : memref<!tpu.dma_semaphore, #tpu.memory_space<semaphore_mem>>)
        %mul3A_487 = arith.constant 16 : i32
        %mul3A_488 = arith.muli %add3A_164, %mul3A_487 : i32
        %add3A_489 = arith.addi %mul3A_2, %mul3A_488 : i32
        %dma_start3A_490 = arith.constant 2 : i32
        %dma_start3A_491 = arith.constant 2 : i32
        %dma_start3A_492 = arith.constant 0 : i32
        %dma_start3A_493 = arith.constant 0 : i32
        %dma_start3A_494 = tpu.memref_slice %arg12[%dma_start3A_490, %dma_start3A_492, %dma_start3A_493] : memref<4x16x768xf32, #tpu.memory_space<vmem>> -> memref<1x16x768xf32, #tpu.memory_space<vmem>>
        %dma_start3A_495 = tpu.memref_squeeze %dma_start3A_494 : memref<1x16x768xf32, #tpu.memory_space<vmem>> -> memref<16x768xf32, #tpu.memory_space<vmem>>
        %dma_start3A_496 = arith.constant 0 : i32
        %dma_start3A_497 = tpu.memref_slice %arg2[%add3A_489, %dma_start3A_496] : memref<32768x768xf32, #tpu.memory_space<hbm>> -> memref<16x768xf32, #tpu.memory_space<hbm>>
        %dma_start3A_498 = tpu.memref_slice %arg13[%dma_start3A_491] : memref<4x!tpu.dma_semaphore, #tpu.memory_space<semaphore_mem>> -> memref<1x!tpu.dma_semaphore, #tpu.memory_space<semaphore_mem>>
        %dma_start3A_499 = tpu.memref_squeeze %dma_start3A_498 : memref<1x!tpu.dma_semaphore, #tpu.memory_space<semaphore_mem>> -> memref<!tpu.dma_semaphore, #tpu.memory_space<semaphore_mem>>
        %dma_start3A_500 = arith.constant 0 : i32
        %dma_start3A_501 = arith.constant 0 : i32
        %dma_start3A_502 = tpu.memref_slice %arg12[%dma_start3A_490, %dma_start3A_500, %dma_start3A_501] : memref<4x16x768xf32, #tpu.memory_space<vmem>> -> memref<1x16x768xf32, #tpu.memory_space<vmem>>
        %dma_start3A_503 = tpu.memref_squeeze %dma_start3A_502 : memref<1x16x768xf32, #tpu.memory_space<vmem>> -> memref<16x768xf32, #tpu.memory_space<vmem>>
        %dma_start3A_504 = arith.constant 0 : i32
        %dma_start3A_505 = tpu.memref_slice %arg2[%add3A_489, %dma_start3A_504] : memref<32768x768xf32, #tpu.memory_space<hbm>> -> memref<16x768xf32, #tpu.memory_space<hbm>>
        tpu.enqueue_dma source(%dma_start3A_505 : memref<16x768xf32, #tpu.memory_space<hbm>>) target(%dma_start3A_503 : memref<16x768xf32, #tpu.memory_space<vmem>>) target_semaphore(%dma_start3A_499 : memref<!tpu.dma_semaphore, #tpu.memory_space<semaphore_mem>>)
      } else {
      }
      %dma_wait3A_167 = arith.constant 0 : i32
      %dma_wait3A_168 = arith.constant 0 : i32
      %dma_wait3A_169 = arith.constant 0 : i32
      %dma_wait3A_170 = arith.constant 0 : i32
      %dma_wait3A_171 = tpu.memref_slice %arg10[%dma_wait3A_167, %dma_wait3A_169, %dma_wait3A_170] : memref<4x16x384xf32, #tpu.memory_space<vmem>> -> memref<1x16x384xf32, #tpu.memory_space<vmem>>
      %dma_wait3A_172 = tpu.memref_squeeze %dma_wait3A_171 : memref<1x16x384xf32, #tpu.memory_space<vmem>> -> memref<16x384xf32, #tpu.memory_space<vmem>>
      %dma_wait3A_173 = arith.constant 0 : i32
      %dma_wait3A_174 = tpu.memref_slice %arg8[%dma_wait3A_173] : memref<1024xi32, #tpu.memory_space<vmem>> -> memref<16xi32, #tpu.memory_space<vmem>>
      %dma_wait3A_175 = arith.constant 0 : i32
      %dma_wait3A_176 = arith.constant 0 : i32
      %dma_wait3A_177 = tpu.memref_slice %arg5[%dma_wait3A_175, %dma_wait3A_176] : memref<22118x384xf32, #tpu.memory_space<hbm>> -> memref<22118x384xf32, #tpu.memory_space<hbm>>
      %dma_wait3A_178 = tpu.memref_slice %arg13[%dma_wait3A_168] : memref<4x!tpu.dma_semaphore, #tpu.memory_space<semaphore_mem>> -> memref<1x!tpu.dma_semaphore, #tpu.memory_space<semaphore_mem>>
      %dma_wait3A_179 = tpu.memref_squeeze %dma_wait3A_178 : memref<1x!tpu.dma_semaphore, #tpu.memory_space<semaphore_mem>> -> memref<!tpu.dma_semaphore, #tpu.memory_space<semaphore_mem>>
      tpu.wait_indirect_dma semaphore(%dma_wait3A_179 : memref<!tpu.dma_semaphore, #tpu.memory_space<semaphore_mem>>) src(%dma_wait3A_177 : memref<22118x384xf32, #tpu.memory_space<hbm>>) dst(%dma_wait3A_172 : memref<16x384xf32, #tpu.memory_space<vmem>>)
      %dma_wait3A_180 = arith.constant 0 : i32
      %dma_wait3A_181 = arith.constant 0 : i32
      %dma_wait3A_182 = arith.constant 0 : i32
      %dma_wait3A_183 = arith.constant 0 : i32
      %dma_wait3A_184 = tpu.memref_slice %arg11[%dma_wait3A_180, %dma_wait3A_182, %dma_wait3A_183] : memref<4x16x384xf32, #tpu.memory_space<vmem>> -> memref<1x16x384xf32, #tpu.memory_space<vmem>>
      %dma_wait3A_185 = tpu.memref_squeeze %dma_wait3A_184 : memref<1x16x384xf32, #tpu.memory_space<vmem>> -> memref<16x384xf32, #tpu.memory_space<vmem>>
      %dma_wait3A_186 = arith.constant 0 : i32
      %dma_wait3A_187 = tpu.memref_slice %arg9[%dma_wait3A_186] : memref<1024xi32, #tpu.memory_space<vmem>> -> memref<16xi32, #tpu.memory_space<vmem>>
      %dma_wait3A_188 = arith.constant 0 : i32
      %dma_wait3A_189 = arith.constant 0 : i32
      %dma_wait3A_190 = tpu.memref_slice %arg6[%dma_wait3A_188, %dma_wait3A_189] : memref<22118x384xf32, #tpu.memory_space<hbm>> -> memref<22118x384xf32, #tpu.memory_space<hbm>>
      %dma_wait3A_191 = tpu.memref_slice %arg13[%dma_wait3A_181] : memref<4x!tpu.dma_semaphore, #tpu.memory_space<semaphore_mem>> -> memref<1x!tpu.dma_semaphore, #tpu.memory_space<semaphore_mem>>
      %dma_wait3A_192 = tpu.memref_squeeze %dma_wait3A_191 : memref<1x!tpu.dma_semaphore, #tpu.memory_space<semaphore_mem>> -> memref<!tpu.dma_semaphore, #tpu.memory_space<semaphore_mem>>
      tpu.wait_indirect_dma semaphore(%dma_wait3A_192 : memref<!tpu.dma_semaphore, #tpu.memory_space<semaphore_mem>>) src(%dma_wait3A_190 : memref<22118x384xf32, #tpu.memory_space<hbm>>) dst(%dma_wait3A_185 : memref<16x384xf32, #tpu.memory_space<vmem>>)
      %dma_wait3A_193 = arith.constant 0 : i32
      %dma_wait3A_194 = arith.constant 0 : i32
      %dma_wait3A_195 = arith.constant 0 : i32
      %dma_wait3A_196 = arith.constant 0 : i32
      %dma_wait3A_197 = tpu.memref_slice %arg12[%dma_wait3A_193, %dma_wait3A_195, %dma_wait3A_196] : memref<4x16x768xf32, #tpu.memory_space<vmem>> -> memref<1x16x768xf32, #tpu.memory_space<vmem>>
      %dma_wait3A_198 = tpu.memref_squeeze %dma_wait3A_197 : memref<1x16x768xf32, #tpu.memory_space<vmem>> -> memref<16x768xf32, #tpu.memory_space<vmem>>
      %dma_wait3A_199 = arith.constant 0 : i32
      %dma_wait3A_200 = tpu.memref_slice %arg2[%mul3A_2, %dma_wait3A_199] : memref<32768x768xf32, #tpu.memory_space<hbm>> -> memref<16x768xf32, #tpu.memory_space<hbm>>
      %dma_wait3A_201 = tpu.memref_slice %arg13[%dma_wait3A_194] : memref<4x!tpu.dma_semaphore, #tpu.memory_space<semaphore_mem>> -> memref<1x!tpu.dma_semaphore, #tpu.memory_space<semaphore_mem>>
      %dma_wait3A_202 = tpu.memref_squeeze %dma_wait3A_201 : memref<1x!tpu.dma_semaphore, #tpu.memory_space<semaphore_mem>> -> memref<!tpu.dma_semaphore, #tpu.memory_space<semaphore_mem>>
      %dma_wait3A_203 = arith.constant 0 : i32
      %dma_wait3A_204 = arith.constant 0 : i32
      %dma_wait3A_205 = tpu.memref_slice %arg12[%dma_wait3A_193, %dma_wait3A_203, %dma_wait3A_204] : memref<4x16x768xf32, #tpu.memory_space<vmem>> -> memref<1x16x768xf32, #tpu.memory_space<vmem>>
      %dma_wait3A_206 = tpu.memref_squeeze %dma_wait3A_205 : memref<1x16x768xf32, #tpu.memory_space<vmem>> -> memref<16x768xf32, #tpu.memory_space<vmem>>
      %dma_wait3A_207 = arith.constant 0 : i32
      %dma_wait3A_208 = tpu.memref_slice %arg2[%mul3A_2, %dma_wait3A_207] : memref<32768x768xf32, #tpu.memory_space<hbm>> -> memref<16x768xf32, #tpu.memory_space<hbm>>
      tpu.wait_dma2 semaphore(%dma_wait3A_202 : memref<!tpu.dma_semaphore, #tpu.memory_space<semaphore_mem>>) src(%dma_wait3A_208 : memref<16x768xf32, #tpu.memory_space<hbm>>) dst(%dma_wait3A_206 : memref<16x768xf32, #tpu.memory_space<vmem>>)
      %parallel_loop3A = arith.constant 0 : i32
      %parallel_loop3A_209 = arith.constant 16 : i32
      %parallel_loop3A_210 = arith.constant 1 : i32
      scf.for %parallel_loop3A_455 = %parallel_loop3A to %parallel_loop3A_209 step %parallel_loop3A_210  : i32 {
        %parallel_loop3A_456 = arith.constant 0 : i32
        %parallel_loop3A_457 = arith.index_cast %parallel_loop3A_456 : i32 to index
        %parallel_loop3A_458 = arith.index_cast %parallel_loop3A_455 : i32 to index
        %parallel_loop3A_459 = arith.constant 0 : index
        %parallel_loop3A_460 = tpu.vector_load %arg10[%parallel_loop3A_457, %parallel_loop3A_458, %parallel_loop3A_459] {strides = array<i32>} : memref<4x16x384xf32, #tpu.memory_space<vmem>>, vector<1x1x16xf32>,
        %parallel_loop3A_461 = vector.shape_cast %parallel_loop3A_460 : vector<1x1x16xf32> to vector<16xf32>
        %parallel_loop3A_462 = arith.constant 0 : i32
        %parallel_loop3A_463 = arith.index_cast %parallel_loop3A_462 : i32 to index
        %parallel_loop3A_464 = arith.index_cast %parallel_loop3A_455 : i32 to index
        %parallel_loop3A_465 = arith.constant 16 : index
        %parallel_loop3A_466 = tpu.vector_load %arg10[%parallel_loop3A_463, %parallel_loop3A_464, %parallel_loop3A_465] {strides = array<i32>} : memref<4x16x384xf32, #tpu.memory_space<vmem>>, vector<1x1x16xf32>,
        %parallel_loop3A_467 = vector.shape_cast %parallel_loop3A_466 : vector<1x1x16xf32> to vector<16xf32>
        %parallel_loop3A_468 = arith.constant 0 : i32
        %parallel_loop3A_469 = arith.index_cast %parallel_loop3A_468 : i32 to index
        %parallel_loop3A_470 = arith.index_cast %parallel_loop3A_455 : i32 to index
        %parallel_loop3A_471 = arith.constant 32 : index
        %parallel_loop3A_472 = tpu.vector_load %arg10[%parallel_loop3A_469, %parallel_loop3A_470, %parallel_loop3A_471] {strides = array<i32>} : memref<4x16x384xf32, #tpu.memory_space<vmem>>, vector<1x1x16xf32>,
        %parallel_loop3A_473 = vector.shape_cast %parallel_loop3A_472 : vector<1x1x16xf32> to vector<16xf32>
        %parallel_loop3A_474 = arith.constant 0 : i32
        %parallel_loop3A_475 = arith.index_cast %parallel_loop3A_474 : i32 to index
        %parallel_loop3A_476 = arith.index_cast %parallel_loop3A_455 : i32 to index
        %parallel_loop3A_477 = arith.constant 48 : index
        %parallel_loop3A_478 = tpu.vector_load %arg10[%parallel_loop3A_475, %parallel_loop3A_476, %parallel_loop3A_477] {strides = array<i32>} : memref<4x16x384xf32, #tpu.memory_space<vmem>>, vector<1x1x16xf32>,
        %parallel_loop3A_479 = vector.shape_cast %parallel_loop3A_478 : vector<1x1x16xf32> to vector<16xf32>
        %parallel_loop3A_480 = arith.constant 0 : i32
        %parallel_loop3A_481 = arith.index_cast %parallel_loop3A_480 : i32 to index
        %parallel_loop3A_482 = arith.index_cast %parallel_loop3A_455 : i32 to index
        %parallel_loop3A_483 = arith.constant 64 : index
        %parallel_loop3A_484 = tpu.vector_load %arg10[%parallel_loop3A_481, %parallel_loop3A_482, %parallel_loop3A_483] {strides = array<i32>} : memref<4x16x384xf32, #tpu.memory_space<vmem>>, vector<1x1x16xf32>,
        %parallel_loop3A_485 = vector.shape_cast %parallel_loop3A_484 : vector<1x1x16xf32> to vector<16xf32>
        %parallel_loop3A_486 = arith.constant 0 : i32
        %parallel_loop3A_487 = arith.index_cast %parallel_loop3A_486 : i32 to index
        %parallel_loop3A_488 = arith.index_cast %parallel_loop3A_455 : i32 to index
        %parallel_loop3A_489 = arith.constant 80 : index
        %parallel_loop3A_490 = tpu.vector_load %arg10[%parallel_loop3A_487, %parallel_loop3A_488, %parallel_loop3A_489] {strides = array<i32>} : memref<4x16x384xf32, #tpu.memory_space<vmem>>, vector<1x1x16xf32>,
        %parallel_loop3A_491 = vector.shape_cast %parallel_loop3A_490 : vector<1x1x16xf32> to vector<16xf32>
        %parallel_loop3A_492 = arith.constant 0 : i32
        %parallel_loop3A_493 = arith.index_cast %parallel_loop3A_492 : i32 to index
        %parallel_loop3A_494 = arith.index_cast %parallel_loop3A_455 : i32 to index
        %parallel_loop3A_495 = arith.constant 96 : index
        %parallel_loop3A_496 = tpu.vector_load %arg10[%parallel_loop3A_493, %parallel_loop3A_494, %parallel_loop3A_495] {strides = array<i32>} : memref<4x16x384xf32, #tpu.memory_space<vmem>>, vector<1x1x16xf32>,
        %parallel_loop3A_497 = vector.shape_cast %parallel_loop3A_496 : vector<1x1x16xf32> to vector<16xf32>
        %parallel_loop3A_498 = arith.constant 0 : i32
        %parallel_loop3A_499 = arith.index_cast %parallel_loop3A_498 : i32 to index
        %parallel_loop3A_500 = arith.index_cast %parallel_loop3A_455 : i32 to index
        %parallel_loop3A_501 = arith.constant 112 : index
        %parallel_loop3A_502 = tpu.vector_load %arg10[%parallel_loop3A_499, %parallel_loop3A_500, %parallel_loop3A_501] {strides = array<i32>} : memref<4x16x384xf32, #tpu.memory_space<vmem>>, vector<1x1x16xf32>,
        %parallel_loop3A_503 = vector.shape_cast %parallel_loop3A_502 : vector<1x1x16xf32> to vector<16xf32>
        %parallel_loop3A_504 = arith.constant 0 : i32
        %parallel_loop3A_505 = arith.index_cast %parallel_loop3A_504 : i32 to index
        %parallel_loop3A_506 = arith.index_cast %parallel_loop3A_455 : i32 to index
        %parallel_loop3A_507 = arith.constant 0 : index
        %parallel_loop3A_508 = tpu.vector_load %arg11[%parallel_loop3A_505, %parallel_loop3A_506, %parallel_loop3A_507] {strides = array<i32>} : memref<4x16x384xf32, #tpu.memory_space<vmem>>, vector<1x1x16xf32>,
        %parallel_loop3A_509 = vector.shape_cast %parallel_loop3A_508 : vector<1x1x16xf32> to vector<16xf32>
        %parallel_loop3A_510 = arith.constant 0 : i32
        %parallel_loop3A_511 = arith.index_cast %parallel_loop3A_510 : i32 to index
        %parallel_loop3A_512 = arith.index_cast %parallel_loop3A_455 : i32 to index
        %parallel_loop3A_513 = arith.constant 16 : index
        %parallel_loop3A_514 = tpu.vector_load %arg11[%parallel_loop3A_511, %parallel_loop3A_512, %parallel_loop3A_513] {strides = array<i32>} : memref<4x16x384xf32, #tpu.memory_space<vmem>>, vector<1x1x16xf32>,
        %parallel_loop3A_515 = vector.shape_cast %parallel_loop3A_514 : vector<1x1x16xf32> to vector<16xf32>
        %parallel_loop3A_516 = arith.constant 0 : i32
        %parallel_loop3A_517 = arith.index_cast %parallel_loop3A_516 : i32 to index
        %parallel_loop3A_518 = arith.index_cast %parallel_loop3A_455 : i32 to index
        %parallel_loop3A_519 = arith.constant 32 : index
        %parallel_loop3A_520 = tpu.vector_load %arg11[%parallel_loop3A_517, %parallel_loop3A_518, %parallel_loop3A_519] {strides = array<i32>} : memref<4x16x384xf32, #tpu.memory_space<vmem>>, vector<1x1x16xf32>,
        %parallel_loop3A_521 = vector.shape_cast %parallel_loop3A_520 : vector<1x1x16xf32> to vector<16xf32>
        %parallel_loop3A_522 = arith.constant 0 : i32
        %parallel_loop3A_523 = arith.index_cast %parallel_loop3A_522 : i32 to index
        %parallel_loop3A_524 = arith.index_cast %parallel_loop3A_455 : i32 to index
        %parallel_loop3A_525 = arith.constant 48 : index
        %parallel_loop3A_526 = tpu.vector_load %arg11[%parallel_loop3A_523, %parallel_loop3A_524, %parallel_loop3A_525] {strides = array<i32>} : memref<4x16x384xf32, #tpu.memory_space<vmem>>, vector<1x1x16xf32>,
        %parallel_loop3A_527 = vector.shape_cast %parallel_loop3A_526 : vector<1x1x16xf32> to vector<16xf32>
        %parallel_loop3A_528 = arith.constant 0 : i32
        %parallel_loop3A_529 = arith.index_cast %parallel_loop3A_528 : i32 to index
        %parallel_loop3A_530 = arith.index_cast %parallel_loop3A_455 : i32 to index
        %parallel_loop3A_531 = arith.constant 64 : index
        %parallel_loop3A_532 = tpu.vector_load %arg11[%parallel_loop3A_529, %parallel_loop3A_530, %parallel_loop3A_531] {strides = array<i32>} : memref<4x16x384xf32, #tpu.memory_space<vmem>>, vector<1x1x16xf32>,
        %parallel_loop3A_533 = vector.shape_cast %parallel_loop3A_532 : vector<1x1x16xf32> to vector<16xf32>
        %parallel_loop3A_534 = arith.constant 0 : i32
        %parallel_loop3A_535 = arith.index_cast %parallel_loop3A_534 : i32 to index
        %parallel_loop3A_536 = arith.index_cast %parallel_loop3A_455 : i32 to index
        %parallel_loop3A_537 = arith.constant 80 : index
        %parallel_loop3A_538 = tpu.vector_load %arg11[%parallel_loop3A_535, %parallel_loop3A_536, %parallel_loop3A_537] {strides = array<i32>} : memref<4x16x384xf32, #tpu.memory_space<vmem>>, vector<1x1x16xf32>,
        %parallel_loop3A_539 = vector.shape_cast %parallel_loop3A_538 : vector<1x1x16xf32> to vector<16xf32>
        %parallel_loop3A_540 = arith.constant 0 : i32
        %parallel_loop3A_541 = arith.index_cast %parallel_loop3A_540 : i32 to index
        %parallel_loop3A_542 = arith.index_cast %parallel_loop3A_455 : i32 to index
        %parallel_loop3A_543 = arith.constant 96 : index
        %parallel_loop3A_544 = tpu.vector_load %arg11[%parallel_loop3A_541, %parallel_loop3A_542, %parallel_loop3A_543] {strides = array<i32>} : memref<4x16x384xf32, #tpu.memory_space<vmem>>, vector<1x1x16xf32>,
        %parallel_loop3A_545 = vector.shape_cast %parallel_loop3A_544 : vector<1x1x16xf32> to vector<16xf32>
        %parallel_loop3A_546 = arith.constant 0 : i32
        %parallel_loop3A_547 = arith.index_cast %parallel_loop3A_546 : i32 to index
        %parallel_loop3A_548 = arith.index_cast %parallel_loop3A_455 : i32 to index
        %parallel_loop3A_549 = arith.constant 112 : index
        %parallel_loop3A_550 = tpu.vector_load %arg11[%parallel_loop3A_547, %parallel_loop3A_548, %parallel_loop3A_549] {strides = array<i32>} : memref<4x16x384xf32, #tpu.memory_space<vmem>>, vector<1x1x16xf32>,
        %parallel_loop3A_551 = vector.shape_cast %parallel_loop3A_550 : vector<1x1x16xf32> to vector<16xf32>
        %parallel_loop3A_552 = arith.constant 0 : i32
        %parallel_loop3A_553 = arith.index_cast %parallel_loop3A_552 : i32 to index
        %parallel_loop3A_554 = arith.index_cast %parallel_loop3A_455 : i32 to index
        %parallel_loop3A_555 = arith.constant 0 : index
        %parallel_loop3A_556 = tpu.vector_load %arg12[%parallel_loop3A_553, %parallel_loop3A_554, %parallel_loop3A_555] {strides = array<i32>} : memref<4x16x768xf32, #tpu.memory_space<vmem>>, vector<1x1x16xf32>,
        %parallel_loop3A_557 = vector.shape_cast %parallel_loop3A_556 : vector<1x1x16xf32> to vector<16xf32>
        %parallel_loop3A_558 = vector.shape_cast %parallel_loop3A_461 : vector<16xf32> to vector<1x1x16xf32>
        tpu.vector_store %arg12[%parallel_loop3A_553, %parallel_loop3A_554, %parallel_loop3A_555], %parallel_loop3A_558 {add = true, strides = array<i32>} : memref<4x16x768xf32, #tpu.memory_space<vmem>>, vector<1x1x16xf32>,
        %parallel_loop3A_559 = arith.constant 0 : i32
        %parallel_loop3A_560 = arith.index_cast %parallel_loop3A_559 : i32 to index
        %parallel_loop3A_561 = arith.index_cast %parallel_loop3A_455 : i32 to index
        %parallel_loop3A_562 = arith.constant 16 : index
        %parallel_loop3A_563 = tpu.vector_load %arg12[%parallel_loop3A_560, %parallel_loop3A_561, %parallel_loop3A_562] {strides = array<i32>} : memref<4x16x768xf32, #tpu.memory_space<vmem>>, vector<1x1x16xf32>,
        %parallel_loop3A_564 = vector.shape_cast %parallel_loop3A_563 : vector<1x1x16xf32> to vector<16xf32>
        %parallel_loop3A_565 = vector.shape_cast %parallel_loop3A_467 : vector<16xf32> to vector<1x1x16xf32>
        tpu.vector_store %arg12[%parallel_loop3A_560, %parallel_loop3A_561, %parallel_loop3A_562], %parallel_loop3A_565 {add = true, strides = array<i32>} : memref<4x16x768xf32, #tpu.memory_space<vmem>>, vector<1x1x16xf32>,
        %parallel_loop3A_566 = arith.constant 0 : i32
        %parallel_loop3A_567 = arith.index_cast %parallel_loop3A_566 : i32 to index
        %parallel_loop3A_568 = arith.index_cast %parallel_loop3A_455 : i32 to index
        %parallel_loop3A_569 = arith.constant 32 : index
        %parallel_loop3A_570 = tpu.vector_load %arg12[%parallel_loop3A_567, %parallel_loop3A_568, %parallel_loop3A_569] {strides = array<i32>} : memref<4x16x768xf32, #tpu.memory_space<vmem>>, vector<1x1x16xf32>,
        %parallel_loop3A_571 = vector.shape_cast %parallel_loop3A_570 : vector<1x1x16xf32> to vector<16xf32>
        %parallel_loop3A_572 = vector.shape_cast %parallel_loop3A_473 : vector<16xf32> to vector<1x1x16xf32>
        tpu.vector_store %arg12[%parallel_loop3A_567, %parallel_loop3A_568, %parallel_loop3A_569], %parallel_loop3A_572 {add = true, strides = array<i32>} : memref<4x16x768xf32, #tpu.memory_space<vmem>>, vector<1x1x16xf32>,
        %parallel_loop3A_573 = arith.constant 0 : i32
        %parallel_loop3A_574 = arith.index_cast %parallel_loop3A_573 : i32 to index
        %parallel_loop3A_575 = arith.index_cast %parallel_loop3A_455 : i32 to index
        %parallel_loop3A_576 = arith.constant 48 : index
        %parallel_loop3A_577 = tpu.vector_load %arg12[%parallel_loop3A_574, %parallel_loop3A_575, %parallel_loop3A_576] {strides = array<i32>} : memref<4x16x768xf32, #tpu.memory_space<vmem>>, vector<1x1x16xf32>,
        %parallel_loop3A_578 = vector.shape_cast %parallel_loop3A_577 : vector<1x1x16xf32> to vector<16xf32>
        %parallel_loop3A_579 = vector.shape_cast %parallel_loop3A_479 : vector<16xf32> to vector<1x1x16xf32>
        tpu.vector_store %arg12[%parallel_loop3A_574, %parallel_loop3A_575, %parallel_loop3A_576], %parallel_loop3A_579 {add = true, strides = array<i32>} : memref<4x16x768xf32, #tpu.memory_space<vmem>>, vector<1x1x16xf32>,
        %parallel_loop3A_580 = arith.constant 0 : i32
        %parallel_loop3A_581 = arith.index_cast %parallel_loop3A_580 : i32 to index
        %parallel_loop3A_582 = arith.index_cast %parallel_loop3A_455 : i32 to index
        %parallel_loop3A_583 = arith.constant 64 : index
        %parallel_loop3A_584 = tpu.vector_load %arg12[%parallel_loop3A_581, %parallel_loop3A_582, %parallel_loop3A_583] {strides = array<i32>} : memref<4x16x768xf32, #tpu.memory_space<vmem>>, vector<1x1x16xf32>,
        %parallel_loop3A_585 = vector.shape_cast %parallel_loop3A_584 : vector<1x1x16xf32> to vector<16xf32>
        %parallel_loop3A_586 = vector.shape_cast %parallel_loop3A_485 : vector<16xf32> to vector<1x1x16xf32>
        tpu.vector_store %arg12[%parallel_loop3A_581, %parallel_loop3A_582, %parallel_loop3A_583], %parallel_loop3A_586 {add = true, strides = array<i32>} : memref<4x16x768xf32, #tpu.memory_space<vmem>>, vector<1x1x16xf32>,
        %parallel_loop3A_587 = arith.constant 0 : i32
        %parallel_loop3A_588 = arith.index_cast %parallel_loop3A_587 : i32 to index
        %parallel_loop3A_589 = arith.index_cast %parallel_loop3A_455 : i32 to index
        %parallel_loop3A_590 = arith.constant 80 : index
        %parallel_loop3A_591 = tpu.vector_load %arg12[%parallel_loop3A_588, %parallel_loop3A_589, %parallel_loop3A_590] {strides = array<i32>} : memref<4x16x768xf32, #tpu.memory_space<vmem>>, vector<1x1x16xf32>,
        %parallel_loop3A_592 = vector.shape_cast %parallel_loop3A_591 : vector<1x1x16xf32> to vector<16xf32>
        %parallel_loop3A_593 = vector.shape_cast %parallel_loop3A_491 : vector<16xf32> to vector<1x1x16xf32>
        tpu.vector_store %arg12[%parallel_loop3A_588, %parallel_loop3A_589, %parallel_loop3A_590], %parallel_loop3A_593 {add = true, strides = array<i32>} : memref<4x16x768xf32, #tpu.memory_space<vmem>>, vector<1x1x16xf32>,
        %parallel_loop3A_594 = arith.constant 0 : i32
        %parallel_loop3A_595 = arith.index_cast %parallel_loop3A_594 : i32 to index
        %parallel_loop3A_596 = arith.index_cast %parallel_loop3A_455 : i32 to index
        %parallel_loop3A_597 = arith.constant 96 : index
        %parallel_loop3A_598 = tpu.vector_load %arg12[%parallel_loop3A_595, %parallel_loop3A_596, %parallel_loop3A_597] {strides = array<i32>} : memref<4x16x768xf32, #tpu.memory_space<vmem>>, vector<1x1x16xf32>,
        %parallel_loop3A_599 = vector.shape_cast %parallel_loop3A_598 : vector<1x1x16xf32> to vector<16xf32>
        %parallel_loop3A_600 = vector.shape_cast %parallel_loop3A_497 : vector<16xf32> to vector<1x1x16xf32>
        tpu.vector_store %arg12[%parallel_loop3A_595, %parallel_loop3A_596, %parallel_loop3A_597], %parallel_loop3A_600 {add = true, strides = array<i32>} : memref<4x16x768xf32, #tpu.memory_space<vmem>>, vector<1x1x16xf32>,
        %parallel_loop3A_601 = arith.constant 0 : i32
        %parallel_loop3A_602 = arith.index_cast %parallel_loop3A_601 : i32 to index
        %parallel_loop3A_603 = arith.index_cast %parallel_loop3A_455 : i32 to index
        %parallel_loop3A_604 = arith.constant 112 : index
        %parallel_loop3A_605 = tpu.vector_load %arg12[%parallel_loop3A_602, %parallel_loop3A_603, %parallel_loop3A_604] {strides = array<i32>} : memref<4x16x768xf32, #tpu.memory_space<vmem>>, vector<1x1x16xf32>,
        %parallel_loop3A_606 = vector.shape_cast %parallel_loop3A_605 : vector<1x1x16xf32> to vector<16xf32>
        %parallel_loop3A_607 = vector.shape_cast %parallel_loop3A_503 : vector<16xf32> to vector<1x1x16xf32>
        tpu.vector_store %arg12[%parallel_loop3A_602, %parallel_loop3A_603, %parallel_loop3A_604], %parallel_loop3A_607 {add = true, strides = array<i32>} : memref<4x16x768xf32, #tpu.memory_space<vmem>>, vector<1x1x16xf32>,
        %parallel_loop3A_608 = arith.constant 0 : i32
        %parallel_loop3A_609 = arith.index_cast %parallel_loop3A_608 : i32 to index
        %parallel_loop3A_610 = arith.index_cast %parallel_loop3A_455 : i32 to index
        %parallel_loop3A_611 = arith.constant 384 : index
        %parallel_loop3A_612 = tpu.vector_load %arg12[%parallel_loop3A_609, %parallel_loop3A_610, %parallel_loop3A_611] {strides = array<i32>} : memref<4x16x768xf32, #tpu.memory_space<vmem>>, vector<1x1x16xf32>,
        %parallel_loop3A_613 = vector.shape_cast %parallel_loop3A_612 : vector<1x1x16xf32> to vector<16xf32>
        %parallel_loop3A_614 = vector.shape_cast %parallel_loop3A_509 : vector<16xf32> to vector<1x1x16xf32>
        tpu.vector_store %arg12[%parallel_loop3A_609, %parallel_loop3A_610, %parallel_loop3A_611], %parallel_loop3A_614 {add = true, strides = array<i32>} : memref<4x16x768xf32, #tpu.memory_space<vmem>>, vector<1x1x16xf32>,
        %parallel_loop3A_615 = arith.constant 0 : i32
        %parallel_loop3A_616 = arith.index_cast %parallel_loop3A_615 : i32 to index
        %parallel_loop3A_617 = arith.index_cast %parallel_loop3A_455 : i32 to index
        %parallel_loop3A_618 = arith.constant 400 : index
        %parallel_loop3A_619 = tpu.vector_load %arg12[%parallel_loop3A_616, %parallel_loop3A_617, %parallel_loop3A_618] {strides = array<i32>} : memref<4x16x768xf32, #tpu.memory_space<vmem>>, vector<1x1x16xf32>,
        %parallel_loop3A_620 = vector.shape_cast %parallel_loop3A_619 : vector<1x1x16xf32> to vector<16xf32>
        %parallel_loop3A_621 = vector.shape_cast %parallel_loop3A_515 : vector<16xf32> to vector<1x1x16xf32>
        tpu.vector_store %arg12[%parallel_loop3A_616, %parallel_loop3A_617, %parallel_loop3A_618], %parallel_loop3A_621 {add = true, strides = array<i32>} : memref<4x16x768xf32, #tpu.memory_space<vmem>>, vector<1x1x16xf32>,
        %parallel_loop3A_622 = arith.constant 0 : i32
        %parallel_loop3A_623 = arith.index_cast %parallel_loop3A_622 : i32 to index
        %parallel_loop3A_624 = arith.index_cast %parallel_loop3A_455 : i32 to index
        %parallel_loop3A_625 = arith.constant 416 : index
        %parallel_loop3A_626 = tpu.vector_load %arg12[%parallel_loop3A_623, %parallel_loop3A_624, %parallel_loop3A_625] {strides = array<i32>} : memref<4x16x768xf32, #tpu.memory_space<vmem>>, vector<1x1x16xf32>,
        %parallel_loop3A_627 = vector.shape_cast %parallel_loop3A_626 : vector<1x1x16xf32> to vector<16xf32>
        %parallel_loop3A_628 = vector.shape_cast %parallel_loop3A_521 : vector<16xf32> to vector<1x1x16xf32>
        tpu.vector_store %arg12[%parallel_loop3A_623, %parallel_loop3A_624, %parallel_loop3A_625], %parallel_loop3A_628 {add = true, strides = array<i32>} : memref<4x16x768xf32, #tpu.memory_space<vmem>>, vector<1x1x16xf32>,
        %parallel_loop3A_629 = arith.constant 0 : i32
        %parallel_loop3A_630 = arith.index_cast %parallel_loop3A_629 : i32 to index
        %parallel_loop3A_631 = arith.index_cast %parallel_loop3A_455 : i32 to index
        %parallel_loop3A_632 = arith.constant 432 : index
        %parallel_loop3A_633 = tpu.vector_load %arg12[%parallel_loop3A_630, %parallel_loop3A_631, %parallel_loop3A_632] {strides = array<i32>} : memref<4x16x768xf32, #tpu.memory_space<vmem>>, vector<1x1x16xf32>,
        %parallel_loop3A_634 = vector.shape_cast %parallel_loop3A_633 : vector<1x1x16xf32> to vector<16xf32>
        %parallel_loop3A_635 = vector.shape_cast %parallel_loop3A_527 : vector<16xf32> to vector<1x1x16xf32>
        tpu.vector_store %arg12[%parallel_loop3A_630, %parallel_loop3A_631, %parallel_loop3A_632], %parallel_loop3A_635 {add = true, strides = array<i32>} : memref<4x16x768xf32, #tpu.memory_space<vmem>>, vector<1x1x16xf32>,
        %parallel_loop3A_636 = arith.constant 0 : i32
        %parallel_loop3A_637 = arith.index_cast %parallel_loop3A_636 : i32 to index
        %parallel_loop3A_638 = arith.index_cast %parallel_loop3A_455 : i32 to index
        %parallel_loop3A_639 = arith.constant 448 : index
        %parallel_loop3A_640 = tpu.vector_load %arg12[%parallel_loop3A_637, %parallel_loop3A_638, %parallel_loop3A_639] {strides = array<i32>} : memref<4x16x768xf32, #tpu.memory_space<vmem>>, vector<1x1x16xf32>,
        %parallel_loop3A_641 = vector.shape_cast %parallel_loop3A_640 : vector<1x1x16xf32> to vector<16xf32>
        %parallel_loop3A_642 = vector.shape_cast %parallel_loop3A_533 : vector<16xf32> to vector<1x1x16xf32>
        tpu.vector_store %arg12[%parallel_loop3A_637, %parallel_loop3A_638, %parallel_loop3A_639], %parallel_loop3A_642 {add = true, strides = array<i32>} : memref<4x16x768xf32, #tpu.memory_space<vmem>>, vector<1x1x16xf32>,
        %parallel_loop3A_643 = arith.constant 0 : i32
        %parallel_loop3A_644 = arith.index_cast %parallel_loop3A_643 : i32 to index
        %parallel_loop3A_645 = arith.index_cast %parallel_loop3A_455 : i32 to index
        %parallel_loop3A_646 = arith.constant 464 : index
        %parallel_loop3A_647 = tpu.vector_load %arg12[%parallel_loop3A_644, %parallel_loop3A_645, %parallel_loop3A_646] {strides = array<i32>} : memref<4x16x768xf32, #tpu.memory_space<vmem>>, vector<1x1x16xf32>,
        %parallel_loop3A_648 = vector.shape_cast %parallel_loop3A_647 : vector<1x1x16xf32> to vector<16xf32>
        %parallel_loop3A_649 = vector.shape_cast %parallel_loop3A_539 : vector<16xf32> to vector<1x1x16xf32>
        tpu.vector_store %arg12[%parallel_loop3A_644, %parallel_loop3A_645, %parallel_loop3A_646], %parallel_loop3A_649 {add = true, strides = array<i32>} : memref<4x16x768xf32, #tpu.memory_space<vmem>>, vector<1x1x16xf32>,
        %parallel_loop3A_650 = arith.constant 0 : i32
        %parallel_loop3A_651 = arith.index_cast %parallel_loop3A_650 : i32 to index
        %parallel_loop3A_652 = arith.index_cast %parallel_loop3A_455 : i32 to index
        %parallel_loop3A_653 = arith.constant 480 : index
        %parallel_loop3A_654 = tpu.vector_load %arg12[%parallel_loop3A_651, %parallel_loop3A_652, %parallel_loop3A_653] {strides = array<i32>} : memref<4x16x768xf32, #tpu.memory_space<vmem>>, vector<1x1x16xf32>,
        %parallel_loop3A_655 = vector.shape_cast %parallel_loop3A_654 : vector<1x1x16xf32> to vector<16xf32>
        %parallel_loop3A_656 = vector.shape_cast %parallel_loop3A_545 : vector<16xf32> to vector<1x1x16xf32>
        tpu.vector_store %arg12[%parallel_loop3A_651, %parallel_loop3A_652, %parallel_loop3A_653], %parallel_loop3A_656 {add = true, strides = array<i32>} : memref<4x16x768xf32, #tpu.memory_space<vmem>>, vector<1x1x16xf32>,
        %parallel_loop3A_657 = arith.constant 0 : i32
        %parallel_loop3A_658 = arith.index_cast %parallel_loop3A_657 : i32 to index
        %parallel_loop3A_659 = arith.index_cast %parallel_loop3A_455 : i32 to index
        %parallel_loop3A_660 = arith.constant 496 : index
        %parallel_loop3A_661 = tpu.vector_load %arg12[%parallel_loop3A_658, %parallel_loop3A_659, %parallel_loop3A_660] {strides = array<i32>} : memref<4x16x768xf32, #tpu.memory_space<vmem>>, vector<1x1x16xf32>,
        %parallel_loop3A_662 = vector.shape_cast %parallel_loop3A_661 : vector<1x1x16xf32> to vector<16xf32>
        %parallel_loop3A_663 = vector.shape_cast %parallel_loop3A_551 : vector<16xf32> to vector<1x1x16xf32>
        tpu.vector_store %arg12[%parallel_loop3A_658, %parallel_loop3A_659, %parallel_loop3A_660], %parallel_loop3A_663 {add = true, strides = array<i32>} : memref<4x16x768xf32, #tpu.memory_space<vmem>>, vector<1x1x16xf32>,
        %parallel_loop3A_664 = arith.constant 0 : i32
        %parallel_loop3A_665 = arith.index_cast %parallel_loop3A_664 : i32 to index
        %parallel_loop3A_666 = arith.index_cast %parallel_loop3A_455 : i32 to index
        %parallel_loop3A_667 = arith.constant 128 : index
        %parallel_loop3A_668 = tpu.vector_load %arg10[%parallel_loop3A_665, %parallel_loop3A_666, %parallel_loop3A_667] {strides = array<i32>} : memref<4x16x384xf32, #tpu.memory_space<vmem>>, vector<1x1x16xf32>,
        %parallel_loop3A_669 = vector.shape_cast %parallel_loop3A_668 : vector<1x1x16xf32> to vector<16xf32>
        %parallel_loop3A_670 = arith.constant 0 : i32
        %parallel_loop3A_671 = arith.index_cast %parallel_loop3A_670 : i32 to index
        %parallel_loop3A_672 = arith.index_cast %parallel_loop3A_455 : i32 to index
        %parallel_loop3A_673 = arith.constant 144 : index
        %parallel_loop3A_674 = tpu.vector_load %arg10[%parallel_loop3A_671, %parallel_loop3A_672, %parallel_loop3A_673] {strides = array<i32>} : memref<4x16x384xf32, #tpu.memory_space<vmem>>, vector<1x1x16xf32>,
        %parallel_loop3A_675 = vector.shape_cast %parallel_loop3A_674 : vector<1x1x16xf32> to vector<16xf32>
        %parallel_loop3A_676 = arith.constant 0 : i32
        %parallel_loop3A_677 = arith.index_cast %parallel_loop3A_676 : i32 to index
        %parallel_loop3A_678 = arith.index_cast %parallel_loop3A_455 : i32 to index
        %parallel_loop3A_679 = arith.constant 160 : index
        %parallel_loop3A_680 = tpu.vector_load %arg10[%parallel_loop3A_677, %parallel_loop3A_678, %parallel_loop3A_679] {strides = array<i32>} : memref<4x16x384xf32, #tpu.memory_space<vmem>>, vector<1x1x16xf32>,
        %parallel_loop3A_681 = vector.shape_cast %parallel_loop3A_680 : vector<1x1x16xf32> to vector<16xf32>
        %parallel_loop3A_682 = arith.constant 0 : i32
        %parallel_loop3A_683 = arith.index_cast %parallel_loop3A_682 : i32 to index
        %parallel_loop3A_684 = arith.index_cast %parallel_loop3A_455 : i32 to index
        %parallel_loop3A_685 = arith.constant 176 : index
        %parallel_loop3A_686 = tpu.vector_load %arg10[%parallel_loop3A_683, %parallel_loop3A_684, %parallel_loop3A_685] {strides = array<i32>} : memref<4x16x384xf32, #tpu.memory_space<vmem>>, vector<1x1x16xf32>,
        %parallel_loop3A_687 = vector.shape_cast %parallel_loop3A_686 : vector<1x1x16xf32> to vector<16xf32>
        %parallel_loop3A_688 = arith.constant 0 : i32
        %parallel_loop3A_689 = arith.index_cast %parallel_loop3A_688 : i32 to index
        %parallel_loop3A_690 = arith.index_cast %parallel_loop3A_455 : i32 to index
        %parallel_loop3A_691 = arith.constant 192 : index
        %parallel_loop3A_692 = tpu.vector_load %arg10[%parallel_loop3A_689, %parallel_loop3A_690, %parallel_loop3A_691] {strides = array<i32>} : memref<4x16x384xf32, #tpu.memory_space<vmem>>, vector<1x1x16xf32>,
        %parallel_loop3A_693 = vector.shape_cast %parallel_loop3A_692 : vector<1x1x16xf32> to vector<16xf32>
        %parallel_loop3A_694 = arith.constant 0 : i32
        %parallel_loop3A_695 = arith.index_cast %parallel_loop3A_694 : i32 to index
        %parallel_loop3A_696 = arith.index_cast %parallel_loop3A_455 : i32 to index
        %parallel_loop3A_697 = arith.constant 208 : index
        %parallel_loop3A_698 = tpu.vector_load %arg10[%parallel_loop3A_695, %parallel_loop3A_696, %parallel_loop3A_697] {strides = array<i32>} : memref<4x16x384xf32, #tpu.memory_space<vmem>>, vector<1x1x16xf32>,
        %parallel_loop3A_699 = vector.shape_cast %parallel_loop3A_698 : vector<1x1x16xf32> to vector<16xf32>
        %parallel_loop3A_700 = arith.constant 0 : i32
        %parallel_loop3A_701 = arith.index_cast %parallel_loop3A_700 : i32 to index
        %parallel_loop3A_702 = arith.index_cast %parallel_loop3A_455 : i32 to index
        %parallel_loop3A_703 = arith.constant 224 : index
        %parallel_loop3A_704 = tpu.vector_load %arg10[%parallel_loop3A_701, %parallel_loop3A_702, %parallel_loop3A_703] {strides = array<i32>} : memref<4x16x384xf32, #tpu.memory_space<vmem>>, vector<1x1x16xf32>,
        %parallel_loop3A_705 = vector.shape_cast %parallel_loop3A_704 : vector<1x1x16xf32> to vector<16xf32>
        %parallel_loop3A_706 = arith.constant 0 : i32
        %parallel_loop3A_707 = arith.index_cast %parallel_loop3A_706 : i32 to index
        %parallel_loop3A_708 = arith.index_cast %parallel_loop3A_455 : i32 to index
        %parallel_loop3A_709 = arith.constant 240 : index
        %parallel_loop3A_710 = tpu.vector_load %arg10[%parallel_loop3A_707, %parallel_loop3A_708, %parallel_loop3A_709] {strides = array<i32>} : memref<4x16x384xf32, #tpu.memory_space<vmem>>, vector<1x1x16xf32>,
        %parallel_loop3A_711 = vector.shape_cast %parallel_loop3A_710 : vector<1x1x16xf32> to vector<16xf32>
        %parallel_loop3A_712 = arith.constant 0 : i32
        %parallel_loop3A_713 = arith.index_cast %parallel_loop3A_712 : i32 to index
        %parallel_loop3A_714 = arith.index_cast %parallel_loop3A_455 : i32 to index
        %parallel_loop3A_715 = arith.constant 128 : index
        %parallel_loop3A_716 = tpu.vector_load %arg11[%parallel_loop3A_713, %parallel_loop3A_714, %parallel_loop3A_715] {strides = array<i32>} : memref<4x16x384xf32, #tpu.memory_space<vmem>>, vector<1x1x16xf32>,
        %parallel_loop3A_717 = vector.shape_cast %parallel_loop3A_716 : vector<1x1x16xf32> to vector<16xf32>
        %parallel_loop3A_718 = arith.constant 0 : i32
        %parallel_loop3A_719 = arith.index_cast %parallel_loop3A_718 : i32 to index
        %parallel_loop3A_720 = arith.index_cast %parallel_loop3A_455 : i32 to index
        %parallel_loop3A_721 = arith.constant 144 : index
        %parallel_loop3A_722 = tpu.vector_load %arg11[%parallel_loop3A_719, %parallel_loop3A_720, %parallel_loop3A_721] {strides = array<i32>} : memref<4x16x384xf32, #tpu.memory_space<vmem>>, vector<1x1x16xf32>,
        %parallel_loop3A_723 = vector.shape_cast %parallel_loop3A_722 : vector<1x1x16xf32> to vector<16xf32>
        %parallel_loop3A_724 = arith.constant 0 : i32
        %parallel_loop3A_725 = arith.index_cast %parallel_loop3A_724 : i32 to index
        %parallel_loop3A_726 = arith.index_cast %parallel_loop3A_455 : i32 to index
        %parallel_loop3A_727 = arith.constant 160 : index
        %parallel_loop3A_728 = tpu.vector_load %arg11[%parallel_loop3A_725, %parallel_loop3A_726, %parallel_loop3A_727] {strides = array<i32>} : memref<4x16x384xf32, #tpu.memory_space<vmem>>, vector<1x1x16xf32>,
        %parallel_loop3A_729 = vector.shape_cast %parallel_loop3A_728 : vector<1x1x16xf32> to vector<16xf32>
        %parallel_loop3A_730 = arith.constant 0 : i32
        %parallel_loop3A_731 = arith.index_cast %parallel_loop3A_730 : i32 to index
        %parallel_loop3A_732 = arith.index_cast %parallel_loop3A_455 : i32 to index
        %parallel_loop3A_733 = arith.constant 176 : index
        %parallel_loop3A_734 = tpu.vector_load %arg11[%parallel_loop3A_731, %parallel_loop3A_732, %parallel_loop3A_733] {strides = array<i32>} : memref<4x16x384xf32, #tpu.memory_space<vmem>>, vector<1x1x16xf32>,
        %parallel_loop3A_735 = vector.shape_cast %parallel_loop3A_734 : vector<1x1x16xf32> to vector<16xf32>
        %parallel_loop3A_736 = arith.constant 0 : i32
        %parallel_loop3A_737 = arith.index_cast %parallel_loop3A_736 : i32 to index
        %parallel_loop3A_738 = arith.index_cast %parallel_loop3A_455 : i32 to index
        %parallel_loop3A_739 = arith.constant 192 : index
        %parallel_loop3A_740 = tpu.vector_load %arg11[%parallel_loop3A_737, %parallel_loop3A_738, %parallel_loop3A_739] {strides = array<i32>} : memref<4x16x384xf32, #tpu.memory_space<vmem>>, vector<1x1x16xf32>,
        %parallel_loop3A_741 = vector.shape_cast %parallel_loop3A_740 : vector<1x1x16xf32> to vector<16xf32>
        %parallel_loop3A_742 = arith.constant 0 : i32
        %parallel_loop3A_743 = arith.index_cast %parallel_loop3A_742 : i32 to index
        %parallel_loop3A_744 = arith.index_cast %parallel_loop3A_455 : i32 to index
        %parallel_loop3A_745 = arith.constant 208 : index
        %parallel_loop3A_746 = tpu.vector_load %arg11[%parallel_loop3A_743, %parallel_loop3A_744, %parallel_loop3A_745] {strides = array<i32>} : memref<4x16x384xf32, #tpu.memory_space<vmem>>, vector<1x1x16xf32>,
        %parallel_loop3A_747 = vector.shape_cast %parallel_loop3A_746 : vector<1x1x16xf32> to vector<16xf32>
        %parallel_loop3A_748 = arith.constant 0 : i32
        %parallel_loop3A_749 = arith.index_cast %parallel_loop3A_748 : i32 to index
        %parallel_loop3A_750 = arith.index_cast %parallel_loop3A_455 : i32 to index
        %parallel_loop3A_751 = arith.constant 224 : index
        %parallel_loop3A_752 = tpu.vector_load %arg11[%parallel_loop3A_749, %parallel_loop3A_750, %parallel_loop3A_751] {strides = array<i32>} : memref<4x16x384xf32, #tpu.memory_space<vmem>>, vector<1x1x16xf32>,
        %parallel_loop3A_753 = vector.shape_cast %parallel_loop3A_752 : vector<1x1x16xf32> to vector<16xf32>
        %parallel_loop3A_754 = arith.constant 0 : i32
        %parallel_loop3A_755 = arith.index_cast %parallel_loop3A_754 : i32 to index
        %parallel_loop3A_756 = arith.index_cast %parallel_loop3A_455 : i32 to index
        %parallel_loop3A_757 = arith.constant 240 : index
        %parallel_loop3A_758 = tpu.vector_load %arg11[%parallel_loop3A_755, %parallel_loop3A_756, %parallel_loop3A_757] {strides = array<i32>} : memref<4x16x384xf32, #tpu.memory_space<vmem>>, vector<1x1x16xf32>,
        %parallel_loop3A_759 = vector.shape_cast %parallel_loop3A_758 : vector<1x1x16xf32> to vector<16xf32>
        %parallel_loop3A_760 = arith.constant 0 : i32
        %parallel_loop3A_761 = arith.index_cast %parallel_loop3A_760 : i32 to index
        %parallel_loop3A_762 = arith.index_cast %parallel_loop3A_455 : i32 to index
        %parallel_loop3A_763 = arith.constant 128 : index
        %parallel_loop3A_764 = tpu.vector_load %arg12[%parallel_loop3A_761, %parallel_loop3A_762, %parallel_loop3A_763] {strides = array<i32>} : memref<4x16x768xf32, #tpu.memory_space<vmem>>, vector<1x1x16xf32>,
        %parallel_loop3A_765 = vector.shape_cast %parallel_loop3A_764 : vector<1x1x16xf32> to vector<16xf32>
        %parallel_loop3A_766 = vector.shape_cast %parallel_loop3A_669 : vector<16xf32> to vector<1x1x16xf32>
        tpu.vector_store %arg12[%parallel_loop3A_761, %parallel_loop3A_762, %parallel_loop3A_763], %parallel_loop3A_766 {add = true, strides = array<i32>} : memref<4x16x768xf32, #tpu.memory_space<vmem>>, vector<1x1x16xf32>,
        %parallel_loop3A_767 = arith.constant 0 : i32
        %parallel_loop3A_768 = arith.index_cast %parallel_loop3A_767 : i32 to index
        %parallel_loop3A_769 = arith.index_cast %parallel_loop3A_455 : i32 to index
        %parallel_loop3A_770 = arith.constant 144 : index
        %parallel_loop3A_771 = tpu.vector_load %arg12[%parallel_loop3A_768, %parallel_loop3A_769, %parallel_loop3A_770] {strides = array<i32>} : memref<4x16x768xf32, #tpu.memory_space<vmem>>, vector<1x1x16xf32>,
        %parallel_loop3A_772 = vector.shape_cast %parallel_loop3A_771 : vector<1x1x16xf32> to vector<16xf32>
        %parallel_loop3A_773 = vector.shape_cast %parallel_loop3A_675 : vector<16xf32> to vector<1x1x16xf32>
        tpu.vector_store %arg12[%parallel_loop3A_768, %parallel_loop3A_769, %parallel_loop3A_770], %parallel_loop3A_773 {add = true, strides = array<i32>} : memref<4x16x768xf32, #tpu.memory_space<vmem>>, vector<1x1x16xf32>,
        %parallel_loop3A_774 = arith.constant 0 : i32
        %parallel_loop3A_775 = arith.index_cast %parallel_loop3A_774 : i32 to index
        %parallel_loop3A_776 = arith.index_cast %parallel_loop3A_455 : i32 to index
        %parallel_loop3A_777 = arith.constant 160 : index
        %parallel_loop3A_778 = tpu.vector_load %arg12[%parallel_loop3A_775, %parallel_loop3A_776, %parallel_loop3A_777] {strides = array<i32>} : memref<4x16x768xf32, #tpu.memory_space<vmem>>, vector<1x1x16xf32>,
        %parallel_loop3A_779 = vector.shape_cast %parallel_loop3A_778 : vector<1x1x16xf32> to vector<16xf32>
        %parallel_loop3A_780 = vector.shape_cast %parallel_loop3A_681 : vector<16xf32> to vector<1x1x16xf32>
        tpu.vector_store %arg12[%parallel_loop3A_775, %parallel_loop3A_776, %parallel_loop3A_777], %parallel_loop3A_780 {add = true, strides = array<i32>} : memref<4x16x768xf32, #tpu.memory_space<vmem>>, vector<1x1x16xf32>,
        %parallel_loop3A_781 = arith.constant 0 : i32
        %parallel_loop3A_782 = arith.index_cast %parallel_loop3A_781 : i32 to index
        %parallel_loop3A_783 = arith.index_cast %parallel_loop3A_455 : i32 to index
        %parallel_loop3A_784 = arith.constant 176 : index
        %parallel_loop3A_785 = tpu.vector_load %arg12[%parallel_loop3A_782, %parallel_loop3A_783, %parallel_loop3A_784] {strides = array<i32>} : memref<4x16x768xf32, #tpu.memory_space<vmem>>, vector<1x1x16xf32>,
        %parallel_loop3A_786 = vector.shape_cast %parallel_loop3A_785 : vector<1x1x16xf32> to vector<16xf32>
        %parallel_loop3A_787 = vector.shape_cast %parallel_loop3A_687 : vector<16xf32> to vector<1x1x16xf32>
        tpu.vector_store %arg12[%parallel_loop3A_782, %parallel_loop3A_783, %parallel_loop3A_784], %parallel_loop3A_787 {add = true, strides = array<i32>} : memref<4x16x768xf32, #tpu.memory_space<vmem>>, vector<1x1x16xf32>,
        %parallel_loop3A_788 = arith.constant 0 : i32
        %parallel_loop3A_789 = arith.index_cast %parallel_loop3A_788 : i32 to index
        %parallel_loop3A_790 = arith.index_cast %parallel_loop3A_455 : i32 to index
        %parallel_loop3A_791 = arith.constant 192 : index
        %parallel_loop3A_792 = tpu.vector_load %arg12[%parallel_loop3A_789, %parallel_loop3A_790, %parallel_loop3A_791] {strides = array<i32>} : memref<4x16x768xf32, #tpu.memory_space<vmem>>, vector<1x1x16xf32>,
        %parallel_loop3A_793 = vector.shape_cast %parallel_loop3A_792 : vector<1x1x16xf32> to vector<16xf32>
        %parallel_loop3A_794 = vector.shape_cast %parallel_loop3A_693 : vector<16xf32> to vector<1x1x16xf32>
        tpu.vector_store %arg12[%parallel_loop3A_789, %parallel_loop3A_790, %parallel_loop3A_791], %parallel_loop3A_794 {add = true, strides = array<i32>} : memref<4x16x768xf32, #tpu.memory_space<vmem>>, vector<1x1x16xf32>,
        %parallel_loop3A_795 = arith.constant 0 : i32
        %parallel_loop3A_796 = arith.index_cast %parallel_loop3A_795 : i32 to index
        %parallel_loop3A_797 = arith.index_cast %parallel_loop3A_455 : i32 to index
        %parallel_loop3A_798 = arith.constant 208 : index
        %parallel_loop3A_799 = tpu.vector_load %arg12[%parallel_loop3A_796, %parallel_loop3A_797, %parallel_loop3A_798] {strides = array<i32>} : memref<4x16x768xf32, #tpu.memory_space<vmem>>, vector<1x1x16xf32>,
        %parallel_loop3A_800 = vector.shape_cast %parallel_loop3A_799 : vector<1x1x16xf32> to vector<16xf32>
        %parallel_loop3A_801 = vector.shape_cast %parallel_loop3A_699 : vector<16xf32> to vector<1x1x16xf32>
        tpu.vector_store %arg12[%parallel_loop3A_796, %parallel_loop3A_797, %parallel_loop3A_798], %parallel_loop3A_801 {add = true, strides = array<i32>} : memref<4x16x768xf32, #tpu.memory_space<vmem>>, vector<1x1x16xf32>,
        %parallel_loop3A_802 = arith.constant 0 : i32
        %parallel_loop3A_803 = arith.index_cast %parallel_loop3A_802 : i32 to index
        %parallel_loop3A_804 = arith.index_cast %parallel_loop3A_455 : i32 to index
        %parallel_loop3A_805 = arith.constant 224 : index
        %parallel_loop3A_806 = tpu.vector_load %arg12[%parallel_loop3A_803, %parallel_loop3A_804, %parallel_loop3A_805] {strides = array<i32>} : memref<4x16x768xf32, #tpu.memory_space<vmem>>, vector<1x1x16xf32>,
        %parallel_loop3A_807 = vector.shape_cast %parallel_loop3A_806 : vector<1x1x16xf32> to vector<16xf32>
        %parallel_loop3A_808 = vector.shape_cast %parallel_loop3A_705 : vector<16xf32> to vector<1x1x16xf32>
        tpu.vector_store %arg12[%parallel_loop3A_803, %parallel_loop3A_804, %parallel_loop3A_805], %parallel_loop3A_808 {add = true, strides = array<i32>} : memref<4x16x768xf32, #tpu.memory_space<vmem>>, vector<1x1x16xf32>,
        %parallel_loop3A_809 = arith.constant 0 : i32
        %parallel_loop3A_810 = arith.index_cast %parallel_loop3A_809 : i32 to index
        %parallel_loop3A_811 = arith.index_cast %parallel_loop3A_455 : i32 to index
        %parallel_loop3A_812 = arith.constant 240 : index
        %parallel_loop3A_813 = tpu.vector_load %arg12[%parallel_loop3A_810, %parallel_loop3A_811, %parallel_loop3A_812] {strides = array<i32>} : memref<4x16x768xf32, #tpu.memory_space<vmem>>, vector<1x1x16xf32>,
        %parallel_loop3A_814 = vector.shape_cast %parallel_loop3A_813 : vector<1x1x16xf32> to vector<16xf32>
        %parallel_loop3A_815 = vector.shape_cast %parallel_loop3A_711 : vector<16xf32> to vector<1x1x16xf32>
        tpu.vector_store %arg12[%parallel_loop3A_810, %parallel_loop3A_811, %parallel_loop3A_812], %parallel_loop3A_815 {add = true, strides = array<i32>} : memref<4x16x768xf32, #tpu.memory_space<vmem>>, vector<1x1x16xf32>,
        %parallel_loop3A_816 = arith.constant 0 : i32
        %parallel_loop3A_817 = arith.index_cast %parallel_loop3A_816 : i32 to index
        %parallel_loop3A_818 = arith.index_cast %parallel_loop3A_455 : i32 to index
        %parallel_loop3A_819 = arith.constant 512 : index
        %parallel_loop3A_820 = tpu.vector_load %arg12[%parallel_loop3A_817, %parallel_loop3A_818, %parallel_loop3A_819] {strides = array<i32>} : memref<4x16x768xf32, #tpu.memory_space<vmem>>, vector<1x1x16xf32>,
        %parallel_loop3A_821 = vector.shape_cast %parallel_loop3A_820 : vector<1x1x16xf32> to vector<16xf32>
        %parallel_loop3A_822 = vector.shape_cast %parallel_loop3A_717 : vector<16xf32> to vector<1x1x16xf32>
        tpu.vector_store %arg12[%parallel_loop3A_817, %parallel_loop3A_818, %parallel_loop3A_819], %parallel_loop3A_822 {add = true, strides = array<i32>} : memref<4x16x768xf32, #tpu.memory_space<vmem>>, vector<1x1x16xf32>,
        %parallel_loop3A_823 = arith.constant 0 : i32
        %parallel_loop3A_824 = arith.index_cast %parallel_loop3A_823 : i32 to index
        %parallel_loop3A_825 = arith.index_cast %parallel_loop3A_455 : i32 to index
        %parallel_loop3A_826 = arith.constant 528 : index
        %parallel_loop3A_827 = tpu.vector_load %arg12[%parallel_loop3A_824, %parallel_loop3A_825, %parallel_loop3A_826] {strides = array<i32>} : memref<4x16x768xf32, #tpu.memory_space<vmem>>, vector<1x1x16xf32>,
        %parallel_loop3A_828 = vector.shape_cast %parallel_loop3A_827 : vector<1x1x16xf32> to vector<16xf32>
        %parallel_loop3A_829 = vector.shape_cast %parallel_loop3A_723 : vector<16xf32> to vector<1x1x16xf32>
        tpu.vector_store %arg12[%parallel_loop3A_824, %parallel_loop3A_825, %parallel_loop3A_826], %parallel_loop3A_829 {add = true, strides = array<i32>} : memref<4x16x768xf32, #tpu.memory_space<vmem>>, vector<1x1x16xf32>,
        %parallel_loop3A_830 = arith.constant 0 : i32
        %parallel_loop3A_831 = arith.index_cast %parallel_loop3A_830 : i32 to index
        %parallel_loop3A_832 = arith.index_cast %parallel_loop3A_455 : i32 to index
        %parallel_loop3A_833 = arith.constant 544 : index
        %parallel_loop3A_834 = tpu.vector_load %arg12[%parallel_loop3A_831, %parallel_loop3A_832, %parallel_loop3A_833] {strides = array<i32>} : memref<4x16x768xf32, #tpu.memory_space<vmem>>, vector<1x1x16xf32>,
        %parallel_loop3A_835 = vector.shape_cast %parallel_loop3A_834 : vector<1x1x16xf32> to vector<16xf32>
        %parallel_loop3A_836 = vector.shape_cast %parallel_loop3A_729 : vector<16xf32> to vector<1x1x16xf32>
        tpu.vector_store %arg12[%parallel_loop3A_831, %parallel_loop3A_832, %parallel_loop3A_833], %parallel_loop3A_836 {add = true, strides = array<i32>} : memref<4x16x768xf32, #tpu.memory_space<vmem>>, vector<1x1x16xf32>,
        %parallel_loop3A_837 = arith.constant 0 : i32
        %parallel_loop3A_838 = arith.index_cast %parallel_loop3A_837 : i32 to index
        %parallel_loop3A_839 = arith.index_cast %parallel_loop3A_455 : i32 to index
        %parallel_loop3A_840 = arith.constant 560 : index
        %parallel_loop3A_841 = tpu.vector_load %arg12[%parallel_loop3A_838, %parallel_loop3A_839, %parallel_loop3A_840] {strides = array<i32>} : memref<4x16x768xf32, #tpu.memory_space<vmem>>, vector<1x1x16xf32>,
        %parallel_loop3A_842 = vector.shape_cast %parallel_loop3A_841 : vector<1x1x16xf32> to vector<16xf32>
        %parallel_loop3A_843 = vector.shape_cast %parallel_loop3A_735 : vector<16xf32> to vector<1x1x16xf32>
        tpu.vector_store %arg12[%parallel_loop3A_838, %parallel_loop3A_839, %parallel_loop3A_840], %parallel_loop3A_843 {add = true, strides = array<i32>} : memref<4x16x768xf32, #tpu.memory_space<vmem>>, vector<1x1x16xf32>,
        %parallel_loop3A_844 = arith.constant 0 : i32
        %parallel_loop3A_845 = arith.index_cast %parallel_loop3A_844 : i32 to index
        %parallel_loop3A_846 = arith.index_cast %parallel_loop3A_455 : i32 to index
        %parallel_loop3A_847 = arith.constant 576 : index
        %parallel_loop3A_848 = tpu.vector_load %arg12[%parallel_loop3A_845, %parallel_loop3A_846, %parallel_loop3A_847] {strides = array<i32>} : memref<4x16x768xf32, #tpu.memory_space<vmem>>, vector<1x1x16xf32>,
        %parallel_loop3A_849 = vector.shape_cast %parallel_loop3A_848 : vector<1x1x16xf32> to vector<16xf32>
        %parallel_loop3A_850 = vector.shape_cast %parallel_loop3A_741 : vector<16xf32> to vector<1x1x16xf32>
        tpu.vector_store %arg12[%parallel_loop3A_845, %parallel_loop3A_846, %parallel_loop3A_847], %parallel_loop3A_850 {add = true, strides = array<i32>} : memref<4x16x768xf32, #tpu.memory_space<vmem>>, vector<1x1x16xf32>,
        %parallel_loop3A_851 = arith.constant 0 : i32
        %parallel_loop3A_852 = arith.index_cast %parallel_loop3A_851 : i32 to index
        %parallel_loop3A_853 = arith.index_cast %parallel_loop3A_455 : i32 to index
        %parallel_loop3A_854 = arith.constant 592 : index
        %parallel_loop3A_855 = tpu.vector_load %arg12[%parallel_loop3A_852, %parallel_loop3A_853, %parallel_loop3A_854] {strides = array<i32>} : memref<4x16x768xf32, #tpu.memory_space<vmem>>, vector<1x1x16xf32>,
        %parallel_loop3A_856 = vector.shape_cast %parallel_loop3A_855 : vector<1x1x16xf32> to vector<16xf32>
        %parallel_loop3A_857 = vector.shape_cast %parallel_loop3A_747 : vector<16xf32> to vector<1x1x16xf32>
        tpu.vector_store %arg12[%parallel_loop3A_852, %parallel_loop3A_853, %parallel_loop3A_854], %parallel_loop3A_857 {add = true, strides = array<i32>} : memref<4x16x768xf32, #tpu.memory_space<vmem>>, vector<1x1x16xf32>,
        %parallel_loop3A_858 = arith.constant 0 : i32
        %parallel_loop3A_859 = arith.index_cast %parallel_loop3A_858 : i32 to index
        %parallel_loop3A_860 = arith.index_cast %parallel_loop3A_455 : i32 to index
        %parallel_loop3A_861 = arith.constant 608 : index
        %parallel_loop3A_862 = tpu.vector_load %arg12[%parallel_loop3A_859, %parallel_loop3A_860, %parallel_loop3A_861] {strides = array<i32>} : memref<4x16x768xf32, #tpu.memory_space<vmem>>, vector<1x1x16xf32>,
        %parallel_loop3A_863 = vector.shape_cast %parallel_loop3A_862 : vector<1x1x16xf32> to vector<16xf32>
        %parallel_loop3A_864 = vector.shape_cast %parallel_loop3A_753 : vector<16xf32> to vector<1x1x16xf32>
        tpu.vector_store %arg12[%parallel_loop3A_859, %parallel_loop3A_860, %parallel_loop3A_861], %parallel_loop3A_864 {add = true, strides = array<i32>} : memref<4x16x768xf32, #tpu.memory_space<vmem>>, vector<1x1x16xf32>,
        %parallel_loop3A_865 = arith.constant 0 : i32
        %parallel_loop3A_866 = arith.index_cast %parallel_loop3A_865 : i32 to index
        %parallel_loop3A_867 = arith.index_cast %parallel_loop3A_455 : i32 to index
        %parallel_loop3A_868 = arith.constant 624 : index
        %parallel_loop3A_869 = tpu.vector_load %arg12[%parallel_loop3A_866, %parallel_loop3A_867, %parallel_loop3A_868] {strides = array<i32>} : memref<4x16x768xf32, #tpu.memory_space<vmem>>, vector<1x1x16xf32>,
        %parallel_loop3A_870 = vector.shape_cast %parallel_loop3A_869 : vector<1x1x16xf32> to vector<16xf32>
        %parallel_loop3A_871 = vector.shape_cast %parallel_loop3A_759 : vector<16xf32> to vector<1x1x16xf32>
        tpu.vector_store %arg12[%parallel_loop3A_866, %parallel_loop3A_867, %parallel_loop3A_868], %parallel_loop3A_871 {add = true, strides = array<i32>} : memref<4x16x768xf32, #tpu.memory_space<vmem>>, vector<1x1x16xf32>,
        %parallel_loop3A_872 = arith.constant 0 : i32
        %parallel_loop3A_873 = arith.index_cast %parallel_loop3A_872 : i32 to index
        %parallel_loop3A_874 = arith.index_cast %parallel_loop3A_455 : i32 to index
        %parallel_loop3A_875 = arith.constant 256 : index
        %parallel_loop3A_876 = tpu.vector_load %arg10[%parallel_loop3A_873, %parallel_loop3A_874, %parallel_loop3A_875] {strides = array<i32>} : memref<4x16x384xf32, #tpu.memory_space<vmem>>, vector<1x1x16xf32>,
        %parallel_loop3A_877 = vector.shape_cast %parallel_loop3A_876 : vector<1x1x16xf32> to vector<16xf32>
        %parallel_loop3A_878 = arith.constant 0 : i32
        %parallel_loop3A_879 = arith.index_cast %parallel_loop3A_878 : i32 to index
        %parallel_loop3A_880 = arith.index_cast %parallel_loop3A_455 : i32 to index
        %parallel_loop3A_881 = arith.constant 272 : index
        %parallel_loop3A_882 = tpu.vector_load %arg10[%parallel_loop3A_879, %parallel_loop3A_880, %parallel_loop3A_881] {strides = array<i32>} : memref<4x16x384xf32, #tpu.memory_space<vmem>>, vector<1x1x16xf32>,
        %parallel_loop3A_883 = vector.shape_cast %parallel_loop3A_882 : vector<1x1x16xf32> to vector<16xf32>
        %parallel_loop3A_884 = arith.constant 0 : i32
        %parallel_loop3A_885 = arith.index_cast %parallel_loop3A_884 : i32 to index
        %parallel_loop3A_886 = arith.index_cast %parallel_loop3A_455 : i32 to index
        %parallel_loop3A_887 = arith.constant 288 : index
        %parallel_loop3A_888 = tpu.vector_load %arg10[%parallel_loop3A_885, %parallel_loop3A_886, %parallel_loop3A_887] {strides = array<i32>} : memref<4x16x384xf32, #tpu.memory_space<vmem>>, vector<1x1x16xf32>,
        %parallel_loop3A_889 = vector.shape_cast %parallel_loop3A_888 : vector<1x1x16xf32> to vector<16xf32>
        %parallel_loop3A_890 = arith.constant 0 : i32
        %parallel_loop3A_891 = arith.index_cast %parallel_loop3A_890 : i32 to index
        %parallel_loop3A_892 = arith.index_cast %parallel_loop3A_455 : i32 to index
        %parallel_loop3A_893 = arith.constant 304 : index
        %parallel_loop3A_894 = tpu.vector_load %arg10[%parallel_loop3A_891, %parallel_loop3A_892, %parallel_loop3A_893] {strides = array<i32>} : memref<4x16x384xf32, #tpu.memory_space<vmem>>, vector<1x1x16xf32>,
        %parallel_loop3A_895 = vector.shape_cast %parallel_loop3A_894 : vector<1x1x16xf32> to vector<16xf32>
        %parallel_loop3A_896 = arith.constant 0 : i32
        %parallel_loop3A_897 = arith.index_cast %parallel_loop3A_896 : i32 to index
        %parallel_loop3A_898 = arith.index_cast %parallel_loop3A_455 : i32 to index
        %parallel_loop3A_899 = arith.constant 320 : index
        %parallel_loop3A_900 = tpu.vector_load %arg10[%parallel_loop3A_897, %parallel_loop3A_898, %parallel_loop3A_899] {strides = array<i32>} : memref<4x16x384xf32, #tpu.memory_space<vmem>>, vector<1x1x16xf32>,
        %parallel_loop3A_901 = vector.shape_cast %parallel_loop3A_900 : vector<1x1x16xf32> to vector<16xf32>
        %parallel_loop3A_902 = arith.constant 0 : i32
        %parallel_loop3A_903 = arith.index_cast %parallel_loop3A_902 : i32 to index
        %parallel_loop3A_904 = arith.index_cast %parallel_loop3A_455 : i32 to index
        %parallel_loop3A_905 = arith.constant 336 : index
        %parallel_loop3A_906 = tpu.vector_load %arg10[%parallel_loop3A_903, %parallel_loop3A_904, %parallel_loop3A_905] {strides = array<i32>} : memref<4x16x384xf32, #tpu.memory_space<vmem>>, vector<1x1x16xf32>,
        %parallel_loop3A_907 = vector.shape_cast %parallel_loop3A_906 : vector<1x1x16xf32> to vector<16xf32>
        %parallel_loop3A_908 = arith.constant 0 : i32
        %parallel_loop3A_909 = arith.index_cast %parallel_loop3A_908 : i32 to index
        %parallel_loop3A_910 = arith.index_cast %parallel_loop3A_455 : i32 to index
        %parallel_loop3A_911 = arith.constant 352 : index
        %parallel_loop3A_912 = tpu.vector_load %arg10[%parallel_loop3A_909, %parallel_loop3A_910, %parallel_loop3A_911] {strides = array<i32>} : memref<4x16x384xf32, #tpu.memory_space<vmem>>, vector<1x1x16xf32>,
        %parallel_loop3A_913 = vector.shape_cast %parallel_loop3A_912 : vector<1x1x16xf32> to vector<16xf32>
        %parallel_loop3A_914 = arith.constant 0 : i32
        %parallel_loop3A_915 = arith.index_cast %parallel_loop3A_914 : i32 to index
        %parallel_loop3A_916 = arith.index_cast %parallel_loop3A_455 : i32 to index
        %parallel_loop3A_917 = arith.constant 368 : index
        %parallel_loop3A_918 = tpu.vector_load %arg10[%parallel_loop3A_915, %parallel_loop3A_916, %parallel_loop3A_917] {strides = array<i32>} : memref<4x16x384xf32, #tpu.memory_space<vmem>>, vector<1x1x16xf32>,
        %parallel_loop3A_919 = vector.shape_cast %parallel_loop3A_918 : vector<1x1x16xf32> to vector<16xf32>
        %parallel_loop3A_920 = arith.constant 0 : i32
        %parallel_loop3A_921 = arith.index_cast %parallel_loop3A_920 : i32 to index
        %parallel_loop3A_922 = arith.index_cast %parallel_loop3A_455 : i32 to index
        %parallel_loop3A_923 = arith.constant 256 : index
        %parallel_loop3A_924 = tpu.vector_load %arg11[%parallel_loop3A_921, %parallel_loop3A_922, %parallel_loop3A_923] {strides = array<i32>} : memref<4x16x384xf32, #tpu.memory_space<vmem>>, vector<1x1x16xf32>,
        %parallel_loop3A_925 = vector.shape_cast %parallel_loop3A_924 : vector<1x1x16xf32> to vector<16xf32>
        %parallel_loop3A_926 = arith.constant 0 : i32
        %parallel_loop3A_927 = arith.index_cast %parallel_loop3A_926 : i32 to index
        %parallel_loop3A_928 = arith.index_cast %parallel_loop3A_455 : i32 to index
        %parallel_loop3A_929 = arith.constant 272 : index
        %parallel_loop3A_930 = tpu.vector_load %arg11[%parallel_loop3A_927, %parallel_loop3A_928, %parallel_loop3A_929] {strides = array<i32>} : memref<4x16x384xf32, #tpu.memory_space<vmem>>, vector<1x1x16xf32>,
        %parallel_loop3A_931 = vector.shape_cast %parallel_loop3A_930 : vector<1x1x16xf32> to vector<16xf32>
        %parallel_loop3A_932 = arith.constant 0 : i32
        %parallel_loop3A_933 = arith.index_cast %parallel_loop3A_932 : i32 to index
        %parallel_loop3A_934 = arith.index_cast %parallel_loop3A_455 : i32 to index
        %parallel_loop3A_935 = arith.constant 288 : index
        %parallel_loop3A_936 = tpu.vector_load %arg11[%parallel_loop3A_933, %parallel_loop3A_934, %parallel_loop3A_935] {strides = array<i32>} : memref<4x16x384xf32, #tpu.memory_space<vmem>>, vector<1x1x16xf32>,
        %parallel_loop3A_937 = vector.shape_cast %parallel_loop3A_936 : vector<1x1x16xf32> to vector<16xf32>
        %parallel_loop3A_938 = arith.constant 0 : i32
        %parallel_loop3A_939 = arith.index_cast %parallel_loop3A_938 : i32 to index
        %parallel_loop3A_940 = arith.index_cast %parallel_loop3A_455 : i32 to index
        %parallel_loop3A_941 = arith.constant 304 : index
        %parallel_loop3A_942 = tpu.vector_load %arg11[%parallel_loop3A_939, %parallel_loop3A_940, %parallel_loop3A_941] {strides = array<i32>} : memref<4x16x384xf32, #tpu.memory_space<vmem>>, vector<1x1x16xf32>,
        %parallel_loop3A_943 = vector.shape_cast %parallel_loop3A_942 : vector<1x1x16xf32> to vector<16xf32>
        %parallel_loop3A_944 = arith.constant 0 : i32
        %parallel_loop3A_945 = arith.index_cast %parallel_loop3A_944 : i32 to index
        %parallel_loop3A_946 = arith.index_cast %parallel_loop3A_455 : i32 to index
        %parallel_loop3A_947 = arith.constant 320 : index
        %parallel_loop3A_948 = tpu.vector_load %arg11[%parallel_loop3A_945, %parallel_loop3A_946, %parallel_loop3A_947] {strides = array<i32>} : memref<4x16x384xf32, #tpu.memory_space<vmem>>, vector<1x1x16xf32>,
        %parallel_loop3A_949 = vector.shape_cast %parallel_loop3A_948 : vector<1x1x16xf32> to vector<16xf32>
        %parallel_loop3A_950 = arith.constant 0 : i32
        %parallel_loop3A_951 = arith.index_cast %parallel_loop3A_950 : i32 to index
        %parallel_loop3A_952 = arith.index_cast %parallel_loop3A_455 : i32 to index
        %parallel_loop3A_953 = arith.constant 336 : index
        %parallel_loop3A_954 = tpu.vector_load %arg11[%parallel_loop3A_951, %parallel_loop3A_952, %parallel_loop3A_953] {strides = array<i32>} : memref<4x16x384xf32, #tpu.memory_space<vmem>>, vector<1x1x16xf32>,
        %parallel_loop3A_955 = vector.shape_cast %parallel_loop3A_954 : vector<1x1x16xf32> to vector<16xf32>
        %parallel_loop3A_956 = arith.constant 0 : i32
        %parallel_loop3A_957 = arith.index_cast %parallel_loop3A_956 : i32 to index
        %parallel_loop3A_958 = arith.index_cast %parallel_loop3A_455 : i32 to index
        %parallel_loop3A_959 = arith.constant 352 : index
        %parallel_loop3A_960 = tpu.vector_load %arg11[%parallel_loop3A_957, %parallel_loop3A_958, %parallel_loop3A_959] {strides = array<i32>} : memref<4x16x384xf32, #tpu.memory_space<vmem>>, vector<1x1x16xf32>,
        %parallel_loop3A_961 = vector.shape_cast %parallel_loop3A_960 : vector<1x1x16xf32> to vector<16xf32>
        %parallel_loop3A_962 = arith.constant 0 : i32
        %parallel_loop3A_963 = arith.index_cast %parallel_loop3A_962 : i32 to index
        %parallel_loop3A_964 = arith.index_cast %parallel_loop3A_455 : i32 to index
        %parallel_loop3A_965 = arith.constant 368 : index
        %parallel_loop3A_966 = tpu.vector_load %arg11[%parallel_loop3A_963, %parallel_loop3A_964, %parallel_loop3A_965] {strides = array<i32>} : memref<4x16x384xf32, #tpu.memory_space<vmem>>, vector<1x1x16xf32>,
        %parallel_loop3A_967 = vector.shape_cast %parallel_loop3A_966 : vector<1x1x16xf32> to vector<16xf32>
        %parallel_loop3A_968 = arith.constant 0 : i32
        %parallel_loop3A_969 = arith.index_cast %parallel_loop3A_968 : i32 to index
        %parallel_loop3A_970 = arith.index_cast %parallel_loop3A_455 : i32 to index
        %parallel_loop3A_971 = arith.constant 256 : index
        %parallel_loop3A_972 = tpu.vector_load %arg12[%parallel_loop3A_969, %parallel_loop3A_970, %parallel_loop3A_971] {strides = array<i32>} : memref<4x16x768xf32, #tpu.memory_space<vmem>>, vector<1x1x16xf32>,
        %parallel_loop3A_973 = vector.shape_cast %parallel_loop3A_972 : vector<1x1x16xf32> to vector<16xf32>
        %parallel_loop3A_974 = vector.shape_cast %parallel_loop3A_877 : vector<16xf32> to vector<1x1x16xf32>
        tpu.vector_store %arg12[%parallel_loop3A_969, %parallel_loop3A_970, %parallel_loop3A_971], %parallel_loop3A_974 {add = true, strides = array<i32>} : memref<4x16x768xf32, #tpu.memory_space<vmem>>, vector<1x1x16xf32>,
        %parallel_loop3A_975 = arith.constant 0 : i32
        %parallel_loop3A_976 = arith.index_cast %parallel_loop3A_975 : i32 to index
        %parallel_loop3A_977 = arith.index_cast %parallel_loop3A_455 : i32 to index
        %parallel_loop3A_978 = arith.constant 272 : index
        %parallel_loop3A_979 = tpu.vector_load %arg12[%parallel_loop3A_976, %parallel_loop3A_977, %parallel_loop3A_978] {strides = array<i32>} : memref<4x16x768xf32, #tpu.memory_space<vmem>>, vector<1x1x16xf32>,
        %parallel_loop3A_980 = vector.shape_cast %parallel_loop3A_979 : vector<1x1x16xf32> to vector<16xf32>
        %parallel_loop3A_981 = vector.shape_cast %parallel_loop3A_883 : vector<16xf32> to vector<1x1x16xf32>
        tpu.vector_store %arg12[%parallel_loop3A_976, %parallel_loop3A_977, %parallel_loop3A_978], %parallel_loop3A_981 {add = true, strides = array<i32>} : memref<4x16x768xf32, #tpu.memory_space<vmem>>, vector<1x1x16xf32>,
        %parallel_loop3A_982 = arith.constant 0 : i32
        %parallel_loop3A_983 = arith.index_cast %parallel_loop3A_982 : i32 to index
        %parallel_loop3A_984 = arith.index_cast %parallel_loop3A_455 : i32 to index
        %parallel_loop3A_985 = arith.constant 288 : index
        %parallel_loop3A_986 = tpu.vector_load %arg12[%parallel_loop3A_983, %parallel_loop3A_984, %parallel_loop3A_985] {strides = array<i32>} : memref<4x16x768xf32, #tpu.memory_space<vmem>>, vector<1x1x16xf32>,
        %parallel_loop3A_987 = vector.shape_cast %parallel_loop3A_986 : vector<1x1x16xf32> to vector<16xf32>
        %parallel_loop3A_988 = vector.shape_cast %parallel_loop3A_889 : vector<16xf32> to vector<1x1x16xf32>
        tpu.vector_store %arg12[%parallel_loop3A_983, %parallel_loop3A_984, %parallel_loop3A_985], %parallel_loop3A_988 {add = true, strides = array<i32>} : memref<4x16x768xf32, #tpu.memory_space<vmem>>, vector<1x1x16xf32>,
        %parallel_loop3A_989 = arith.constant 0 : i32
        %parallel_loop3A_990 = arith.index_cast %parallel_loop3A_989 : i32 to index
        %parallel_loop3A_991 = arith.index_cast %parallel_loop3A_455 : i32 to index
        %parallel_loop3A_992 = arith.constant 304 : index
        %parallel_loop3A_993 = tpu.vector_load %arg12[%parallel_loop3A_990, %parallel_loop3A_991, %parallel_loop3A_992] {strides = array<i32>} : memref<4x16x768xf32, #tpu.memory_space<vmem>>, vector<1x1x16xf32>,
        %parallel_loop3A_994 = vector.shape_cast %parallel_loop3A_993 : vector<1x1x16xf32> to vector<16xf32>
        %parallel_loop3A_995 = vector.shape_cast %parallel_loop3A_895 : vector<16xf32> to vector<1x1x16xf32>
        tpu.vector_store %arg12[%parallel_loop3A_990, %parallel_loop3A_991, %parallel_loop3A_992], %parallel_loop3A_995 {add = true, strides = array<i32>} : memref<4x16x768xf32, #tpu.memory_space<vmem>>, vector<1x1x16xf32>,
        %parallel_loop3A_996 = arith.constant 0 : i32
        %parallel_loop3A_997 = arith.index_cast %parallel_loop3A_996 : i32 to index
        %parallel_loop3A_998 = arith.index_cast %parallel_loop3A_455 : i32 to index
        %parallel_loop3A_999 = arith.constant 320 : index
        %parallel_loop3A_1000 = tpu.vector_load %arg12[%parallel_loop3A_997, %parallel_loop3A_998, %parallel_loop3A_999] {strides = array<i32>} : memref<4x16x768xf32, #tpu.memory_space<vmem>>, vector<1x1x16xf32>,
        %parallel_loop3A_1001 = vector.shape_cast %parallel_loop3A_1000 : vector<1x1x16xf32> to vector<16xf32>
        %parallel_loop3A_1002 = vector.shape_cast %parallel_loop3A_901 : vector<16xf32> to vector<1x1x16xf32>
        tpu.vector_store %arg12[%parallel_loop3A_997, %parallel_loop3A_998, %parallel_loop3A_999], %parallel_loop3A_1002 {add = true, strides = array<i32>} : memref<4x16x768xf32, #tpu.memory_space<vmem>>, vector<1x1x16xf32>,
        %parallel_loop3A_1003 = arith.constant 0 : i32
        %parallel_loop3A_1004 = arith.index_cast %parallel_loop3A_1003 : i32 to index
        %parallel_loop3A_1005 = arith.index_cast %parallel_loop3A_455 : i32 to index
        %parallel_loop3A_1006 = arith.constant 336 : index
        %parallel_loop3A_1007 = tpu.vector_load %arg12[%parallel_loop3A_1004, %parallel_loop3A_1005, %parallel_loop3A_1006] {strides = array<i32>} : memref<4x16x768xf32, #tpu.memory_space<vmem>>, vector<1x1x16xf32>,
        %parallel_loop3A_1008 = vector.shape_cast %parallel_loop3A_1007 : vector<1x1x16xf32> to vector<16xf32>
        %parallel_loop3A_1009 = vector.shape_cast %parallel_loop3A_907 : vector<16xf32> to vector<1x1x16xf32>
        tpu.vector_store %arg12[%parallel_loop3A_1004, %parallel_loop3A_1005, %parallel_loop3A_1006], %parallel_loop3A_1009 {add = true, strides = array<i32>} : memref<4x16x768xf32, #tpu.memory_space<vmem>>, vector<1x1x16xf32>,
        %parallel_loop3A_1010 = arith.constant 0 : i32
        %parallel_loop3A_1011 = arith.index_cast %parallel_loop3A_1010 : i32 to index
        %parallel_loop3A_1012 = arith.index_cast %parallel_loop3A_455 : i32 to index
        %parallel_loop3A_1013 = arith.constant 352 : index
        %parallel_loop3A_1014 = tpu.vector_load %arg12[%parallel_loop3A_1011, %parallel_loop3A_1012, %parallel_loop3A_1013] {strides = array<i32>} : memref<4x16x768xf32, #tpu.memory_space<vmem>>, vector<1x1x16xf32>,
        %parallel_loop3A_1015 = vector.shape_cast %parallel_loop3A_1014 : vector<1x1x16xf32> to vector<16xf32>
        %parallel_loop3A_1016 = vector.shape_cast %parallel_loop3A_913 : vector<16xf32> to vector<1x1x16xf32>
        tpu.vector_store %arg12[%parallel_loop3A_1011, %parallel_loop3A_1012, %parallel_loop3A_1013], %parallel_loop3A_1016 {add = true, strides = array<i32>} : memref<4x16x768xf32, #tpu.memory_space<vmem>>, vector<1x1x16xf32>,
        %parallel_loop3A_1017 = arith.constant 0 : i32
        %parallel_loop3A_1018 = arith.index_cast %parallel_loop3A_1017 : i32 to index
        %parallel_loop3A_1019 = arith.index_cast %parallel_loop3A_455 : i32 to index
        %parallel_loop3A_1020 = arith.constant 368 : index
        %parallel_loop3A_1021 = tpu.vector_load %arg12[%parallel_loop3A_1018, %parallel_loop3A_1019, %parallel_loop3A_1020] {strides = array<i32>} : memref<4x16x768xf32, #tpu.memory_space<vmem>>, vector<1x1x16xf32>,
        %parallel_loop3A_1022 = vector.shape_cast %parallel_loop3A_1021 : vector<1x1x16xf32> to vector<16xf32>
        %parallel_loop3A_1023 = vector.shape_cast %parallel_loop3A_919 : vector<16xf32> to vector<1x1x16xf32>
        tpu.vector_store %arg12[%parallel_loop3A_1018, %parallel_loop3A_1019, %parallel_loop3A_1020], %parallel_loop3A_1023 {add = true, strides = array<i32>} : memref<4x16x768xf32, #tpu.memory_space<vmem>>, vector<1x1x16xf32>,
        %parallel_loop3A_1024 = arith.constant 0 : i32
        %parallel_loop3A_1025 = arith.index_cast %parallel_loop3A_1024 : i32 to index
        %parallel_loop3A_1026 = arith.index_cast %parallel_loop3A_455 : i32 to index
        %parallel_loop3A_1027 = arith.constant 640 : index
        %parallel_loop3A_1028 = tpu.vector_load %arg12[%parallel_loop3A_1025, %parallel_loop3A_1026, %parallel_loop3A_1027] {strides = array<i32>} : memref<4x16x768xf32, #tpu.memory_space<vmem>>, vector<1x1x16xf32>,
        %parallel_loop3A_1029 = vector.shape_cast %parallel_loop3A_1028 : vector<1x1x16xf32> to vector<16xf32>
        %parallel_loop3A_1030 = vector.shape_cast %parallel_loop3A_925 : vector<16xf32> to vector<1x1x16xf32>
        tpu.vector_store %arg12[%parallel_loop3A_1025, %parallel_loop3A_1026, %parallel_loop3A_1027], %parallel_loop3A_1030 {add = true, strides = array<i32>} : memref<4x16x768xf32, #tpu.memory_space<vmem>>, vector<1x1x16xf32>,
        %parallel_loop3A_1031 = arith.constant 0 : i32
        %parallel_loop3A_1032 = arith.index_cast %parallel_loop3A_1031 : i32 to index
        %parallel_loop3A_1033 = arith.index_cast %parallel_loop3A_455 : i32 to index
        %parallel_loop3A_1034 = arith.constant 656 : index
        %parallel_loop3A_1035 = tpu.vector_load %arg12[%parallel_loop3A_1032, %parallel_loop3A_1033, %parallel_loop3A_1034] {strides = array<i32>} : memref<4x16x768xf32, #tpu.memory_space<vmem>>, vector<1x1x16xf32>,
        %parallel_loop3A_1036 = vector.shape_cast %parallel_loop3A_1035 : vector<1x1x16xf32> to vector<16xf32>
        %parallel_loop3A_1037 = vector.shape_cast %parallel_loop3A_931 : vector<16xf32> to vector<1x1x16xf32>
        tpu.vector_store %arg12[%parallel_loop3A_1032, %parallel_loop3A_1033, %parallel_loop3A_1034], %parallel_loop3A_1037 {add = true, strides = array<i32>} : memref<4x16x768xf32, #tpu.memory_space<vmem>>, vector<1x1x16xf32>,
        %parallel_loop3A_1038 = arith.constant 0 : i32
        %parallel_loop3A_1039 = arith.index_cast %parallel_loop3A_1038 : i32 to index
        %parallel_loop3A_1040 = arith.index_cast %parallel_loop3A_455 : i32 to index
        %parallel_loop3A_1041 = arith.constant 672 : index
        %parallel_loop3A_1042 = tpu.vector_load %arg12[%parallel_loop3A_1039, %parallel_loop3A_1040, %parallel_loop3A_1041] {strides = array<i32>} : memref<4x16x768xf32, #tpu.memory_space<vmem>>, vector<1x1x16xf32>,
        %parallel_loop3A_1043 = vector.shape_cast %parallel_loop3A_1042 : vector<1x1x16xf32> to vector<16xf32>
        %parallel_loop3A_1044 = vector.shape_cast %parallel_loop3A_937 : vector<16xf32> to vector<1x1x16xf32>
        tpu.vector_store %arg12[%parallel_loop3A_1039, %parallel_loop3A_1040, %parallel_loop3A_1041], %parallel_loop3A_1044 {add = true, strides = array<i32>} : memref<4x16x768xf32, #tpu.memory_space<vmem>>, vector<1x1x16xf32>,
        %parallel_loop3A_1045 = arith.constant 0 : i32
        %parallel_loop3A_1046 = arith.index_cast %parallel_loop3A_1045 : i32 to index
        %parallel_loop3A_1047 = arith.index_cast %parallel_loop3A_455 : i32 to index
        %parallel_loop3A_1048 = arith.constant 688 : index
        %parallel_loop3A_1049 = tpu.vector_load %arg12[%parallel_loop3A_1046, %parallel_loop3A_1047, %parallel_loop3A_1048] {strides = array<i32>} : memref<4x16x768xf32, #tpu.memory_space<vmem>>, vector<1x1x16xf32>,
        %parallel_loop3A_1050 = vector.shape_cast %parallel_loop3A_1049 : vector<1x1x16xf32> to vector<16xf32>
        %parallel_loop3A_1051 = vector.shape_cast %parallel_loop3A_943 : vector<16xf32> to vector<1x1x16xf32>
        tpu.vector_store %arg12[%parallel_loop3A_1046, %parallel_loop3A_1047, %parallel_loop3A_1048], %parallel_loop3A_1051 {add = true, strides = array<i32>} : memref<4x16x768xf32, #tpu.memory_space<vmem>>, vector<1x1x16xf32>,
        %parallel_loop3A_1052 = arith.constant 0 : i32
        %parallel_loop3A_1053 = arith.index_cast %parallel_loop3A_1052 : i32 to index
        %parallel_loop3A_1054 = arith.index_cast %parallel_loop3A_455 : i32 to index
        %parallel_loop3A_1055 = arith.constant 704 : index
        %parallel_loop3A_1056 = tpu.vector_load %arg12[%parallel_loop3A_1053, %parallel_loop3A_1054, %parallel_loop3A_1055] {strides = array<i32>} : memref<4x16x768xf32, #tpu.memory_space<vmem>>, vector<1x1x16xf32>,
        %parallel_loop3A_1057 = vector.shape_cast %parallel_loop3A_1056 : vector<1x1x16xf32> to vector<16xf32>
        %parallel_loop3A_1058 = vector.shape_cast %parallel_loop3A_949 : vector<16xf32> to vector<1x1x16xf32>
        tpu.vector_store %arg12[%parallel_loop3A_1053, %parallel_loop3A_1054, %parallel_loop3A_1055], %parallel_loop3A_1058 {add = true, strides = array<i32>} : memref<4x16x768xf32, #tpu.memory_space<vmem>>, vector<1x1x16xf32>,
        %parallel_loop3A_1059 = arith.constant 0 : i32
        %parallel_loop3A_1060 = arith.index_cast %parallel_loop3A_1059 : i32 to index
        %parallel_loop3A_1061 = arith.index_cast %parallel_loop3A_455 : i32 to index
        %parallel_loop3A_1062 = arith.constant 720 : index
        %parallel_loop3A_1063 = tpu.vector_load %arg12[%parallel_loop3A_1060, %parallel_loop3A_1061, %parallel_loop3A_1062] {strides = array<i32>} : memref<4x16x768xf32, #tpu.memory_space<vmem>>, vector<1x1x16xf32>,
        %parallel_loop3A_1064 = vector.shape_cast %parallel_loop3A_1063 : vector<1x1x16xf32> to vector<16xf32>
        %parallel_loop3A_1065 = vector.shape_cast %parallel_loop3A_955 : vector<16xf32> to vector<1x1x16xf32>
        tpu.vector_store %arg12[%parallel_loop3A_1060, %parallel_loop3A_1061, %parallel_loop3A_1062], %parallel_loop3A_1065 {add = true, strides = array<i32>} : memref<4x16x768xf32, #tpu.memory_space<vmem>>, vector<1x1x16xf32>,
        %parallel_loop3A_1066 = arith.constant 0 : i32
        %parallel_loop3A_1067 = arith.index_cast %parallel_loop3A_1066 : i32 to index
        %parallel_loop3A_1068 = arith.index_cast %parallel_loop3A_455 : i32 to index
        %parallel_loop3A_1069 = arith.constant 736 : index
        %parallel_loop3A_1070 = tpu.vector_load %arg12[%parallel_loop3A_1067, %parallel_loop3A_1068, %parallel_loop3A_1069] {strides = array<i32>} : memref<4x16x768xf32, #tpu.memory_space<vmem>>, vector<1x1x16xf32>,
        %parallel_loop3A_1071 = vector.shape_cast %parallel_loop3A_1070 : vector<1x1x16xf32> to vector<16xf32>
        %parallel_loop3A_1072 = vector.shape_cast %parallel_loop3A_961 : vector<16xf32> to vector<1x1x16xf32>
        tpu.vector_store %arg12[%parallel_loop3A_1067, %parallel_loop3A_1068, %parallel_loop3A_1069], %parallel_loop3A_1072 {add = true, strides = array<i32>} : memref<4x16x768xf32, #tpu.memory_space<vmem>>, vector<1x1x16xf32>,
        %parallel_loop3A_1073 = arith.constant 0 : i32
        %parallel_loop3A_1074 = arith.index_cast %parallel_loop3A_1073 : i32 to index
        %parallel_loop3A_1075 = arith.index_cast %parallel_loop3A_455 : i32 to index
        %parallel_loop3A_1076 = arith.constant 752 : index
        %parallel_loop3A_1077 = tpu.vector_load %arg12[%parallel_loop3A_1074, %parallel_loop3A_1075, %parallel_loop3A_1076] {strides = array<i32>} : memref<4x16x768xf32, #tpu.memory_space<vmem>>, vector<1x1x16xf32>,
        %parallel_loop3A_1078 = vector.shape_cast %parallel_loop3A_1077 : vector<1x1x16xf32> to vector<16xf32>
        %parallel_loop3A_1079 = vector.shape_cast %parallel_loop3A_967 : vector<16xf32> to vector<1x1x16xf32>
        tpu.vector_store %arg12[%parallel_loop3A_1074, %parallel_loop3A_1075, %parallel_loop3A_1076], %parallel_loop3A_1079 {add = true, strides = array<i32>} : memref<4x16x768xf32, #tpu.memory_space<vmem>>, vector<1x1x16xf32>,
      } {sc.loop_unroll_factor = 1 : i64, sc.parallel_access}
      %mul3A_211 = arith.constant 16 : i32
      %mul3A_212 = arith.muli %add3A_162, %mul3A_211 : i32
      %add3A_213 = arith.addi %mul3A_2, %mul3A_212 : i32
      %dma_start3A_214 = arith.constant 0 : i32
      %dma_start3A_215 = arith.constant 0 : i32
      %dma_start3A_216 = arith.constant 0 : i32
      %dma_start3A_217 = arith.constant 0 : i32
      %dma_start3A_218 = tpu.memref_slice %arg12[%dma_start3A_214, %dma_start3A_216, %dma_start3A_217] : memref<4x16x768xf32, #tpu.memory_space<vmem>> -> memref<1x16x768xf32, #tpu.memory_space<vmem>>
      %dma_start3A_219 = tpu.memref_squeeze %dma_start3A_218 : memref<1x16x768xf32, #tpu.memory_space<vmem>> -> memref<16x768xf32, #tpu.memory_space<vmem>>
      %dma_start3A_220 = arith.constant 0 : i32
      %dma_start3A_221 = tpu.memref_slice %arg7[%add3A_213, %dma_start3A_220] : memref<32768x768xf32, #tpu.memory_space<hbm>> -> memref<16x768xf32, #tpu.memory_space<hbm>>
      %dma_start3A_222 = tpu.memref_slice %arg14[%dma_start3A_215] : memref<4x!tpu.dma_semaphore, #tpu.memory_space<semaphore_mem>> -> memref<1x!tpu.dma_semaphore, #tpu.memory_space<semaphore_mem>>
      %dma_start3A_223 = tpu.memref_squeeze %dma_start3A_222 : memref<1x!tpu.dma_semaphore, #tpu.memory_space<semaphore_mem>> -> memref<!tpu.dma_semaphore, #tpu.memory_space<semaphore_mem>>
      %dma_start3A_224 = arith.constant 0 : i32
      %dma_start3A_225 = tpu.memref_slice %arg7[%add3A_213, %dma_start3A_224] : memref<32768x768xf32, #tpu.memory_space<hbm>> -> memref<16x768xf32, #tpu.memory_space<hbm>>
      %dma_start3A_226 = arith.constant 0 : i32
      %dma_start3A_227 = arith.constant 0 : i32
      %dma_start3A_228 = tpu.memref_slice %arg12[%dma_start3A_214, %dma_start3A_226, %dma_start3A_227] : memref<4x16x768xf32, #tpu.memory_space<vmem>> -> memref<1x16x768xf32, #tpu.memory_space<vmem>>
      %dma_start3A_229 = tpu.memref_squeeze %dma_start3A_228 : memref<1x16x768xf32, #tpu.memory_space<vmem>> -> memref<16x768xf32, #tpu.memory_space<vmem>>
      tpu.enqueue_dma source(%dma_start3A_229 : memref<16x768xf32, #tpu.memory_space<vmem>>) target(%dma_start3A_225 : memref<16x768xf32, #tpu.memory_space<hbm>>) target_semaphore(%dma_start3A_223 : memref<!tpu.dma_semaphore, #tpu.memory_space<semaphore_mem>>)
      %mul3A_230 = arith.constant 4 : i32
      %mul3A_231 = arith.muli %scan3A_158, %mul3A_230 : i32
      %add3A_232 = arith.constant 1 : i32
      %add3A_233 = arith.addi %mul3A_231, %add3A_232 : i32
      %add3A_234 = arith.constant 2 : i32
      %add3A_235 = arith.addi %add3A_233, %add3A_234 : i32
      %lt3A_236 = arith.constant 64 : i32
      %lt3A_237 = arith.cmpi slt, %add3A_235, %lt3A_236 : i32
      %convert_element_type3A_238 = arith.extui %lt3A_237 : i1 to i32
      %cond3A_239 = arith.constant 0 : i32
      %cond3A_240 = arith.cmpi ne, %convert_element_type3A_238, %cond3A_239 : i32
      scf.if %cond3A_240 {
        %ge3A = arith.constant 4 : i32
        %ge3A_455 = arith.cmpi sge, %add3A_235, %ge3A : i32
        %convert_element_type3A_456 = arith.extui %ge3A_455 : i1 to i32
        %cond3A_457 = arith.constant 0 : i32
        %cond3A_458 = arith.cmpi ne, %convert_element_type3A_456, %cond3A_457 : i32
        scf.if %cond3A_458 {
          %dma_wait3A_506 = arith.constant 3 : i32
          %dma_wait3A_507 = arith.constant 3 : i32
          %dma_wait3A_508 = arith.constant 0 : i32
          %dma_wait3A_509 = arith.constant 0 : i32
          %dma_wait3A_510 = tpu.memref_slice %arg12[%dma_wait3A_506, %dma_wait3A_508, %dma_wait3A_509] : memref<4x16x768xf32, #tpu.memory_space<vmem>> -> memref<1x16x768xf32, #tpu.memory_space<vmem>>
          %dma_wait3A_511 = tpu.memref_squeeze %dma_wait3A_510 : memref<1x16x768xf32, #tpu.memory_space<vmem>> -> memref<16x768xf32, #tpu.memory_space<vmem>>
          %dma_wait3A_512 = arith.constant 0 : i32
          %dma_wait3A_513 = tpu.memref_slice %arg7[%mul3A_2, %dma_wait3A_512] : memref<32768x768xf32, #tpu.memory_space<hbm>> -> memref<16x768xf32, #tpu.memory_space<hbm>>
          %dma_wait3A_514 = tpu.memref_slice %arg14[%dma_wait3A_507] : memref<4x!tpu.dma_semaphore, #tpu.memory_space<semaphore_mem>> -> memref<1x!tpu.dma_semaphore, #tpu.memory_space<semaphore_mem>>
          %dma_wait3A_515 = tpu.memref_squeeze %dma_wait3A_514 : memref<1x!tpu.dma_semaphore, #tpu.memory_space<semaphore_mem>> -> memref<!tpu.dma_semaphore, #tpu.memory_space<semaphore_mem>>
          %dma_wait3A_516 = arith.constant 0 : i32
          %dma_wait3A_517 = tpu.memref_slice %arg7[%mul3A_2, %dma_wait3A_516] : memref<32768x768xf32, #tpu.memory_space<hbm>> -> memref<16x768xf32, #tpu.memory_space<hbm>>
          %dma_wait3A_518 = arith.constant 0 : i32
          %dma_wait3A_519 = arith.constant 0 : i32
          %dma_wait3A_520 = tpu.memref_slice %arg12[%dma_wait3A_506, %dma_wait3A_518, %dma_wait3A_519] : memref<4x16x768xf32, #tpu.memory_space<vmem>> -> memref<1x16x768xf32, #tpu.memory_space<vmem>>
          %dma_wait3A_521 = tpu.memref_squeeze %dma_wait3A_520 : memref<1x16x768xf32, #tpu.memory_space<vmem>> -> memref<16x768xf32, #tpu.memory_space<vmem>>
          tpu.wait_dma2 semaphore(%dma_wait3A_515 : memref<!tpu.dma_semaphore, #tpu.memory_space<semaphore_mem>>) src(%dma_wait3A_521 : memref<16x768xf32, #tpu.memory_space<vmem>>) dst(%dma_wait3A_517 : memref<16x768xf32, #tpu.memory_space<hbm>>)
        } else {
        }
        %mul3A_459 = arith.constant 16 : i32
        %mul3A_460 = arith.muli %add3A_235, %mul3A_459 : i32
        %dma_start3A_461 = arith.constant 3 : i32
        %dma_start3A_462 = arith.constant 3 : i32
        %dma_start3A_463 = arith.constant 0 : i32
        %dma_start3A_464 = arith.constant 0 : i32
        %dma_start3A_465 = tpu.memref_slice %arg10[%dma_start3A_461, %dma_start3A_463, %dma_start3A_464] : memref<4x16x384xf32, #tpu.memory_space<vmem>> -> memref<1x16x384xf32, #tpu.memory_space<vmem>>
        %dma_start3A_466 = tpu.memref_squeeze %dma_start3A_465 : memref<1x16x384xf32, #tpu.memory_space<vmem>> -> memref<16x384xf32, #tpu.memory_space<vmem>>
        %dma_start3A_467 = tpu.memref_slice %arg8[%mul3A_460] : memref<1024xi32, #tpu.memory_space<vmem>> -> memref<16xi32, #tpu.memory_space<vmem>>
        %dma_start3A_468 = arith.constant 0 : i32
        %dma_start3A_469 = arith.constant 0 : i32
        %dma_start3A_470 = tpu.memref_slice %arg5[%dma_start3A_468, %dma_start3A_469] : memref<22118x384xf32, #tpu.memory_space<hbm>> -> memref<22118x384xf32, #tpu.memory_space<hbm>>
        %dma_start3A_471 = tpu.memref_slice %arg13[%dma_start3A_462] : memref<4x!tpu.dma_semaphore, #tpu.memory_space<semaphore_mem>> -> memref<1x!tpu.dma_semaphore, #tpu.memory_space<semaphore_mem>>
        %dma_start3A_472 = tpu.memref_squeeze %dma_start3A_471 : memref<1x!tpu.dma_semaphore, #tpu.memory_space<semaphore_mem>> -> memref<!tpu.dma_semaphore, #tpu.memory_space<semaphore_mem>>
        tpu.enqueue_indirect_dma source(%dma_start3A_470 : memref<22118x384xf32, #tpu.memory_space<hbm>>) target(%dma_start3A_466 : memref<16x384xf32, #tpu.memory_space<vmem>>) offsets(%dma_start3A_467 : memref<16xi32, #tpu.memory_space<vmem>>) semaphore(%dma_start3A_472 : memref<!tpu.dma_semaphore, #tpu.memory_space<semaphore_mem>>)
        %mul3A_473 = arith.constant 16 : i32
        %mul3A_474 = arith.muli %add3A_235, %mul3A_473 : i32
        %dma_start3A_475 = arith.constant 3 : i32
        %dma_start3A_476 = arith.constant 3 : i32
        %dma_start3A_477 = arith.constant 0 : i32
        %dma_start3A_478 = arith.constant 0 : i32
        %dma_start3A_479 = tpu.memref_slice %arg11[%dma_start3A_475, %dma_start3A_477, %dma_start3A_478] : memref<4x16x384xf32, #tpu.memory_space<vmem>> -> memref<1x16x384xf32, #tpu.memory_space<vmem>>
        %dma_start3A_480 = tpu.memref_squeeze %dma_start3A_479 : memref<1x16x384xf32, #tpu.memory_space<vmem>> -> memref<16x384xf32, #tpu.memory_space<vmem>>
        %dma_start3A_481 = tpu.memref_slice %arg9[%mul3A_474] : memref<1024xi32, #tpu.memory_space<vmem>> -> memref<16xi32, #tpu.memory_space<vmem>>
        %dma_start3A_482 = arith.constant 0 : i32
        %dma_start3A_483 = arith.constant 0 : i32
        %dma_start3A_484 = tpu.memref_slice %arg6[%dma_start3A_482, %dma_start3A_483] : memref<22118x384xf32, #tpu.memory_space<hbm>> -> memref<22118x384xf32, #tpu.memory_space<hbm>>
        %dma_start3A_485 = tpu.memref_slice %arg13[%dma_start3A_476] : memref<4x!tpu.dma_semaphore, #tpu.memory_space<semaphore_mem>> -> memref<1x!tpu.dma_semaphore, #tpu.memory_space<semaphore_mem>>
        %dma_start3A_486 = tpu.memref_squeeze %dma_start3A_485 : memref<1x!tpu.dma_semaphore, #tpu.memory_space<semaphore_mem>> -> memref<!tpu.dma_semaphore, #tpu.memory_space<semaphore_mem>>
        tpu.enqueue_indirect_dma source(%dma_start3A_484 : memref<22118x384xf32, #tpu.memory_space<hbm>>) target(%dma_start3A_480 : memref<16x384xf32, #tpu.memory_space<vmem>>) offsets(%dma_start3A_481 : memref<16xi32, #tpu.memory_space<vmem>>) semaphore(%dma_start3A_486 : memref<!tpu.dma_semaphore, #tpu.memory_space<semaphore_mem>>)
        %mul3A_487 = arith.constant 16 : i32
        %mul3A_488 = arith.muli %add3A_235, %mul3A_487 : i32
        %add3A_489 = arith.addi %mul3A_2, %mul3A_488 : i32
        %dma_start3A_490 = arith.constant 3 : i32
        %dma_start3A_491 = arith.constant 3 : i32
        %dma_start3A_492 = arith.constant 0 : i32
        %dma_start3A_493 = arith.constant 0 : i32
        %dma_start3A_494 = tpu.memref_slice %arg12[%dma_start3A_490, %dma_start3A_492, %dma_start3A_493] : memref<4x16x768xf32, #tpu.memory_space<vmem>> -> memref<1x16x768xf32, #tpu.memory_space<vmem>>
        %dma_start3A_495 = tpu.memref_squeeze %dma_start3A_494 : memref<1x16x768xf32, #tpu.memory_space<vmem>> -> memref<16x768xf32, #tpu.memory_space<vmem>>
        %dma_start3A_496 = arith.constant 0 : i32
        %dma_start3A_497 = tpu.memref_slice %arg2[%add3A_489, %dma_start3A_496] : memref<32768x768xf32, #tpu.memory_space<hbm>> -> memref<16x768xf32, #tpu.memory_space<hbm>>
        %dma_start3A_498 = tpu.memref_slice %arg13[%dma_start3A_491] : memref<4x!tpu.dma_semaphore, #tpu.memory_space<semaphore_mem>> -> memref<1x!tpu.dma_semaphore, #tpu.memory_space<semaphore_mem>>
        %dma_start3A_499 = tpu.memref_squeeze %dma_start3A_498 : memref<1x!tpu.dma_semaphore, #tpu.memory_space<semaphore_mem>> -> memref<!tpu.dma_semaphore, #tpu.memory_space<semaphore_mem>>
        %dma_start3A_500 = arith.constant 0 : i32
        %dma_start3A_501 = arith.constant 0 : i32
        %dma_start3A_502 = tpu.memref_slice %arg12[%dma_start3A_490, %dma_start3A_500, %dma_start3A_501] : memref<4x16x768xf32, #tpu.memory_space<vmem>> -> memref<1x16x768xf32, #tpu.memory_space<vmem>>
        %dma_start3A_503 = tpu.memref_squeeze %dma_start3A_502 : memref<1x16x768xf32, #tpu.memory_space<vmem>> -> memref<16x768xf32, #tpu.memory_space<vmem>>
        %dma_start3A_504 = arith.constant 0 : i32
        %dma_start3A_505 = tpu.memref_slice %arg2[%add3A_489, %dma_start3A_504] : memref<32768x768xf32, #tpu.memory_space<hbm>> -> memref<16x768xf32, #tpu.memory_space<hbm>>
        tpu.enqueue_dma source(%dma_start3A_505 : memref<16x768xf32, #tpu.memory_space<hbm>>) target(%dma_start3A_503 : memref<16x768xf32, #tpu.memory_space<vmem>>) target_semaphore(%dma_start3A_499 : memref<!tpu.dma_semaphore, #tpu.memory_space<semaphore_mem>>)
      } else {
      }
      %dma_wait3A_241 = arith.constant 1 : i32
      %dma_wait3A_242 = arith.constant 1 : i32
      %dma_wait3A_243 = arith.constant 0 : i32
      %dma_wait3A_244 = arith.constant 0 : i32
      %dma_wait3A_245 = tpu.memref_slice %arg10[%dma_wait3A_241, %dma_wait3A_243, %dma_wait3A_244] : memref<4x16x384xf32, #tpu.memory_space<vmem>> -> memref<1x16x384xf32, #tpu.memory_space<vmem>>
      %dma_wait3A_246 = tpu.memref_squeeze %dma_wait3A_245 : memref<1x16x384xf32, #tpu.memory_space<vmem>> -> memref<16x384xf32, #tpu.memory_space<vmem>>
      %dma_wait3A_247 = arith.constant 0 : i32
      %dma_wait3A_248 = tpu.memref_slice %arg8[%dma_wait3A_247] : memref<1024xi32, #tpu.memory_space<vmem>> -> memref<16xi32, #tpu.memory_space<vmem>>
      %dma_wait3A_249 = arith.constant 0 : i32
      %dma_wait3A_250 = arith.constant 0 : i32
      %dma_wait3A_251 = tpu.memref_slice %arg5[%dma_wait3A_249, %dma_wait3A_250] : memref<22118x384xf32, #tpu.memory_space<hbm>> -> memref<22118x384xf32, #tpu.memory_space<hbm>>
      %dma_wait3A_252 = tpu.memref_slice %arg13[%dma_wait3A_242] : memref<4x!tpu.dma_semaphore, #tpu.memory_space<semaphore_mem>> -> memref<1x!tpu.dma_semaphore, #tpu.memory_space<semaphore_mem>>
      %dma_wait3A_253 = tpu.memref_squeeze %dma_wait3A_252 : memref<1x!tpu.dma_semaphore, #tpu.memory_space<semaphore_mem>> -> memref<!tpu.dma_semaphore, #tpu.memory_space<semaphore_mem>>
      tpu.wait_indirect_dma semaphore(%dma_wait3A_253 : memref<!tpu.dma_semaphore, #tpu.memory_space<semaphore_mem>>) src(%dma_wait3A_251 : memref<22118x384xf32, #tpu.memory_space<hbm>>) dst(%dma_wait3A_246 : memref<16x384xf32, #tpu.memory_space<vmem>>)
      %dma_wait3A_254 = arith.constant 1 : i32
      %dma_wait3A_255 = arith.constant 1 : i32
      %dma_wait3A_256 = arith.constant 0 : i32
      %dma_wait3A_257 = arith.constant 0 : i32
      %dma_wait3A_258 = tpu.memref_slice %arg11[%dma_wait3A_254, %dma_wait3A_256, %dma_wait3A_257] : memref<4x16x384xf32, #tpu.memory_space<vmem>> -> memref<1x16x384xf32, #tpu.memory_space<vmem>>
      %dma_wait3A_259 = tpu.memref_squeeze %dma_wait3A_258 : memref<1x16x384xf32, #tpu.memory_space<vmem>> -> memref<16x384xf32, #tpu.memory_space<vmem>>
      %dma_wait3A_260 = arith.constant 0 : i32
      %dma_wait3A_261 = tpu.memref_slice %arg9[%dma_wait3A_260] : memref<1024xi32, #tpu.memory_space<vmem>> -> memref<16xi32, #tpu.memory_space<vmem>>
      %dma_wait3A_262 = arith.constant 0 : i32
      %dma_wait3A_263 = arith.constant 0 : i32
      %dma_wait3A_264 = tpu.memref_slice %arg6[%dma_wait3A_262, %dma_wait3A_263] : memref<22118x384xf32, #tpu.memory_space<hbm>> -> memref<22118x384xf32, #tpu.memory_space<hbm>>
      %dma_wait3A_265 = tpu.memref_slice %arg13[%dma_wait3A_255] : memref<4x!tpu.dma_semaphore, #tpu.memory_space<semaphore_mem>> -> memref<1x!tpu.dma_semaphore, #tpu.memory_space<semaphore_mem>>
      %dma_wait3A_266 = tpu.memref_squeeze %dma_wait3A_265 : memref<1x!tpu.dma_semaphore, #tpu.memory_space<semaphore_mem>> -> memref<!tpu.dma_semaphore, #tpu.memory_space<semaphore_mem>>
      tpu.wait_indirect_dma semaphore(%dma_wait3A_266 : memref<!tpu.dma_semaphore, #tpu.memory_space<semaphore_mem>>) src(%dma_wait3A_264 : memref<22118x384xf32, #tpu.memory_space<hbm>>) dst(%dma_wait3A_259 : memref<16x384xf32, #tpu.memory_space<vmem>>)
      %dma_wait3A_267 = arith.constant 1 : i32
      %dma_wait3A_268 = arith.constant 1 : i32
      %dma_wait3A_269 = arith.constant 0 : i32
      %dma_wait3A_270 = arith.constant 0 : i32
      %dma_wait3A_271 = tpu.memref_slice %arg12[%dma_wait3A_267, %dma_wait3A_269, %dma_wait3A_270] : memref<4x16x768xf32, #tpu.memory_space<vmem>> -> memref<1x16x768xf32, #tpu.memory_space<vmem>>
      %dma_wait3A_272 = tpu.memref_squeeze %dma_wait3A_271 : memref<1x16x768xf32, #tpu.memory_space<vmem>> -> memref<16x768xf32, #tpu.memory_space<vmem>>
      %dma_wait3A_273 = arith.constant 0 : i32
      %dma_wait3A_274 = tpu.memref_slice %arg2[%mul3A_2, %dma_wait3A_273] : memref<32768x768xf32, #tpu.memory_space<hbm>> -> memref<16x768xf32, #tpu.memory_space<hbm>>
      %dma_wait3A_275 = tpu.memref_slice %arg13[%dma_wait3A_268] : memref<4x!tpu.dma_semaphore, #tpu.memory_space<semaphore_mem>> -> memref<1x!tpu.dma_semaphore, #tpu.memory_space<semaphore_mem>>
      %dma_wait3A_276 = tpu.memref_squeeze %dma_wait3A_275 : memref<1x!tpu.dma_semaphore, #tpu.memory_space<semaphore_mem>> -> memref<!tpu.dma_semaphore, #tpu.memory_space<semaphore_mem>>
      %dma_wait3A_277 = arith.constant 0 : i32
      %dma_wait3A_278 = arith.constant 0 : i32
      %dma_wait3A_279 = tpu.memref_slice %arg12[%dma_wait3A_267, %dma_wait3A_277, %dma_wait3A_278] : memref<4x16x768xf32, #tpu.memory_space<vmem>> -> memref<1x16x768xf32, #tpu.memory_space<vmem>>
      %dma_wait3A_280 = tpu.memref_squeeze %dma_wait3A_279 : memref<1x16x768xf32, #tpu.memory_space<vmem>> -> memref<16x768xf32, #tpu.memory_space<vmem>>
      %dma_wait3A_281 = arith.constant 0 : i32
      %dma_wait3A_282 = tpu.memref_slice %arg2[%mul3A_2, %dma_wait3A_281] : memref<32768x768xf32, #tpu.memory_space<hbm>> -> memref<16x768xf32, #tpu.memory_space<hbm>>
      tpu.wait_dma2 semaphore(%dma_wait3A_276 : memref<!tpu.dma_semaphore, #tpu.memory_space<semaphore_mem>>) src(%dma_wait3A_282 : memref<16x768xf32, #tpu.memory_space<hbm>>) dst(%dma_wait3A_280 : memref<16x768xf32, #tpu.memory_space<vmem>>)
      %parallel_loop3A_283 = arith.constant 0 : i32
      %parallel_loop3A_284 = arith.constant 16 : i32
      %parallel_loop3A_285 = arith.constant 1 : i32
      scf.for %parallel_loop3A_455 = %parallel_loop3A_283 to %parallel_loop3A_284 step %parallel_loop3A_285  : i32 {
        %parallel_loop3A_456 = arith.constant 1 : i32
        %parallel_loop3A_457 = arith.index_cast %parallel_loop3A_456 : i32 to index
        %parallel_loop3A_458 = arith.index_cast %parallel_loop3A_455 : i32 to index
        %parallel_loop3A_459 = arith.constant 0 : index
        %parallel_loop3A_460 = tpu.vector_load %arg10[%parallel_loop3A_457, %parallel_loop3A_458, %parallel_loop3A_459] {strides = array<i32>} : memref<4x16x384xf32, #tpu.memory_space<vmem>>, vector<1x1x16xf32>,
        %parallel_loop3A_461 = vector.shape_cast %parallel_loop3A_460 : vector<1x1x16xf32> to vector<16xf32>
        %parallel_loop3A_462 = arith.constant 1 : i32
        %parallel_loop3A_463 = arith.index_cast %parallel_loop3A_462 : i32 to index
        %parallel_loop3A_464 = arith.index_cast %parallel_loop3A_455 : i32 to index
        %parallel_loop3A_465 = arith.constant 16 : index
        %parallel_loop3A_466 = tpu.vector_load %arg10[%parallel_loop3A_463, %parallel_loop3A_464, %parallel_loop3A_465] {strides = array<i32>} : memref<4x16x384xf32, #tpu.memory_space<vmem>>, vector<1x1x16xf32>,
        %parallel_loop3A_467 = vector.shape_cast %parallel_loop3A_466 : vector<1x1x16xf32> to vector<16xf32>
        %parallel_loop3A_468 = arith.constant 1 : i32
        %parallel_loop3A_469 = arith.index_cast %parallel_loop3A_468 : i32 to index
        %parallel_loop3A_470 = arith.index_cast %parallel_loop3A_455 : i32 to index
        %parallel_loop3A_471 = arith.constant 32 : index
        %parallel_loop3A_472 = tpu.vector_load %arg10[%parallel_loop3A_469, %parallel_loop3A_470, %parallel_loop3A_471] {strides = array<i32>} : memref<4x16x384xf32, #tpu.memory_space<vmem>>, vector<1x1x16xf32>,
        %parallel_loop3A_473 = vector.shape_cast %parallel_loop3A_472 : vector<1x1x16xf32> to vector<16xf32>
        %parallel_loop3A_474 = arith.constant 1 : i32
        %parallel_loop3A_475 = arith.index_cast %parallel_loop3A_474 : i32 to index
        %parallel_loop3A_476 = arith.index_cast %parallel_loop3A_455 : i32 to index
        %parallel_loop3A_477 = arith.constant 48 : index
        %parallel_loop3A_478 = tpu.vector_load %arg10[%parallel_loop3A_475, %parallel_loop3A_476, %parallel_loop3A_477] {strides = array<i32>} : memref<4x16x384xf32, #tpu.memory_space<vmem>>, vector<1x1x16xf32>,
        %parallel_loop3A_479 = vector.shape_cast %parallel_loop3A_478 : vector<1x1x16xf32> to vector<16xf32>
        %parallel_loop3A_480 = arith.constant 1 : i32
        %parallel_loop3A_481 = arith.index_cast %parallel_loop3A_480 : i32 to index
        %parallel_loop3A_482 = arith.index_cast %parallel_loop3A_455 : i32 to index
        %parallel_loop3A_483 = arith.constant 64 : index
        %parallel_loop3A_484 = tpu.vector_load %arg10[%parallel_loop3A_481, %parallel_loop3A_482, %parallel_loop3A_483] {strides = array<i32>} : memref<4x16x384xf32, #tpu.memory_space<vmem>>, vector<1x1x16xf32>,
        %parallel_loop3A_485 = vector.shape_cast %parallel_loop3A_484 : vector<1x1x16xf32> to vector<16xf32>
        %parallel_loop3A_486 = arith.constant 1 : i32
        %parallel_loop3A_487 = arith.index_cast %parallel_loop3A_486 : i32 to index
        %parallel_loop3A_488 = arith.index_cast %parallel_loop3A_455 : i32 to index
        %parallel_loop3A_489 = arith.constant 80 : index
        %parallel_loop3A_490 = tpu.vector_load %arg10[%parallel_loop3A_487, %parallel_loop3A_488, %parallel_loop3A_489] {strides = array<i32>} : memref<4x16x384xf32, #tpu.memory_space<vmem>>, vector<1x1x16xf32>,
        %parallel_loop3A_491 = vector.shape_cast %parallel_loop3A_490 : vector<1x1x16xf32> to vector<16xf32>
        %parallel_loop3A_492 = arith.constant 1 : i32
        %parallel_loop3A_493 = arith.index_cast %parallel_loop3A_492 : i32 to index
        %parallel_loop3A_494 = arith.index_cast %parallel_loop3A_455 : i32 to index
        %parallel_loop3A_495 = arith.constant 96 : index
        %parallel_loop3A_496 = tpu.vector_load %arg10[%parallel_loop3A_493, %parallel_loop3A_494, %parallel_loop3A_495] {strides = array<i32>} : memref<4x16x384xf32, #tpu.memory_space<vmem>>, vector<1x1x16xf32>,
        %parallel_loop3A_497 = vector.shape_cast %parallel_loop3A_496 : vector<1x1x16xf32> to vector<16xf32>
        %parallel_loop3A_498 = arith.constant 1 : i32
        %parallel_loop3A_499 = arith.index_cast %parallel_loop3A_498 : i32 to index
        %parallel_loop3A_500 = arith.index_cast %parallel_loop3A_455 : i32 to index
        %parallel_loop3A_501 = arith.constant 112 : index
        %parallel_loop3A_502 = tpu.vector_load %arg10[%parallel_loop3A_499, %parallel_loop3A_500, %parallel_loop3A_501] {strides = array<i32>} : memref<4x16x384xf32, #tpu.memory_space<vmem>>, vector<1x1x16xf32>,
        %parallel_loop3A_503 = vector.shape_cast %parallel_loop3A_502 : vector<1x1x16xf32> to vector<16xf32>
        %parallel_loop3A_504 = arith.constant 1 : i32
        %parallel_loop3A_505 = arith.index_cast %parallel_loop3A_504 : i32 to index
        %parallel_loop3A_506 = arith.index_cast %parallel_loop3A_455 : i32 to index
        %parallel_loop3A_507 = arith.constant 0 : index
        %parallel_loop3A_508 = tpu.vector_load %arg11[%parallel_loop3A_505, %parallel_loop3A_506, %parallel_loop3A_507] {strides = array<i32>} : memref<4x16x384xf32, #tpu.memory_space<vmem>>, vector<1x1x16xf32>,
        %parallel_loop3A_509 = vector.shape_cast %parallel_loop3A_508 : vector<1x1x16xf32> to vector<16xf32>
        %parallel_loop3A_510 = arith.constant 1 : i32
        %parallel_loop3A_511 = arith.index_cast %parallel_loop3A_510 : i32 to index
        %parallel_loop3A_512 = arith.index_cast %parallel_loop3A_455 : i32 to index
        %parallel_loop3A_513 = arith.constant 16 : index
        %parallel_loop3A_514 = tpu.vector_load %arg11[%parallel_loop3A_511, %parallel_loop3A_512, %parallel_loop3A_513] {strides = array<i32>} : memref<4x16x384xf32, #tpu.memory_space<vmem>>, vector<1x1x16xf32>,
        %parallel_loop3A_515 = vector.shape_cast %parallel_loop3A_514 : vector<1x1x16xf32> to vector<16xf32>
        %parallel_loop3A_516 = arith.constant 1 : i32
        %parallel_loop3A_517 = arith.index_cast %parallel_loop3A_516 : i32 to index
        %parallel_loop3A_518 = arith.index_cast %parallel_loop3A_455 : i32 to index
        %parallel_loop3A_519 = arith.constant 32 : index
        %parallel_loop3A_520 = tpu.vector_load %arg11[%parallel_loop3A_517, %parallel_loop3A_518, %parallel_loop3A_519] {strides = array<i32>} : memref<4x16x384xf32, #tpu.memory_space<vmem>>, vector<1x1x16xf32>,
        %parallel_loop3A_521 = vector.shape_cast %parallel_loop3A_520 : vector<1x1x16xf32> to vector<16xf32>
        %parallel_loop3A_522 = arith.constant 1 : i32
        %parallel_loop3A_523 = arith.index_cast %parallel_loop3A_522 : i32 to index
        %parallel_loop3A_524 = arith.index_cast %parallel_loop3A_455 : i32 to index
        %parallel_loop3A_525 = arith.constant 48 : index
        %parallel_loop3A_526 = tpu.vector_load %arg11[%parallel_loop3A_523, %parallel_loop3A_524, %parallel_loop3A_525] {strides = array<i32>} : memref<4x16x384xf32, #tpu.memory_space<vmem>>, vector<1x1x16xf32>,
        %parallel_loop3A_527 = vector.shape_cast %parallel_loop3A_526 : vector<1x1x16xf32> to vector<16xf32>
        %parallel_loop3A_528 = arith.constant 1 : i32
        %parallel_loop3A_529 = arith.index_cast %parallel_loop3A_528 : i32 to index
        %parallel_loop3A_530 = arith.index_cast %parallel_loop3A_455 : i32 to index
        %parallel_loop3A_531 = arith.constant 64 : index
        %parallel_loop3A_532 = tpu.vector_load %arg11[%parallel_loop3A_529, %parallel_loop3A_530, %parallel_loop3A_531] {strides = array<i32>} : memref<4x16x384xf32, #tpu.memory_space<vmem>>, vector<1x1x16xf32>,
        %parallel_loop3A_533 = vector.shape_cast %parallel_loop3A_532 : vector<1x1x16xf32> to vector<16xf32>
        %parallel_loop3A_534 = arith.constant 1 : i32
        %parallel_loop3A_535 = arith.index_cast %parallel_loop3A_534 : i32 to index
        %parallel_loop3A_536 = arith.index_cast %parallel_loop3A_455 : i32 to index
        %parallel_loop3A_537 = arith.constant 80 : index
        %parallel_loop3A_538 = tpu.vector_load %arg11[%parallel_loop3A_535, %parallel_loop3A_536, %parallel_loop3A_537] {strides = array<i32>} : memref<4x16x384xf32, #tpu.memory_space<vmem>>, vector<1x1x16xf32>,
        %parallel_loop3A_539 = vector.shape_cast %parallel_loop3A_538 : vector<1x1x16xf32> to vector<16xf32>
        %parallel_loop3A_540 = arith.constant 1 : i32
        %parallel_loop3A_541 = arith.index_cast %parallel_loop3A_540 : i32 to index
        %parallel_loop3A_542 = arith.index_cast %parallel_loop3A_455 : i32 to index
        %parallel_loop3A_543 = arith.constant 96 : index
        %parallel_loop3A_544 = tpu.vector_load %arg11[%parallel_loop3A_541, %parallel_loop3A_542, %parallel_loop3A_543] {strides = array<i32>} : memref<4x16x384xf32, #tpu.memory_space<vmem>>, vector<1x1x16xf32>,
        %parallel_loop3A_545 = vector.shape_cast %parallel_loop3A_544 : vector<1x1x16xf32> to vector<16xf32>
        %parallel_loop3A_546 = arith.constant 1 : i32
        %parallel_loop3A_547 = arith.index_cast %parallel_loop3A_546 : i32 to index
        %parallel_loop3A_548 = arith.index_cast %parallel_loop3A_455 : i32 to index
        %parallel_loop3A_549 = arith.constant 112 : index
        %parallel_loop3A_550 = tpu.vector_load %arg11[%parallel_loop3A_547, %parallel_loop3A_548, %parallel_loop3A_549] {strides = array<i32>} : memref<4x16x384xf32, #tpu.memory_space<vmem>>, vector<1x1x16xf32>,
        %parallel_loop3A_551 = vector.shape_cast %parallel_loop3A_550 : vector<1x1x16xf32> to vector<16xf32>
        %parallel_loop3A_552 = arith.constant 1 : i32
        %parallel_loop3A_553 = arith.index_cast %parallel_loop3A_552 : i32 to index
        %parallel_loop3A_554 = arith.index_cast %parallel_loop3A_455 : i32 to index
        %parallel_loop3A_555 = arith.constant 0 : index
        %parallel_loop3A_556 = tpu.vector_load %arg12[%parallel_loop3A_553, %parallel_loop3A_554, %parallel_loop3A_555] {strides = array<i32>} : memref<4x16x768xf32, #tpu.memory_space<vmem>>, vector<1x1x16xf32>,
        %parallel_loop3A_557 = vector.shape_cast %parallel_loop3A_556 : vector<1x1x16xf32> to vector<16xf32>
        %parallel_loop3A_558 = vector.shape_cast %parallel_loop3A_461 : vector<16xf32> to vector<1x1x16xf32>
        tpu.vector_store %arg12[%parallel_loop3A_553, %parallel_loop3A_554, %parallel_loop3A_555], %parallel_loop3A_558 {add = true, strides = array<i32>} : memref<4x16x768xf32, #tpu.memory_space<vmem>>, vector<1x1x16xf32>,
        %parallel_loop3A_559 = arith.constant 1 : i32
        %parallel_loop3A_560 = arith.index_cast %parallel_loop3A_559 : i32 to index
        %parallel_loop3A_561 = arith.index_cast %parallel_loop3A_455 : i32 to index
        %parallel_loop3A_562 = arith.constant 16 : index
        %parallel_loop3A_563 = tpu.vector_load %arg12[%parallel_loop3A_560, %parallel_loop3A_561, %parallel_loop3A_562] {strides = array<i32>} : memref<4x16x768xf32, #tpu.memory_space<vmem>>, vector<1x1x16xf32>,
        %parallel_loop3A_564 = vector.shape_cast %parallel_loop3A_563 : vector<1x1x16xf32> to vector<16xf32>
        %parallel_loop3A_565 = vector.shape_cast %parallel_loop3A_467 : vector<16xf32> to vector<1x1x16xf32>
        tpu.vector_store %arg12[%parallel_loop3A_560, %parallel_loop3A_561, %parallel_loop3A_562], %parallel_loop3A_565 {add = true, strides = array<i32>} : memref<4x16x768xf32, #tpu.memory_space<vmem>>, vector<1x1x16xf32>,
        %parallel_loop3A_566 = arith.constant 1 : i32
        %parallel_loop3A_567 = arith.index_cast %parallel_loop3A_566 : i32 to index
        %parallel_loop3A_568 = arith.index_cast %parallel_loop3A_455 : i32 to index
        %parallel_loop3A_569 = arith.constant 32 : index
        %parallel_loop3A_570 = tpu.vector_load %arg12[%parallel_loop3A_567, %parallel_loop3A_568, %parallel_loop3A_569] {strides = array<i32>} : memref<4x16x768xf32, #tpu.memory_space<vmem>>, vector<1x1x16xf32>,
        %parallel_loop3A_571 = vector.shape_cast %parallel_loop3A_570 : vector<1x1x16xf32> to vector<16xf32>
        %parallel_loop3A_572 = vector.shape_cast %parallel_loop3A_473 : vector<16xf32> to vector<1x1x16xf32>
        tpu.vector_store %arg12[%parallel_loop3A_567, %parallel_loop3A_568, %parallel_loop3A_569], %parallel_loop3A_572 {add = true, strides = array<i32>} : memref<4x16x768xf32, #tpu.memory_space<vmem>>, vector<1x1x16xf32>,
        %parallel_loop3A_573 = arith.constant 1 : i32
        %parallel_loop3A_574 = arith.index_cast %parallel_loop3A_573 : i32 to index
        %parallel_loop3A_575 = arith.index_cast %parallel_loop3A_455 : i32 to index
        %parallel_loop3A_576 = arith.constant 48 : index
        %parallel_loop3A_577 = tpu.vector_load %arg12[%parallel_loop3A_574, %parallel_loop3A_575, %parallel_loop3A_576] {strides = array<i32>} : memref<4x16x768xf32, #tpu.memory_space<vmem>>, vector<1x1x16xf32>,
        %parallel_loop3A_578 = vector.shape_cast %parallel_loop3A_577 : vector<1x1x16xf32> to vector<16xf32>
        %parallel_loop3A_579 = vector.shape_cast %parallel_loop3A_479 : vector<16xf32> to vector<1x1x16xf32>
        tpu.vector_store %arg12[%parallel_loop3A_574, %parallel_loop3A_575, %parallel_loop3A_576], %parallel_loop3A_579 {add = true, strides = array<i32>} : memref<4x16x768xf32, #tpu.memory_space<vmem>>, vector<1x1x16xf32>,
        %parallel_loop3A_580 = arith.constant 1 : i32
        %parallel_loop3A_581 = arith.index_cast %parallel_loop3A_580 : i32 to index
        %parallel_loop3A_582 = arith.index_cast %parallel_loop3A_455 : i32 to index
        %parallel_loop3A_583 = arith.constant 64 : index
        %parallel_loop3A_584 = tpu.vector_load %arg12[%parallel_loop3A_581, %parallel_loop3A_582, %parallel_loop3A_583] {strides = array<i32>} : memref<4x16x768xf32, #tpu.memory_space<vmem>>, vector<1x1x16xf32>,
        %parallel_loop3A_585 = vector.shape_cast %parallel_loop3A_584 : vector<1x1x16xf32> to vector<16xf32>
        %parallel_loop3A_586 = vector.shape_cast %parallel_loop3A_485 : vector<16xf32> to vector<1x1x16xf32>
        tpu.vector_store %arg12[%parallel_loop3A_581, %parallel_loop3A_582, %parallel_loop3A_583], %parallel_loop3A_586 {add = true, strides = array<i32>} : memref<4x16x768xf32, #tpu.memory_space<vmem>>, vector<1x1x16xf32>,
        %parallel_loop3A_587 = arith.constant 1 : i32
        %parallel_loop3A_588 = arith.index_cast %parallel_loop3A_587 : i32 to index
        %parallel_loop3A_589 = arith.index_cast %parallel_loop3A_455 : i32 to index
        %parallel_loop3A_590 = arith.constant 80 : index
        %parallel_loop3A_591 = tpu.vector_load %arg12[%parallel_loop3A_588, %parallel_loop3A_589, %parallel_loop3A_590] {strides = array<i32>} : memref<4x16x768xf32, #tpu.memory_space<vmem>>, vector<1x1x16xf32>,
        %parallel_loop3A_592 = vector.shape_cast %parallel_loop3A_591 : vector<1x1x16xf32> to vector<16xf32>
        %parallel_loop3A_593 = vector.shape_cast %parallel_loop3A_491 : vector<16xf32> to vector<1x1x16xf32>
        tpu.vector_store %arg12[%parallel_loop3A_588, %parallel_loop3A_589, %parallel_loop3A_590], %parallel_loop3A_593 {add = true, strides = array<i32>} : memref<4x16x768xf32, #tpu.memory_space<vmem>>, vector<1x1x16xf32>,
        %parallel_loop3A_594 = arith.constant 1 : i32
        %parallel_loop3A_595 = arith.index_cast %parallel_loop3A_594 : i32 to index
        %parallel_loop3A_596 = arith.index_cast %parallel_loop3A_455 : i32 to index
        %parallel_loop3A_597 = arith.constant 96 : index
        %parallel_loop3A_598 = tpu.vector_load %arg12[%parallel_loop3A_595, %parallel_loop3A_596, %parallel_loop3A_597] {strides = array<i32>} : memref<4x16x768xf32, #tpu.memory_space<vmem>>, vector<1x1x16xf32>,
        %parallel_loop3A_599 = vector.shape_cast %parallel_loop3A_598 : vector<1x1x16xf32> to vector<16xf32>
        %parallel_loop3A_600 = vector.shape_cast %parallel_loop3A_497 : vector<16xf32> to vector<1x1x16xf32>
        tpu.vector_store %arg12[%parallel_loop3A_595, %parallel_loop3A_596, %parallel_loop3A_597], %parallel_loop3A_600 {add = true, strides = array<i32>} : memref<4x16x768xf32, #tpu.memory_space<vmem>>, vector<1x1x16xf32>,
        %parallel_loop3A_601 = arith.constant 1 : i32
        %parallel_loop3A_602 = arith.index_cast %parallel_loop3A_601 : i32 to index
        %parallel_loop3A_603 = arith.index_cast %parallel_loop3A_455 : i32 to index
        %parallel_loop3A_604 = arith.constant 112 : index
        %parallel_loop3A_605 = tpu.vector_load %arg12[%parallel_loop3A_602, %parallel_loop3A_603, %parallel_loop3A_604] {strides = array<i32>} : memref<4x16x768xf32, #tpu.memory_space<vmem>>, vector<1x1x16xf32>,
        %parallel_loop3A_606 = vector.shape_cast %parallel_loop3A_605 : vector<1x1x16xf32> to vector<16xf32>
        %parallel_loop3A_607 = vector.shape_cast %parallel_loop3A_503 : vector<16xf32> to vector<1x1x16xf32>
        tpu.vector_store %arg12[%parallel_loop3A_602, %parallel_loop3A_603, %parallel_loop3A_604], %parallel_loop3A_607 {add = true, strides = array<i32>} : memref<4x16x768xf32, #tpu.memory_space<vmem>>, vector<1x1x16xf32>,
        %parallel_loop3A_608 = arith.constant 1 : i32
        %parallel_loop3A_609 = arith.index_cast %parallel_loop3A_608 : i32 to index
        %parallel_loop3A_610 = arith.index_cast %parallel_loop3A_455 : i32 to index
        %parallel_loop3A_611 = arith.constant 384 : index
        %parallel_loop3A_612 = tpu.vector_load %arg12[%parallel_loop3A_609, %parallel_loop3A_610, %parallel_loop3A_611] {strides = array<i32>} : memref<4x16x768xf32, #tpu.memory_space<vmem>>, vector<1x1x16xf32>,
        %parallel_loop3A_613 = vector.shape_cast %parallel_loop3A_612 : vector<1x1x16xf32> to vector<16xf32>
        %parallel_loop3A_614 = vector.shape_cast %parallel_loop3A_509 : vector<16xf32> to vector<1x1x16xf32>
        tpu.vector_store %arg12[%parallel_loop3A_609, %parallel_loop3A_610, %parallel_loop3A_611], %parallel_loop3A_614 {add = true, strides = array<i32>} : memref<4x16x768xf32, #tpu.memory_space<vmem>>, vector<1x1x16xf32>,
        %parallel_loop3A_615 = arith.constant 1 : i32
        %parallel_loop3A_616 = arith.index_cast %parallel_loop3A_615 : i32 to index
        %parallel_loop3A_617 = arith.index_cast %parallel_loop3A_455 : i32 to index
        %parallel_loop3A_618 = arith.constant 400 : index
        %parallel_loop3A_619 = tpu.vector_load %arg12[%parallel_loop3A_616, %parallel_loop3A_617, %parallel_loop3A_618] {strides = array<i32>} : memref<4x16x768xf32, #tpu.memory_space<vmem>>, vector<1x1x16xf32>,
        %parallel_loop3A_620 = vector.shape_cast %parallel_loop3A_619 : vector<1x1x16xf32> to vector<16xf32>
        %parallel_loop3A_621 = vector.shape_cast %parallel_loop3A_515 : vector<16xf32> to vector<1x1x16xf32>
        tpu.vector_store %arg12[%parallel_loop3A_616, %parallel_loop3A_617, %parallel_loop3A_618], %parallel_loop3A_621 {add = true, strides = array<i32>} : memref<4x16x768xf32, #tpu.memory_space<vmem>>, vector<1x1x16xf32>,
        %parallel_loop3A_622 = arith.constant 1 : i32
        %parallel_loop3A_623 = arith.index_cast %parallel_loop3A_622 : i32 to index
        %parallel_loop3A_624 = arith.index_cast %parallel_loop3A_455 : i32 to index
        %parallel_loop3A_625 = arith.constant 416 : index
        %parallel_loop3A_626 = tpu.vector_load %arg12[%parallel_loop3A_623, %parallel_loop3A_624, %parallel_loop3A_625] {strides = array<i32>} : memref<4x16x768xf32, #tpu.memory_space<vmem>>, vector<1x1x16xf32>,
        %parallel_loop3A_627 = vector.shape_cast %parallel_loop3A_626 : vector<1x1x16xf32> to vector<16xf32>
        %parallel_loop3A_628 = vector.shape_cast %parallel_loop3A_521 : vector<16xf32> to vector<1x1x16xf32>
        tpu.vector_store %arg12[%parallel_loop3A_623, %parallel_loop3A_624, %parallel_loop3A_625], %parallel_loop3A_628 {add = true, strides = array<i32>} : memref<4x16x768xf32, #tpu.memory_space<vmem>>, vector<1x1x16xf32>,
        %parallel_loop3A_629 = arith.constant 1 : i32
        %parallel_loop3A_630 = arith.index_cast %parallel_loop3A_629 : i32 to index
        %parallel_loop3A_631 = arith.index_cast %parallel_loop3A_455 : i32 to index
        %parallel_loop3A_632 = arith.constant 432 : index
        %parallel_loop3A_633 = tpu.vector_load %arg12[%parallel_loop3A_630, %parallel_loop3A_631, %parallel_loop3A_632] {strides = array<i32>} : memref<4x16x768xf32, #tpu.memory_space<vmem>>, vector<1x1x16xf32>,
        %parallel_loop3A_634 = vector.shape_cast %parallel_loop3A_633 : vector<1x1x16xf32> to vector<16xf32>
        %parallel_loop3A_635 = vector.shape_cast %parallel_loop3A_527 : vector<16xf32> to vector<1x1x16xf32>
        tpu.vector_store %arg12[%parallel_loop3A_630, %parallel_loop3A_631, %parallel_loop3A_632], %parallel_loop3A_635 {add = true, strides = array<i32>} : memref<4x16x768xf32, #tpu.memory_space<vmem>>, vector<1x1x16xf32>,
        %parallel_loop3A_636 = arith.constant 1 : i32
        %parallel_loop3A_637 = arith.index_cast %parallel_loop3A_636 : i32 to index
        %parallel_loop3A_638 = arith.index_cast %parallel_loop3A_455 : i32 to index
        %parallel_loop3A_639 = arith.constant 448 : index
        %parallel_loop3A_640 = tpu.vector_load %arg12[%parallel_loop3A_637, %parallel_loop3A_638, %parallel_loop3A_639] {strides = array<i32>} : memref<4x16x768xf32, #tpu.memory_space<vmem>>, vector<1x1x16xf32>,
        %parallel_loop3A_641 = vector.shape_cast %parallel_loop3A_640 : vector<1x1x16xf32> to vector<16xf32>
        %parallel_loop3A_642 = vector.shape_cast %parallel_loop3A_533 : vector<16xf32> to vector<1x1x16xf32>
        tpu.vector_store %arg12[%parallel_loop3A_637, %parallel_loop3A_638, %parallel_loop3A_639], %parallel_loop3A_642 {add = true, strides = array<i32>} : memref<4x16x768xf32, #tpu.memory_space<vmem>>, vector<1x1x16xf32>,
        %parallel_loop3A_643 = arith.constant 1 : i32
        %parallel_loop3A_644 = arith.index_cast %parallel_loop3A_643 : i32 to index
        %parallel_loop3A_645 = arith.index_cast %parallel_loop3A_455 : i32 to index
        %parallel_loop3A_646 = arith.constant 464 : index
        %parallel_loop3A_647 = tpu.vector_load %arg12[%parallel_loop3A_644, %parallel_loop3A_645, %parallel_loop3A_646] {strides = array<i32>} : memref<4x16x768xf32, #tpu.memory_space<vmem>>, vector<1x1x16xf32>,
        %parallel_loop3A_648 = vector.shape_cast %parallel_loop3A_647 : vector<1x1x16xf32> to vector<16xf32>
        %parallel_loop3A_649 = vector.shape_cast %parallel_loop3A_539 : vector<16xf32> to vector<1x1x16xf32>
        tpu.vector_store %arg12[%parallel_loop3A_644, %parallel_loop3A_645, %parallel_loop3A_646], %parallel_loop3A_649 {add = true, strides = array<i32>} : memref<4x16x768xf32, #tpu.memory_space<vmem>>, vector<1x1x16xf32>,
        %parallel_loop3A_650 = arith.constant 1 : i32
        %parallel_loop3A_651 = arith.index_cast %parallel_loop3A_650 : i32 to index
        %parallel_loop3A_652 = arith.index_cast %parallel_loop3A_455 : i32 to index
        %parallel_loop3A_653 = arith.constant 480 : index
        %parallel_loop3A_654 = tpu.vector_load %arg12[%parallel_loop3A_651, %parallel_loop3A_652, %parallel_loop3A_653] {strides = array<i32>} : memref<4x16x768xf32, #tpu.memory_space<vmem>>, vector<1x1x16xf32>,
        %parallel_loop3A_655 = vector.shape_cast %parallel_loop3A_654 : vector<1x1x16xf32> to vector<16xf32>
        %parallel_loop3A_656 = vector.shape_cast %parallel_loop3A_545 : vector<16xf32> to vector<1x1x16xf32>
        tpu.vector_store %arg12[%parallel_loop3A_651, %parallel_loop3A_652, %parallel_loop3A_653], %parallel_loop3A_656 {add = true, strides = array<i32>} : memref<4x16x768xf32, #tpu.memory_space<vmem>>, vector<1x1x16xf32>,
        %parallel_loop3A_657 = arith.constant 1 : i32
        %parallel_loop3A_658 = arith.index_cast %parallel_loop3A_657 : i32 to index
        %parallel_loop3A_659 = arith.index_cast %parallel_loop3A_455 : i32 to index
        %parallel_loop3A_660 = arith.constant 496 : index
        %parallel_loop3A_661 = tpu.vector_load %arg12[%parallel_loop3A_658, %parallel_loop3A_659, %parallel_loop3A_660] {strides = array<i32>} : memref<4x16x768xf32, #tpu.memory_space<vmem>>, vector<1x1x16xf32>,
        %parallel_loop3A_662 = vector.shape_cast %parallel_loop3A_661 : vector<1x1x16xf32> to vector<16xf32>
        %parallel_loop3A_663 = vector.shape_cast %parallel_loop3A_551 : vector<16xf32> to vector<1x1x16xf32>
        tpu.vector_store %arg12[%parallel_loop3A_658, %parallel_loop3A_659, %parallel_loop3A_660], %parallel_loop3A_663 {add = true, strides = array<i32>} : memref<4x16x768xf32, #tpu.memory_space<vmem>>, vector<1x1x16xf32>,
        %parallel_loop3A_664 = arith.constant 1 : i32
        %parallel_loop3A_665 = arith.index_cast %parallel_loop3A_664 : i32 to index
        %parallel_loop3A_666 = arith.index_cast %parallel_loop3A_455 : i32 to index
        %parallel_loop3A_667 = arith.constant 128 : index
        %parallel_loop3A_668 = tpu.vector_load %arg10[%parallel_loop3A_665, %parallel_loop3A_666, %parallel_loop3A_667] {strides = array<i32>} : memref<4x16x384xf32, #tpu.memory_space<vmem>>, vector<1x1x16xf32>,
        %parallel_loop3A_669 = vector.shape_cast %parallel_loop3A_668 : vector<1x1x16xf32> to vector<16xf32>
        %parallel_loop3A_670 = arith.constant 1 : i32
        %parallel_loop3A_671 = arith.index_cast %parallel_loop3A_670 : i32 to index
        %parallel_loop3A_672 = arith.index_cast %parallel_loop3A_455 : i32 to index
        %parallel_loop3A_673 = arith.constant 144 : index
        %parallel_loop3A_674 = tpu.vector_load %arg10[%parallel_loop3A_671, %parallel_loop3A_672, %parallel_loop3A_673] {strides = array<i32>} : memref<4x16x384xf32, #tpu.memory_space<vmem>>, vector<1x1x16xf32>,
        %parallel_loop3A_675 = vector.shape_cast %parallel_loop3A_674 : vector<1x1x16xf32> to vector<16xf32>
        %parallel_loop3A_676 = arith.constant 1 : i32
        %parallel_loop3A_677 = arith.index_cast %parallel_loop3A_676 : i32 to index
        %parallel_loop3A_678 = arith.index_cast %parallel_loop3A_455 : i32 to index
        %parallel_loop3A_679 = arith.constant 160 : index
        %parallel_loop3A_680 = tpu.vector_load %arg10[%parallel_loop3A_677, %parallel_loop3A_678, %parallel_loop3A_679] {strides = array<i32>} : memref<4x16x384xf32, #tpu.memory_space<vmem>>, vector<1x1x16xf32>,
        %parallel_loop3A_681 = vector.shape_cast %parallel_loop3A_680 : vector<1x1x16xf32> to vector<16xf32>
        %parallel_loop3A_682 = arith.constant 1 : i32
        %parallel_loop3A_683 = arith.index_cast %parallel_loop3A_682 : i32 to index
        %parallel_loop3A_684 = arith.index_cast %parallel_loop3A_455 : i32 to index
        %parallel_loop3A_685 = arith.constant 176 : index
        %parallel_loop3A_686 = tpu.vector_load %arg10[%parallel_loop3A_683, %parallel_loop3A_684, %parallel_loop3A_685] {strides = array<i32>} : memref<4x16x384xf32, #tpu.memory_space<vmem>>, vector<1x1x16xf32>,
        %parallel_loop3A_687 = vector.shape_cast %parallel_loop3A_686 : vector<1x1x16xf32> to vector<16xf32>
        %parallel_loop3A_688 = arith.constant 1 : i32
        %parallel_loop3A_689 = arith.index_cast %parallel_loop3A_688 : i32 to index
        %parallel_loop3A_690 = arith.index_cast %parallel_loop3A_455 : i32 to index
        %parallel_loop3A_691 = arith.constant 192 : index
        %parallel_loop3A_692 = tpu.vector_load %arg10[%parallel_loop3A_689, %parallel_loop3A_690, %parallel_loop3A_691] {strides = array<i32>} : memref<4x16x384xf32, #tpu.memory_space<vmem>>, vector<1x1x16xf32>,
        %parallel_loop3A_693 = vector.shape_cast %parallel_loop3A_692 : vector<1x1x16xf32> to vector<16xf32>
        %parallel_loop3A_694 = arith.constant 1 : i32
        %parallel_loop3A_695 = arith.index_cast %parallel_loop3A_694 : i32 to index
        %parallel_loop3A_696 = arith.index_cast %parallel_loop3A_455 : i32 to index
        %parallel_loop3A_697 = arith.constant 208 : index
        %parallel_loop3A_698 = tpu.vector_load %arg10[%parallel_loop3A_695, %parallel_loop3A_696, %parallel_loop3A_697] {strides = array<i32>} : memref<4x16x384xf32, #tpu.memory_space<vmem>>, vector<1x1x16xf32>,
        %parallel_loop3A_699 = vector.shape_cast %parallel_loop3A_698 : vector<1x1x16xf32> to vector<16xf32>
        %parallel_loop3A_700 = arith.constant 1 : i32
        %parallel_loop3A_701 = arith.index_cast %parallel_loop3A_700 : i32 to index
        %parallel_loop3A_702 = arith.index_cast %parallel_loop3A_455 : i32 to index
        %parallel_loop3A_703 = arith.constant 224 : index
        %parallel_loop3A_704 = tpu.vector_load %arg10[%parallel_loop3A_701, %parallel_loop3A_702, %parallel_loop3A_703] {strides = array<i32>} : memref<4x16x384xf32, #tpu.memory_space<vmem>>, vector<1x1x16xf32>,
        %parallel_loop3A_705 = vector.shape_cast %parallel_loop3A_704 : vector<1x1x16xf32> to vector<16xf32>
        %parallel_loop3A_706 = arith.constant 1 : i32
        %parallel_loop3A_707 = arith.index_cast %parallel_loop3A_706 : i32 to index
        %parallel_loop3A_708 = arith.index_cast %parallel_loop3A_455 : i32 to index
        %parallel_loop3A_709 = arith.constant 240 : index
        %parallel_loop3A_710 = tpu.vector_load %arg10[%parallel_loop3A_707, %parallel_loop3A_708, %parallel_loop3A_709] {strides = array<i32>} : memref<4x16x384xf32, #tpu.memory_space<vmem>>, vector<1x1x16xf32>,
        %parallel_loop3A_711 = vector.shape_cast %parallel_loop3A_710 : vector<1x1x16xf32> to vector<16xf32>
        %parallel_loop3A_712 = arith.constant 1 : i32
        %parallel_loop3A_713 = arith.index_cast %parallel_loop3A_712 : i32 to index
        %parallel_loop3A_714 = arith.index_cast %parallel_loop3A_455 : i32 to index
        %parallel_loop3A_715 = arith.constant 128 : index
        %parallel_loop3A_716 = tpu.vector_load %arg11[%parallel_loop3A_713, %parallel_loop3A_714, %parallel_loop3A_715] {strides = array<i32>} : memref<4x16x384xf32, #tpu.memory_space<vmem>>, vector<1x1x16xf32>,
        %parallel_loop3A_717 = vector.shape_cast %parallel_loop3A_716 : vector<1x1x16xf32> to vector<16xf32>
        %parallel_loop3A_718 = arith.constant 1 : i32
        %parallel_loop3A_719 = arith.index_cast %parallel_loop3A_718 : i32 to index
        %parallel_loop3A_720 = arith.index_cast %parallel_loop3A_455 : i32 to index
        %parallel_loop3A_721 = arith.constant 144 : index
        %parallel_loop3A_722 = tpu.vector_load %arg11[%parallel_loop3A_719, %parallel_loop3A_720, %parallel_loop3A_721] {strides = array<i32>} : memref<4x16x384xf32, #tpu.memory_space<vmem>>, vector<1x1x16xf32>,
        %parallel_loop3A_723 = vector.shape_cast %parallel_loop3A_722 : vector<1x1x16xf32> to vector<16xf32>
        %parallel_loop3A_724 = arith.constant 1 : i32
        %parallel_loop3A_725 = arith.index_cast %parallel_loop3A_724 : i32 to index
        %parallel_loop3A_726 = arith.index_cast %parallel_loop3A_455 : i32 to index
        %parallel_loop3A_727 = arith.constant 160 : index
        %parallel_loop3A_728 = tpu.vector_load %arg11[%parallel_loop3A_725, %parallel_loop3A_726, %parallel_loop3A_727] {strides = array<i32>} : memref<4x16x384xf32, #tpu.memory_space<vmem>>, vector<1x1x16xf32>,
        %parallel_loop3A_729 = vector.shape_cast %parallel_loop3A_728 : vector<1x1x16xf32> to vector<16xf32>
        %parallel_loop3A_730 = arith.constant 1 : i32
        %parallel_loop3A_731 = arith.index_cast %parallel_loop3A_730 : i32 to index
        %parallel_loop3A_732 = arith.index_cast %parallel_loop3A_455 : i32 to index
        %parallel_loop3A_733 = arith.constant 176 : index
        %parallel_loop3A_734 = tpu.vector_load %arg11[%parallel_loop3A_731, %parallel_loop3A_732, %parallel_loop3A_733] {strides = array<i32>} : memref<4x16x384xf32, #tpu.memory_space<vmem>>, vector<1x1x16xf32>,
        %parallel_loop3A_735 = vector.shape_cast %parallel_loop3A_734 : vector<1x1x16xf32> to vector<16xf32>
        %parallel_loop3A_736 = arith.constant 1 : i32
        %parallel_loop3A_737 = arith.index_cast %parallel_loop3A_736 : i32 to index
        %parallel_loop3A_738 = arith.index_cast %parallel_loop3A_455 : i32 to index
        %parallel_loop3A_739 = arith.constant 192 : index
        %parallel_loop3A_740 = tpu.vector_load %arg11[%parallel_loop3A_737, %parallel_loop3A_738, %parallel_loop3A_739] {strides = array<i32>} : memref<4x16x384xf32, #tpu.memory_space<vmem>>, vector<1x1x16xf32>,
        %parallel_loop3A_741 = vector.shape_cast %parallel_loop3A_740 : vector<1x1x16xf32> to vector<16xf32>
        %parallel_loop3A_742 = arith.constant 1 : i32
        %parallel_loop3A_743 = arith.index_cast %parallel_loop3A_742 : i32 to index
        %parallel_loop3A_744 = arith.index_cast %parallel_loop3A_455 : i32 to index
        %parallel_loop3A_745 = arith.constant 208 : index
        %parallel_loop3A_746 = tpu.vector_load %arg11[%parallel_loop3A_743, %parallel_loop3A_744, %parallel_loop3A_745] {strides = array<i32>} : memref<4x16x384xf32, #tpu.memory_space<vmem>>, vector<1x1x16xf32>,
        %parallel_loop3A_747 = vector.shape_cast %parallel_loop3A_746 : vector<1x1x16xf32> to vector<16xf32>
        %parallel_loop3A_748 = arith.constant 1 : i32
        %parallel_loop3A_749 = arith.index_cast %parallel_loop3A_748 : i32 to index
        %parallel_loop3A_750 = arith.index_cast %parallel_loop3A_455 : i32 to index
        %parallel_loop3A_751 = arith.constant 224 : index
        %parallel_loop3A_752 = tpu.vector_load %arg11[%parallel_loop3A_749, %parallel_loop3A_750, %parallel_loop3A_751] {strides = array<i32>} : memref<4x16x384xf32, #tpu.memory_space<vmem>>, vector<1x1x16xf32>,
        %parallel_loop3A_753 = vector.shape_cast %parallel_loop3A_752 : vector<1x1x16xf32> to vector<16xf32>
        %parallel_loop3A_754 = arith.constant 1 : i32
        %parallel_loop3A_755 = arith.index_cast %parallel_loop3A_754 : i32 to index
        %parallel_loop3A_756 = arith.index_cast %parallel_loop3A_455 : i32 to index
        %parallel_loop3A_757 = arith.constant 240 : index
        %parallel_loop3A_758 = tpu.vector_load %arg11[%parallel_loop3A_755, %parallel_loop3A_756, %parallel_loop3A_757] {strides = array<i32>} : memref<4x16x384xf32, #tpu.memory_space<vmem>>, vector<1x1x16xf32>,
        %parallel_loop3A_759 = vector.shape_cast %parallel_loop3A_758 : vector<1x1x16xf32> to vector<16xf32>
        %parallel_loop3A_760 = arith.constant 1 : i32
        %parallel_loop3A_761 = arith.index_cast %parallel_loop3A_760 : i32 to index
        %parallel_loop3A_762 = arith.index_cast %parallel_loop3A_455 : i32 to index
        %parallel_loop3A_763 = arith.constant 128 : index
        %parallel_loop3A_764 = tpu.vector_load %arg12[%parallel_loop3A_761, %parallel_loop3A_762, %parallel_loop3A_763] {strides = array<i32>} : memref<4x16x768xf32, #tpu.memory_space<vmem>>, vector<1x1x16xf32>,
        %parallel_loop3A_765 = vector.shape_cast %parallel_loop3A_764 : vector<1x1x16xf32> to vector<16xf32>
        %parallel_loop3A_766 = vector.shape_cast %parallel_loop3A_669 : vector<16xf32> to vector<1x1x16xf32>
        tpu.vector_store %arg12[%parallel_loop3A_761, %parallel_loop3A_762, %parallel_loop3A_763], %parallel_loop3A_766 {add = true, strides = array<i32>} : memref<4x16x768xf32, #tpu.memory_space<vmem>>, vector<1x1x16xf32>,
        %parallel_loop3A_767 = arith.constant 1 : i32
        %parallel_loop3A_768 = arith.index_cast %parallel_loop3A_767 : i32 to index
        %parallel_loop3A_769 = arith.index_cast %parallel_loop3A_455 : i32 to index
        %parallel_loop3A_770 = arith.constant 144 : index
        %parallel_loop3A_771 = tpu.vector_load %arg12[%parallel_loop3A_768, %parallel_loop3A_769, %parallel_loop3A_770] {strides = array<i32>} : memref<4x16x768xf32, #tpu.memory_space<vmem>>, vector<1x1x16xf32>,
        %parallel_loop3A_772 = vector.shape_cast %parallel_loop3A_771 : vector<1x1x16xf32> to vector<16xf32>
        %parallel_loop3A_773 = vector.shape_cast %parallel_loop3A_675 : vector<16xf32> to vector<1x1x16xf32>
        tpu.vector_store %arg12[%parallel_loop3A_768, %parallel_loop3A_769, %parallel_loop3A_770], %parallel_loop3A_773 {add = true, strides = array<i32>} : memref<4x16x768xf32, #tpu.memory_space<vmem>>, vector<1x1x16xf32>,
        %parallel_loop3A_774 = arith.constant 1 : i32
        %parallel_loop3A_775 = arith.index_cast %parallel_loop3A_774 : i32 to index
        %parallel_loop3A_776 = arith.index_cast %parallel_loop3A_455 : i32 to index
        %parallel_loop3A_777 = arith.constant 160 : index
        %parallel_loop3A_778 = tpu.vector_load %arg12[%parallel_loop3A_775, %parallel_loop3A_776, %parallel_loop3A_777] {strides = array<i32>} : memref<4x16x768xf32, #tpu.memory_space<vmem>>, vector<1x1x16xf32>,
        %parallel_loop3A_779 = vector.shape_cast %parallel_loop3A_778 : vector<1x1x16xf32> to vector<16xf32>
        %parallel_loop3A_780 = vector.shape_cast %parallel_loop3A_681 : vector<16xf32> to vector<1x1x16xf32>
        tpu.vector_store %arg12[%parallel_loop3A_775, %parallel_loop3A_776, %parallel_loop3A_777], %parallel_loop3A_780 {add = true, strides = array<i32>} : memref<4x16x768xf32, #tpu.memory_space<vmem>>, vector<1x1x16xf32>,
        %parallel_loop3A_781 = arith.constant 1 : i32
        %parallel_loop3A_782 = arith.index_cast %parallel_loop3A_781 : i32 to index
        %parallel_loop3A_783 = arith.index_cast %parallel_loop3A_455 : i32 to index
        %parallel_loop3A_784 = arith.constant 176 : index
        %parallel_loop3A_785 = tpu.vector_load %arg12[%parallel_loop3A_782, %parallel_loop3A_783, %parallel_loop3A_784] {strides = array<i32>} : memref<4x16x768xf32, #tpu.memory_space<vmem>>, vector<1x1x16xf32>,
        %parallel_loop3A_786 = vector.shape_cast %parallel_loop3A_785 : vector<1x1x16xf32> to vector<16xf32>
        %parallel_loop3A_787 = vector.shape_cast %parallel_loop3A_687 : vector<16xf32> to vector<1x1x16xf32>
        tpu.vector_store %arg12[%parallel_loop3A_782, %parallel_loop3A_783, %parallel_loop3A_784], %parallel_loop3A_787 {add = true, strides = array<i32>} : memref<4x16x768xf32, #tpu.memory_space<vmem>>, vector<1x1x16xf32>,
        %parallel_loop3A_788 = arith.constant 1 : i32
        %parallel_loop3A_789 = arith.index_cast %parallel_loop3A_788 : i32 to index
        %parallel_loop3A_790 = arith.index_cast %parallel_loop3A_455 : i32 to index
        %parallel_loop3A_791 = arith.constant 192 : index
        %parallel_loop3A_792 = tpu.vector_load %arg12[%parallel_loop3A_789, %parallel_loop3A_790, %parallel_loop3A_791] {strides = array<i32>} : memref<4x16x768xf32, #tpu.memory_space<vmem>>, vector<1x1x16xf32>,
        %parallel_loop3A_793 = vector.shape_cast %parallel_loop3A_792 : vector<1x1x16xf32> to vector<16xf32>
        %parallel_loop3A_794 = vector.shape_cast %parallel_loop3A_693 : vector<16xf32> to vector<1x1x16xf32>
        tpu.vector_store %arg12[%parallel_loop3A_789, %parallel_loop3A_790, %parallel_loop3A_791], %parallel_loop3A_794 {add = true, strides = array<i32>} : memref<4x16x768xf32, #tpu.memory_space<vmem>>, vector<1x1x16xf32>,
        %parallel_loop3A_795 = arith.constant 1 : i32
        %parallel_loop3A_796 = arith.index_cast %parallel_loop3A_795 : i32 to index
        %parallel_loop3A_797 = arith.index_cast %parallel_loop3A_455 : i32 to index
        %parallel_loop3A_798 = arith.constant 208 : index
        %parallel_loop3A_799 = tpu.vector_load %arg12[%parallel_loop3A_796, %parallel_loop3A_797, %parallel_loop3A_798] {strides = array<i32>} : memref<4x16x768xf32, #tpu.memory_space<vmem>>, vector<1x1x16xf32>,
        %parallel_loop3A_800 = vector.shape_cast %parallel_loop3A_799 : vector<1x1x16xf32> to vector<16xf32>
        %parallel_loop3A_801 = vector.shape_cast %parallel_loop3A_699 : vector<16xf32> to vector<1x1x16xf32>
        tpu.vector_store %arg12[%parallel_loop3A_796, %parallel_loop3A_797, %parallel_loop3A_798], %parallel_loop3A_801 {add = true, strides = array<i32>} : memref<4x16x768xf32, #tpu.memory_space<vmem>>, vector<1x1x16xf32>,
        %parallel_loop3A_802 = arith.constant 1 : i32
        %parallel_loop3A_803 = arith.index_cast %parallel_loop3A_802 : i32 to index
        %parallel_loop3A_804 = arith.index_cast %parallel_loop3A_455 : i32 to index
        %parallel_loop3A_805 = arith.constant 224 : index
        %parallel_loop3A_806 = tpu.vector_load %arg12[%parallel_loop3A_803, %parallel_loop3A_804, %parallel_loop3A_805] {strides = array<i32>} : memref<4x16x768xf32, #tpu.memory_space<vmem>>, vector<1x1x16xf32>,
        %parallel_loop3A_807 = vector.shape_cast %parallel_loop3A_806 : vector<1x1x16xf32> to vector<16xf32>
        %parallel_loop3A_808 = vector.shape_cast %parallel_loop3A_705 : vector<16xf32> to vector<1x1x16xf32>
        tpu.vector_store %arg12[%parallel_loop3A_803, %parallel_loop3A_804, %parallel_loop3A_805], %parallel_loop3A_808 {add = true, strides = array<i32>} : memref<4x16x768xf32, #tpu.memory_space<vmem>>, vector<1x1x16xf32>,
        %parallel_loop3A_809 = arith.constant 1 : i32
        %parallel_loop3A_810 = arith.index_cast %parallel_loop3A_809 : i32 to index
        %parallel_loop3A_811 = arith.index_cast %parallel_loop3A_455 : i32 to index
        %parallel_loop3A_812 = arith.constant 240 : index
        %parallel_loop3A_813 = tpu.vector_load %arg12[%parallel_loop3A_810, %parallel_loop3A_811, %parallel_loop3A_812] {strides = array<i32>} : memref<4x16x768xf32, #tpu.memory_space<vmem>>, vector<1x1x16xf32>,
        %parallel_loop3A_814 = vector.shape_cast %parallel_loop3A_813 : vector<1x1x16xf32> to vector<16xf32>
        %parallel_loop3A_815 = vector.shape_cast %parallel_loop3A_711 : vector<16xf32> to vector<1x1x16xf32>
        tpu.vector_store %arg12[%parallel_loop3A_810, %parallel_loop3A_811, %parallel_loop3A_812], %parallel_loop3A_815 {add = true, strides = array<i32>} : memref<4x16x768xf32, #tpu.memory_space<vmem>>, vector<1x1x16xf32>,
        %parallel_loop3A_816 = arith.constant 1 : i32
        %parallel_loop3A_817 = arith.index_cast %parallel_loop3A_816 : i32 to index
        %parallel_loop3A_818 = arith.index_cast %parallel_loop3A_455 : i32 to index
        %parallel_loop3A_819 = arith.constant 512 : index
        %parallel_loop3A_820 = tpu.vector_load %arg12[%parallel_loop3A_817, %parallel_loop3A_818, %parallel_loop3A_819] {strides = array<i32>} : memref<4x16x768xf32, #tpu.memory_space<vmem>>, vector<1x1x16xf32>,
        %parallel_loop3A_821 = vector.shape_cast %parallel_loop3A_820 : vector<1x1x16xf32> to vector<16xf32>
        %parallel_loop3A_822 = vector.shape_cast %parallel_loop3A_717 : vector<16xf32> to vector<1x1x16xf32>
        tpu.vector_store %arg12[%parallel_loop3A_817, %parallel_loop3A_818, %parallel_loop3A_819], %parallel_loop3A_822 {add = true, strides = array<i32>} : memref<4x16x768xf32, #tpu.memory_space<vmem>>, vector<1x1x16xf32>,
        %parallel_loop3A_823 = arith.constant 1 : i32
        %parallel_loop3A_824 = arith.index_cast %parallel_loop3A_823 : i32 to index
        %parallel_loop3A_825 = arith.index_cast %parallel_loop3A_455 : i32 to index
        %parallel_loop3A_826 = arith.constant 528 : index
        %parallel_loop3A_827 = tpu.vector_load %arg12[%parallel_loop3A_824, %parallel_loop3A_825, %parallel_loop3A_826] {strides = array<i32>} : memref<4x16x768xf32, #tpu.memory_space<vmem>>, vector<1x1x16xf32>,
        %parallel_loop3A_828 = vector.shape_cast %parallel_loop3A_827 : vector<1x1x16xf32> to vector<16xf32>
        %parallel_loop3A_829 = vector.shape_cast %parallel_loop3A_723 : vector<16xf32> to vector<1x1x16xf32>
        tpu.vector_store %arg12[%parallel_loop3A_824, %parallel_loop3A_825, %parallel_loop3A_826], %parallel_loop3A_829 {add = true, strides = array<i32>} : memref<4x16x768xf32, #tpu.memory_space<vmem>>, vector<1x1x16xf32>,
        %parallel_loop3A_830 = arith.constant 1 : i32
        %parallel_loop3A_831 = arith.index_cast %parallel_loop3A_830 : i32 to index
        %parallel_loop3A_832 = arith.index_cast %parallel_loop3A_455 : i32 to index
        %parallel_loop3A_833 = arith.constant 544 : index
        %parallel_loop3A_834 = tpu.vector_load %arg12[%parallel_loop3A_831, %parallel_loop3A_832, %parallel_loop3A_833] {strides = array<i32>} : memref<4x16x768xf32, #tpu.memory_space<vmem>>, vector<1x1x16xf32>,
        %parallel_loop3A_835 = vector.shape_cast %parallel_loop3A_834 : vector<1x1x16xf32> to vector<16xf32>
        %parallel_loop3A_836 = vector.shape_cast %parallel_loop3A_729 : vector<16xf32> to vector<1x1x16xf32>
        tpu.vector_store %arg12[%parallel_loop3A_831, %parallel_loop3A_832, %parallel_loop3A_833], %parallel_loop3A_836 {add = true, strides = array<i32>} : memref<4x16x768xf32, #tpu.memory_space<vmem>>, vector<1x1x16xf32>,
        %parallel_loop3A_837 = arith.constant 1 : i32
        %parallel_loop3A_838 = arith.index_cast %parallel_loop3A_837 : i32 to index
        %parallel_loop3A_839 = arith.index_cast %parallel_loop3A_455 : i32 to index
        %parallel_loop3A_840 = arith.constant 560 : index
        %parallel_loop3A_841 = tpu.vector_load %arg12[%parallel_loop3A_838, %parallel_loop3A_839, %parallel_loop3A_840] {strides = array<i32>} : memref<4x16x768xf32, #tpu.memory_space<vmem>>, vector<1x1x16xf32>,
        %parallel_loop3A_842 = vector.shape_cast %parallel_loop3A_841 : vector<1x1x16xf32> to vector<16xf32>
        %parallel_loop3A_843 = vector.shape_cast %parallel_loop3A_735 : vector<16xf32> to vector<1x1x16xf32>
        tpu.vector_store %arg12[%parallel_loop3A_838, %parallel_loop3A_839, %parallel_loop3A_840], %parallel_loop3A_843 {add = true, strides = array<i32>} : memref<4x16x768xf32, #tpu.memory_space<vmem>>, vector<1x1x16xf32>,
        %parallel_loop3A_844 = arith.constant 1 : i32
        %parallel_loop3A_845 = arith.index_cast %parallel_loop3A_844 : i32 to index
        %parallel_loop3A_846 = arith.index_cast %parallel_loop3A_455 : i32 to index
        %parallel_loop3A_847 = arith.constant 576 : index
        %parallel_loop3A_848 = tpu.vector_load %arg12[%parallel_loop3A_845, %parallel_loop3A_846, %parallel_loop3A_847] {strides = array<i32>} : memref<4x16x768xf32, #tpu.memory_space<vmem>>, vector<1x1x16xf32>,
        %parallel_loop3A_849 = vector.shape_cast %parallel_loop3A_848 : vector<1x1x16xf32> to vector<16xf32>
        %parallel_loop3A_850 = vector.shape_cast %parallel_loop3A_741 : vector<16xf32> to vector<1x1x16xf32>
        tpu.vector_store %arg12[%parallel_loop3A_845, %parallel_loop3A_846, %parallel_loop3A_847], %parallel_loop3A_850 {add = true, strides = array<i32>} : memref<4x16x768xf32, #tpu.memory_space<vmem>>, vector<1x1x16xf32>,
        %parallel_loop3A_851 = arith.constant 1 : i32
        %parallel_loop3A_852 = arith.index_cast %parallel_loop3A_851 : i32 to index
        %parallel_loop3A_853 = arith.index_cast %parallel_loop3A_455 : i32 to index
        %parallel_loop3A_854 = arith.constant 592 : index
        %parallel_loop3A_855 = tpu.vector_load %arg12[%parallel_loop3A_852, %parallel_loop3A_853, %parallel_loop3A_854] {strides = array<i32>} : memref<4x16x768xf32, #tpu.memory_space<vmem>>, vector<1x1x16xf32>,
        %parallel_loop3A_856 = vector.shape_cast %parallel_loop3A_855 : vector<1x1x16xf32> to vector<16xf32>
        %parallel_loop3A_857 = vector.shape_cast %parallel_loop3A_747 : vector<16xf32> to vector<1x1x16xf32>
        tpu.vector_store %arg12[%parallel_loop3A_852, %parallel_loop3A_853, %parallel_loop3A_854], %parallel_loop3A_857 {add = true, strides = array<i32>} : memref<4x16x768xf32, #tpu.memory_space<vmem>>, vector<1x1x16xf32>,
        %parallel_loop3A_858 = arith.constant 1 : i32
        %parallel_loop3A_859 = arith.index_cast %parallel_loop3A_858 : i32 to index
        %parallel_loop3A_860 = arith.index_cast %parallel_loop3A_455 : i32 to index
        %parallel_loop3A_861 = arith.constant 608 : index
        %parallel_loop3A_862 = tpu.vector_load %arg12[%parallel_loop3A_859, %parallel_loop3A_860, %parallel_loop3A_861] {strides = array<i32>} : memref<4x16x768xf32, #tpu.memory_space<vmem>>, vector<1x1x16xf32>,
        %parallel_loop3A_863 = vector.shape_cast %parallel_loop3A_862 : vector<1x1x16xf32> to vector<16xf32>
        %parallel_loop3A_864 = vector.shape_cast %parallel_loop3A_753 : vector<16xf32> to vector<1x1x16xf32>
        tpu.vector_store %arg12[%parallel_loop3A_859, %parallel_loop3A_860, %parallel_loop3A_861], %parallel_loop3A_864 {add = true, strides = array<i32>} : memref<4x16x768xf32, #tpu.memory_space<vmem>>, vector<1x1x16xf32>,
        %parallel_loop3A_865 = arith.constant 1 : i32
        %parallel_loop3A_866 = arith.index_cast %parallel_loop3A_865 : i32 to index
        %parallel_loop3A_867 = arith.index_cast %parallel_loop3A_455 : i32 to index
        %parallel_loop3A_868 = arith.constant 624 : index
        %parallel_loop3A_869 = tpu.vector_load %arg12[%parallel_loop3A_866, %parallel_loop3A_867, %parallel_loop3A_868] {strides = array<i32>} : memref<4x16x768xf32, #tpu.memory_space<vmem>>, vector<1x1x16xf32>,
        %parallel_loop3A_870 = vector.shape_cast %parallel_loop3A_869 : vector<1x1x16xf32> to vector<16xf32>
        %parallel_loop3A_871 = vector.shape_cast %parallel_loop3A_759 : vector<16xf32> to vector<1x1x16xf32>
        tpu.vector_store %arg12[%parallel_loop3A_866, %parallel_loop3A_867, %parallel_loop3A_868], %parallel_loop3A_871 {add = true, strides = array<i32>} : memref<4x16x768xf32, #tpu.memory_space<vmem>>, vector<1x1x16xf32>,
        %parallel_loop3A_872 = arith.constant 1 : i32
        %parallel_loop3A_873 = arith.index_cast %parallel_loop3A_872 : i32 to index
        %parallel_loop3A_874 = arith.index_cast %parallel_loop3A_455 : i32 to index
        %parallel_loop3A_875 = arith.constant 256 : index
        %parallel_loop3A_876 = tpu.vector_load %arg10[%parallel_loop3A_873, %parallel_loop3A_874, %parallel_loop3A_875] {strides = array<i32>} : memref<4x16x384xf32, #tpu.memory_space<vmem>>, vector<1x1x16xf32>,
        %parallel_loop3A_877 = vector.shape_cast %parallel_loop3A_876 : vector<1x1x16xf32> to vector<16xf32>
        %parallel_loop3A_878 = arith.constant 1 : i32
        %parallel_loop3A_879 = arith.index_cast %parallel_loop3A_878 : i32 to index
        %parallel_loop3A_880 = arith.index_cast %parallel_loop3A_455 : i32 to index
        %parallel_loop3A_881 = arith.constant 272 : index
        %parallel_loop3A_882 = tpu.vector_load %arg10[%parallel_loop3A_879, %parallel_loop3A_880, %parallel_loop3A_881] {strides = array<i32>} : memref<4x16x384xf32, #tpu.memory_space<vmem>>, vector<1x1x16xf32>,
        %parallel_loop3A_883 = vector.shape_cast %parallel_loop3A_882 : vector<1x1x16xf32> to vector<16xf32>
        %parallel_loop3A_884 = arith.constant 1 : i32
        %parallel_loop3A_885 = arith.index_cast %parallel_loop3A_884 : i32 to index
        %parallel_loop3A_886 = arith.index_cast %parallel_loop3A_455 : i32 to index
        %parallel_loop3A_887 = arith.constant 288 : index
        %parallel_loop3A_888 = tpu.vector_load %arg10[%parallel_loop3A_885, %parallel_loop3A_886, %parallel_loop3A_887] {strides = array<i32>} : memref<4x16x384xf32, #tpu.memory_space<vmem>>, vector<1x1x16xf32>,
        %parallel_loop3A_889 = vector.shape_cast %parallel_loop3A_888 : vector<1x1x16xf32> to vector<16xf32>
        %parallel_loop3A_890 = arith.constant 1 : i32
        %parallel_loop3A_891 = arith.index_cast %parallel_loop3A_890 : i32 to index
        %parallel_loop3A_892 = arith.index_cast %parallel_loop3A_455 : i32 to index
        %parallel_loop3A_893 = arith.constant 304 : index
        %parallel_loop3A_894 = tpu.vector_load %arg10[%parallel_loop3A_891, %parallel_loop3A_892, %parallel_loop3A_893] {strides = array<i32>} : memref<4x16x384xf32, #tpu.memory_space<vmem>>, vector<1x1x16xf32>,
        %parallel_loop3A_895 = vector.shape_cast %parallel_loop3A_894 : vector<1x1x16xf32> to vector<16xf32>
        %parallel_loop3A_896 = arith.constant 1 : i32
        %parallel_loop3A_897 = arith.index_cast %parallel_loop3A_896 : i32 to index
        %parallel_loop3A_898 = arith.index_cast %parallel_loop3A_455 : i32 to index
        %parallel_loop3A_899 = arith.constant 320 : index
        %parallel_loop3A_900 = tpu.vector_load %arg10[%parallel_loop3A_897, %parallel_loop3A_898, %parallel_loop3A_899] {strides = array<i32>} : memref<4x16x384xf32, #tpu.memory_space<vmem>>, vector<1x1x16xf32>,
        %parallel_loop3A_901 = vector.shape_cast %parallel_loop3A_900 : vector<1x1x16xf32> to vector<16xf32>
        %parallel_loop3A_902 = arith.constant 1 : i32
        %parallel_loop3A_903 = arith.index_cast %parallel_loop3A_902 : i32 to index
        %parallel_loop3A_904 = arith.index_cast %parallel_loop3A_455 : i32 to index
        %parallel_loop3A_905 = arith.constant 336 : index
        %parallel_loop3A_906 = tpu.vector_load %arg10[%parallel_loop3A_903, %parallel_loop3A_904, %parallel_loop3A_905] {strides = array<i32>} : memref<4x16x384xf32, #tpu.memory_space<vmem>>, vector<1x1x16xf32>,
        %parallel_loop3A_907 = vector.shape_cast %parallel_loop3A_906 : vector<1x1x16xf32> to vector<16xf32>
        %parallel_loop3A_908 = arith.constant 1 : i32
        %parallel_loop3A_909 = arith.index_cast %parallel_loop3A_908 : i32 to index
        %parallel_loop3A_910 = arith.index_cast %parallel_loop3A_455 : i32 to index
        %parallel_loop3A_911 = arith.constant 352 : index
        %parallel_loop3A_912 = tpu.vector_load %arg10[%parallel_loop3A_909, %parallel_loop3A_910, %parallel_loop3A_911] {strides = array<i32>} : memref<4x16x384xf32, #tpu.memory_space<vmem>>, vector<1x1x16xf32>,
        %parallel_loop3A_913 = vector.shape_cast %parallel_loop3A_912 : vector<1x1x16xf32> to vector<16xf32>
        %parallel_loop3A_914 = arith.constant 1 : i32
        %parallel_loop3A_915 = arith.index_cast %parallel_loop3A_914 : i32 to index
        %parallel_loop3A_916 = arith.index_cast %parallel_loop3A_455 : i32 to index
        %parallel_loop3A_917 = arith.constant 368 : index
        %parallel_loop3A_918 = tpu.vector_load %arg10[%parallel_loop3A_915, %parallel_loop3A_916, %parallel_loop3A_917] {strides = array<i32>} : memref<4x16x384xf32, #tpu.memory_space<vmem>>, vector<1x1x16xf32>,
        %parallel_loop3A_919 = vector.shape_cast %parallel_loop3A_918 : vector<1x1x16xf32> to vector<16xf32>
        %parallel_loop3A_920 = arith.constant 1 : i32
        %parallel_loop3A_921 = arith.index_cast %parallel_loop3A_920 : i32 to index
        %parallel_loop3A_922 = arith.index_cast %parallel_loop3A_455 : i32 to index
        %parallel_loop3A_923 = arith.constant 256 : index
        %parallel_loop3A_924 = tpu.vector_load %arg11[%parallel_loop3A_921, %parallel_loop3A_922, %parallel_loop3A_923] {strides = array<i32>} : memref<4x16x384xf32, #tpu.memory_space<vmem>>, vector<1x1x16xf32>,
        %parallel_loop3A_925 = vector.shape_cast %parallel_loop3A_924 : vector<1x1x16xf32> to vector<16xf32>
        %parallel_loop3A_926 = arith.constant 1 : i32
        %parallel_loop3A_927 = arith.index_cast %parallel_loop3A_926 : i32 to index
        %parallel_loop3A_928 = arith.index_cast %parallel_loop3A_455 : i32 to index
        %parallel_loop3A_929 = arith.constant 272 : index
        %parallel_loop3A_930 = tpu.vector_load %arg11[%parallel_loop3A_927, %parallel_loop3A_928, %parallel_loop3A_929] {strides = array<i32>} : memref<4x16x384xf32, #tpu.memory_space<vmem>>, vector<1x1x16xf32>,
        %parallel_loop3A_931 = vector.shape_cast %parallel_loop3A_930 : vector<1x1x16xf32> to vector<16xf32>
        %parallel_loop3A_932 = arith.constant 1 : i32
        %parallel_loop3A_933 = arith.index_cast %parallel_loop3A_932 : i32 to index
        %parallel_loop3A_934 = arith.index_cast %parallel_loop3A_455 : i32 to index
        %parallel_loop3A_935 = arith.constant 288 : index
        %parallel_loop3A_936 = tpu.vector_load %arg11[%parallel_loop3A_933, %parallel_loop3A_934, %parallel_loop3A_935] {strides = array<i32>} : memref<4x16x384xf32, #tpu.memory_space<vmem>>, vector<1x1x16xf32>,
        %parallel_loop3A_937 = vector.shape_cast %parallel_loop3A_936 : vector<1x1x16xf32> to vector<16xf32>
        %parallel_loop3A_938 = arith.constant 1 : i32
        %parallel_loop3A_939 = arith.index_cast %parallel_loop3A_938 : i32 to index
        %parallel_loop3A_940 = arith.index_cast %parallel_loop3A_455 : i32 to index
        %parallel_loop3A_941 = arith.constant 304 : index
        %parallel_loop3A_942 = tpu.vector_load %arg11[%parallel_loop3A_939, %parallel_loop3A_940, %parallel_loop3A_941] {strides = array<i32>} : memref<4x16x384xf32, #tpu.memory_space<vmem>>, vector<1x1x16xf32>,
        %parallel_loop3A_943 = vector.shape_cast %parallel_loop3A_942 : vector<1x1x16xf32> to vector<16xf32>
        %parallel_loop3A_944 = arith.constant 1 : i32
        %parallel_loop3A_945 = arith.index_cast %parallel_loop3A_944 : i32 to index
        %parallel_loop3A_946 = arith.index_cast %parallel_loop3A_455 : i32 to index
        %parallel_loop3A_947 = arith.constant 320 : index
        %parallel_loop3A_948 = tpu.vector_load %arg11[%parallel_loop3A_945, %parallel_loop3A_946, %parallel_loop3A_947] {strides = array<i32>} : memref<4x16x384xf32, #tpu.memory_space<vmem>>, vector<1x1x16xf32>,
        %parallel_loop3A_949 = vector.shape_cast %parallel_loop3A_948 : vector<1x1x16xf32> to vector<16xf32>
        %parallel_loop3A_950 = arith.constant 1 : i32
        %parallel_loop3A_951 = arith.index_cast %parallel_loop3A_950 : i32 to index
        %parallel_loop3A_952 = arith.index_cast %parallel_loop3A_455 : i32 to index
        %parallel_loop3A_953 = arith.constant 336 : index
        %parallel_loop3A_954 = tpu.vector_load %arg11[%parallel_loop3A_951, %parallel_loop3A_952, %parallel_loop3A_953] {strides = array<i32>} : memref<4x16x384xf32, #tpu.memory_space<vmem>>, vector<1x1x16xf32>,
        %parallel_loop3A_955 = vector.shape_cast %parallel_loop3A_954 : vector<1x1x16xf32> to vector<16xf32>
        %parallel_loop3A_956 = arith.constant 1 : i32
        %parallel_loop3A_957 = arith.index_cast %parallel_loop3A_956 : i32 to index
        %parallel_loop3A_958 = arith.index_cast %parallel_loop3A_455 : i32 to index
        %parallel_loop3A_959 = arith.constant 352 : index
        %parallel_loop3A_960 = tpu.vector_load %arg11[%parallel_loop3A_957, %parallel_loop3A_958, %parallel_loop3A_959] {strides = array<i32>} : memref<4x16x384xf32, #tpu.memory_space<vmem>>, vector<1x1x16xf32>,
        %parallel_loop3A_961 = vector.shape_cast %parallel_loop3A_960 : vector<1x1x16xf32> to vector<16xf32>
        %parallel_loop3A_962 = arith.constant 1 : i32
        %parallel_loop3A_963 = arith.index_cast %parallel_loop3A_962 : i32 to index
        %parallel_loop3A_964 = arith.index_cast %parallel_loop3A_455 : i32 to index
        %parallel_loop3A_965 = arith.constant 368 : index
        %parallel_loop3A_966 = tpu.vector_load %arg11[%parallel_loop3A_963, %parallel_loop3A_964, %parallel_loop3A_965] {strides = array<i32>} : memref<4x16x384xf32, #tpu.memory_space<vmem>>, vector<1x1x16xf32>,
        %parallel_loop3A_967 = vector.shape_cast %parallel_loop3A_966 : vector<1x1x16xf32> to vector<16xf32>
        %parallel_loop3A_968 = arith.constant 1 : i32
        %parallel_loop3A_969 = arith.index_cast %parallel_loop3A_968 : i32 to index
        %parallel_loop3A_970 = arith.index_cast %parallel_loop3A_455 : i32 to index
        %parallel_loop3A_971 = arith.constant 256 : index
        %parallel_loop3A_972 = tpu.vector_load %arg12[%parallel_loop3A_969, %parallel_loop3A_970, %parallel_loop3A_971] {strides = array<i32>} : memref<4x16x768xf32, #tpu.memory_space<vmem>>, vector<1x1x16xf32>,
        %parallel_loop3A_973 = vector.shape_cast %parallel_loop3A_972 : vector<1x1x16xf32> to vector<16xf32>
        %parallel_loop3A_974 = vector.shape_cast %parallel_loop3A_877 : vector<16xf32> to vector<1x1x16xf32>
        tpu.vector_store %arg12[%parallel_loop3A_969, %parallel_loop3A_970, %parallel_loop3A_971], %parallel_loop3A_974 {add = true, strides = array<i32>} : memref<4x16x768xf32, #tpu.memory_space<vmem>>, vector<1x1x16xf32>,
        %parallel_loop3A_975 = arith.constant 1 : i32
        %parallel_loop3A_976 = arith.index_cast %parallel_loop3A_975 : i32 to index
        %parallel_loop3A_977 = arith.index_cast %parallel_loop3A_455 : i32 to index
        %parallel_loop3A_978 = arith.constant 272 : index
        %parallel_loop3A_979 = tpu.vector_load %arg12[%parallel_loop3A_976, %parallel_loop3A_977, %parallel_loop3A_978] {strides = array<i32>} : memref<4x16x768xf32, #tpu.memory_space<vmem>>, vector<1x1x16xf32>,
        %parallel_loop3A_980 = vector.shape_cast %parallel_loop3A_979 : vector<1x1x16xf32> to vector<16xf32>
        %parallel_loop3A_981 = vector.shape_cast %parallel_loop3A_883 : vector<16xf32> to vector<1x1x16xf32>
        tpu.vector_store %arg12[%parallel_loop3A_976, %parallel_loop3A_977, %parallel_loop3A_978], %parallel_loop3A_981 {add = true, strides = array<i32>} : memref<4x16x768xf32, #tpu.memory_space<vmem>>, vector<1x1x16xf32>,
        %parallel_loop3A_982 = arith.constant 1 : i32
        %parallel_loop3A_983 = arith.index_cast %parallel_loop3A_982 : i32 to index
        %parallel_loop3A_984 = arith.index_cast %parallel_loop3A_455 : i32 to index
        %parallel_loop3A_985 = arith.constant 288 : index
        %parallel_loop3A_986 = tpu.vector_load %arg12[%parallel_loop3A_983, %parallel_loop3A_984, %parallel_loop3A_985] {strides = array<i32>} : memref<4x16x768xf32, #tpu.memory_space<vmem>>, vector<1x1x16xf32>,
        %parallel_loop3A_987 = vector.shape_cast %parallel_loop3A_986 : vector<1x1x16xf32> to vector<16xf32>
        %parallel_loop3A_988 = vector.shape_cast %parallel_loop3A_889 : vector<16xf32> to vector<1x1x16xf32>
        tpu.vector_store %arg12[%parallel_loop3A_983, %parallel_loop3A_984, %parallel_loop3A_985], %parallel_loop3A_988 {add = true, strides = array<i32>} : memref<4x16x768xf32, #tpu.memory_space<vmem>>, vector<1x1x16xf32>,
        %parallel_loop3A_989 = arith.constant 1 : i32
        %parallel_loop3A_990 = arith.index_cast %parallel_loop3A_989 : i32 to index
        %parallel_loop3A_991 = arith.index_cast %parallel_loop3A_455 : i32 to index
        %parallel_loop3A_992 = arith.constant 304 : index
        %parallel_loop3A_993 = tpu.vector_load %arg12[%parallel_loop3A_990, %parallel_loop3A_991, %parallel_loop3A_992] {strides = array<i32>} : memref<4x16x768xf32, #tpu.memory_space<vmem>>, vector<1x1x16xf32>,
        %parallel_loop3A_994 = vector.shape_cast %parallel_loop3A_993 : vector<1x1x16xf32> to vector<16xf32>
        %parallel_loop3A_995 = vector.shape_cast %parallel_loop3A_895 : vector<16xf32> to vector<1x1x16xf32>
        tpu.vector_store %arg12[%parallel_loop3A_990, %parallel_loop3A_991, %parallel_loop3A_992], %parallel_loop3A_995 {add = true, strides = array<i32>} : memref<4x16x768xf32, #tpu.memory_space<vmem>>, vector<1x1x16xf32>,
        %parallel_loop3A_996 = arith.constant 1 : i32
        %parallel_loop3A_997 = arith.index_cast %parallel_loop3A_996 : i32 to index
        %parallel_loop3A_998 = arith.index_cast %parallel_loop3A_455 : i32 to index
        %parallel_loop3A_999 = arith.constant 320 : index
        %parallel_loop3A_1000 = tpu.vector_load %arg12[%parallel_loop3A_997, %parallel_loop3A_998, %parallel_loop3A_999] {strides = array<i32>} : memref<4x16x768xf32, #tpu.memory_space<vmem>>, vector<1x1x16xf32>,
        %parallel_loop3A_1001 = vector.shape_cast %parallel_loop3A_1000 : vector<1x1x16xf32> to vector<16xf32>
        %parallel_loop3A_1002 = vector.shape_cast %parallel_loop3A_901 : vector<16xf32> to vector<1x1x16xf32>
        tpu.vector_store %arg12[%parallel_loop3A_997, %parallel_loop3A_998, %parallel_loop3A_999], %parallel_loop3A_1002 {add = true, strides = array<i32>} : memref<4x16x768xf32, #tpu.memory_space<vmem>>, vector<1x1x16xf32>,
        %parallel_loop3A_1003 = arith.constant 1 : i32
        %parallel_loop3A_1004 = arith.index_cast %parallel_loop3A_1003 : i32 to index
        %parallel_loop3A_1005 = arith.index_cast %parallel_loop3A_455 : i32 to index
        %parallel_loop3A_1006 = arith.constant 336 : index
        %parallel_loop3A_1007 = tpu.vector_load %arg12[%parallel_loop3A_1004, %parallel_loop3A_1005, %parallel_loop3A_1006] {strides = array<i32>} : memref<4x16x768xf32, #tpu.memory_space<vmem>>, vector<1x1x16xf32>,
        %parallel_loop3A_1008 = vector.shape_cast %parallel_loop3A_1007 : vector<1x1x16xf32> to vector<16xf32>
        %parallel_loop3A_1009 = vector.shape_cast %parallel_loop3A_907 : vector<16xf32> to vector<1x1x16xf32>
        tpu.vector_store %arg12[%parallel_loop3A_1004, %parallel_loop3A_1005, %parallel_loop3A_1006], %parallel_loop3A_1009 {add = true, strides = array<i32>} : memref<4x16x768xf32, #tpu.memory_space<vmem>>, vector<1x1x16xf32>,
        %parallel_loop3A_1010 = arith.constant 1 : i32
        %parallel_loop3A_1011 = arith.index_cast %parallel_loop3A_1010 : i32 to index
        %parallel_loop3A_1012 = arith.index_cast %parallel_loop3A_455 : i32 to index
        %parallel_loop3A_1013 = arith.constant 352 : index
        %parallel_loop3A_1014 = tpu.vector_load %arg12[%parallel_loop3A_1011, %parallel_loop3A_1012, %parallel_loop3A_1013] {strides = array<i32>} : memref<4x16x768xf32, #tpu.memory_space<vmem>>, vector<1x1x16xf32>,
        %parallel_loop3A_1015 = vector.shape_cast %parallel_loop3A_1014 : vector<1x1x16xf32> to vector<16xf32>
        %parallel_loop3A_1016 = vector.shape_cast %parallel_loop3A_913 : vector<16xf32> to vector<1x1x16xf32>
        tpu.vector_store %arg12[%parallel_loop3A_1011, %parallel_loop3A_1012, %parallel_loop3A_1013], %parallel_loop3A_1016 {add = true, strides = array<i32>} : memref<4x16x768xf32, #tpu.memory_space<vmem>>, vector<1x1x16xf32>,
        %parallel_loop3A_1017 = arith.constant 1 : i32
        %parallel_loop3A_1018 = arith.index_cast %parallel_loop3A_1017 : i32 to index
        %parallel_loop3A_1019 = arith.index_cast %parallel_loop3A_455 : i32 to index
        %parallel_loop3A_1020 = arith.constant 368 : index
        %parallel_loop3A_1021 = tpu.vector_load %arg12[%parallel_loop3A_1018, %parallel_loop3A_1019, %parallel_loop3A_1020] {strides = array<i32>} : memref<4x16x768xf32, #tpu.memory_space<vmem>>, vector<1x1x16xf32>,
        %parallel_loop3A_1022 = vector.shape_cast %parallel_loop3A_1021 : vector<1x1x16xf32> to vector<16xf32>
        %parallel_loop3A_1023 = vector.shape_cast %parallel_loop3A_919 : vector<16xf32> to vector<1x1x16xf32>
        tpu.vector_store %arg12[%parallel_loop3A_1018, %parallel_loop3A_1019, %parallel_loop3A_1020], %parallel_loop3A_1023 {add = true, strides = array<i32>} : memref<4x16x768xf32, #tpu.memory_space<vmem>>, vector<1x1x16xf32>,
        %parallel_loop3A_1024 = arith.constant 1 : i32
        %parallel_loop3A_1025 = arith.index_cast %parallel_loop3A_1024 : i32 to index
        %parallel_loop3A_1026 = arith.index_cast %parallel_loop3A_455 : i32 to index
        %parallel_loop3A_1027 = arith.constant 640 : index
        %parallel_loop3A_1028 = tpu.vector_load %arg12[%parallel_loop3A_1025, %parallel_loop3A_1026, %parallel_loop3A_1027] {strides = array<i32>} : memref<4x16x768xf32, #tpu.memory_space<vmem>>, vector<1x1x16xf32>,
        %parallel_loop3A_1029 = vector.shape_cast %parallel_loop3A_1028 : vector<1x1x16xf32> to vector<16xf32>
        %parallel_loop3A_1030 = vector.shape_cast %parallel_loop3A_925 : vector<16xf32> to vector<1x1x16xf32>
        tpu.vector_store %arg12[%parallel_loop3A_1025, %parallel_loop3A_1026, %parallel_loop3A_1027], %parallel_loop3A_1030 {add = true, strides = array<i32>} : memref<4x16x768xf32, #tpu.memory_space<vmem>>, vector<1x1x16xf32>,
        %parallel_loop3A_1031 = arith.constant 1 : i32
        %parallel_loop3A_1032 = arith.index_cast %parallel_loop3A_1031 : i32 to index
        %parallel_loop3A_1033 = arith.index_cast %parallel_loop3A_455 : i32 to index
        %parallel_loop3A_1034 = arith.constant 656 : index
        %parallel_loop3A_1035 = tpu.vector_load %arg12[%parallel_loop3A_1032, %parallel_loop3A_1033, %parallel_loop3A_1034] {strides = array<i32>} : memref<4x16x768xf32, #tpu.memory_space<vmem>>, vector<1x1x16xf32>,
        %parallel_loop3A_1036 = vector.shape_cast %parallel_loop3A_1035 : vector<1x1x16xf32> to vector<16xf32>
        %parallel_loop3A_1037 = vector.shape_cast %parallel_loop3A_931 : vector<16xf32> to vector<1x1x16xf32>
        tpu.vector_store %arg12[%parallel_loop3A_1032, %parallel_loop3A_1033, %parallel_loop3A_1034], %parallel_loop3A_1037 {add = true, strides = array<i32>} : memref<4x16x768xf32, #tpu.memory_space<vmem>>, vector<1x1x16xf32>,
        %parallel_loop3A_1038 = arith.constant 1 : i32
        %parallel_loop3A_1039 = arith.index_cast %parallel_loop3A_1038 : i32 to index
        %parallel_loop3A_1040 = arith.index_cast %parallel_loop3A_455 : i32 to index
        %parallel_loop3A_1041 = arith.constant 672 : index
        %parallel_loop3A_1042 = tpu.vector_load %arg12[%parallel_loop3A_1039, %parallel_loop3A_1040, %parallel_loop3A_1041] {strides = array<i32>} : memref<4x16x768xf32, #tpu.memory_space<vmem>>, vector<1x1x16xf32>,
        %parallel_loop3A_1043 = vector.shape_cast %parallel_loop3A_1042 : vector<1x1x16xf32> to vector<16xf32>
        %parallel_loop3A_1044 = vector.shape_cast %parallel_loop3A_937 : vector<16xf32> to vector<1x1x16xf32>
        tpu.vector_store %arg12[%parallel_loop3A_1039, %parallel_loop3A_1040, %parallel_loop3A_1041], %parallel_loop3A_1044 {add = true, strides = array<i32>} : memref<4x16x768xf32, #tpu.memory_space<vmem>>, vector<1x1x16xf32>,
        %parallel_loop3A_1045 = arith.constant 1 : i32
        %parallel_loop3A_1046 = arith.index_cast %parallel_loop3A_1045 : i32 to index
        %parallel_loop3A_1047 = arith.index_cast %parallel_loop3A_455 : i32 to index
        %parallel_loop3A_1048 = arith.constant 688 : index
        %parallel_loop3A_1049 = tpu.vector_load %arg12[%parallel_loop3A_1046, %parallel_loop3A_1047, %parallel_loop3A_1048] {strides = array<i32>} : memref<4x16x768xf32, #tpu.memory_space<vmem>>, vector<1x1x16xf32>,
        %parallel_loop3A_1050 = vector.shape_cast %parallel_loop3A_1049 : vector<1x1x16xf32> to vector<16xf32>
        %parallel_loop3A_1051 = vector.shape_cast %parallel_loop3A_943 : vector<16xf32> to vector<1x1x16xf32>
        tpu.vector_store %arg12[%parallel_loop3A_1046, %parallel_loop3A_1047, %parallel_loop3A_1048], %parallel_loop3A_1051 {add = true, strides = array<i32>} : memref<4x16x768xf32, #tpu.memory_space<vmem>>, vector<1x1x16xf32>,
        %parallel_loop3A_1052 = arith.constant 1 : i32
        %parallel_loop3A_1053 = arith.index_cast %parallel_loop3A_1052 : i32 to index
        %parallel_loop3A_1054 = arith.index_cast %parallel_loop3A_455 : i32 to index
        %parallel_loop3A_1055 = arith.constant 704 : index
        %parallel_loop3A_1056 = tpu.vector_load %arg12[%parallel_loop3A_1053, %parallel_loop3A_1054, %parallel_loop3A_1055] {strides = array<i32>} : memref<4x16x768xf32, #tpu.memory_space<vmem>>, vector<1x1x16xf32>,
        %parallel_loop3A_1057 = vector.shape_cast %parallel_loop3A_1056 : vector<1x1x16xf32> to vector<16xf32>
        %parallel_loop3A_1058 = vector.shape_cast %parallel_loop3A_949 : vector<16xf32> to vector<1x1x16xf32>
        tpu.vector_store %arg12[%parallel_loop3A_1053, %parallel_loop3A_1054, %parallel_loop3A_1055], %parallel_loop3A_1058 {add = true, strides = array<i32>} : memref<4x16x768xf32, #tpu.memory_space<vmem>>, vector<1x1x16xf32>,
        %parallel_loop3A_1059 = arith.constant 1 : i32
        %parallel_loop3A_1060 = arith.index_cast %parallel_loop3A_1059 : i32 to index
        %parallel_loop3A_1061 = arith.index_cast %parallel_loop3A_455 : i32 to index
        %parallel_loop3A_1062 = arith.constant 720 : index
        %parallel_loop3A_1063 = tpu.vector_load %arg12[%parallel_loop3A_1060, %parallel_loop3A_1061, %parallel_loop3A_1062] {strides = array<i32>} : memref<4x16x768xf32, #tpu.memory_space<vmem>>, vector<1x1x16xf32>,
        %parallel_loop3A_1064 = vector.shape_cast %parallel_loop3A_1063 : vector<1x1x16xf32> to vector<16xf32>
        %parallel_loop3A_1065 = vector.shape_cast %parallel_loop3A_955 : vector<16xf32> to vector<1x1x16xf32>
        tpu.vector_store %arg12[%parallel_loop3A_1060, %parallel_loop3A_1061, %parallel_loop3A_1062], %parallel_loop3A_1065 {add = true, strides = array<i32>} : memref<4x16x768xf32, #tpu.memory_space<vmem>>, vector<1x1x16xf32>,
        %parallel_loop3A_1066 = arith.constant 1 : i32
        %parallel_loop3A_1067 = arith.index_cast %parallel_loop3A_1066 : i32 to index
        %parallel_loop3A_1068 = arith.index_cast %parallel_loop3A_455 : i32 to index
        %parallel_loop3A_1069 = arith.constant 736 : index
        %parallel_loop3A_1070 = tpu.vector_load %arg12[%parallel_loop3A_1067, %parallel_loop3A_1068, %parallel_loop3A_1069] {strides = array<i32>} : memref<4x16x768xf32, #tpu.memory_space<vmem>>, vector<1x1x16xf32>,
        %parallel_loop3A_1071 = vector.shape_cast %parallel_loop3A_1070 : vector<1x1x16xf32> to vector<16xf32>
        %parallel_loop3A_1072 = vector.shape_cast %parallel_loop3A_961 : vector<16xf32> to vector<1x1x16xf32>
        tpu.vector_store %arg12[%parallel_loop3A_1067, %parallel_loop3A_1068, %parallel_loop3A_1069], %parallel_loop3A_1072 {add = true, strides = array<i32>} : memref<4x16x768xf32, #tpu.memory_space<vmem>>, vector<1x1x16xf32>,
        %parallel_loop3A_1073 = arith.constant 1 : i32
        %parallel_loop3A_1074 = arith.index_cast %parallel_loop3A_1073 : i32 to index
        %parallel_loop3A_1075 = arith.index_cast %parallel_loop3A_455 : i32 to index
        %parallel_loop3A_1076 = arith.constant 752 : index
        %parallel_loop3A_1077 = tpu.vector_load %arg12[%parallel_loop3A_1074, %parallel_loop3A_1075, %parallel_loop3A_1076] {strides = array<i32>} : memref<4x16x768xf32, #tpu.memory_space<vmem>>, vector<1x1x16xf32>,
        %parallel_loop3A_1078 = vector.shape_cast %parallel_loop3A_1077 : vector<1x1x16xf32> to vector<16xf32>
        %parallel_loop3A_1079 = vector.shape_cast %parallel_loop3A_967 : vector<16xf32> to vector<1x1x16xf32>
        tpu.vector_store %arg12[%parallel_loop3A_1074, %parallel_loop3A_1075, %parallel_loop3A_1076], %parallel_loop3A_1079 {add = true, strides = array<i32>} : memref<4x16x768xf32, #tpu.memory_space<vmem>>, vector<1x1x16xf32>,
      } {sc.loop_unroll_factor = 1 : i64, sc.parallel_access}
      %mul3A_286 = arith.constant 16 : i32
      %mul3A_287 = arith.muli %add3A_233, %mul3A_286 : i32
      %add3A_288 = arith.addi %mul3A_2, %mul3A_287 : i32
      %dma_start3A_289 = arith.constant 1 : i32
      %dma_start3A_290 = arith.constant 1 : i32
      %dma_start3A_291 = arith.constant 0 : i32
      %dma_start3A_292 = arith.constant 0 : i32
      %dma_start3A_293 = tpu.memref_slice %arg12[%dma_start3A_289, %dma_start3A_291, %dma_start3A_292] : memref<4x16x768xf32, #tpu.memory_space<vmem>> -> memref<1x16x768xf32, #tpu.memory_space<vmem>>
      %dma_start3A_294 = tpu.memref_squeeze %dma_start3A_293 : memref<1x16x768xf32, #tpu.memory_space<vmem>> -> memref<16x768xf32, #tpu.memory_space<vmem>>
      %dma_start3A_295 = arith.constant 0 : i32
      %dma_start3A_296 = tpu.memref_slice %arg7[%add3A_288, %dma_start3A_295] : memref<32768x768xf32, #tpu.memory_space<hbm>> -> memref<16x768xf32, #tpu.memory_space<hbm>>
      %dma_start3A_297 = tpu.memref_slice %arg14[%dma_start3A_290] : memref<4x!tpu.dma_semaphore, #tpu.memory_space<semaphore_mem>> -> memref<1x!tpu.dma_semaphore, #tpu.memory_space<semaphore_mem>>
      %dma_start3A_298 = tpu.memref_squeeze %dma_start3A_297 : memref<1x!tpu.dma_semaphore, #tpu.memory_space<semaphore_mem>> -> memref<!tpu.dma_semaphore, #tpu.memory_space<semaphore_mem>>
      %dma_start3A_299 = arith.constant 0 : i32
      %dma_start3A_300 = tpu.memref_slice %arg7[%add3A_288, %dma_start3A_299] : memref<32768x768xf32, #tpu.memory_space<hbm>> -> memref<16x768xf32, #tpu.memory_space<hbm>>
      %dma_start3A_301 = arith.constant 0 : i32
      %dma_start3A_302 = arith.constant 0 : i32
      %dma_start3A_303 = tpu.memref_slice %arg12[%dma_start3A_289, %dma_start3A_301, %dma_start3A_302] : memref<4x16x768xf32, #tpu.memory_space<vmem>> -> memref<1x16x768xf32, #tpu.memory_space<vmem>>
      %dma_start3A_304 = tpu.memref_squeeze %dma_start3A_303 : memref<1x16x768xf32, #tpu.memory_space<vmem>> -> memref<16x768xf32, #tpu.memory_space<vmem>>
      tpu.enqueue_dma source(%dma_start3A_304 : memref<16x768xf32, #tpu.memory_space<vmem>>) target(%dma_start3A_300 : memref<16x768xf32, #tpu.memory_space<hbm>>) target_semaphore(%dma_start3A_298 : memref<!tpu.dma_semaphore, #tpu.memory_space<semaphore_mem>>)
      %mul3A_305 = arith.constant 4 : i32
      %mul3A_306 = arith.muli %scan3A_158, %mul3A_305 : i32
      %add3A_307 = arith.constant 2 : i32
      %add3A_308 = arith.addi %mul3A_306, %add3A_307 : i32
      %add3A_309 = arith.constant 2 : i32
      %add3A_310 = arith.addi %add3A_308, %add3A_309 : i32
      %lt3A_311 = arith.constant 64 : i32
      %lt3A_312 = arith.cmpi slt, %add3A_310, %lt3A_311 : i32
      %convert_element_type3A_313 = arith.extui %lt3A_312 : i1 to i32
      %cond3A_314 = arith.constant 0 : i32
      %cond3A_315 = arith.cmpi ne, %convert_element_type3A_313, %cond3A_314 : i32
      scf.if %cond3A_315 {
        %ge3A = arith.constant 4 : i32
        %ge3A_455 = arith.cmpi sge, %add3A_310, %ge3A : i32
        %convert_element_type3A_456 = arith.extui %ge3A_455 : i1 to i32
        %cond3A_457 = arith.constant 0 : i32
        %cond3A_458 = arith.cmpi ne, %convert_element_type3A_456, %cond3A_457 : i32
        scf.if %cond3A_458 {
          %dma_wait3A_506 = arith.constant 0 : i32
          %dma_wait3A_507 = arith.constant 0 : i32
          %dma_wait3A_508 = arith.constant 0 : i32
          %dma_wait3A_509 = arith.constant 0 : i32
          %dma_wait3A_510 = tpu.memref_slice %arg12[%dma_wait3A_506, %dma_wait3A_508, %dma_wait3A_509] : memref<4x16x768xf32, #tpu.memory_space<vmem>> -> memref<1x16x768xf32, #tpu.memory_space<vmem>>
          %dma_wait3A_511 = tpu.memref_squeeze %dma_wait3A_510 : memref<1x16x768xf32, #tpu.memory_space<vmem>> -> memref<16x768xf32, #tpu.memory_space<vmem>>
          %dma_wait3A_512 = arith.constant 0 : i32
          %dma_wait3A_513 = tpu.memref_slice %arg7[%mul3A_2, %dma_wait3A_512] : memref<32768x768xf32, #tpu.memory_space<hbm>> -> memref<16x768xf32, #tpu.memory_space<hbm>>
          %dma_wait3A_514 = tpu.memref_slice %arg14[%dma_wait3A_507] : memref<4x!tpu.dma_semaphore, #tpu.memory_space<semaphore_mem>> -> memref<1x!tpu.dma_semaphore, #tpu.memory_space<semaphore_mem>>
          %dma_wait3A_515 = tpu.memref_squeeze %dma_wait3A_514 : memref<1x!tpu.dma_semaphore, #tpu.memory_space<semaphore_mem>> -> memref<!tpu.dma_semaphore, #tpu.memory_space<semaphore_mem>>
          %dma_wait3A_516 = arith.constant 0 : i32
          %dma_wait3A_517 = tpu.memref_slice %arg7[%mul3A_2, %dma_wait3A_516] : memref<32768x768xf32, #tpu.memory_space<hbm>> -> memref<16x768xf32, #tpu.memory_space<hbm>>
          %dma_wait3A_518 = arith.constant 0 : i32
          %dma_wait3A_519 = arith.constant 0 : i32
          %dma_wait3A_520 = tpu.memref_slice %arg12[%dma_wait3A_506, %dma_wait3A_518, %dma_wait3A_519] : memref<4x16x768xf32, #tpu.memory_space<vmem>> -> memref<1x16x768xf32, #tpu.memory_space<vmem>>
          %dma_wait3A_521 = tpu.memref_squeeze %dma_wait3A_520 : memref<1x16x768xf32, #tpu.memory_space<vmem>> -> memref<16x768xf32, #tpu.memory_space<vmem>>
          tpu.wait_dma2 semaphore(%dma_wait3A_515 : memref<!tpu.dma_semaphore, #tpu.memory_space<semaphore_mem>>) src(%dma_wait3A_521 : memref<16x768xf32, #tpu.memory_space<vmem>>) dst(%dma_wait3A_517 : memref<16x768xf32, #tpu.memory_space<hbm>>)
        } else {
        }
        %mul3A_459 = arith.constant 16 : i32
        %mul3A_460 = arith.muli %add3A_310, %mul3A_459 : i32
        %dma_start3A_461 = arith.constant 0 : i32
        %dma_start3A_462 = arith.constant 0 : i32
        %dma_start3A_463 = arith.constant 0 : i32
        %dma_start3A_464 = arith.constant 0 : i32
        %dma_start3A_465 = tpu.memref_slice %arg10[%dma_start3A_461, %dma_start3A_463, %dma_start3A_464] : memref<4x16x384xf32, #tpu.memory_space<vmem>> -> memref<1x16x384xf32, #tpu.memory_space<vmem>>
        %dma_start3A_466 = tpu.memref_squeeze %dma_start3A_465 : memref<1x16x384xf32, #tpu.memory_space<vmem>> -> memref<16x384xf32, #tpu.memory_space<vmem>>
        %dma_start3A_467 = tpu.memref_slice %arg8[%mul3A_460] : memref<1024xi32, #tpu.memory_space<vmem>> -> memref<16xi32, #tpu.memory_space<vmem>>
        %dma_start3A_468 = arith.constant 0 : i32
        %dma_start3A_469 = arith.constant 0 : i32
        %dma_start3A_470 = tpu.memref_slice %arg5[%dma_start3A_468, %dma_start3A_469] : memref<22118x384xf32, #tpu.memory_space<hbm>> -> memref<22118x384xf32, #tpu.memory_space<hbm>>
        %dma_start3A_471 = tpu.memref_slice %arg13[%dma_start3A_462] : memref<4x!tpu.dma_semaphore, #tpu.memory_space<semaphore_mem>> -> memref<1x!tpu.dma_semaphore, #tpu.memory_space<semaphore_mem>>
        %dma_start3A_472 = tpu.memref_squeeze %dma_start3A_471 : memref<1x!tpu.dma_semaphore, #tpu.memory_space<semaphore_mem>> -> memref<!tpu.dma_semaphore, #tpu.memory_space<semaphore_mem>>
        tpu.enqueue_indirect_dma source(%dma_start3A_470 : memref<22118x384xf32, #tpu.memory_space<hbm>>) target(%dma_start3A_466 : memref<16x384xf32, #tpu.memory_space<vmem>>) offsets(%dma_start3A_467 : memref<16xi32, #tpu.memory_space<vmem>>) semaphore(%dma_start3A_472 : memref<!tpu.dma_semaphore, #tpu.memory_space<semaphore_mem>>)
        %mul3A_473 = arith.constant 16 : i32
        %mul3A_474 = arith.muli %add3A_310, %mul3A_473 : i32
        %dma_start3A_475 = arith.constant 0 : i32
        %dma_start3A_476 = arith.constant 0 : i32
        %dma_start3A_477 = arith.constant 0 : i32
        %dma_start3A_478 = arith.constant 0 : i32
        %dma_start3A_479 = tpu.memref_slice %arg11[%dma_start3A_475, %dma_start3A_477, %dma_start3A_478] : memref<4x16x384xf32, #tpu.memory_space<vmem>> -> memref<1x16x384xf32, #tpu.memory_space<vmem>>
        %dma_start3A_480 = tpu.memref_squeeze %dma_start3A_479 : memref<1x16x384xf32, #tpu.memory_space<vmem>> -> memref<16x384xf32, #tpu.memory_space<vmem>>
        %dma_start3A_481 = tpu.memref_slice %arg9[%mul3A_474] : memref<1024xi32, #tpu.memory_space<vmem>> -> memref<16xi32, #tpu.memory_space<vmem>>
        %dma_start3A_482 = arith.constant 0 : i32
        %dma_start3A_483 = arith.constant 0 : i32
        %dma_start3A_484 = tpu.memref_slice %arg6[%dma_start3A_482, %dma_start3A_483] : memref<22118x384xf32, #tpu.memory_space<hbm>> -> memref<22118x384xf32, #tpu.memory_space<hbm>>
        %dma_start3A_485 = tpu.memref_slice %arg13[%dma_start3A_476] : memref<4x!tpu.dma_semaphore, #tpu.memory_space<semaphore_mem>> -> memref<1x!tpu.dma_semaphore, #tpu.memory_space<semaphore_mem>>
        %dma_start3A_486 = tpu.memref_squeeze %dma_start3A_485 : memref<1x!tpu.dma_semaphore, #tpu.memory_space<semaphore_mem>> -> memref<!tpu.dma_semaphore, #tpu.memory_space<semaphore_mem>>
        tpu.enqueue_indirect_dma source(%dma_start3A_484 : memref<22118x384xf32, #tpu.memory_space<hbm>>) target(%dma_start3A_480 : memref<16x384xf32, #tpu.memory_space<vmem>>) offsets(%dma_start3A_481 : memref<16xi32, #tpu.memory_space<vmem>>) semaphore(%dma_start3A_486 : memref<!tpu.dma_semaphore, #tpu.memory_space<semaphore_mem>>)
        %mul3A_487 = arith.constant 16 : i32
        %mul3A_488 = arith.muli %add3A_310, %mul3A_487 : i32
        %add3A_489 = arith.addi %mul3A_2, %mul3A_488 : i32
        %dma_start3A_490 = arith.constant 0 : i32
        %dma_start3A_491 = arith.constant 0 : i32
        %dma_start3A_492 = arith.constant 0 : i32
        %dma_start3A_493 = arith.constant 0 : i32
        %dma_start3A_494 = tpu.memref_slice %arg12[%dma_start3A_490, %dma_start3A_492, %dma_start3A_493] : memref<4x16x768xf32, #tpu.memory_space<vmem>> -> memref<1x16x768xf32, #tpu.memory_space<vmem>>
        %dma_start3A_495 = tpu.memref_squeeze %dma_start3A_494 : memref<1x16x768xf32, #tpu.memory_space<vmem>> -> memref<16x768xf32, #tpu.memory_space<vmem>>
        %dma_start3A_496 = arith.constant 0 : i32
        %dma_start3A_497 = tpu.memref_slice %arg2[%add3A_489, %dma_start3A_496] : memref<32768x768xf32, #tpu.memory_space<hbm>> -> memref<16x768xf32, #tpu.memory_space<hbm>>
        %dma_start3A_498 = tpu.memref_slice %arg13[%dma_start3A_491] : memref<4x!tpu.dma_semaphore, #tpu.memory_space<semaphore_mem>> -> memref<1x!tpu.dma_semaphore, #tpu.memory_space<semaphore_mem>>
        %dma_start3A_499 = tpu.memref_squeeze %dma_start3A_498 : memref<1x!tpu.dma_semaphore, #tpu.memory_space<semaphore_mem>> -> memref<!tpu.dma_semaphore, #tpu.memory_space<semaphore_mem>>
        %dma_start3A_500 = arith.constant 0 : i32
        %dma_start3A_501 = arith.constant 0 : i32
        %dma_start3A_502 = tpu.memref_slice %arg12[%dma_start3A_490, %dma_start3A_500, %dma_start3A_501] : memref<4x16x768xf32, #tpu.memory_space<vmem>> -> memref<1x16x768xf32, #tpu.memory_space<vmem>>
        %dma_start3A_503 = tpu.memref_squeeze %dma_start3A_502 : memref<1x16x768xf32, #tpu.memory_space<vmem>> -> memref<16x768xf32, #tpu.memory_space<vmem>>
        %dma_start3A_504 = arith.constant 0 : i32
        %dma_start3A_505 = tpu.memref_slice %arg2[%add3A_489, %dma_start3A_504] : memref<32768x768xf32, #tpu.memory_space<hbm>> -> memref<16x768xf32, #tpu.memory_space<hbm>>
        tpu.enqueue_dma source(%dma_start3A_505 : memref<16x768xf32, #tpu.memory_space<hbm>>) target(%dma_start3A_503 : memref<16x768xf32, #tpu.memory_space<vmem>>) target_semaphore(%dma_start3A_499 : memref<!tpu.dma_semaphore, #tpu.memory_space<semaphore_mem>>)
      } else {
      }
      %dma_wait3A_316 = arith.constant 2 : i32
      %dma_wait3A_317 = arith.constant 2 : i32
      %dma_wait3A_318 = arith.constant 0 : i32
      %dma_wait3A_319 = arith.constant 0 : i32
      %dma_wait3A_320 = tpu.memref_slice %arg10[%dma_wait3A_316, %dma_wait3A_318, %dma_wait3A_319] : memref<4x16x384xf32, #tpu.memory_space<vmem>> -> memref<1x16x384xf32, #tpu.memory_space<vmem>>
      %dma_wait3A_321 = tpu.memref_squeeze %dma_wait3A_320 : memref<1x16x384xf32, #tpu.memory_space<vmem>> -> memref<16x384xf32, #tpu.memory_space<vmem>>
      %dma_wait3A_322 = arith.constant 0 : i32
      %dma_wait3A_323 = tpu.memref_slice %arg8[%dma_wait3A_322] : memref<1024xi32, #tpu.memory_space<vmem>> -> memref<16xi32, #tpu.memory_space<vmem>>
      %dma_wait3A_324 = arith.constant 0 : i32
      %dma_wait3A_325 = arith.constant 0 : i32
      %dma_wait3A_326 = tpu.memref_slice %arg5[%dma_wait3A_324, %dma_wait3A_325] : memref<22118x384xf32, #tpu.memory_space<hbm>> -> memref<22118x384xf32, #tpu.memory_space<hbm>>
      %dma_wait3A_327 = tpu.memref_slice %arg13[%dma_wait3A_317] : memref<4x!tpu.dma_semaphore, #tpu.memory_space<semaphore_mem>> -> memref<1x!tpu.dma_semaphore, #tpu.memory_space<semaphore_mem>>
      %dma_wait3A_328 = tpu.memref_squeeze %dma_wait3A_327 : memref<1x!tpu.dma_semaphore, #tpu.memory_space<semaphore_mem>> -> memref<!tpu.dma_semaphore, #tpu.memory_space<semaphore_mem>>
      tpu.wait_indirect_dma semaphore(%dma_wait3A_328 : memref<!tpu.dma_semaphore, #tpu.memory_space<semaphore_mem>>) src(%dma_wait3A_326 : memref<22118x384xf32, #tpu.memory_space<hbm>>) dst(%dma_wait3A_321 : memref<16x384xf32, #tpu.memory_space<vmem>>)
      %dma_wait3A_329 = arith.constant 2 : i32
      %dma_wait3A_330 = arith.constant 2 : i32
      %dma_wait3A_331 = arith.constant 0 : i32
      %dma_wait3A_332 = arith.constant 0 : i32
      %dma_wait3A_333 = tpu.memref_slice %arg11[%dma_wait3A_329, %dma_wait3A_331, %dma_wait3A_332] : memref<4x16x384xf32, #tpu.memory_space<vmem>> -> memref<1x16x384xf32, #tpu.memory_space<vmem>>
      %dma_wait3A_334 = tpu.memref_squeeze %dma_wait3A_333 : memref<1x16x384xf32, #tpu.memory_space<vmem>> -> memref<16x384xf32, #tpu.memory_space<vmem>>
      %dma_wait3A_335 = arith.constant 0 : i32
      %dma_wait3A_336 = tpu.memref_slice %arg9[%dma_wait3A_335] : memref<1024xi32, #tpu.memory_space<vmem>> -> memref<16xi32, #tpu.memory_space<vmem>>
      %dma_wait3A_337 = arith.constant 0 : i32
      %dma_wait3A_338 = arith.constant 0 : i32
      %dma_wait3A_339 = tpu.memref_slice %arg6[%dma_wait3A_337, %dma_wait3A_338] : memref<22118x384xf32, #tpu.memory_space<hbm>> -> memref<22118x384xf32, #tpu.memory_space<hbm>>
      %dma_wait3A_340 = tpu.memref_slice %arg13[%dma_wait3A_330] : memref<4x!tpu.dma_semaphore, #tpu.memory_space<semaphore_mem>> -> memref<1x!tpu.dma_semaphore, #tpu.memory_space<semaphore_mem>>
      %dma_wait3A_341 = tpu.memref_squeeze %dma_wait3A_340 : memref<1x!tpu.dma_semaphore, #tpu.memory_space<semaphore_mem>> -> memref<!tpu.dma_semaphore, #tpu.memory_space<semaphore_mem>>
      tpu.wait_indirect_dma semaphore(%dma_wait3A_341 : memref<!tpu.dma_semaphore, #tpu.memory_space<semaphore_mem>>) src(%dma_wait3A_339 : memref<22118x384xf32, #tpu.memory_space<hbm>>) dst(%dma_wait3A_334 : memref<16x384xf32, #tpu.memory_space<vmem>>)
      %dma_wait3A_342 = arith.constant 2 : i32
      %dma_wait3A_343 = arith.constant 2 : i32
      %dma_wait3A_344 = arith.constant 0 : i32
      %dma_wait3A_345 = arith.constant 0 : i32
      %dma_wait3A_346 = tpu.memref_slice %arg12[%dma_wait3A_342, %dma_wait3A_344, %dma_wait3A_345] : memref<4x16x768xf32, #tpu.memory_space<vmem>> -> memref<1x16x768xf32, #tpu.memory_space<vmem>>
      %dma_wait3A_347 = tpu.memref_squeeze %dma_wait3A_346 : memref<1x16x768xf32, #tpu.memory_space<vmem>> -> memref<16x768xf32, #tpu.memory_space<vmem>>
      %dma_wait3A_348 = arith.constant 0 : i32
      %dma_wait3A_349 = tpu.memref_slice %arg2[%mul3A_2, %dma_wait3A_348] : memref<32768x768xf32, #tpu.memory_space<hbm>> -> memref<16x768xf32, #tpu.memory_space<hbm>>
      %dma_wait3A_350 = tpu.memref_slice %arg13[%dma_wait3A_343] : memref<4x!tpu.dma_semaphore, #tpu.memory_space<semaphore_mem>> -> memref<1x!tpu.dma_semaphore, #tpu.memory_space<semaphore_mem>>
      %dma_wait3A_351 = tpu.memref_squeeze %dma_wait3A_350 : memref<1x!tpu.dma_semaphore, #tpu.memory_space<semaphore_mem>> -> memref<!tpu.dma_semaphore, #tpu.memory_space<semaphore_mem>>
      %dma_wait3A_352 = arith.constant 0 : i32
      %dma_wait3A_353 = arith.constant 0 : i32
      %dma_wait3A_354 = tpu.memref_slice %arg12[%dma_wait3A_342, %dma_wait3A_352, %dma_wait3A_353] : memref<4x16x768xf32, #tpu.memory_space<vmem>> -> memref<1x16x768xf32, #tpu.memory_space<vmem>>
      %dma_wait3A_355 = tpu.memref_squeeze %dma_wait3A_354 : memref<1x16x768xf32, #tpu.memory_space<vmem>> -> memref<16x768xf32, #tpu.memory_space<vmem>>
      %dma_wait3A_356 = arith.constant 0 : i32
      %dma_wait3A_357 = tpu.memref_slice %arg2[%mul3A_2, %dma_wait3A_356] : memref<32768x768xf32, #tpu.memory_space<hbm>> -> memref<16x768xf32, #tpu.memory_space<hbm>>
      tpu.wait_dma2 semaphore(%dma_wait3A_351 : memref<!tpu.dma_semaphore, #tpu.memory_space<semaphore_mem>>) src(%dma_wait3A_357 : memref<16x768xf32, #tpu.memory_space<hbm>>) dst(%dma_wait3A_355 : memref<16x768xf32, #tpu.memory_space<vmem>>)
      %parallel_loop3A_358 = arith.constant 0 : i32
      %parallel_loop3A_359 = arith.constant 16 : i32
      %parallel_loop3A_360 = arith.constant 1 : i32
      scf.for %parallel_loop3A_455 = %parallel_loop3A_358 to %parallel_loop3A_359 step %parallel_loop3A_360  : i32 {
        %parallel_loop3A_456 = arith.constant 2 : i32
        %parallel_loop3A_457 = arith.index_cast %parallel_loop3A_456 : i32 to index
        %parallel_loop3A_458 = arith.index_cast %parallel_loop3A_455 : i32 to index
        %parallel_loop3A_459 = arith.constant 0 : index
        %parallel_loop3A_460 = tpu.vector_load %arg10[%parallel_loop3A_457, %parallel_loop3A_458, %parallel_loop3A_459] {strides = array<i32>} : memref<4x16x384xf32, #tpu.memory_space<vmem>>, vector<1x1x16xf32>,
        %parallel_loop3A_461 = vector.shape_cast %parallel_loop3A_460 : vector<1x1x16xf32> to vector<16xf32>
        %parallel_loop3A_462 = arith.constant 2 : i32
        %parallel_loop3A_463 = arith.index_cast %parallel_loop3A_462 : i32 to index
        %parallel_loop3A_464 = arith.index_cast %parallel_loop3A_455 : i32 to index
        %parallel_loop3A_465 = arith.constant 16 : index
        %parallel_loop3A_466 = tpu.vector_load %arg10[%parallel_loop3A_463, %parallel_loop3A_464, %parallel_loop3A_465] {strides = array<i32>} : memref<4x16x384xf32, #tpu.memory_space<vmem>>, vector<1x1x16xf32>,
        %parallel_loop3A_467 = vector.shape_cast %parallel_loop3A_466 : vector<1x1x16xf32> to vector<16xf32>
        %parallel_loop3A_468 = arith.constant 2 : i32
        %parallel_loop3A_469 = arith.index_cast %parallel_loop3A_468 : i32 to index
        %parallel_loop3A_470 = arith.index_cast %parallel_loop3A_455 : i32 to index
        %parallel_loop3A_471 = arith.constant 32 : index
        %parallel_loop3A_472 = tpu.vector_load %arg10[%parallel_loop3A_469, %parallel_loop3A_470, %parallel_loop3A_471] {strides = array<i32>} : memref<4x16x384xf32, #tpu.memory_space<vmem>>, vector<1x1x16xf32>,
        %parallel_loop3A_473 = vector.shape_cast %parallel_loop3A_472 : vector<1x1x16xf32> to vector<16xf32>
        %parallel_loop3A_474 = arith.constant 2 : i32
        %parallel_loop3A_475 = arith.index_cast %parallel_loop3A_474 : i32 to index
        %parallel_loop3A_476 = arith.index_cast %parallel_loop3A_455 : i32 to index
        %parallel_loop3A_477 = arith.constant 48 : index
        %parallel_loop3A_478 = tpu.vector_load %arg10[%parallel_loop3A_475, %parallel_loop3A_476, %parallel_loop3A_477] {strides = array<i32>} : memref<4x16x384xf32, #tpu.memory_space<vmem>>, vector<1x1x16xf32>,
        %parallel_loop3A_479 = vector.shape_cast %parallel_loop3A_478 : vector<1x1x16xf32> to vector<16xf32>
        %parallel_loop3A_480 = arith.constant 2 : i32
        %parallel_loop3A_481 = arith.index_cast %parallel_loop3A_480 : i32 to index
        %parallel_loop3A_482 = arith.index_cast %parallel_loop3A_455 : i32 to index
        %parallel_loop3A_483 = arith.constant 64 : index
        %parallel_loop3A_484 = tpu.vector_load %arg10[%parallel_loop3A_481, %parallel_loop3A_482, %parallel_loop3A_483] {strides = array<i32>} : memref<4x16x384xf32, #tpu.memory_space<vmem>>, vector<1x1x16xf32>,
        %parallel_loop3A_485 = vector.shape_cast %parallel_loop3A_484 : vector<1x1x16xf32> to vector<16xf32>
        %parallel_loop3A_486 = arith.constant 2 : i32
        %parallel_loop3A_487 = arith.index_cast %parallel_loop3A_486 : i32 to index
        %parallel_loop3A_488 = arith.index_cast %parallel_loop3A_455 : i32 to index
        %parallel_loop3A_489 = arith.constant 80 : index
        %parallel_loop3A_490 = tpu.vector_load %arg10[%parallel_loop3A_487, %parallel_loop3A_488, %parallel_loop3A_489] {strides = array<i32>} : memref<4x16x384xf32, #tpu.memory_space<vmem>>, vector<1x1x16xf32>,
        %parallel_loop3A_491 = vector.shape_cast %parallel_loop3A_490 : vector<1x1x16xf32> to vector<16xf32>
        %parallel_loop3A_492 = arith.constant 2 : i32
        %parallel_loop3A_493 = arith.index_cast %parallel_loop3A_492 : i32 to index
        %parallel_loop3A_494 = arith.index_cast %parallel_loop3A_455 : i32 to index
        %parallel_loop3A_495 = arith.constant 96 : index
        %parallel_loop3A_496 = tpu.vector_load %arg10[%parallel_loop3A_493, %parallel_loop3A_494, %parallel_loop3A_495] {strides = array<i32>} : memref<4x16x384xf32, #tpu.memory_space<vmem>>, vector<1x1x16xf32>,
        %parallel_loop3A_497 = vector.shape_cast %parallel_loop3A_496 : vector<1x1x16xf32> to vector<16xf32>
        %parallel_loop3A_498 = arith.constant 2 : i32
        %parallel_loop3A_499 = arith.index_cast %parallel_loop3A_498 : i32 to index
        %parallel_loop3A_500 = arith.index_cast %parallel_loop3A_455 : i32 to index
        %parallel_loop3A_501 = arith.constant 112 : index
        %parallel_loop3A_502 = tpu.vector_load %arg10[%parallel_loop3A_499, %parallel_loop3A_500, %parallel_loop3A_501] {strides = array<i32>} : memref<4x16x384xf32, #tpu.memory_space<vmem>>, vector<1x1x16xf32>,
        %parallel_loop3A_503 = vector.shape_cast %parallel_loop3A_502 : vector<1x1x16xf32> to vector<16xf32>
        %parallel_loop3A_504 = arith.constant 2 : i32
        %parallel_loop3A_505 = arith.index_cast %parallel_loop3A_504 : i32 to index
        %parallel_loop3A_506 = arith.index_cast %parallel_loop3A_455 : i32 to index
        %parallel_loop3A_507 = arith.constant 0 : index
        %parallel_loop3A_508 = tpu.vector_load %arg11[%parallel_loop3A_505, %parallel_loop3A_506, %parallel_loop3A_507] {strides = array<i32>} : memref<4x16x384xf32, #tpu.memory_space<vmem>>, vector<1x1x16xf32>,
        %parallel_loop3A_509 = vector.shape_cast %parallel_loop3A_508 : vector<1x1x16xf32> to vector<16xf32>
        %parallel_loop3A_510 = arith.constant 2 : i32
        %parallel_loop3A_511 = arith.index_cast %parallel_loop3A_510 : i32 to index
        %parallel_loop3A_512 = arith.index_cast %parallel_loop3A_455 : i32 to index
        %parallel_loop3A_513 = arith.constant 16 : index
        %parallel_loop3A_514 = tpu.vector_load %arg11[%parallel_loop3A_511, %parallel_loop3A_512, %parallel_loop3A_513] {strides = array<i32>} : memref<4x16x384xf32, #tpu.memory_space<vmem>>, vector<1x1x16xf32>,
        %parallel_loop3A_515 = vector.shape_cast %parallel_loop3A_514 : vector<1x1x16xf32> to vector<16xf32>
        %parallel_loop3A_516 = arith.constant 2 : i32
        %parallel_loop3A_517 = arith.index_cast %parallel_loop3A_516 : i32 to index
        %parallel_loop3A_518 = arith.index_cast %parallel_loop3A_455 : i32 to index
        %parallel_loop3A_519 = arith.constant 32 : index
        %parallel_loop3A_520 = tpu.vector_load %arg11[%parallel_loop3A_517, %parallel_loop3A_518, %parallel_loop3A_519] {strides = array<i32>} : memref<4x16x384xf32, #tpu.memory_space<vmem>>, vector<1x1x16xf32>,
        %parallel_loop3A_521 = vector.shape_cast %parallel_loop3A_520 : vector<1x1x16xf32> to vector<16xf32>
        %parallel_loop3A_522 = arith.constant 2 : i32
        %parallel_loop3A_523 = arith.index_cast %parallel_loop3A_522 : i32 to index
        %parallel_loop3A_524 = arith.index_cast %parallel_loop3A_455 : i32 to index
        %parallel_loop3A_525 = arith.constant 48 : index
        %parallel_loop3A_526 = tpu.vector_load %arg11[%parallel_loop3A_523, %parallel_loop3A_524, %parallel_loop3A_525] {strides = array<i32>} : memref<4x16x384xf32, #tpu.memory_space<vmem>>, vector<1x1x16xf32>,
        %parallel_loop3A_527 = vector.shape_cast %parallel_loop3A_526 : vector<1x1x16xf32> to vector<16xf32>
        %parallel_loop3A_528 = arith.constant 2 : i32
        %parallel_loop3A_529 = arith.index_cast %parallel_loop3A_528 : i32 to index
        %parallel_loop3A_530 = arith.index_cast %parallel_loop3A_455 : i32 to index
        %parallel_loop3A_531 = arith.constant 64 : index
        %parallel_loop3A_532 = tpu.vector_load %arg11[%parallel_loop3A_529, %parallel_loop3A_530, %parallel_loop3A_531] {strides = array<i32>} : memref<4x16x384xf32, #tpu.memory_space<vmem>>, vector<1x1x16xf32>,
        %parallel_loop3A_533 = vector.shape_cast %parallel_loop3A_532 : vector<1x1x16xf32> to vector<16xf32>
        %parallel_loop3A_534 = arith.constant 2 : i32
        %parallel_loop3A_535 = arith.index_cast %parallel_loop3A_534 : i32 to index
        %parallel_loop3A_536 = arith.index_cast %parallel_loop3A_455 : i32 to index
        %parallel_loop3A_537 = arith.constant 80 : index
        %parallel_loop3A_538 = tpu.vector_load %arg11[%parallel_loop3A_535, %parallel_loop3A_536, %parallel_loop3A_537] {strides = array<i32>} : memref<4x16x384xf32, #tpu.memory_space<vmem>>, vector<1x1x16xf32>,
        %parallel_loop3A_539 = vector.shape_cast %parallel_loop3A_538 : vector<1x1x16xf32> to vector<16xf32>
        %parallel_loop3A_540 = arith.constant 2 : i32
        %parallel_loop3A_541 = arith.index_cast %parallel_loop3A_540 : i32 to index
        %parallel_loop3A_542 = arith.index_cast %parallel_loop3A_455 : i32 to index
        %parallel_loop3A_543 = arith.constant 96 : index
        %parallel_loop3A_544 = tpu.vector_load %arg11[%parallel_loop3A_541, %parallel_loop3A_542, %parallel_loop3A_543] {strides = array<i32>} : memref<4x16x384xf32, #tpu.memory_space<vmem>>, vector<1x1x16xf32>,
        %parallel_loop3A_545 = vector.shape_cast %parallel_loop3A_544 : vector<1x1x16xf32> to vector<16xf32>
        %parallel_loop3A_546 = arith.constant 2 : i32
        %parallel_loop3A_547 = arith.index_cast %parallel_loop3A_546 : i32 to index
        %parallel_loop3A_548 = arith.index_cast %parallel_loop3A_455 : i32 to index
        %parallel_loop3A_549 = arith.constant 112 : index
        %parallel_loop3A_550 = tpu.vector_load %arg11[%parallel_loop3A_547, %parallel_loop3A_548, %parallel_loop3A_549] {strides = array<i32>} : memref<4x16x384xf32, #tpu.memory_space<vmem>>, vector<1x1x16xf32>,
        %parallel_loop3A_551 = vector.shape_cast %parallel_loop3A_550 : vector<1x1x16xf32> to vector<16xf32>
        %parallel_loop3A_552 = arith.constant 2 : i32
        %parallel_loop3A_553 = arith.index_cast %parallel_loop3A_552 : i32 to index
        %parallel_loop3A_554 = arith.index_cast %parallel_loop3A_455 : i32 to index
        %parallel_loop3A_555 = arith.constant 0 : index
        %parallel_loop3A_556 = tpu.vector_load %arg12[%parallel_loop3A_553, %parallel_loop3A_554, %parallel_loop3A_555] {strides = array<i32>} : memref<4x16x768xf32, #tpu.memory_space<vmem>>, vector<1x1x16xf32>,
        %parallel_loop3A_557 = vector.shape_cast %parallel_loop3A_556 : vector<1x1x16xf32> to vector<16xf32>
        %parallel_loop3A_558 = vector.shape_cast %parallel_loop3A_461 : vector<16xf32> to vector<1x1x16xf32>
        tpu.vector_store %arg12[%parallel_loop3A_553, %parallel_loop3A_554, %parallel_loop3A_555], %parallel_loop3A_558 {add = true, strides = array<i32>} : memref<4x16x768xf32, #tpu.memory_space<vmem>>, vector<1x1x16xf32>,
        %parallel_loop3A_559 = arith.constant 2 : i32
        %parallel_loop3A_560 = arith.index_cast %parallel_loop3A_559 : i32 to index
        %parallel_loop3A_561 = arith.index_cast %parallel_loop3A_455 : i32 to index
        %parallel_loop3A_562 = arith.constant 16 : index
        %parallel_loop3A_563 = tpu.vector_load %arg12[%parallel_loop3A_560, %parallel_loop3A_561, %parallel_loop3A_562] {strides = array<i32>} : memref<4x16x768xf32, #tpu.memory_space<vmem>>, vector<1x1x16xf32>,
        %parallel_loop3A_564 = vector.shape_cast %parallel_loop3A_563 : vector<1x1x16xf32> to vector<16xf32>
        %parallel_loop3A_565 = vector.shape_cast %parallel_loop3A_467 : vector<16xf32> to vector<1x1x16xf32>
        tpu.vector_store %arg12[%parallel_loop3A_560, %parallel_loop3A_561, %parallel_loop3A_562], %parallel_loop3A_565 {add = true, strides = array<i32>} : memref<4x16x768xf32, #tpu.memory_space<vmem>>, vector<1x1x16xf32>,
        %parallel_loop3A_566 = arith.constant 2 : i32
        %parallel_loop3A_567 = arith.index_cast %parallel_loop3A_566 : i32 to index
        %parallel_loop3A_568 = arith.index_cast %parallel_loop3A_455 : i32 to index
        %parallel_loop3A_569 = arith.constant 32 : index
        %parallel_loop3A_570 = tpu.vector_load %arg12[%parallel_loop3A_567, %parallel_loop3A_568, %parallel_loop3A_569] {strides = array<i32>} : memref<4x16x768xf32, #tpu.memory_space<vmem>>, vector<1x1x16xf32>,
        %parallel_loop3A_571 = vector.shape_cast %parallel_loop3A_570 : vector<1x1x16xf32> to vector<16xf32>
        %parallel_loop3A_572 = vector.shape_cast %parallel_loop3A_473 : vector<16xf32> to vector<1x1x16xf32>
        tpu.vector_store %arg12[%parallel_loop3A_567, %parallel_loop3A_568, %parallel_loop3A_569], %parallel_loop3A_572 {add = true, strides = array<i32>} : memref<4x16x768xf32, #tpu.memory_space<vmem>>, vector<1x1x16xf32>,
        %parallel_loop3A_573 = arith.constant 2 : i32
        %parallel_loop3A_574 = arith.index_cast %parallel_loop3A_573 : i32 to index
        %parallel_loop3A_575 = arith.index_cast %parallel_loop3A_455 : i32 to index
        %parallel_loop3A_576 = arith.constant 48 : index
        %parallel_loop3A_577 = tpu.vector_load %arg12[%parallel_loop3A_574, %parallel_loop3A_575, %parallel_loop3A_576] {strides = array<i32>} : memref<4x16x768xf32, #tpu.memory_space<vmem>>, vector<1x1x16xf32>,
        %parallel_loop3A_578 = vector.shape_cast %parallel_loop3A_577 : vector<1x1x16xf32> to vector<16xf32>
        %parallel_loop3A_579 = vector.shape_cast %parallel_loop3A_479 : vector<16xf32> to vector<1x1x16xf32>
        tpu.vector_store %arg12[%parallel_loop3A_574, %parallel_loop3A_575, %parallel_loop3A_576], %parallel_loop3A_579 {add = true, strides = array<i32>} : memref<4x16x768xf32, #tpu.memory_space<vmem>>, vector<1x1x16xf32>,
        %parallel_loop3A_580 = arith.constant 2 : i32
        %parallel_loop3A_581 = arith.index_cast %parallel_loop3A_580 : i32 to index
        %parallel_loop3A_582 = arith.index_cast %parallel_loop3A_455 : i32 to index
        %parallel_loop3A_583 = arith.constant 64 : index
        %parallel_loop3A_584 = tpu.vector_load %arg12[%parallel_loop3A_581, %parallel_loop3A_582, %parallel_loop3A_583] {strides = array<i32>} : memref<4x16x768xf32, #tpu.memory_space<vmem>>, vector<1x1x16xf32>,
        %parallel_loop3A_585 = vector.shape_cast %parallel_loop3A_584 : vector<1x1x16xf32> to vector<16xf32>
        %parallel_loop3A_586 = vector.shape_cast %parallel_loop3A_485 : vector<16xf32> to vector<1x1x16xf32>
        tpu.vector_store %arg12[%parallel_loop3A_581, %parallel_loop3A_582, %parallel_loop3A_583], %parallel_loop3A_586 {add = true, strides = array<i32>} : memref<4x16x768xf32, #tpu.memory_space<vmem>>, vector<1x1x16xf32>,
        %parallel_loop3A_587 = arith.constant 2 : i32
        %parallel_loop3A_588 = arith.index_cast %parallel_loop3A_587 : i32 to index
        %parallel_loop3A_589 = arith.index_cast %parallel_loop3A_455 : i32 to index
        %parallel_loop3A_590 = arith.constant 80 : index
        %parallel_loop3A_591 = tpu.vector_load %arg12[%parallel_loop3A_588, %parallel_loop3A_589, %parallel_loop3A_590] {strides = array<i32>} : memref<4x16x768xf32, #tpu.memory_space<vmem>>, vector<1x1x16xf32>,
        %parallel_loop3A_592 = vector.shape_cast %parallel_loop3A_591 : vector<1x1x16xf32> to vector<16xf32>
        %parallel_loop3A_593 = vector.shape_cast %parallel_loop3A_491 : vector<16xf32> to vector<1x1x16xf32>
        tpu.vector_store %arg12[%parallel_loop3A_588, %parallel_loop3A_589, %parallel_loop3A_590], %parallel_loop3A_593 {add = true, strides = array<i32>} : memref<4x16x768xf32, #tpu.memory_space<vmem>>, vector<1x1x16xf32>,
        %parallel_loop3A_594 = arith.constant 2 : i32
        %parallel_loop3A_595 = arith.index_cast %parallel_loop3A_594 : i32 to index
        %parallel_loop3A_596 = arith.index_cast %parallel_loop3A_455 : i32 to index
        %parallel_loop3A_597 = arith.constant 96 : index
        %parallel_loop3A_598 = tpu.vector_load %arg12[%parallel_loop3A_595, %parallel_loop3A_596, %parallel_loop3A_597] {strides = array<i32>} : memref<4x16x768xf32, #tpu.memory_space<vmem>>, vector<1x1x16xf32>,
        %parallel_loop3A_599 = vector.shape_cast %parallel_loop3A_598 : vector<1x1x16xf32> to vector<16xf32>
        %parallel_loop3A_600 = vector.shape_cast %parallel_loop3A_497 : vector<16xf32> to vector<1x1x16xf32>
        tpu.vector_store %arg12[%parallel_loop3A_595, %parallel_loop3A_596, %parallel_loop3A_597], %parallel_loop3A_600 {add = true, strides = array<i32>} : memref<4x16x768xf32, #tpu.memory_space<vmem>>, vector<1x1x16xf32>,
        %parallel_loop3A_601 = arith.constant 2 : i32
        %parallel_loop3A_602 = arith.index_cast %parallel_loop3A_601 : i32 to index
        %parallel_loop3A_603 = arith.index_cast %parallel_loop3A_455 : i32 to index
        %parallel_loop3A_604 = arith.constant 112 : index
        %parallel_loop3A_605 = tpu.vector_load %arg12[%parallel_loop3A_602, %parallel_loop3A_603, %parallel_loop3A_604] {strides = array<i32>} : memref<4x16x768xf32, #tpu.memory_space<vmem>>, vector<1x1x16xf32>,
        %parallel_loop3A_606 = vector.shape_cast %parallel_loop3A_605 : vector<1x1x16xf32> to vector<16xf32>
        %parallel_loop3A_607 = vector.shape_cast %parallel_loop3A_503 : vector<16xf32> to vector<1x1x16xf32>
        tpu.vector_store %arg12[%parallel_loop3A_602, %parallel_loop3A_603, %parallel_loop3A_604], %parallel_loop3A_607 {add = true, strides = array<i32>} : memref<4x16x768xf32, #tpu.memory_space<vmem>>, vector<1x1x16xf32>,
        %parallel_loop3A_608 = arith.constant 2 : i32
        %parallel_loop3A_609 = arith.index_cast %parallel_loop3A_608 : i32 to index
        %parallel_loop3A_610 = arith.index_cast %parallel_loop3A_455 : i32 to index
        %parallel_loop3A_611 = arith.constant 384 : index
        %parallel_loop3A_612 = tpu.vector_load %arg12[%parallel_loop3A_609, %parallel_loop3A_610, %parallel_loop3A_611] {strides = array<i32>} : memref<4x16x768xf32, #tpu.memory_space<vmem>>, vector<1x1x16xf32>,
        %parallel_loop3A_613 = vector.shape_cast %parallel_loop3A_612 : vector<1x1x16xf32> to vector<16xf32>
        %parallel_loop3A_614 = vector.shape_cast %parallel_loop3A_509 : vector<16xf32> to vector<1x1x16xf32>
        tpu.vector_store %arg12[%parallel_loop3A_609, %parallel_loop3A_610, %parallel_loop3A_611], %parallel_loop3A_614 {add = true, strides = array<i32>} : memref<4x16x768xf32, #tpu.memory_space<vmem>>, vector<1x1x16xf32>,
        %parallel_loop3A_615 = arith.constant 2 : i32
        %parallel_loop3A_616 = arith.index_cast %parallel_loop3A_615 : i32 to index
        %parallel_loop3A_617 = arith.index_cast %parallel_loop3A_455 : i32 to index
        %parallel_loop3A_618 = arith.constant 400 : index
        %parallel_loop3A_619 = tpu.vector_load %arg12[%parallel_loop3A_616, %parallel_loop3A_617, %parallel_loop3A_618] {strides = array<i32>} : memref<4x16x768xf32, #tpu.memory_space<vmem>>, vector<1x1x16xf32>,
        %parallel_loop3A_620 = vector.shape_cast %parallel_loop3A_619 : vector<1x1x16xf32> to vector<16xf32>
        %parallel_loop3A_621 = vector.shape_cast %parallel_loop3A_515 : vector<16xf32> to vector<1x1x16xf32>
        tpu.vector_store %arg12[%parallel_loop3A_616, %parallel_loop3A_617, %parallel_loop3A_618], %parallel_loop3A_621 {add = true, strides = array<i32>} : memref<4x16x768xf32, #tpu.memory_space<vmem>>, vector<1x1x16xf32>,
        %parallel_loop3A_622 = arith.constant 2 : i32
        %parallel_loop3A_623 = arith.index_cast %parallel_loop3A_622 : i32 to index
        %parallel_loop3A_624 = arith.index_cast %parallel_loop3A_455 : i32 to index
        %parallel_loop3A_625 = arith.constant 416 : index
        %parallel_loop3A_626 = tpu.vector_load %arg12[%parallel_loop3A_623, %parallel_loop3A_624, %parallel_loop3A_625] {strides = array<i32>} : memref<4x16x768xf32, #tpu.memory_space<vmem>>, vector<1x1x16xf32>,
        %parallel_loop3A_627 = vector.shape_cast %parallel_loop3A_626 : vector<1x1x16xf32> to vector<16xf32>
        %parallel_loop3A_628 = vector.shape_cast %parallel_loop3A_521 : vector<16xf32> to vector<1x1x16xf32>
        tpu.vector_store %arg12[%parallel_loop3A_623, %parallel_loop3A_624, %parallel_loop3A_625], %parallel_loop3A_628 {add = true, strides = array<i32>} : memref<4x16x768xf32, #tpu.memory_space<vmem>>, vector<1x1x16xf32>,
        %parallel_loop3A_629 = arith.constant 2 : i32
        %parallel_loop3A_630 = arith.index_cast %parallel_loop3A_629 : i32 to index
        %parallel_loop3A_631 = arith.index_cast %parallel_loop3A_455 : i32 to index
        %parallel_loop3A_632 = arith.constant 432 : index
        %parallel_loop3A_633 = tpu.vector_load %arg12[%parallel_loop3A_630, %parallel_loop3A_631, %parallel_loop3A_632] {strides = array<i32>} : memref<4x16x768xf32, #tpu.memory_space<vmem>>, vector<1x1x16xf32>,
        %parallel_loop3A_634 = vector.shape_cast %parallel_loop3A_633 : vector<1x1x16xf32> to vector<16xf32>
        %parallel_loop3A_635 = vector.shape_cast %parallel_loop3A_527 : vector<16xf32> to vector<1x1x16xf32>
        tpu.vector_store %arg12[%parallel_loop3A_630, %parallel_loop3A_631, %parallel_loop3A_632], %parallel_loop3A_635 {add = true, strides = array<i32>} : memref<4x16x768xf32, #tpu.memory_space<vmem>>, vector<1x1x16xf32>,
        %parallel_loop3A_636 = arith.constant 2 : i32
        %parallel_loop3A_637 = arith.index_cast %parallel_loop3A_636 : i32 to index
        %parallel_loop3A_638 = arith.index_cast %parallel_loop3A_455 : i32 to index
        %parallel_loop3A_639 = arith.constant 448 : index
        %parallel_loop3A_640 = tpu.vector_load %arg12[%parallel_loop3A_637, %parallel_loop3A_638, %parallel_loop3A_639] {strides = array<i32>} : memref<4x16x768xf32, #tpu.memory_space<vmem>>, vector<1x1x16xf32>,
        %parallel_loop3A_641 = vector.shape_cast %parallel_loop3A_640 : vector<1x1x16xf32> to vector<16xf32>
        %parallel_loop3A_642 = vector.shape_cast %parallel_loop3A_533 : vector<16xf32> to vector<1x1x16xf32>
        tpu.vector_store %arg12[%parallel_loop3A_637, %parallel_loop3A_638, %parallel_loop3A_639], %parallel_loop3A_642 {add = true, strides = array<i32>} : memref<4x16x768xf32, #tpu.memory_space<vmem>>, vector<1x1x16xf32>,
        %parallel_loop3A_643 = arith.constant 2 : i32
        %parallel_loop3A_644 = arith.index_cast %parallel_loop3A_643 : i32 to index
        %parallel_loop3A_645 = arith.index_cast %parallel_loop3A_455 : i32 to index
        %parallel_loop3A_646 = arith.constant 464 : index
        %parallel_loop3A_647 = tpu.vector_load %arg12[%parallel_loop3A_644, %parallel_loop3A_645, %parallel_loop3A_646] {strides = array<i32>} : memref<4x16x768xf32, #tpu.memory_space<vmem>>, vector<1x1x16xf32>,
        %parallel_loop3A_648 = vector.shape_cast %parallel_loop3A_647 : vector<1x1x16xf32> to vector<16xf32>
        %parallel_loop3A_649 = vector.shape_cast %parallel_loop3A_539 : vector<16xf32> to vector<1x1x16xf32>
        tpu.vector_store %arg12[%parallel_loop3A_644, %parallel_loop3A_645, %parallel_loop3A_646], %parallel_loop3A_649 {add = true, strides = array<i32>} : memref<4x16x768xf32, #tpu.memory_space<vmem>>, vector<1x1x16xf32>,
        %parallel_loop3A_650 = arith.constant 2 : i32
        %parallel_loop3A_651 = arith.index_cast %parallel_loop3A_650 : i32 to index
        %parallel_loop3A_652 = arith.index_cast %parallel_loop3A_455 : i32 to index
        %parallel_loop3A_653 = arith.constant 480 : index
        %parallel_loop3A_654 = tpu.vector_load %arg12[%parallel_loop3A_651, %parallel_loop3A_652, %parallel_loop3A_653] {strides = array<i32>} : memref<4x16x768xf32, #tpu.memory_space<vmem>>, vector<1x1x16xf32>,
        %parallel_loop3A_655 = vector.shape_cast %parallel_loop3A_654 : vector<1x1x16xf32> to vector<16xf32>
        %parallel_loop3A_656 = vector.shape_cast %parallel_loop3A_545 : vector<16xf32> to vector<1x1x16xf32>
        tpu.vector_store %arg12[%parallel_loop3A_651, %parallel_loop3A_652, %parallel_loop3A_653], %parallel_loop3A_656 {add = true, strides = array<i32>} : memref<4x16x768xf32, #tpu.memory_space<vmem>>, vector<1x1x16xf32>,
        %parallel_loop3A_657 = arith.constant 2 : i32
        %parallel_loop3A_658 = arith.index_cast %parallel_loop3A_657 : i32 to index
        %parallel_loop3A_659 = arith.index_cast %parallel_loop3A_455 : i32 to index
        %parallel_loop3A_660 = arith.constant 496 : index
        %parallel_loop3A_661 = tpu.vector_load %arg12[%parallel_loop3A_658, %parallel_loop3A_659, %parallel_loop3A_660] {strides = array<i32>} : memref<4x16x768xf32, #tpu.memory_space<vmem>>, vector<1x1x16xf32>,
        %parallel_loop3A_662 = vector.shape_cast %parallel_loop3A_661 : vector<1x1x16xf32> to vector<16xf32>
        %parallel_loop3A_663 = vector.shape_cast %parallel_loop3A_551 : vector<16xf32> to vector<1x1x16xf32>
        tpu.vector_store %arg12[%parallel_loop3A_658, %parallel_loop3A_659, %parallel_loop3A_660], %parallel_loop3A_663 {add = true, strides = array<i32>} : memref<4x16x768xf32, #tpu.memory_space<vmem>>, vector<1x1x16xf32>,
        %parallel_loop3A_664 = arith.constant 2 : i32
        %parallel_loop3A_665 = arith.index_cast %parallel_loop3A_664 : i32 to index
        %parallel_loop3A_666 = arith.index_cast %parallel_loop3A_455 : i32 to index
        %parallel_loop3A_667 = arith.constant 128 : index
        %parallel_loop3A_668 = tpu.vector_load %arg10[%parallel_loop3A_665, %parallel_loop3A_666, %parallel_loop3A_667] {strides = array<i32>} : memref<4x16x384xf32, #tpu.memory_space<vmem>>, vector<1x1x16xf32>,
        %parallel_loop3A_669 = vector.shape_cast %parallel_loop3A_668 : vector<1x1x16xf32> to vector<16xf32>
        %parallel_loop3A_670 = arith.constant 2 : i32
        %parallel_loop3A_671 = arith.index_cast %parallel_loop3A_670 : i32 to index
        %parallel_loop3A_672 = arith.index_cast %parallel_loop3A_455 : i32 to index
        %parallel_loop3A_673 = arith.constant 144 : index
        %parallel_loop3A_674 = tpu.vector_load %arg10[%parallel_loop3A_671, %parallel_loop3A_672, %parallel_loop3A_673] {strides = array<i32>} : memref<4x16x384xf32, #tpu.memory_space<vmem>>, vector<1x1x16xf32>,
        %parallel_loop3A_675 = vector.shape_cast %parallel_loop3A_674 : vector<1x1x16xf32> to vector<16xf32>
        %parallel_loop3A_676 = arith.constant 2 : i32
        %parallel_loop3A_677 = arith.index_cast %parallel_loop3A_676 : i32 to index
        %parallel_loop3A_678 = arith.index_cast %parallel_loop3A_455 : i32 to index
        %parallel_loop3A_679 = arith.constant 160 : index
        %parallel_loop3A_680 = tpu.vector_load %arg10[%parallel_loop3A_677, %parallel_loop3A_678, %parallel_loop3A_679] {strides = array<i32>} : memref<4x16x384xf32, #tpu.memory_space<vmem>>, vector<1x1x16xf32>,
        %parallel_loop3A_681 = vector.shape_cast %parallel_loop3A_680 : vector<1x1x16xf32> to vector<16xf32>
        %parallel_loop3A_682 = arith.constant 2 : i32
        %parallel_loop3A_683 = arith.index_cast %parallel_loop3A_682 : i32 to index
        %parallel_loop3A_684 = arith.index_cast %parallel_loop3A_455 : i32 to index
        %parallel_loop3A_685 = arith.constant 176 : index
        %parallel_loop3A_686 = tpu.vector_load %arg10[%parallel_loop3A_683, %parallel_loop3A_684, %parallel_loop3A_685] {strides = array<i32>} : memref<4x16x384xf32, #tpu.memory_space<vmem>>, vector<1x1x16xf32>,
        %parallel_loop3A_687 = vector.shape_cast %parallel_loop3A_686 : vector<1x1x16xf32> to vector<16xf32>
        %parallel_loop3A_688 = arith.constant 2 : i32
        %parallel_loop3A_689 = arith.index_cast %parallel_loop3A_688 : i32 to index
        %parallel_loop3A_690 = arith.index_cast %parallel_loop3A_455 : i32 to index
        %parallel_loop3A_691 = arith.constant 192 : index
        %parallel_loop3A_692 = tpu.vector_load %arg10[%parallel_loop3A_689, %parallel_loop3A_690, %parallel_loop3A_691] {strides = array<i32>} : memref<4x16x384xf32, #tpu.memory_space<vmem>>, vector<1x1x16xf32>,
        %parallel_loop3A_693 = vector.shape_cast %parallel_loop3A_692 : vector<1x1x16xf32> to vector<16xf32>
        %parallel_loop3A_694 = arith.constant 2 : i32
        %parallel_loop3A_695 = arith.index_cast %parallel_loop3A_694 : i32 to index
        %parallel_loop3A_696 = arith.index_cast %parallel_loop3A_455 : i32 to index
        %parallel_loop3A_697 = arith.constant 208 : index
        %parallel_loop3A_698 = tpu.vector_load %arg10[%parallel_loop3A_695, %parallel_loop3A_696, %parallel_loop3A_697] {strides = array<i32>} : memref<4x16x384xf32, #tpu.memory_space<vmem>>, vector<1x1x16xf32>,
        %parallel_loop3A_699 = vector.shape_cast %parallel_loop3A_698 : vector<1x1x16xf32> to vector<16xf32>
        %parallel_loop3A_700 = arith.constant 2 : i32
        %parallel_loop3A_701 = arith.index_cast %parallel_loop3A_700 : i32 to index
        %parallel_loop3A_702 = arith.index_cast %parallel_loop3A_455 : i32 to index
        %parallel_loop3A_703 = arith.constant 224 : index
        %parallel_loop3A_704 = tpu.vector_load %arg10[%parallel_loop3A_701, %parallel_loop3A_702, %parallel_loop3A_703] {strides = array<i32>} : memref<4x16x384xf32, #tpu.memory_space<vmem>>, vector<1x1x16xf32>,
        %parallel_loop3A_705 = vector.shape_cast %parallel_loop3A_704 : vector<1x1x16xf32> to vector<16xf32>
        %parallel_loop3A_706 = arith.constant 2 : i32
        %parallel_loop3A_707 = arith.index_cast %parallel_loop3A_706 : i32 to index
        %parallel_loop3A_708 = arith.index_cast %parallel_loop3A_455 : i32 to index
        %parallel_loop3A_709 = arith.constant 240 : index
        %parallel_loop3A_710 = tpu.vector_load %arg10[%parallel_loop3A_707, %parallel_loop3A_708, %parallel_loop3A_709] {strides = array<i32>} : memref<4x16x384xf32, #tpu.memory_space<vmem>>, vector<1x1x16xf32>,
        %parallel_loop3A_711 = vector.shape_cast %parallel_loop3A_710 : vector<1x1x16xf32> to vector<16xf32>
        %parallel_loop3A_712 = arith.constant 2 : i32
        %parallel_loop3A_713 = arith.index_cast %parallel_loop3A_712 : i32 to index
        %parallel_loop3A_714 = arith.index_cast %parallel_loop3A_455 : i32 to index
        %parallel_loop3A_715 = arith.constant 128 : index
        %parallel_loop3A_716 = tpu.vector_load %arg11[%parallel_loop3A_713, %parallel_loop3A_714, %parallel_loop3A_715] {strides = array<i32>} : memref<4x16x384xf32, #tpu.memory_space<vmem>>, vector<1x1x16xf32>,
        %parallel_loop3A_717 = vector.shape_cast %parallel_loop3A_716 : vector<1x1x16xf32> to vector<16xf32>
        %parallel_loop3A_718 = arith.constant 2 : i32
        %parallel_loop3A_719 = arith.index_cast %parallel_loop3A_718 : i32 to index
        %parallel_loop3A_720 = arith.index_cast %parallel_loop3A_455 : i32 to index
        %parallel_loop3A_721 = arith.constant 144 : index
        %parallel_loop3A_722 = tpu.vector_load %arg11[%parallel_loop3A_719, %parallel_loop3A_720, %parallel_loop3A_721] {strides = array<i32>} : memref<4x16x384xf32, #tpu.memory_space<vmem>>, vector<1x1x16xf32>,
        %parallel_loop3A_723 = vector.shape_cast %parallel_loop3A_722 : vector<1x1x16xf32> to vector<16xf32>
        %parallel_loop3A_724 = arith.constant 2 : i32
        %parallel_loop3A_725 = arith.index_cast %parallel_loop3A_724 : i32 to index
        %parallel_loop3A_726 = arith.index_cast %parallel_loop3A_455 : i32 to index
        %parallel_loop3A_727 = arith.constant 160 : index
        %parallel_loop3A_728 = tpu.vector_load %arg11[%parallel_loop3A_725, %parallel_loop3A_726, %parallel_loop3A_727] {strides = array<i32>} : memref<4x16x384xf32, #tpu.memory_space<vmem>>, vector<1x1x16xf32>,
        %parallel_loop3A_729 = vector.shape_cast %parallel_loop3A_728 : vector<1x1x16xf32> to vector<16xf32>
        %parallel_loop3A_730 = arith.constant 2 : i32
        %parallel_loop3A_731 = arith.index_cast %parallel_loop3A_730 : i32 to index
        %parallel_loop3A_732 = arith.index_cast %parallel_loop3A_455 : i32 to index
        %parallel_loop3A_733 = arith.constant 176 : index
        %parallel_loop3A_734 = tpu.vector_load %arg11[%parallel_loop3A_731, %parallel_loop3A_732, %parallel_loop3A_733] {strides = array<i32>} : memref<4x16x384xf32, #tpu.memory_space<vmem>>, vector<1x1x16xf32>,
        %parallel_loop3A_735 = vector.shape_cast %parallel_loop3A_734 : vector<1x1x16xf32> to vector<16xf32>
        %parallel_loop3A_736 = arith.constant 2 : i32
        %parallel_loop3A_737 = arith.index_cast %parallel_loop3A_736 : i32 to index
        %parallel_loop3A_738 = arith.index_cast %parallel_loop3A_455 : i32 to index
        %parallel_loop3A_739 = arith.constant 192 : index
        %parallel_loop3A_740 = tpu.vector_load %arg11[%parallel_loop3A_737, %parallel_loop3A_738, %parallel_loop3A_739] {strides = array<i32>} : memref<4x16x384xf32, #tpu.memory_space<vmem>>, vector<1x1x16xf32>,
        %parallel_loop3A_741 = vector.shape_cast %parallel_loop3A_740 : vector<1x1x16xf32> to vector<16xf32>
        %parallel_loop3A_742 = arith.constant 2 : i32
        %parallel_loop3A_743 = arith.index_cast %parallel_loop3A_742 : i32 to index
        %parallel_loop3A_744 = arith.index_cast %parallel_loop3A_455 : i32 to index
        %parallel_loop3A_745 = arith.constant 208 : index
        %parallel_loop3A_746 = tpu.vector_load %arg11[%parallel_loop3A_743, %parallel_loop3A_744, %parallel_loop3A_745] {strides = array<i32>} : memref<4x16x384xf32, #tpu.memory_space<vmem>>, vector<1x1x16xf32>,
        %parallel_loop3A_747 = vector.shape_cast %parallel_loop3A_746 : vector<1x1x16xf32> to vector<16xf32>
        %parallel_loop3A_748 = arith.constant 2 : i32
        %parallel_loop3A_749 = arith.index_cast %parallel_loop3A_748 : i32 to index
        %parallel_loop3A_750 = arith.index_cast %parallel_loop3A_455 : i32 to index
        %parallel_loop3A_751 = arith.constant 224 : index
        %parallel_loop3A_752 = tpu.vector_load %arg11[%parallel_loop3A_749, %parallel_loop3A_750, %parallel_loop3A_751] {strides = array<i32>} : memref<4x16x384xf32, #tpu.memory_space<vmem>>, vector<1x1x16xf32>,
        %parallel_loop3A_753 = vector.shape_cast %parallel_loop3A_752 : vector<1x1x16xf32> to vector<16xf32>
        %parallel_loop3A_754 = arith.constant 2 : i32
        %parallel_loop3A_755 = arith.index_cast %parallel_loop3A_754 : i32 to index
        %parallel_loop3A_756 = arith.index_cast %parallel_loop3A_455 : i32 to index
        %parallel_loop3A_757 = arith.constant 240 : index
        %parallel_loop3A_758 = tpu.vector_load %arg11[%parallel_loop3A_755, %parallel_loop3A_756, %parallel_loop3A_757] {strides = array<i32>} : memref<4x16x384xf32, #tpu.memory_space<vmem>>, vector<1x1x16xf32>,
        %parallel_loop3A_759 = vector.shape_cast %parallel_loop3A_758 : vector<1x1x16xf32> to vector<16xf32>
        %parallel_loop3A_760 = arith.constant 2 : i32
        %parallel_loop3A_761 = arith.index_cast %parallel_loop3A_760 : i32 to index
        %parallel_loop3A_762 = arith.index_cast %parallel_loop3A_455 : i32 to index
        %parallel_loop3A_763 = arith.constant 128 : index
        %parallel_loop3A_764 = tpu.vector_load %arg12[%parallel_loop3A_761, %parallel_loop3A_762, %parallel_loop3A_763] {strides = array<i32>} : memref<4x16x768xf32, #tpu.memory_space<vmem>>, vector<1x1x16xf32>,
        %parallel_loop3A_765 = vector.shape_cast %parallel_loop3A_764 : vector<1x1x16xf32> to vector<16xf32>
        %parallel_loop3A_766 = vector.shape_cast %parallel_loop3A_669 : vector<16xf32> to vector<1x1x16xf32>
        tpu.vector_store %arg12[%parallel_loop3A_761, %parallel_loop3A_762, %parallel_loop3A_763], %parallel_loop3A_766 {add = true, strides = array<i32>} : memref<4x16x768xf32, #tpu.memory_space<vmem>>, vector<1x1x16xf32>,
        %parallel_loop3A_767 = arith.constant 2 : i32
        %parallel_loop3A_768 = arith.index_cast %parallel_loop3A_767 : i32 to index
        %parallel_loop3A_769 = arith.index_cast %parallel_loop3A_455 : i32 to index
        %parallel_loop3A_770 = arith.constant 144 : index
        %parallel_loop3A_771 = tpu.vector_load %arg12[%parallel_loop3A_768, %parallel_loop3A_769, %parallel_loop3A_770] {strides = array<i32>} : memref<4x16x768xf32, #tpu.memory_space<vmem>>, vector<1x1x16xf32>,
        %parallel_loop3A_772 = vector.shape_cast %parallel_loop3A_771 : vector<1x1x16xf32> to vector<16xf32>
        %parallel_loop3A_773 = vector.shape_cast %parallel_loop3A_675 : vector<16xf32> to vector<1x1x16xf32>
        tpu.vector_store %arg12[%parallel_loop3A_768, %parallel_loop3A_769, %parallel_loop3A_770], %parallel_loop3A_773 {add = true, strides = array<i32>} : memref<4x16x768xf32, #tpu.memory_space<vmem>>, vector<1x1x16xf32>,
        %parallel_loop3A_774 = arith.constant 2 : i32
        %parallel_loop3A_775 = arith.index_cast %parallel_loop3A_774 : i32 to index
        %parallel_loop3A_776 = arith.index_cast %parallel_loop3A_455 : i32 to index
        %parallel_loop3A_777 = arith.constant 160 : index
        %parallel_loop3A_778 = tpu.vector_load %arg12[%parallel_loop3A_775, %parallel_loop3A_776, %parallel_loop3A_777] {strides = array<i32>} : memref<4x16x768xf32, #tpu.memory_space<vmem>>, vector<1x1x16xf32>,
        %parallel_loop3A_779 = vector.shape_cast %parallel_loop3A_778 : vector<1x1x16xf32> to vector<16xf32>
        %parallel_loop3A_780 = vector.shape_cast %parallel_loop3A_681 : vector<16xf32> to vector<1x1x16xf32>
        tpu.vector_store %arg12[%parallel_loop3A_775, %parallel_loop3A_776, %parallel_loop3A_777], %parallel_loop3A_780 {add = true, strides = array<i32>} : memref<4x16x768xf32, #tpu.memory_space<vmem>>, vector<1x1x16xf32>,
        %parallel_loop3A_781 = arith.constant 2 : i32
        %parallel_loop3A_782 = arith.index_cast %parallel_loop3A_781 : i32 to index
        %parallel_loop3A_783 = arith.index_cast %parallel_loop3A_455 : i32 to index
        %parallel_loop3A_784 = arith.constant 176 : index
        %parallel_loop3A_785 = tpu.vector_load %arg12[%parallel_loop3A_782, %parallel_loop3A_783, %parallel_loop3A_784] {strides = array<i32>} : memref<4x16x768xf32, #tpu.memory_space<vmem>>, vector<1x1x16xf32>,
        %parallel_loop3A_786 = vector.shape_cast %parallel_loop3A_785 : vector<1x1x16xf32> to vector<16xf32>
        %parallel_loop3A_787 = vector.shape_cast %parallel_loop3A_687 : vector<16xf32> to vector<1x1x16xf32>
        tpu.vector_store %arg12[%parallel_loop3A_782, %parallel_loop3A_783, %parallel_loop3A_784], %parallel_loop3A_787 {add = true, strides = array<i32>} : memref<4x16x768xf32, #tpu.memory_space<vmem>>, vector<1x1x16xf32>,
        %parallel_loop3A_788 = arith.constant 2 : i32
        %parallel_loop3A_789 = arith.index_cast %parallel_loop3A_788 : i32 to index
        %parallel_loop3A_790 = arith.index_cast %parallel_loop3A_455 : i32 to index
        %parallel_loop3A_791 = arith.constant 192 : index
        %parallel_loop3A_792 = tpu.vector_load %arg12[%parallel_loop3A_789, %parallel_loop3A_790, %parallel_loop3A_791] {strides = array<i32>} : memref<4x16x768xf32, #tpu.memory_space<vmem>>, vector<1x1x16xf32>,
        %parallel_loop3A_793 = vector.shape_cast %parallel_loop3A_792 : vector<1x1x16xf32> to vector<16xf32>
        %parallel_loop3A_794 = vector.shape_cast %parallel_loop3A_693 : vector<16xf32> to vector<1x1x16xf32>
        tpu.vector_store %arg12[%parallel_loop3A_789, %parallel_loop3A_790, %parallel_loop3A_791], %parallel_loop3A_794 {add = true, strides = array<i32>} : memref<4x16x768xf32, #tpu.memory_space<vmem>>, vector<1x1x16xf32>,
        %parallel_loop3A_795 = arith.constant 2 : i32
        %parallel_loop3A_796 = arith.index_cast %parallel_loop3A_795 : i32 to index
        %parallel_loop3A_797 = arith.index_cast %parallel_loop3A_455 : i32 to index
        %parallel_loop3A_798 = arith.constant 208 : index
        %parallel_loop3A_799 = tpu.vector_load %arg12[%parallel_loop3A_796, %parallel_loop3A_797, %parallel_loop3A_798] {strides = array<i32>} : memref<4x16x768xf32, #tpu.memory_space<vmem>>, vector<1x1x16xf32>,
        %parallel_loop3A_800 = vector.shape_cast %parallel_loop3A_799 : vector<1x1x16xf32> to vector<16xf32>
        %parallel_loop3A_801 = vector.shape_cast %parallel_loop3A_699 : vector<16xf32> to vector<1x1x16xf32>
        tpu.vector_store %arg12[%parallel_loop3A_796, %parallel_loop3A_797, %parallel_loop3A_798], %parallel_loop3A_801 {add = true, strides = array<i32>} : memref<4x16x768xf32, #tpu.memory_space<vmem>>, vector<1x1x16xf32>,
        %parallel_loop3A_802 = arith.constant 2 : i32
        %parallel_loop3A_803 = arith.index_cast %parallel_loop3A_802 : i32 to index
        %parallel_loop3A_804 = arith.index_cast %parallel_loop3A_455 : i32 to index
        %parallel_loop3A_805 = arith.constant 224 : index
        %parallel_loop3A_806 = tpu.vector_load %arg12[%parallel_loop3A_803, %parallel_loop3A_804, %parallel_loop3A_805] {strides = array<i32>} : memref<4x16x768xf32, #tpu.memory_space<vmem>>, vector<1x1x16xf32>,
        %parallel_loop3A_807 = vector.shape_cast %parallel_loop3A_806 : vector<1x1x16xf32> to vector<16xf32>
        %parallel_loop3A_808 = vector.shape_cast %parallel_loop3A_705 : vector<16xf32> to vector<1x1x16xf32>
        tpu.vector_store %arg12[%parallel_loop3A_803, %parallel_loop3A_804, %parallel_loop3A_805], %parallel_loop3A_808 {add = true, strides = array<i32>} : memref<4x16x768xf32, #tpu.memory_space<vmem>>, vector<1x1x16xf32>,
        %parallel_loop3A_809 = arith.constant 2 : i32
        %parallel_loop3A_810 = arith.index_cast %parallel_loop3A_809 : i32 to index
        %parallel_loop3A_811 = arith.index_cast %parallel_loop3A_455 : i32 to index
        %parallel_loop3A_812 = arith.constant 240 : index
        %parallel_loop3A_813 = tpu.vector_load %arg12[%parallel_loop3A_810, %parallel_loop3A_811, %parallel_loop3A_812] {strides = array<i32>} : memref<4x16x768xf32, #tpu.memory_space<vmem>>, vector<1x1x16xf32>,
        %parallel_loop3A_814 = vector.shape_cast %parallel_loop3A_813 : vector<1x1x16xf32> to vector<16xf32>
        %parallel_loop3A_815 = vector.shape_cast %parallel_loop3A_711 : vector<16xf32> to vector<1x1x16xf32>
        tpu.vector_store %arg12[%parallel_loop3A_810, %parallel_loop3A_811, %parallel_loop3A_812], %parallel_loop3A_815 {add = true, strides = array<i32>} : memref<4x16x768xf32, #tpu.memory_space<vmem>>, vector<1x1x16xf32>,
        %parallel_loop3A_816 = arith.constant 2 : i32
        %parallel_loop3A_817 = arith.index_cast %parallel_loop3A_816 : i32 to index
        %parallel_loop3A_818 = arith.index_cast %parallel_loop3A_455 : i32 to index
        %parallel_loop3A_819 = arith.constant 512 : index
        %parallel_loop3A_820 = tpu.vector_load %arg12[%parallel_loop3A_817, %parallel_loop3A_818, %parallel_loop3A_819] {strides = array<i32>} : memref<4x16x768xf32, #tpu.memory_space<vmem>>, vector<1x1x16xf32>,
        %parallel_loop3A_821 = vector.shape_cast %parallel_loop3A_820 : vector<1x1x16xf32> to vector<16xf32>
        %parallel_loop3A_822 = vector.shape_cast %parallel_loop3A_717 : vector<16xf32> to vector<1x1x16xf32>
        tpu.vector_store %arg12[%parallel_loop3A_817, %parallel_loop3A_818, %parallel_loop3A_819], %parallel_loop3A_822 {add = true, strides = array<i32>} : memref<4x16x768xf32, #tpu.memory_space<vmem>>, vector<1x1x16xf32>,
        %parallel_loop3A_823 = arith.constant 2 : i32
        %parallel_loop3A_824 = arith.index_cast %parallel_loop3A_823 : i32 to index
        %parallel_loop3A_825 = arith.index_cast %parallel_loop3A_455 : i32 to index
        %parallel_loop3A_826 = arith.constant 528 : index
        %parallel_loop3A_827 = tpu.vector_load %arg12[%parallel_loop3A_824, %parallel_loop3A_825, %parallel_loop3A_826] {strides = array<i32>} : memref<4x16x768xf32, #tpu.memory_space<vmem>>, vector<1x1x16xf32>,
        %parallel_loop3A_828 = vector.shape_cast %parallel_loop3A_827 : vector<1x1x16xf32> to vector<16xf32>
        %parallel_loop3A_829 = vector.shape_cast %parallel_loop3A_723 : vector<16xf32> to vector<1x1x16xf32>
        tpu.vector_store %arg12[%parallel_loop3A_824, %parallel_loop3A_825, %parallel_loop3A_826], %parallel_loop3A_829 {add = true, strides = array<i32>} : memref<4x16x768xf32, #tpu.memory_space<vmem>>, vector<1x1x16xf32>,
        %parallel_loop3A_830 = arith.constant 2 : i32
        %parallel_loop3A_831 = arith.index_cast %parallel_loop3A_830 : i32 to index
        %parallel_loop3A_832 = arith.index_cast %parallel_loop3A_455 : i32 to index
        %parallel_loop3A_833 = arith.constant 544 : index
        %parallel_loop3A_834 = tpu.vector_load %arg12[%parallel_loop3A_831, %parallel_loop3A_832, %parallel_loop3A_833] {strides = array<i32>} : memref<4x16x768xf32, #tpu.memory_space<vmem>>, vector<1x1x16xf32>,
        %parallel_loop3A_835 = vector.shape_cast %parallel_loop3A_834 : vector<1x1x16xf32> to vector<16xf32>
        %parallel_loop3A_836 = vector.shape_cast %parallel_loop3A_729 : vector<16xf32> to vector<1x1x16xf32>
        tpu.vector_store %arg12[%parallel_loop3A_831, %parallel_loop3A_832, %parallel_loop3A_833], %parallel_loop3A_836 {add = true, strides = array<i32>} : memref<4x16x768xf32, #tpu.memory_space<vmem>>, vector<1x1x16xf32>,
        %parallel_loop3A_837 = arith.constant 2 : i32
        %parallel_loop3A_838 = arith.index_cast %parallel_loop3A_837 : i32 to index
        %parallel_loop3A_839 = arith.index_cast %parallel_loop3A_455 : i32 to index
        %parallel_loop3A_840 = arith.constant 560 : index
        %parallel_loop3A_841 = tpu.vector_load %arg12[%parallel_loop3A_838, %parallel_loop3A_839, %parallel_loop3A_840] {strides = array<i32>} : memref<4x16x768xf32, #tpu.memory_space<vmem>>, vector<1x1x16xf32>,
        %parallel_loop3A_842 = vector.shape_cast %parallel_loop3A_841 : vector<1x1x16xf32> to vector<16xf32>
        %parallel_loop3A_843 = vector.shape_cast %parallel_loop3A_735 : vector<16xf32> to vector<1x1x16xf32>
        tpu.vector_store %arg12[%parallel_loop3A_838, %parallel_loop3A_839, %parallel_loop3A_840], %parallel_loop3A_843 {add = true, strides = array<i32>} : memref<4x16x768xf32, #tpu.memory_space<vmem>>, vector<1x1x16xf32>,
        %parallel_loop3A_844 = arith.constant 2 : i32
        %parallel_loop3A_845 = arith.index_cast %parallel_loop3A_844 : i32 to index
        %parallel_loop3A_846 = arith.index_cast %parallel_loop3A_455 : i32 to index
        %parallel_loop3A_847 = arith.constant 576 : index
        %parallel_loop3A_848 = tpu.vector_load %arg12[%parallel_loop3A_845, %parallel_loop3A_846, %parallel_loop3A_847] {strides = array<i32>} : memref<4x16x768xf32, #tpu.memory_space<vmem>>, vector<1x1x16xf32>,
        %parallel_loop3A_849 = vector.shape_cast %parallel_loop3A_848 : vector<1x1x16xf32> to vector<16xf32>
        %parallel_loop3A_850 = vector.shape_cast %parallel_loop3A_741 : vector<16xf32> to vector<1x1x16xf32>
        tpu.vector_store %arg12[%parallel_loop3A_845, %parallel_loop3A_846, %parallel_loop3A_847], %parallel_loop3A_850 {add = true, strides = array<i32>} : memref<4x16x768xf32, #tpu.memory_space<vmem>>, vector<1x1x16xf32>,
        %parallel_loop3A_851 = arith.constant 2 : i32
        %parallel_loop3A_852 = arith.index_cast %parallel_loop3A_851 : i32 to index
        %parallel_loop3A_853 = arith.index_cast %parallel_loop3A_455 : i32 to index
        %parallel_loop3A_854 = arith.constant 592 : index
        %parallel_loop3A_855 = tpu.vector_load %arg12[%parallel_loop3A_852, %parallel_loop3A_853, %parallel_loop3A_854] {strides = array<i32>} : memref<4x16x768xf32, #tpu.memory_space<vmem>>, vector<1x1x16xf32>,
        %parallel_loop3A_856 = vector.shape_cast %parallel_loop3A_855 : vector<1x1x16xf32> to vector<16xf32>
        %parallel_loop3A_857 = vector.shape_cast %parallel_loop3A_747 : vector<16xf32> to vector<1x1x16xf32>
        tpu.vector_store %arg12[%parallel_loop3A_852, %parallel_loop3A_853, %parallel_loop3A_854], %parallel_loop3A_857 {add = true, strides = array<i32>} : memref<4x16x768xf32, #tpu.memory_space<vmem>>, vector<1x1x16xf32>,
        %parallel_loop3A_858 = arith.constant 2 : i32
        %parallel_loop3A_859 = arith.index_cast %parallel_loop3A_858 : i32 to index
        %parallel_loop3A_860 = arith.index_cast %parallel_loop3A_455 : i32 to index
        %parallel_loop3A_861 = arith.constant 608 : index
        %parallel_loop3A_862 = tpu.vector_load %arg12[%parallel_loop3A_859, %parallel_loop3A_860, %parallel_loop3A_861] {strides = array<i32>} : memref<4x16x768xf32, #tpu.memory_space<vmem>>, vector<1x1x16xf32>,
        %parallel_loop3A_863 = vector.shape_cast %parallel_loop3A_862 : vector<1x1x16xf32> to vector<16xf32>
        %parallel_loop3A_864 = vector.shape_cast %parallel_loop3A_753 : vector<16xf32> to vector<1x1x16xf32>
        tpu.vector_store %arg12[%parallel_loop3A_859, %parallel_loop3A_860, %parallel_loop3A_861], %parallel_loop3A_864 {add = true, strides = array<i32>} : memref<4x16x768xf32, #tpu.memory_space<vmem>>, vector<1x1x16xf32>,
        %parallel_loop3A_865 = arith.constant 2 : i32
        %parallel_loop3A_866 = arith.index_cast %parallel_loop3A_865 : i32 to index
        %parallel_loop3A_867 = arith.index_cast %parallel_loop3A_455 : i32 to index
        %parallel_loop3A_868 = arith.constant 624 : index
        %parallel_loop3A_869 = tpu.vector_load %arg12[%parallel_loop3A_866, %parallel_loop3A_867, %parallel_loop3A_868] {strides = array<i32>} : memref<4x16x768xf32, #tpu.memory_space<vmem>>, vector<1x1x16xf32>,
        %parallel_loop3A_870 = vector.shape_cast %parallel_loop3A_869 : vector<1x1x16xf32> to vector<16xf32>
        %parallel_loop3A_871 = vector.shape_cast %parallel_loop3A_759 : vector<16xf32> to vector<1x1x16xf32>
        tpu.vector_store %arg12[%parallel_loop3A_866, %parallel_loop3A_867, %parallel_loop3A_868], %parallel_loop3A_871 {add = true, strides = array<i32>} : memref<4x16x768xf32, #tpu.memory_space<vmem>>, vector<1x1x16xf32>,
        %parallel_loop3A_872 = arith.constant 2 : i32
        %parallel_loop3A_873 = arith.index_cast %parallel_loop3A_872 : i32 to index
        %parallel_loop3A_874 = arith.index_cast %parallel_loop3A_455 : i32 to index
        %parallel_loop3A_875 = arith.constant 256 : index
        %parallel_loop3A_876 = tpu.vector_load %arg10[%parallel_loop3A_873, %parallel_loop3A_874, %parallel_loop3A_875] {strides = array<i32>} : memref<4x16x384xf32, #tpu.memory_space<vmem>>, vector<1x1x16xf32>,
        %parallel_loop3A_877 = vector.shape_cast %parallel_loop3A_876 : vector<1x1x16xf32> to vector<16xf32>
        %parallel_loop3A_878 = arith.constant 2 : i32
        %parallel_loop3A_879 = arith.index_cast %parallel_loop3A_878 : i32 to index
        %parallel_loop3A_880 = arith.index_cast %parallel_loop3A_455 : i32 to index
        %parallel_loop3A_881 = arith.constant 272 : index
        %parallel_loop3A_882 = tpu.vector_load %arg10[%parallel_loop3A_879, %parallel_loop3A_880, %parallel_loop3A_881] {strides = array<i32>} : memref<4x16x384xf32, #tpu.memory_space<vmem>>, vector<1x1x16xf32>,
        %parallel_loop3A_883 = vector.shape_cast %parallel_loop3A_882 : vector<1x1x16xf32> to vector<16xf32>
        %parallel_loop3A_884 = arith.constant 2 : i32
        %parallel_loop3A_885 = arith.index_cast %parallel_loop3A_884 : i32 to index
        %parallel_loop3A_886 = arith.index_cast %parallel_loop3A_455 : i32 to index
        %parallel_loop3A_887 = arith.constant 288 : index
        %parallel_loop3A_888 = tpu.vector_load %arg10[%parallel_loop3A_885, %parallel_loop3A_886, %parallel_loop3A_887] {strides = array<i32>} : memref<4x16x384xf32, #tpu.memory_space<vmem>>, vector<1x1x16xf32>,
        %parallel_loop3A_889 = vector.shape_cast %parallel_loop3A_888 : vector<1x1x16xf32> to vector<16xf32>
        %parallel_loop3A_890 = arith.constant 2 : i32
        %parallel_loop3A_891 = arith.index_cast %parallel_loop3A_890 : i32 to index
        %parallel_loop3A_892 = arith.index_cast %parallel_loop3A_455 : i32 to index
        %parallel_loop3A_893 = arith.constant 304 : index
        %parallel_loop3A_894 = tpu.vector_load %arg10[%parallel_loop3A_891, %parallel_loop3A_892, %parallel_loop3A_893] {strides = array<i32>} : memref<4x16x384xf32, #tpu.memory_space<vmem>>, vector<1x1x16xf32>,
        %parallel_loop3A_895 = vector.shape_cast %parallel_loop3A_894 : vector<1x1x16xf32> to vector<16xf32>
        %parallel_loop3A_896 = arith.constant 2 : i32
        %parallel_loop3A_897 = arith.index_cast %parallel_loop3A_896 : i32 to index
        %parallel_loop3A_898 = arith.index_cast %parallel_loop3A_455 : i32 to index
        %parallel_loop3A_899 = arith.constant 320 : index
        %parallel_loop3A_900 = tpu.vector_load %arg10[%parallel_loop3A_897, %parallel_loop3A_898, %parallel_loop3A_899] {strides = array<i32>} : memref<4x16x384xf32, #tpu.memory_space<vmem>>, vector<1x1x16xf32>,
        %parallel_loop3A_901 = vector.shape_cast %parallel_loop3A_900 : vector<1x1x16xf32> to vector<16xf32>
        %parallel_loop3A_902 = arith.constant 2 : i32
        %parallel_loop3A_903 = arith.index_cast %parallel_loop3A_902 : i32 to index
        %parallel_loop3A_904 = arith.index_cast %parallel_loop3A_455 : i32 to index
        %parallel_loop3A_905 = arith.constant 336 : index
        %parallel_loop3A_906 = tpu.vector_load %arg10[%parallel_loop3A_903, %parallel_loop3A_904, %parallel_loop3A_905] {strides = array<i32>} : memref<4x16x384xf32, #tpu.memory_space<vmem>>, vector<1x1x16xf32>,
        %parallel_loop3A_907 = vector.shape_cast %parallel_loop3A_906 : vector<1x1x16xf32> to vector<16xf32>
        %parallel_loop3A_908 = arith.constant 2 : i32
        %parallel_loop3A_909 = arith.index_cast %parallel_loop3A_908 : i32 to index
        %parallel_loop3A_910 = arith.index_cast %parallel_loop3A_455 : i32 to index
        %parallel_loop3A_911 = arith.constant 352 : index
        %parallel_loop3A_912 = tpu.vector_load %arg10[%parallel_loop3A_909, %parallel_loop3A_910, %parallel_loop3A_911] {strides = array<i32>} : memref<4x16x384xf32, #tpu.memory_space<vmem>>, vector<1x1x16xf32>,
        %parallel_loop3A_913 = vector.shape_cast %parallel_loop3A_912 : vector<1x1x16xf32> to vector<16xf32>
        %parallel_loop3A_914 = arith.constant 2 : i32
        %parallel_loop3A_915 = arith.index_cast %parallel_loop3A_914 : i32 to index
        %parallel_loop3A_916 = arith.index_cast %parallel_loop3A_455 : i32 to index
        %parallel_loop3A_917 = arith.constant 368 : index
        %parallel_loop3A_918 = tpu.vector_load %arg10[%parallel_loop3A_915, %parallel_loop3A_916, %parallel_loop3A_917] {strides = array<i32>} : memref<4x16x384xf32, #tpu.memory_space<vmem>>, vector<1x1x16xf32>,
        %parallel_loop3A_919 = vector.shape_cast %parallel_loop3A_918 : vector<1x1x16xf32> to vector<16xf32>
        %parallel_loop3A_920 = arith.constant 2 : i32
        %parallel_loop3A_921 = arith.index_cast %parallel_loop3A_920 : i32 to index
        %parallel_loop3A_922 = arith.index_cast %parallel_loop3A_455 : i32 to index
        %parallel_loop3A_923 = arith.constant 256 : index
        %parallel_loop3A_924 = tpu.vector_load %arg11[%parallel_loop3A_921, %parallel_loop3A_922, %parallel_loop3A_923] {strides = array<i32>} : memref<4x16x384xf32, #tpu.memory_space<vmem>>, vector<1x1x16xf32>,
        %parallel_loop3A_925 = vector.shape_cast %parallel_loop3A_924 : vector<1x1x16xf32> to vector<16xf32>
        %parallel_loop3A_926 = arith.constant 2 : i32
        %parallel_loop3A_927 = arith.index_cast %parallel_loop3A_926 : i32 to index
        %parallel_loop3A_928 = arith.index_cast %parallel_loop3A_455 : i32 to index
        %parallel_loop3A_929 = arith.constant 272 : index
        %parallel_loop3A_930 = tpu.vector_load %arg11[%parallel_loop3A_927, %parallel_loop3A_928, %parallel_loop3A_929] {strides = array<i32>} : memref<4x16x384xf32, #tpu.memory_space<vmem>>, vector<1x1x16xf32>,
        %parallel_loop3A_931 = vector.shape_cast %parallel_loop3A_930 : vector<1x1x16xf32> to vector<16xf32>
        %parallel_loop3A_932 = arith.constant 2 : i32
        %parallel_loop3A_933 = arith.index_cast %parallel_loop3A_932 : i32 to index
        %parallel_loop3A_934 = arith.index_cast %parallel_loop3A_455 : i32 to index
        %parallel_loop3A_935 = arith.constant 288 : index
        %parallel_loop3A_936 = tpu.vector_load %arg11[%parallel_loop3A_933, %parallel_loop3A_934, %parallel_loop3A_935] {strides = array<i32>} : memref<4x16x384xf32, #tpu.memory_space<vmem>>, vector<1x1x16xf32>,
        %parallel_loop3A_937 = vector.shape_cast %parallel_loop3A_936 : vector<1x1x16xf32> to vector<16xf32>
        %parallel_loop3A_938 = arith.constant 2 : i32
        %parallel_loop3A_939 = arith.index_cast %parallel_loop3A_938 : i32 to index
        %parallel_loop3A_940 = arith.index_cast %parallel_loop3A_455 : i32 to index
        %parallel_loop3A_941 = arith.constant 304 : index
        %parallel_loop3A_942 = tpu.vector_load %arg11[%parallel_loop3A_939, %parallel_loop3A_940, %parallel_loop3A_941] {strides = array<i32>} : memref<4x16x384xf32, #tpu.memory_space<vmem>>, vector<1x1x16xf32>,
        %parallel_loop3A_943 = vector.shape_cast %parallel_loop3A_942 : vector<1x1x16xf32> to vector<16xf32>
        %parallel_loop3A_944 = arith.constant 2 : i32
        %parallel_loop3A_945 = arith.index_cast %parallel_loop3A_944 : i32 to index
        %parallel_loop3A_946 = arith.index_cast %parallel_loop3A_455 : i32 to index
        %parallel_loop3A_947 = arith.constant 320 : index
        %parallel_loop3A_948 = tpu.vector_load %arg11[%parallel_loop3A_945, %parallel_loop3A_946, %parallel_loop3A_947] {strides = array<i32>} : memref<4x16x384xf32, #tpu.memory_space<vmem>>, vector<1x1x16xf32>,
        %parallel_loop3A_949 = vector.shape_cast %parallel_loop3A_948 : vector<1x1x16xf32> to vector<16xf32>
        %parallel_loop3A_950 = arith.constant 2 : i32
        %parallel_loop3A_951 = arith.index_cast %parallel_loop3A_950 : i32 to index
        %parallel_loop3A_952 = arith.index_cast %parallel_loop3A_455 : i32 to index
        %parallel_loop3A_953 = arith.constant 336 : index
        %parallel_loop3A_954 = tpu.vector_load %arg11[%parallel_loop3A_951, %parallel_loop3A_952, %parallel_loop3A_953] {strides = array<i32>} : memref<4x16x384xf32, #tpu.memory_space<vmem>>, vector<1x1x16xf32>,
        %parallel_loop3A_955 = vector.shape_cast %parallel_loop3A_954 : vector<1x1x16xf32> to vector<16xf32>
        %parallel_loop3A_956 = arith.constant 2 : i32
        %parallel_loop3A_957 = arith.index_cast %parallel_loop3A_956 : i32 to index
        %parallel_loop3A_958 = arith.index_cast %parallel_loop3A_455 : i32 to index
        %parallel_loop3A_959 = arith.constant 352 : index
        %parallel_loop3A_960 = tpu.vector_load %arg11[%parallel_loop3A_957, %parallel_loop3A_958, %parallel_loop3A_959] {strides = array<i32>} : memref<4x16x384xf32, #tpu.memory_space<vmem>>, vector<1x1x16xf32>,
        %parallel_loop3A_961 = vector.shape_cast %parallel_loop3A_960 : vector<1x1x16xf32> to vector<16xf32>
        %parallel_loop3A_962 = arith.constant 2 : i32
        %parallel_loop3A_963 = arith.index_cast %parallel_loop3A_962 : i32 to index
        %parallel_loop3A_964 = arith.index_cast %parallel_loop3A_455 : i32 to index
        %parallel_loop3A_965 = arith.constant 368 : index
        %parallel_loop3A_966 = tpu.vector_load %arg11[%parallel_loop3A_963, %parallel_loop3A_964, %parallel_loop3A_965] {strides = array<i32>} : memref<4x16x384xf32, #tpu.memory_space<vmem>>, vector<1x1x16xf32>,
        %parallel_loop3A_967 = vector.shape_cast %parallel_loop3A_966 : vector<1x1x16xf32> to vector<16xf32>
        %parallel_loop3A_968 = arith.constant 2 : i32
        %parallel_loop3A_969 = arith.index_cast %parallel_loop3A_968 : i32 to index
        %parallel_loop3A_970 = arith.index_cast %parallel_loop3A_455 : i32 to index
        %parallel_loop3A_971 = arith.constant 256 : index
        %parallel_loop3A_972 = tpu.vector_load %arg12[%parallel_loop3A_969, %parallel_loop3A_970, %parallel_loop3A_971] {strides = array<i32>} : memref<4x16x768xf32, #tpu.memory_space<vmem>>, vector<1x1x16xf32>,
        %parallel_loop3A_973 = vector.shape_cast %parallel_loop3A_972 : vector<1x1x16xf32> to vector<16xf32>
        %parallel_loop3A_974 = vector.shape_cast %parallel_loop3A_877 : vector<16xf32> to vector<1x1x16xf32>
        tpu.vector_store %arg12[%parallel_loop3A_969, %parallel_loop3A_970, %parallel_loop3A_971], %parallel_loop3A_974 {add = true, strides = array<i32>} : memref<4x16x768xf32, #tpu.memory_space<vmem>>, vector<1x1x16xf32>,
        %parallel_loop3A_975 = arith.constant 2 : i32
        %parallel_loop3A_976 = arith.index_cast %parallel_loop3A_975 : i32 to index
        %parallel_loop3A_977 = arith.index_cast %parallel_loop3A_455 : i32 to index
        %parallel_loop3A_978 = arith.constant 272 : index
        %parallel_loop3A_979 = tpu.vector_load %arg12[%parallel_loop3A_976, %parallel_loop3A_977, %parallel_loop3A_978] {strides = array<i32>} : memref<4x16x768xf32, #tpu.memory_space<vmem>>, vector<1x1x16xf32>,
        %parallel_loop3A_980 = vector.shape_cast %parallel_loop3A_979 : vector<1x1x16xf32> to vector<16xf32>
        %parallel_loop3A_981 = vector.shape_cast %parallel_loop3A_883 : vector<16xf32> to vector<1x1x16xf32>
        tpu.vector_store %arg12[%parallel_loop3A_976, %parallel_loop3A_977, %parallel_loop3A_978], %parallel_loop3A_981 {add = true, strides = array<i32>} : memref<4x16x768xf32, #tpu.memory_space<vmem>>, vector<1x1x16xf32>,
        %parallel_loop3A_982 = arith.constant 2 : i32
        %parallel_loop3A_983 = arith.index_cast %parallel_loop3A_982 : i32 to index
        %parallel_loop3A_984 = arith.index_cast %parallel_loop3A_455 : i32 to index
        %parallel_loop3A_985 = arith.constant 288 : index
        %parallel_loop3A_986 = tpu.vector_load %arg12[%parallel_loop3A_983, %parallel_loop3A_984, %parallel_loop3A_985] {strides = array<i32>} : memref<4x16x768xf32, #tpu.memory_space<vmem>>, vector<1x1x16xf32>,
        %parallel_loop3A_987 = vector.shape_cast %parallel_loop3A_986 : vector<1x1x16xf32> to vector<16xf32>
        %parallel_loop3A_988 = vector.shape_cast %parallel_loop3A_889 : vector<16xf32> to vector<1x1x16xf32>
        tpu.vector_store %arg12[%parallel_loop3A_983, %parallel_loop3A_984, %parallel_loop3A_985], %parallel_loop3A_988 {add = true, strides = array<i32>} : memref<4x16x768xf32, #tpu.memory_space<vmem>>, vector<1x1x16xf32>,
        %parallel_loop3A_989 = arith.constant 2 : i32
        %parallel_loop3A_990 = arith.index_cast %parallel_loop3A_989 : i32 to index
        %parallel_loop3A_991 = arith.index_cast %parallel_loop3A_455 : i32 to index
        %parallel_loop3A_992 = arith.constant 304 : index
        %parallel_loop3A_993 = tpu.vector_load %arg12[%parallel_loop3A_990, %parallel_loop3A_991, %parallel_loop3A_992] {strides = array<i32>} : memref<4x16x768xf32, #tpu.memory_space<vmem>>, vector<1x1x16xf32>,
        %parallel_loop3A_994 = vector.shape_cast %parallel_loop3A_993 : vector<1x1x16xf32> to vector<16xf32>
        %parallel_loop3A_995 = vector.shape_cast %parallel_loop3A_895 : vector<16xf32> to vector<1x1x16xf32>
        tpu.vector_store %arg12[%parallel_loop3A_990, %parallel_loop3A_991, %parallel_loop3A_992], %parallel_loop3A_995 {add = true, strides = array<i32>} : memref<4x16x768xf32, #tpu.memory_space<vmem>>, vector<1x1x16xf32>,
        %parallel_loop3A_996 = arith.constant 2 : i32
        %parallel_loop3A_997 = arith.index_cast %parallel_loop3A_996 : i32 to index
        %parallel_loop3A_998 = arith.index_cast %parallel_loop3A_455 : i32 to index
        %parallel_loop3A_999 = arith.constant 320 : index
        %parallel_loop3A_1000 = tpu.vector_load %arg12[%parallel_loop3A_997, %parallel_loop3A_998, %parallel_loop3A_999] {strides = array<i32>} : memref<4x16x768xf32, #tpu.memory_space<vmem>>, vector<1x1x16xf32>,
        %parallel_loop3A_1001 = vector.shape_cast %parallel_loop3A_1000 : vector<1x1x16xf32> to vector<16xf32>
        %parallel_loop3A_1002 = vector.shape_cast %parallel_loop3A_901 : vector<16xf32> to vector<1x1x16xf32>
        tpu.vector_store %arg12[%parallel_loop3A_997, %parallel_loop3A_998, %parallel_loop3A_999], %parallel_loop3A_1002 {add = true, strides = array<i32>} : memref<4x16x768xf32, #tpu.memory_space<vmem>>, vector<1x1x16xf32>,
        %parallel_loop3A_1003 = arith.constant 2 : i32
        %parallel_loop3A_1004 = arith.index_cast %parallel_loop3A_1003 : i32 to index
        %parallel_loop3A_1005 = arith.index_cast %parallel_loop3A_455 : i32 to index
        %parallel_loop3A_1006 = arith.constant 336 : index
        %parallel_loop3A_1007 = tpu.vector_load %arg12[%parallel_loop3A_1004, %parallel_loop3A_1005, %parallel_loop3A_1006] {strides = array<i32>} : memref<4x16x768xf32, #tpu.memory_space<vmem>>, vector<1x1x16xf32>,
        %parallel_loop3A_1008 = vector.shape_cast %parallel_loop3A_1007 : vector<1x1x16xf32> to vector<16xf32>
        %parallel_loop3A_1009 = vector.shape_cast %parallel_loop3A_907 : vector<16xf32> to vector<1x1x16xf32>
        tpu.vector_store %arg12[%parallel_loop3A_1004, %parallel_loop3A_1005, %parallel_loop3A_1006], %parallel_loop3A_1009 {add = true, strides = array<i32>} : memref<4x16x768xf32, #tpu.memory_space<vmem>>, vector<1x1x16xf32>,
        %parallel_loop3A_1010 = arith.constant 2 : i32
        %parallel_loop3A_1011 = arith.index_cast %parallel_loop3A_1010 : i32 to index
        %parallel_loop3A_1012 = arith.index_cast %parallel_loop3A_455 : i32 to index
        %parallel_loop3A_1013 = arith.constant 352 : index
        %parallel_loop3A_1014 = tpu.vector_load %arg12[%parallel_loop3A_1011, %parallel_loop3A_1012, %parallel_loop3A_1013] {strides = array<i32>} : memref<4x16x768xf32, #tpu.memory_space<vmem>>, vector<1x1x16xf32>,
        %parallel_loop3A_1015 = vector.shape_cast %parallel_loop3A_1014 : vector<1x1x16xf32> to vector<16xf32>
        %parallel_loop3A_1016 = vector.shape_cast %parallel_loop3A_913 : vector<16xf32> to vector<1x1x16xf32>
        tpu.vector_store %arg12[%parallel_loop3A_1011, %parallel_loop3A_1012, %parallel_loop3A_1013], %parallel_loop3A_1016 {add = true, strides = array<i32>} : memref<4x16x768xf32, #tpu.memory_space<vmem>>, vector<1x1x16xf32>,
        %parallel_loop3A_1017 = arith.constant 2 : i32
        %parallel_loop3A_1018 = arith.index_cast %parallel_loop3A_1017 : i32 to index
        %parallel_loop3A_1019 = arith.index_cast %parallel_loop3A_455 : i32 to index
        %parallel_loop3A_1020 = arith.constant 368 : index
        %parallel_loop3A_1021 = tpu.vector_load %arg12[%parallel_loop3A_1018, %parallel_loop3A_1019, %parallel_loop3A_1020] {strides = array<i32>} : memref<4x16x768xf32, #tpu.memory_space<vmem>>, vector<1x1x16xf32>,
        %parallel_loop3A_1022 = vector.shape_cast %parallel_loop3A_1021 : vector<1x1x16xf32> to vector<16xf32>
        %parallel_loop3A_1023 = vector.shape_cast %parallel_loop3A_919 : vector<16xf32> to vector<1x1x16xf32>
        tpu.vector_store %arg12[%parallel_loop3A_1018, %parallel_loop3A_1019, %parallel_loop3A_1020], %parallel_loop3A_1023 {add = true, strides = array<i32>} : memref<4x16x768xf32, #tpu.memory_space<vmem>>, vector<1x1x16xf32>,
        %parallel_loop3A_1024 = arith.constant 2 : i32
        %parallel_loop3A_1025 = arith.index_cast %parallel_loop3A_1024 : i32 to index
        %parallel_loop3A_1026 = arith.index_cast %parallel_loop3A_455 : i32 to index
        %parallel_loop3A_1027 = arith.constant 640 : index
        %parallel_loop3A_1028 = tpu.vector_load %arg12[%parallel_loop3A_1025, %parallel_loop3A_1026, %parallel_loop3A_1027] {strides = array<i32>} : memref<4x16x768xf32, #tpu.memory_space<vmem>>, vector<1x1x16xf32>,
        %parallel_loop3A_1029 = vector.shape_cast %parallel_loop3A_1028 : vector<1x1x16xf32> to vector<16xf32>
        %parallel_loop3A_1030 = vector.shape_cast %parallel_loop3A_925 : vector<16xf32> to vector<1x1x16xf32>
        tpu.vector_store %arg12[%parallel_loop3A_1025, %parallel_loop3A_1026, %parallel_loop3A_1027], %parallel_loop3A_1030 {add = true, strides = array<i32>} : memref<4x16x768xf32, #tpu.memory_space<vmem>>, vector<1x1x16xf32>,
        %parallel_loop3A_1031 = arith.constant 2 : i32
        %parallel_loop3A_1032 = arith.index_cast %parallel_loop3A_1031 : i32 to index
        %parallel_loop3A_1033 = arith.index_cast %parallel_loop3A_455 : i32 to index
        %parallel_loop3A_1034 = arith.constant 656 : index
        %parallel_loop3A_1035 = tpu.vector_load %arg12[%parallel_loop3A_1032, %parallel_loop3A_1033, %parallel_loop3A_1034] {strides = array<i32>} : memref<4x16x768xf32, #tpu.memory_space<vmem>>, vector<1x1x16xf32>,
        %parallel_loop3A_1036 = vector.shape_cast %parallel_loop3A_1035 : vector<1x1x16xf32> to vector<16xf32>
        %parallel_loop3A_1037 = vector.shape_cast %parallel_loop3A_931 : vector<16xf32> to vector<1x1x16xf32>
        tpu.vector_store %arg12[%parallel_loop3A_1032, %parallel_loop3A_1033, %parallel_loop3A_1034], %parallel_loop3A_1037 {add = true, strides = array<i32>} : memref<4x16x768xf32, #tpu.memory_space<vmem>>, vector<1x1x16xf32>,
        %parallel_loop3A_1038 = arith.constant 2 : i32
        %parallel_loop3A_1039 = arith.index_cast %parallel_loop3A_1038 : i32 to index
        %parallel_loop3A_1040 = arith.index_cast %parallel_loop3A_455 : i32 to index
        %parallel_loop3A_1041 = arith.constant 672 : index
        %parallel_loop3A_1042 = tpu.vector_load %arg12[%parallel_loop3A_1039, %parallel_loop3A_1040, %parallel_loop3A_1041] {strides = array<i32>} : memref<4x16x768xf32, #tpu.memory_space<vmem>>, vector<1x1x16xf32>,
        %parallel_loop3A_1043 = vector.shape_cast %parallel_loop3A_1042 : vector<1x1x16xf32> to vector<16xf32>
        %parallel_loop3A_1044 = vector.shape_cast %parallel_loop3A_937 : vector<16xf32> to vector<1x1x16xf32>
        tpu.vector_store %arg12[%parallel_loop3A_1039, %parallel_loop3A_1040, %parallel_loop3A_1041], %parallel_loop3A_1044 {add = true, strides = array<i32>} : memref<4x16x768xf32, #tpu.memory_space<vmem>>, vector<1x1x16xf32>,
        %parallel_loop3A_1045 = arith.constant 2 : i32
        %parallel_loop3A_1046 = arith.index_cast %parallel_loop3A_1045 : i32 to index
        %parallel_loop3A_1047 = arith.index_cast %parallel_loop3A_455 : i32 to index
        %parallel_loop3A_1048 = arith.constant 688 : index
        %parallel_loop3A_1049 = tpu.vector_load %arg12[%parallel_loop3A_1046, %parallel_loop3A_1047, %parallel_loop3A_1048] {strides = array<i32>} : memref<4x16x768xf32, #tpu.memory_space<vmem>>, vector<1x1x16xf32>,
        %parallel_loop3A_1050 = vector.shape_cast %parallel_loop3A_1049 : vector<1x1x16xf32> to vector<16xf32>
        %parallel_loop3A_1051 = vector.shape_cast %parallel_loop3A_943 : vector<16xf32> to vector<1x1x16xf32>
        tpu.vector_store %arg12[%parallel_loop3A_1046, %parallel_loop3A_1047, %parallel_loop3A_1048], %parallel_loop3A_1051 {add = true, strides = array<i32>} : memref<4x16x768xf32, #tpu.memory_space<vmem>>, vector<1x1x16xf32>,
        %parallel_loop3A_1052 = arith.constant 2 : i32
        %parallel_loop3A_1053 = arith.index_cast %parallel_loop3A_1052 : i32 to index
        %parallel_loop3A_1054 = arith.index_cast %parallel_loop3A_455 : i32 to index
        %parallel_loop3A_1055 = arith.constant 704 : index
        %parallel_loop3A_1056 = tpu.vector_load %arg12[%parallel_loop3A_1053, %parallel_loop3A_1054, %parallel_loop3A_1055] {strides = array<i32>} : memref<4x16x768xf32, #tpu.memory_space<vmem>>, vector<1x1x16xf32>,
        %parallel_loop3A_1057 = vector.shape_cast %parallel_loop3A_1056 : vector<1x1x16xf32> to vector<16xf32>
        %parallel_loop3A_1058 = vector.shape_cast %parallel_loop3A_949 : vector<16xf32> to vector<1x1x16xf32>
        tpu.vector_store %arg12[%parallel_loop3A_1053, %parallel_loop3A_1054, %parallel_loop3A_1055], %parallel_loop3A_1058 {add = true, strides = array<i32>} : memref<4x16x768xf32, #tpu.memory_space<vmem>>, vector<1x1x16xf32>,
        %parallel_loop3A_1059 = arith.constant 2 : i32
        %parallel_loop3A_1060 = arith.index_cast %parallel_loop3A_1059 : i32 to index
        %parallel_loop3A_1061 = arith.index_cast %parallel_loop3A_455 : i32 to index
        %parallel_loop3A_1062 = arith.constant 720 : index
        %parallel_loop3A_1063 = tpu.vector_load %arg12[%parallel_loop3A_1060, %parallel_loop3A_1061, %parallel_loop3A_1062] {strides = array<i32>} : memref<4x16x768xf32, #tpu.memory_space<vmem>>, vector<1x1x16xf32>,
        %parallel_loop3A_1064 = vector.shape_cast %parallel_loop3A_1063 : vector<1x1x16xf32> to vector<16xf32>
        %parallel_loop3A_1065 = vector.shape_cast %parallel_loop3A_955 : vector<16xf32> to vector<1x1x16xf32>
        tpu.vector_store %arg12[%parallel_loop3A_1060, %parallel_loop3A_1061, %parallel_loop3A_1062], %parallel_loop3A_1065 {add = true, strides = array<i32>} : memref<4x16x768xf32, #tpu.memory_space<vmem>>, vector<1x1x16xf32>,
        %parallel_loop3A_1066 = arith.constant 2 : i32
        %parallel_loop3A_1067 = arith.index_cast %parallel_loop3A_1066 : i32 to index
        %parallel_loop3A_1068 = arith.index_cast %parallel_loop3A_455 : i32 to index
        %parallel_loop3A_1069 = arith.constant 736 : index
        %parallel_loop3A_1070 = tpu.vector_load %arg12[%parallel_loop3A_1067, %parallel_loop3A_1068, %parallel_loop3A_1069] {strides = array<i32>} : memref<4x16x768xf32, #tpu.memory_space<vmem>>, vector<1x1x16xf32>,
        %parallel_loop3A_1071 = vector.shape_cast %parallel_loop3A_1070 : vector<1x1x16xf32> to vector<16xf32>
        %parallel_loop3A_1072 = vector.shape_cast %parallel_loop3A_961 : vector<16xf32> to vector<1x1x16xf32>
        tpu.vector_store %arg12[%parallel_loop3A_1067, %parallel_loop3A_1068, %parallel_loop3A_1069], %parallel_loop3A_1072 {add = true, strides = array<i32>} : memref<4x16x768xf32, #tpu.memory_space<vmem>>, vector<1x1x16xf32>,
        %parallel_loop3A_1073 = arith.constant 2 : i32
        %parallel_loop3A_1074 = arith.index_cast %parallel_loop3A_1073 : i32 to index
        %parallel_loop3A_1075 = arith.index_cast %parallel_loop3A_455 : i32 to index
        %parallel_loop3A_1076 = arith.constant 752 : index
        %parallel_loop3A_1077 = tpu.vector_load %arg12[%parallel_loop3A_1074, %parallel_loop3A_1075, %parallel_loop3A_1076] {strides = array<i32>} : memref<4x16x768xf32, #tpu.memory_space<vmem>>, vector<1x1x16xf32>,
        %parallel_loop3A_1078 = vector.shape_cast %parallel_loop3A_1077 : vector<1x1x16xf32> to vector<16xf32>
        %parallel_loop3A_1079 = vector.shape_cast %parallel_loop3A_967 : vector<16xf32> to vector<1x1x16xf32>
        tpu.vector_store %arg12[%parallel_loop3A_1074, %parallel_loop3A_1075, %parallel_loop3A_1076], %parallel_loop3A_1079 {add = true, strides = array<i32>} : memref<4x16x768xf32, #tpu.memory_space<vmem>>, vector<1x1x16xf32>,
      } {sc.loop_unroll_factor = 1 : i64, sc.parallel_access}
      %mul3A_361 = arith.constant 16 : i32
      %mul3A_362 = arith.muli %add3A_308, %mul3A_361 : i32
      %add3A_363 = arith.addi %mul3A_2, %mul3A_362 : i32
      %dma_start3A_364 = arith.constant 2 : i32
      %dma_start3A_365 = arith.constant 2 : i32
      %dma_start3A_366 = arith.constant 0 : i32
      %dma_start3A_367 = arith.constant 0 : i32
      %dma_start3A_368 = tpu.memref_slice %arg12[%dma_start3A_364, %dma_start3A_366, %dma_start3A_367] : memref<4x16x768xf32, #tpu.memory_space<vmem>> -> memref<1x16x768xf32, #tpu.memory_space<vmem>>
      %dma_start3A_369 = tpu.memref_squeeze %dma_start3A_368 : memref<1x16x768xf32, #tpu.memory_space<vmem>> -> memref<16x768xf32, #tpu.memory_space<vmem>>
      %dma_start3A_370 = arith.constant 0 : i32
      %dma_start3A_371 = tpu.memref_slice %arg7[%add3A_363, %dma_start3A_370] : memref<32768x768xf32, #tpu.memory_space<hbm>> -> memref<16x768xf32, #tpu.memory_space<hbm>>
      %dma_start3A_372 = tpu.memref_slice %arg14[%dma_start3A_365] : memref<4x!tpu.dma_semaphore, #tpu.memory_space<semaphore_mem>> -> memref<1x!tpu.dma_semaphore, #tpu.memory_space<semaphore_mem>>
      %dma_start3A_373 = tpu.memref_squeeze %dma_start3A_372 : memref<1x!tpu.dma_semaphore, #tpu.memory_space<semaphore_mem>> -> memref<!tpu.dma_semaphore, #tpu.memory_space<semaphore_mem>>
      %dma_start3A_374 = arith.constant 0 : i32
      %dma_start3A_375 = tpu.memref_slice %arg7[%add3A_363, %dma_start3A_374] : memref<32768x768xf32, #tpu.memory_space<hbm>> -> memref<16x768xf32, #tpu.memory_space<hbm>>
      %dma_start3A_376 = arith.constant 0 : i32
      %dma_start3A_377 = arith.constant 0 : i32
      %dma_start3A_378 = tpu.memref_slice %arg12[%dma_start3A_364, %dma_start3A_376, %dma_start3A_377] : memref<4x16x768xf32, #tpu.memory_space<vmem>> -> memref<1x16x768xf32, #tpu.memory_space<vmem>>
      %dma_start3A_379 = tpu.memref_squeeze %dma_start3A_378 : memref<1x16x768xf32, #tpu.memory_space<vmem>> -> memref<16x768xf32, #tpu.memory_space<vmem>>
      tpu.enqueue_dma source(%dma_start3A_379 : memref<16x768xf32, #tpu.memory_space<vmem>>) target(%dma_start3A_375 : memref<16x768xf32, #tpu.memory_space<hbm>>) target_semaphore(%dma_start3A_373 : memref<!tpu.dma_semaphore, #tpu.memory_space<semaphore_mem>>)
      %mul3A_380 = arith.constant 4 : i32
      %mul3A_381 = arith.muli %scan3A_158, %mul3A_380 : i32
      %add3A_382 = arith.constant 3 : i32
      %add3A_383 = arith.addi %mul3A_381, %add3A_382 : i32
      %add3A_384 = arith.constant 2 : i32
      %add3A_385 = arith.addi %add3A_383, %add3A_384 : i32
      %lt3A_386 = arith.constant 64 : i32
      %lt3A_387 = arith.cmpi slt, %add3A_385, %lt3A_386 : i32
      %convert_element_type3A_388 = arith.extui %lt3A_387 : i1 to i32
      %cond3A_389 = arith.constant 0 : i32
      %cond3A_390 = arith.cmpi ne, %convert_element_type3A_388, %cond3A_389 : i32
      scf.if %cond3A_390 {
        %ge3A = arith.constant 4 : i32
        %ge3A_455 = arith.cmpi sge, %add3A_385, %ge3A : i32
        %convert_element_type3A_456 = arith.extui %ge3A_455 : i1 to i32
        %cond3A_457 = arith.constant 0 : i32
        %cond3A_458 = arith.cmpi ne, %convert_element_type3A_456, %cond3A_457 : i32
        scf.if %cond3A_458 {
          %dma_wait3A_506 = arith.constant 1 : i32
          %dma_wait3A_507 = arith.constant 1 : i32
          %dma_wait3A_508 = arith.constant 0 : i32
          %dma_wait3A_509 = arith.constant 0 : i32
          %dma_wait3A_510 = tpu.memref_slice %arg12[%dma_wait3A_506, %dma_wait3A_508, %dma_wait3A_509] : memref<4x16x768xf32, #tpu.memory_space<vmem>> -> memref<1x16x768xf32, #tpu.memory_space<vmem>>
          %dma_wait3A_511 = tpu.memref_squeeze %dma_wait3A_510 : memref<1x16x768xf32, #tpu.memory_space<vmem>> -> memref<16x768xf32, #tpu.memory_space<vmem>>
          %dma_wait3A_512 = arith.constant 0 : i32
          %dma_wait3A_513 = tpu.memref_slice %arg7[%mul3A_2, %dma_wait3A_512] : memref<32768x768xf32, #tpu.memory_space<hbm>> -> memref<16x768xf32, #tpu.memory_space<hbm>>
          %dma_wait3A_514 = tpu.memref_slice %arg14[%dma_wait3A_507] : memref<4x!tpu.dma_semaphore, #tpu.memory_space<semaphore_mem>> -> memref<1x!tpu.dma_semaphore, #tpu.memory_space<semaphore_mem>>
          %dma_wait3A_515 = tpu.memref_squeeze %dma_wait3A_514 : memref<1x!tpu.dma_semaphore, #tpu.memory_space<semaphore_mem>> -> memref<!tpu.dma_semaphore, #tpu.memory_space<semaphore_mem>>
          %dma_wait3A_516 = arith.constant 0 : i32
          %dma_wait3A_517 = tpu.memref_slice %arg7[%mul3A_2, %dma_wait3A_516] : memref<32768x768xf32, #tpu.memory_space<hbm>> -> memref<16x768xf32, #tpu.memory_space<hbm>>
          %dma_wait3A_518 = arith.constant 0 : i32
          %dma_wait3A_519 = arith.constant 0 : i32
          %dma_wait3A_520 = tpu.memref_slice %arg12[%dma_wait3A_506, %dma_wait3A_518, %dma_wait3A_519] : memref<4x16x768xf32, #tpu.memory_space<vmem>> -> memref<1x16x768xf32, #tpu.memory_space<vmem>>
          %dma_wait3A_521 = tpu.memref_squeeze %dma_wait3A_520 : memref<1x16x768xf32, #tpu.memory_space<vmem>> -> memref<16x768xf32, #tpu.memory_space<vmem>>
          tpu.wait_dma2 semaphore(%dma_wait3A_515 : memref<!tpu.dma_semaphore, #tpu.memory_space<semaphore_mem>>) src(%dma_wait3A_521 : memref<16x768xf32, #tpu.memory_space<vmem>>) dst(%dma_wait3A_517 : memref<16x768xf32, #tpu.memory_space<hbm>>)
        } else {
        }
        %mul3A_459 = arith.constant 16 : i32
        %mul3A_460 = arith.muli %add3A_385, %mul3A_459 : i32
        %dma_start3A_461 = arith.constant 1 : i32
        %dma_start3A_462 = arith.constant 1 : i32
        %dma_start3A_463 = arith.constant 0 : i32
        %dma_start3A_464 = arith.constant 0 : i32
        %dma_start3A_465 = tpu.memref_slice %arg10[%dma_start3A_461, %dma_start3A_463, %dma_start3A_464] : memref<4x16x384xf32, #tpu.memory_space<vmem>> -> memref<1x16x384xf32, #tpu.memory_space<vmem>>
        %dma_start3A_466 = tpu.memref_squeeze %dma_start3A_465 : memref<1x16x384xf32, #tpu.memory_space<vmem>> -> memref<16x384xf32, #tpu.memory_space<vmem>>
        %dma_start3A_467 = tpu.memref_slice %arg8[%mul3A_460] : memref<1024xi32, #tpu.memory_space<vmem>> -> memref<16xi32, #tpu.memory_space<vmem>>
        %dma_start3A_468 = arith.constant 0 : i32
        %dma_start3A_469 = arith.constant 0 : i32
        %dma_start3A_470 = tpu.memref_slice %arg5[%dma_start3A_468, %dma_start3A_469] : memref<22118x384xf32, #tpu.memory_space<hbm>> -> memref<22118x384xf32, #tpu.memory_space<hbm>>
        %dma_start3A_471 = tpu.memref_slice %arg13[%dma_start3A_462] : memref<4x!tpu.dma_semaphore, #tpu.memory_space<semaphore_mem>> -> memref<1x!tpu.dma_semaphore, #tpu.memory_space<semaphore_mem>>
        %dma_start3A_472 = tpu.memref_squeeze %dma_start3A_471 : memref<1x!tpu.dma_semaphore, #tpu.memory_space<semaphore_mem>> -> memref<!tpu.dma_semaphore, #tpu.memory_space<semaphore_mem>>
        tpu.enqueue_indirect_dma source(%dma_start3A_470 : memref<22118x384xf32, #tpu.memory_space<hbm>>) target(%dma_start3A_466 : memref<16x384xf32, #tpu.memory_space<vmem>>) offsets(%dma_start3A_467 : memref<16xi32, #tpu.memory_space<vmem>>) semaphore(%dma_start3A_472 : memref<!tpu.dma_semaphore, #tpu.memory_space<semaphore_mem>>)
        %mul3A_473 = arith.constant 16 : i32
        %mul3A_474 = arith.muli %add3A_385, %mul3A_473 : i32
        %dma_start3A_475 = arith.constant 1 : i32
        %dma_start3A_476 = arith.constant 1 : i32
        %dma_start3A_477 = arith.constant 0 : i32
        %dma_start3A_478 = arith.constant 0 : i32
        %dma_start3A_479 = tpu.memref_slice %arg11[%dma_start3A_475, %dma_start3A_477, %dma_start3A_478] : memref<4x16x384xf32, #tpu.memory_space<vmem>> -> memref<1x16x384xf32, #tpu.memory_space<vmem>>
        %dma_start3A_480 = tpu.memref_squeeze %dma_start3A_479 : memref<1x16x384xf32, #tpu.memory_space<vmem>> -> memref<16x384xf32, #tpu.memory_space<vmem>>
        %dma_start3A_481 = tpu.memref_slice %arg9[%mul3A_474] : memref<1024xi32, #tpu.memory_space<vmem>> -> memref<16xi32, #tpu.memory_space<vmem>>
        %dma_start3A_482 = arith.constant 0 : i32
        %dma_start3A_483 = arith.constant 0 : i32
        %dma_start3A_484 = tpu.memref_slice %arg6[%dma_start3A_482, %dma_start3A_483] : memref<22118x384xf32, #tpu.memory_space<hbm>> -> memref<22118x384xf32, #tpu.memory_space<hbm>>
        %dma_start3A_485 = tpu.memref_slice %arg13[%dma_start3A_476] : memref<4x!tpu.dma_semaphore, #tpu.memory_space<semaphore_mem>> -> memref<1x!tpu.dma_semaphore, #tpu.memory_space<semaphore_mem>>
        %dma_start3A_486 = tpu.memref_squeeze %dma_start3A_485 : memref<1x!tpu.dma_semaphore, #tpu.memory_space<semaphore_mem>> -> memref<!tpu.dma_semaphore, #tpu.memory_space<semaphore_mem>>
        tpu.enqueue_indirect_dma source(%dma_start3A_484 : memref<22118x384xf32, #tpu.memory_space<hbm>>) target(%dma_start3A_480 : memref<16x384xf32, #tpu.memory_space<vmem>>) offsets(%dma_start3A_481 : memref<16xi32, #tpu.memory_space<vmem>>) semaphore(%dma_start3A_486 : memref<!tpu.dma_semaphore, #tpu.memory_space<semaphore_mem>>)
        %mul3A_487 = arith.constant 16 : i32
        %mul3A_488 = arith.muli %add3A_385, %mul3A_487 : i32
        %add3A_489 = arith.addi %mul3A_2, %mul3A_488 : i32
        %dma_start3A_490 = arith.constant 1 : i32
        %dma_start3A_491 = arith.constant 1 : i32
        %dma_start3A_492 = arith.constant 0 : i32
        %dma_start3A_493 = arith.constant 0 : i32
        %dma_start3A_494 = tpu.memref_slice %arg12[%dma_start3A_490, %dma_start3A_492, %dma_start3A_493] : memref<4x16x768xf32, #tpu.memory_space<vmem>> -> memref<1x16x768xf32, #tpu.memory_space<vmem>>
        %dma_start3A_495 = tpu.memref_squeeze %dma_start3A_494 : memref<1x16x768xf32, #tpu.memory_space<vmem>> -> memref<16x768xf32, #tpu.memory_space<vmem>>
        %dma_start3A_496 = arith.constant 0 : i32
        %dma_start3A_497 = tpu.memref_slice %arg2[%add3A_489, %dma_start3A_496] : memref<32768x768xf32, #tpu.memory_space<hbm>> -> memref<16x768xf32, #tpu.memory_space<hbm>>
        %dma_start3A_498 = tpu.memref_slice %arg13[%dma_start3A_491] : memref<4x!tpu.dma_semaphore, #tpu.memory_space<semaphore_mem>> -> memref<1x!tpu.dma_semaphore, #tpu.memory_space<semaphore_mem>>
        %dma_start3A_499 = tpu.memref_squeeze %dma_start3A_498 : memref<1x!tpu.dma_semaphore, #tpu.memory_space<semaphore_mem>> -> memref<!tpu.dma_semaphore, #tpu.memory_space<semaphore_mem>>
        %dma_start3A_500 = arith.constant 0 : i32
        %dma_start3A_501 = arith.constant 0 : i32
        %dma_start3A_502 = tpu.memref_slice %arg12[%dma_start3A_490, %dma_start3A_500, %dma_start3A_501] : memref<4x16x768xf32, #tpu.memory_space<vmem>> -> memref<1x16x768xf32, #tpu.memory_space<vmem>>
        %dma_start3A_503 = tpu.memref_squeeze %dma_start3A_502 : memref<1x16x768xf32, #tpu.memory_space<vmem>> -> memref<16x768xf32, #tpu.memory_space<vmem>>
        %dma_start3A_504 = arith.constant 0 : i32
        %dma_start3A_505 = tpu.memref_slice %arg2[%add3A_489, %dma_start3A_504] : memref<32768x768xf32, #tpu.memory_space<hbm>> -> memref<16x768xf32, #tpu.memory_space<hbm>>
        tpu.enqueue_dma source(%dma_start3A_505 : memref<16x768xf32, #tpu.memory_space<hbm>>) target(%dma_start3A_503 : memref<16x768xf32, #tpu.memory_space<vmem>>) target_semaphore(%dma_start3A_499 : memref<!tpu.dma_semaphore, #tpu.memory_space<semaphore_mem>>)
      } else {
      }
      %dma_wait3A_391 = arith.constant 3 : i32
      %dma_wait3A_392 = arith.constant 3 : i32
      %dma_wait3A_393 = arith.constant 0 : i32
      %dma_wait3A_394 = arith.constant 0 : i32
      %dma_wait3A_395 = tpu.memref_slice %arg10[%dma_wait3A_391, %dma_wait3A_393, %dma_wait3A_394] : memref<4x16x384xf32, #tpu.memory_space<vmem>> -> memref<1x16x384xf32, #tpu.memory_space<vmem>>
      %dma_wait3A_396 = tpu.memref_squeeze %dma_wait3A_395 : memref<1x16x384xf32, #tpu.memory_space<vmem>> -> memref<16x384xf32, #tpu.memory_space<vmem>>
      %dma_wait3A_397 = arith.constant 0 : i32
      %dma_wait3A_398 = tpu.memref_slice %arg8[%dma_wait3A_397] : memref<1024xi32, #tpu.memory_space<vmem>> -> memref<16xi32, #tpu.memory_space<vmem>>
      %dma_wait3A_399 = arith.constant 0 : i32
      %dma_wait3A_400 = arith.constant 0 : i32
      %dma_wait3A_401 = tpu.memref_slice %arg5[%dma_wait3A_399, %dma_wait3A_400] : memref<22118x384xf32, #tpu.memory_space<hbm>> -> memref<22118x384xf32, #tpu.memory_space<hbm>>
      %dma_wait3A_402 = tpu.memref_slice %arg13[%dma_wait3A_392] : memref<4x!tpu.dma_semaphore, #tpu.memory_space<semaphore_mem>> -> memref<1x!tpu.dma_semaphore, #tpu.memory_space<semaphore_mem>>
      %dma_wait3A_403 = tpu.memref_squeeze %dma_wait3A_402 : memref<1x!tpu.dma_semaphore, #tpu.memory_space<semaphore_mem>> -> memref<!tpu.dma_semaphore, #tpu.memory_space<semaphore_mem>>
      tpu.wait_indirect_dma semaphore(%dma_wait3A_403 : memref<!tpu.dma_semaphore, #tpu.memory_space<semaphore_mem>>) src(%dma_wait3A_401 : memref<22118x384xf32, #tpu.memory_space<hbm>>) dst(%dma_wait3A_396 : memref<16x384xf32, #tpu.memory_space<vmem>>)
      %dma_wait3A_404 = arith.constant 3 : i32
      %dma_wait3A_405 = arith.constant 3 : i32
      %dma_wait3A_406 = arith.constant 0 : i32
      %dma_wait3A_407 = arith.constant 0 : i32
      %dma_wait3A_408 = tpu.memref_slice %arg11[%dma_wait3A_404, %dma_wait3A_406, %dma_wait3A_407] : memref<4x16x384xf32, #tpu.memory_space<vmem>> -> memref<1x16x384xf32, #tpu.memory_space<vmem>>
      %dma_wait3A_409 = tpu.memref_squeeze %dma_wait3A_408 : memref<1x16x384xf32, #tpu.memory_space<vmem>> -> memref<16x384xf32, #tpu.memory_space<vmem>>
      %dma_wait3A_410 = arith.constant 0 : i32
      %dma_wait3A_411 = tpu.memref_slice %arg9[%dma_wait3A_410] : memref<1024xi32, #tpu.memory_space<vmem>> -> memref<16xi32, #tpu.memory_space<vmem>>
      %dma_wait3A_412 = arith.constant 0 : i32
      %dma_wait3A_413 = arith.constant 0 : i32
      %dma_wait3A_414 = tpu.memref_slice %arg6[%dma_wait3A_412, %dma_wait3A_413] : memref<22118x384xf32, #tpu.memory_space<hbm>> -> memref<22118x384xf32, #tpu.memory_space<hbm>>
      %dma_wait3A_415 = tpu.memref_slice %arg13[%dma_wait3A_405] : memref<4x!tpu.dma_semaphore, #tpu.memory_space<semaphore_mem>> -> memref<1x!tpu.dma_semaphore, #tpu.memory_space<semaphore_mem>>
      %dma_wait3A_416 = tpu.memref_squeeze %dma_wait3A_415 : memref<1x!tpu.dma_semaphore, #tpu.memory_space<semaphore_mem>> -> memref<!tpu.dma_semaphore, #tpu.memory_space<semaphore_mem>>
      tpu.wait_indirect_dma semaphore(%dma_wait3A_416 : memref<!tpu.dma_semaphore, #tpu.memory_space<semaphore_mem>>) src(%dma_wait3A_414 : memref<22118x384xf32, #tpu.memory_space<hbm>>) dst(%dma_wait3A_409 : memref<16x384xf32, #tpu.memory_space<vmem>>)
      %dma_wait3A_417 = arith.constant 3 : i32
      %dma_wait3A_418 = arith.constant 3 : i32
      %dma_wait3A_419 = arith.constant 0 : i32
      %dma_wait3A_420 = arith.constant 0 : i32
      %dma_wait3A_421 = tpu.memref_slice %arg12[%dma_wait3A_417, %dma_wait3A_419, %dma_wait3A_420] : memref<4x16x768xf32, #tpu.memory_space<vmem>> -> memref<1x16x768xf32, #tpu.memory_space<vmem>>
      %dma_wait3A_422 = tpu.memref_squeeze %dma_wait3A_421 : memref<1x16x768xf32, #tpu.memory_space<vmem>> -> memref<16x768xf32, #tpu.memory_space<vmem>>
      %dma_wait3A_423 = arith.constant 0 : i32
      %dma_wait3A_424 = tpu.memref_slice %arg2[%mul3A_2, %dma_wait3A_423] : memref<32768x768xf32, #tpu.memory_space<hbm>> -> memref<16x768xf32, #tpu.memory_space<hbm>>
      %dma_wait3A_425 = tpu.memref_slice %arg13[%dma_wait3A_418] : memref<4x!tpu.dma_semaphore, #tpu.memory_space<semaphore_mem>> -> memref<1x!tpu.dma_semaphore, #tpu.memory_space<semaphore_mem>>
      %dma_wait3A_426 = tpu.memref_squeeze %dma_wait3A_425 : memref<1x!tpu.dma_semaphore, #tpu.memory_space<semaphore_mem>> -> memref<!tpu.dma_semaphore, #tpu.memory_space<semaphore_mem>>
      %dma_wait3A_427 = arith.constant 0 : i32
      %dma_wait3A_428 = arith.constant 0 : i32
      %dma_wait3A_429 = tpu.memref_slice %arg12[%dma_wait3A_417, %dma_wait3A_427, %dma_wait3A_428] : memref<4x16x768xf32, #tpu.memory_space<vmem>> -> memref<1x16x768xf32, #tpu.memory_space<vmem>>
      %dma_wait3A_430 = tpu.memref_squeeze %dma_wait3A_429 : memref<1x16x768xf32, #tpu.memory_space<vmem>> -> memref<16x768xf32, #tpu.memory_space<vmem>>
      %dma_wait3A_431 = arith.constant 0 : i32
      %dma_wait3A_432 = tpu.memref_slice %arg2[%mul3A_2, %dma_wait3A_431] : memref<32768x768xf32, #tpu.memory_space<hbm>> -> memref<16x768xf32, #tpu.memory_space<hbm>>
      tpu.wait_dma2 semaphore(%dma_wait3A_426 : memref<!tpu.dma_semaphore, #tpu.memory_space<semaphore_mem>>) src(%dma_wait3A_432 : memref<16x768xf32, #tpu.memory_space<hbm>>) dst(%dma_wait3A_430 : memref<16x768xf32, #tpu.memory_space<vmem>>)
      %parallel_loop3A_433 = arith.constant 0 : i32
      %parallel_loop3A_434 = arith.constant 16 : i32
      %parallel_loop3A_435 = arith.constant 1 : i32
      scf.for %parallel_loop3A_455 = %parallel_loop3A_433 to %parallel_loop3A_434 step %parallel_loop3A_435  : i32 {
        %parallel_loop3A_456 = arith.constant 3 : i32
        %parallel_loop3A_457 = arith.index_cast %parallel_loop3A_456 : i32 to index
        %parallel_loop3A_458 = arith.index_cast %parallel_loop3A_455 : i32 to index
        %parallel_loop3A_459 = arith.constant 0 : index
        %parallel_loop3A_460 = tpu.vector_load %arg10[%parallel_loop3A_457, %parallel_loop3A_458, %parallel_loop3A_459] {strides = array<i32>} : memref<4x16x384xf32, #tpu.memory_space<vmem>>, vector<1x1x16xf32>,
        %parallel_loop3A_461 = vector.shape_cast %parallel_loop3A_460 : vector<1x1x16xf32> to vector<16xf32>
        %parallel_loop3A_462 = arith.constant 3 : i32
        %parallel_loop3A_463 = arith.index_cast %parallel_loop3A_462 : i32 to index
        %parallel_loop3A_464 = arith.index_cast %parallel_loop3A_455 : i32 to index
        %parallel_loop3A_465 = arith.constant 16 : index
        %parallel_loop3A_466 = tpu.vector_load %arg10[%parallel_loop3A_463, %parallel_loop3A_464, %parallel_loop3A_465] {strides = array<i32>} : memref<4x16x384xf32, #tpu.memory_space<vmem>>, vector<1x1x16xf32>,
        %parallel_loop3A_467 = vector.shape_cast %parallel_loop3A_466 : vector<1x1x16xf32> to vector<16xf32>
        %parallel_loop3A_468 = arith.constant 3 : i32
        %parallel_loop3A_469 = arith.index_cast %parallel_loop3A_468 : i32 to index
        %parallel_loop3A_470 = arith.index_cast %parallel_loop3A_455 : i32 to index
        %parallel_loop3A_471 = arith.constant 32 : index
        %parallel_loop3A_472 = tpu.vector_load %arg10[%parallel_loop3A_469, %parallel_loop3A_470, %parallel_loop3A_471] {strides = array<i32>} : memref<4x16x384xf32, #tpu.memory_space<vmem>>, vector<1x1x16xf32>,
        %parallel_loop3A_473 = vector.shape_cast %parallel_loop3A_472 : vector<1x1x16xf32> to vector<16xf32>
        %parallel_loop3A_474 = arith.constant 3 : i32
        %parallel_loop3A_475 = arith.index_cast %parallel_loop3A_474 : i32 to index
        %parallel_loop3A_476 = arith.index_cast %parallel_loop3A_455 : i32 to index
        %parallel_loop3A_477 = arith.constant 48 : index
        %parallel_loop3A_478 = tpu.vector_load %arg10[%parallel_loop3A_475, %parallel_loop3A_476, %parallel_loop3A_477] {strides = array<i32>} : memref<4x16x384xf32, #tpu.memory_space<vmem>>, vector<1x1x16xf32>,
        %parallel_loop3A_479 = vector.shape_cast %parallel_loop3A_478 : vector<1x1x16xf32> to vector<16xf32>
        %parallel_loop3A_480 = arith.constant 3 : i32
        %parallel_loop3A_481 = arith.index_cast %parallel_loop3A_480 : i32 to index
        %parallel_loop3A_482 = arith.index_cast %parallel_loop3A_455 : i32 to index
        %parallel_loop3A_483 = arith.constant 64 : index
        %parallel_loop3A_484 = tpu.vector_load %arg10[%parallel_loop3A_481, %parallel_loop3A_482, %parallel_loop3A_483] {strides = array<i32>} : memref<4x16x384xf32, #tpu.memory_space<vmem>>, vector<1x1x16xf32>,
        %parallel_loop3A_485 = vector.shape_cast %parallel_loop3A_484 : vector<1x1x16xf32> to vector<16xf32>
        %parallel_loop3A_486 = arith.constant 3 : i32
        %parallel_loop3A_487 = arith.index_cast %parallel_loop3A_486 : i32 to index
        %parallel_loop3A_488 = arith.index_cast %parallel_loop3A_455 : i32 to index
        %parallel_loop3A_489 = arith.constant 80 : index
        %parallel_loop3A_490 = tpu.vector_load %arg10[%parallel_loop3A_487, %parallel_loop3A_488, %parallel_loop3A_489] {strides = array<i32>} : memref<4x16x384xf32, #tpu.memory_space<vmem>>, vector<1x1x16xf32>,
        %parallel_loop3A_491 = vector.shape_cast %parallel_loop3A_490 : vector<1x1x16xf32> to vector<16xf32>
        %parallel_loop3A_492 = arith.constant 3 : i32
        %parallel_loop3A_493 = arith.index_cast %parallel_loop3A_492 : i32 to index
        %parallel_loop3A_494 = arith.index_cast %parallel_loop3A_455 : i32 to index
        %parallel_loop3A_495 = arith.constant 96 : index
        %parallel_loop3A_496 = tpu.vector_load %arg10[%parallel_loop3A_493, %parallel_loop3A_494, %parallel_loop3A_495] {strides = array<i32>} : memref<4x16x384xf32, #tpu.memory_space<vmem>>, vector<1x1x16xf32>,
        %parallel_loop3A_497 = vector.shape_cast %parallel_loop3A_496 : vector<1x1x16xf32> to vector<16xf32>
        %parallel_loop3A_498 = arith.constant 3 : i32
        %parallel_loop3A_499 = arith.index_cast %parallel_loop3A_498 : i32 to index
        %parallel_loop3A_500 = arith.index_cast %parallel_loop3A_455 : i32 to index
        %parallel_loop3A_501 = arith.constant 112 : index
        %parallel_loop3A_502 = tpu.vector_load %arg10[%parallel_loop3A_499, %parallel_loop3A_500, %parallel_loop3A_501] {strides = array<i32>} : memref<4x16x384xf32, #tpu.memory_space<vmem>>, vector<1x1x16xf32>,
        %parallel_loop3A_503 = vector.shape_cast %parallel_loop3A_502 : vector<1x1x16xf32> to vector<16xf32>
        %parallel_loop3A_504 = arith.constant 3 : i32
        %parallel_loop3A_505 = arith.index_cast %parallel_loop3A_504 : i32 to index
        %parallel_loop3A_506 = arith.index_cast %parallel_loop3A_455 : i32 to index
        %parallel_loop3A_507 = arith.constant 0 : index
        %parallel_loop3A_508 = tpu.vector_load %arg11[%parallel_loop3A_505, %parallel_loop3A_506, %parallel_loop3A_507] {strides = array<i32>} : memref<4x16x384xf32, #tpu.memory_space<vmem>>, vector<1x1x16xf32>,
        %parallel_loop3A_509 = vector.shape_cast %parallel_loop3A_508 : vector<1x1x16xf32> to vector<16xf32>
        %parallel_loop3A_510 = arith.constant 3 : i32
        %parallel_loop3A_511 = arith.index_cast %parallel_loop3A_510 : i32 to index
        %parallel_loop3A_512 = arith.index_cast %parallel_loop3A_455 : i32 to index
        %parallel_loop3A_513 = arith.constant 16 : index
        %parallel_loop3A_514 = tpu.vector_load %arg11[%parallel_loop3A_511, %parallel_loop3A_512, %parallel_loop3A_513] {strides = array<i32>} : memref<4x16x384xf32, #tpu.memory_space<vmem>>, vector<1x1x16xf32>,
        %parallel_loop3A_515 = vector.shape_cast %parallel_loop3A_514 : vector<1x1x16xf32> to vector<16xf32>
        %parallel_loop3A_516 = arith.constant 3 : i32
        %parallel_loop3A_517 = arith.index_cast %parallel_loop3A_516 : i32 to index
        %parallel_loop3A_518 = arith.index_cast %parallel_loop3A_455 : i32 to index
        %parallel_loop3A_519 = arith.constant 32 : index
        %parallel_loop3A_520 = tpu.vector_load %arg11[%parallel_loop3A_517, %parallel_loop3A_518, %parallel_loop3A_519] {strides = array<i32>} : memref<4x16x384xf32, #tpu.memory_space<vmem>>, vector<1x1x16xf32>,
        %parallel_loop3A_521 = vector.shape_cast %parallel_loop3A_520 : vector<1x1x16xf32> to vector<16xf32>
        %parallel_loop3A_522 = arith.constant 3 : i32
        %parallel_loop3A_523 = arith.index_cast %parallel_loop3A_522 : i32 to index
        %parallel_loop3A_524 = arith.index_cast %parallel_loop3A_455 : i32 to index
        %parallel_loop3A_525 = arith.constant 48 : index
        %parallel_loop3A_526 = tpu.vector_load %arg11[%parallel_loop3A_523, %parallel_loop3A_524, %parallel_loop3A_525] {strides = array<i32>} : memref<4x16x384xf32, #tpu.memory_space<vmem>>, vector<1x1x16xf32>,
        %parallel_loop3A_527 = vector.shape_cast %parallel_loop3A_526 : vector<1x1x16xf32> to vector<16xf32>
        %parallel_loop3A_528 = arith.constant 3 : i32
        %parallel_loop3A_529 = arith.index_cast %parallel_loop3A_528 : i32 to index
        %parallel_loop3A_530 = arith.index_cast %parallel_loop3A_455 : i32 to index
        %parallel_loop3A_531 = arith.constant 64 : index
        %parallel_loop3A_532 = tpu.vector_load %arg11[%parallel_loop3A_529, %parallel_loop3A_530, %parallel_loop3A_531] {strides = array<i32>} : memref<4x16x384xf32, #tpu.memory_space<vmem>>, vector<1x1x16xf32>,
        %parallel_loop3A_533 = vector.shape_cast %parallel_loop3A_532 : vector<1x1x16xf32> to vector<16xf32>
        %parallel_loop3A_534 = arith.constant 3 : i32
        %parallel_loop3A_535 = arith.index_cast %parallel_loop3A_534 : i32 to index
        %parallel_loop3A_536 = arith.index_cast %parallel_loop3A_455 : i32 to index
        %parallel_loop3A_537 = arith.constant 80 : index
        %parallel_loop3A_538 = tpu.vector_load %arg11[%parallel_loop3A_535, %parallel_loop3A_536, %parallel_loop3A_537] {strides = array<i32>} : memref<4x16x384xf32, #tpu.memory_space<vmem>>, vector<1x1x16xf32>,
        %parallel_loop3A_539 = vector.shape_cast %parallel_loop3A_538 : vector<1x1x16xf32> to vector<16xf32>
        %parallel_loop3A_540 = arith.constant 3 : i32
        %parallel_loop3A_541 = arith.index_cast %parallel_loop3A_540 : i32 to index
        %parallel_loop3A_542 = arith.index_cast %parallel_loop3A_455 : i32 to index
        %parallel_loop3A_543 = arith.constant 96 : index
        %parallel_loop3A_544 = tpu.vector_load %arg11[%parallel_loop3A_541, %parallel_loop3A_542, %parallel_loop3A_543] {strides = array<i32>} : memref<4x16x384xf32, #tpu.memory_space<vmem>>, vector<1x1x16xf32>,
        %parallel_loop3A_545 = vector.shape_cast %parallel_loop3A_544 : vector<1x1x16xf32> to vector<16xf32>
        %parallel_loop3A_546 = arith.constant 3 : i32
        %parallel_loop3A_547 = arith.index_cast %parallel_loop3A_546 : i32 to index
        %parallel_loop3A_548 = arith.index_cast %parallel_loop3A_455 : i32 to index
        %parallel_loop3A_549 = arith.constant 112 : index
        %parallel_loop3A_550 = tpu.vector_load %arg11[%parallel_loop3A_547, %parallel_loop3A_548, %parallel_loop3A_549] {strides = array<i32>} : memref<4x16x384xf32, #tpu.memory_space<vmem>>, vector<1x1x16xf32>,
        %parallel_loop3A_551 = vector.shape_cast %parallel_loop3A_550 : vector<1x1x16xf32> to vector<16xf32>
        %parallel_loop3A_552 = arith.constant 3 : i32
        %parallel_loop3A_553 = arith.index_cast %parallel_loop3A_552 : i32 to index
        %parallel_loop3A_554 = arith.index_cast %parallel_loop3A_455 : i32 to index
        %parallel_loop3A_555 = arith.constant 0 : index
        %parallel_loop3A_556 = tpu.vector_load %arg12[%parallel_loop3A_553, %parallel_loop3A_554, %parallel_loop3A_555] {strides = array<i32>} : memref<4x16x768xf32, #tpu.memory_space<vmem>>, vector<1x1x16xf32>,
        %parallel_loop3A_557 = vector.shape_cast %parallel_loop3A_556 : vector<1x1x16xf32> to vector<16xf32>
        %parallel_loop3A_558 = vector.shape_cast %parallel_loop3A_461 : vector<16xf32> to vector<1x1x16xf32>
        tpu.vector_store %arg12[%parallel_loop3A_553, %parallel_loop3A_554, %parallel_loop3A_555], %parallel_loop3A_558 {add = true, strides = array<i32>} : memref<4x16x768xf32, #tpu.memory_space<vmem>>, vector<1x1x16xf32>,
        %parallel_loop3A_559 = arith.constant 3 : i32
        %parallel_loop3A_560 = arith.index_cast %parallel_loop3A_559 : i32 to index
        %parallel_loop3A_561 = arith.index_cast %parallel_loop3A_455 : i32 to index
        %parallel_loop3A_562 = arith.constant 16 : index
        %parallel_loop3A_563 = tpu.vector_load %arg12[%parallel_loop3A_560, %parallel_loop3A_561, %parallel_loop3A_562] {strides = array<i32>} : memref<4x16x768xf32, #tpu.memory_space<vmem>>, vector<1x1x16xf32>,
        %parallel_loop3A_564 = vector.shape_cast %parallel_loop3A_563 : vector<1x1x16xf32> to vector<16xf32>
        %parallel_loop3A_565 = vector.shape_cast %parallel_loop3A_467 : vector<16xf32> to vector<1x1x16xf32>
        tpu.vector_store %arg12[%parallel_loop3A_560, %parallel_loop3A_561, %parallel_loop3A_562], %parallel_loop3A_565 {add = true, strides = array<i32>} : memref<4x16x768xf32, #tpu.memory_space<vmem>>, vector<1x1x16xf32>,
        %parallel_loop3A_566 = arith.constant 3 : i32
        %parallel_loop3A_567 = arith.index_cast %parallel_loop3A_566 : i32 to index
        %parallel_loop3A_568 = arith.index_cast %parallel_loop3A_455 : i32 to index
        %parallel_loop3A_569 = arith.constant 32 : index
        %parallel_loop3A_570 = tpu.vector_load %arg12[%parallel_loop3A_567, %parallel_loop3A_568, %parallel_loop3A_569] {strides = array<i32>} : memref<4x16x768xf32, #tpu.memory_space<vmem>>, vector<1x1x16xf32>,
        %parallel_loop3A_571 = vector.shape_cast %parallel_loop3A_570 : vector<1x1x16xf32> to vector<16xf32>
        %parallel_loop3A_572 = vector.shape_cast %parallel_loop3A_473 : vector<16xf32> to vector<1x1x16xf32>
        tpu.vector_store %arg12[%parallel_loop3A_567, %parallel_loop3A_568, %parallel_loop3A_569], %parallel_loop3A_572 {add = true, strides = array<i32>} : memref<4x16x768xf32, #tpu.memory_space<vmem>>, vector<1x1x16xf32>,
        %parallel_loop3A_573 = arith.constant 3 : i32
        %parallel_loop3A_574 = arith.index_cast %parallel_loop3A_573 : i32 to index
        %parallel_loop3A_575 = arith.index_cast %parallel_loop3A_455 : i32 to index
        %parallel_loop3A_576 = arith.constant 48 : index
        %parallel_loop3A_577 = tpu.vector_load %arg12[%parallel_loop3A_574, %parallel_loop3A_575, %parallel_loop3A_576] {strides = array<i32>} : memref<4x16x768xf32, #tpu.memory_space<vmem>>, vector<1x1x16xf32>,
        %parallel_loop3A_578 = vector.shape_cast %parallel_loop3A_577 : vector<1x1x16xf32> to vector<16xf32>
        %parallel_loop3A_579 = vector.shape_cast %parallel_loop3A_479 : vector<16xf32> to vector<1x1x16xf32>
        tpu.vector_store %arg12[%parallel_loop3A_574, %parallel_loop3A_575, %parallel_loop3A_576], %parallel_loop3A_579 {add = true, strides = array<i32>} : memref<4x16x768xf32, #tpu.memory_space<vmem>>, vector<1x1x16xf32>,
        %parallel_loop3A_580 = arith.constant 3 : i32
        %parallel_loop3A_581 = arith.index_cast %parallel_loop3A_580 : i32 to index
        %parallel_loop3A_582 = arith.index_cast %parallel_loop3A_455 : i32 to index
        %parallel_loop3A_583 = arith.constant 64 : index
        %parallel_loop3A_584 = tpu.vector_load %arg12[%parallel_loop3A_581, %parallel_loop3A_582, %parallel_loop3A_583] {strides = array<i32>} : memref<4x16x768xf32, #tpu.memory_space<vmem>>, vector<1x1x16xf32>,
        %parallel_loop3A_585 = vector.shape_cast %parallel_loop3A_584 : vector<1x1x16xf32> to vector<16xf32>
        %parallel_loop3A_586 = vector.shape_cast %parallel_loop3A_485 : vector<16xf32> to vector<1x1x16xf32>
        tpu.vector_store %arg12[%parallel_loop3A_581, %parallel_loop3A_582, %parallel_loop3A_583], %parallel_loop3A_586 {add = true, strides = array<i32>} : memref<4x16x768xf32, #tpu.memory_space<vmem>>, vector<1x1x16xf32>,
        %parallel_loop3A_587 = arith.constant 3 : i32
        %parallel_loop3A_588 = arith.index_cast %parallel_loop3A_587 : i32 to index
        %parallel_loop3A_589 = arith.index_cast %parallel_loop3A_455 : i32 to index
        %parallel_loop3A_590 = arith.constant 80 : index
        %parallel_loop3A_591 = tpu.vector_load %arg12[%parallel_loop3A_588, %parallel_loop3A_589, %parallel_loop3A_590] {strides = array<i32>} : memref<4x16x768xf32, #tpu.memory_space<vmem>>, vector<1x1x16xf32>,
        %parallel_loop3A_592 = vector.shape_cast %parallel_loop3A_591 : vector<1x1x16xf32> to vector<16xf32>
        %parallel_loop3A_593 = vector.shape_cast %parallel_loop3A_491 : vector<16xf32> to vector<1x1x16xf32>
        tpu.vector_store %arg12[%parallel_loop3A_588, %parallel_loop3A_589, %parallel_loop3A_590], %parallel_loop3A_593 {add = true, strides = array<i32>} : memref<4x16x768xf32, #tpu.memory_space<vmem>>, vector<1x1x16xf32>,
        %parallel_loop3A_594 = arith.constant 3 : i32
        %parallel_loop3A_595 = arith.index_cast %parallel_loop3A_594 : i32 to index
        %parallel_loop3A_596 = arith.index_cast %parallel_loop3A_455 : i32 to index
        %parallel_loop3A_597 = arith.constant 96 : index
        %parallel_loop3A_598 = tpu.vector_load %arg12[%parallel_loop3A_595, %parallel_loop3A_596, %parallel_loop3A_597] {strides = array<i32>} : memref<4x16x768xf32, #tpu.memory_space<vmem>>, vector<1x1x16xf32>,
        %parallel_loop3A_599 = vector.shape_cast %parallel_loop3A_598 : vector<1x1x16xf32> to vector<16xf32>
        %parallel_loop3A_600 = vector.shape_cast %parallel_loop3A_497 : vector<16xf32> to vector<1x1x16xf32>
        tpu.vector_store %arg12[%parallel_loop3A_595, %parallel_loop3A_596, %parallel_loop3A_597], %parallel_loop3A_600 {add = true, strides = array<i32>} : memref<4x16x768xf32, #tpu.memory_space<vmem>>, vector<1x1x16xf32>,
        %parallel_loop3A_601 = arith.constant 3 : i32
        %parallel_loop3A_602 = arith.index_cast %parallel_loop3A_601 : i32 to index
        %parallel_loop3A_603 = arith.index_cast %parallel_loop3A_455 : i32 to index
        %parallel_loop3A_604 = arith.constant 112 : index
        %parallel_loop3A_605 = tpu.vector_load %arg12[%parallel_loop3A_602, %parallel_loop3A_603, %parallel_loop3A_604] {strides = array<i32>} : memref<4x16x768xf32, #tpu.memory_space<vmem>>, vector<1x1x16xf32>,
        %parallel_loop3A_606 = vector.shape_cast %parallel_loop3A_605 : vector<1x1x16xf32> to vector<16xf32>
        %parallel_loop3A_607 = vector.shape_cast %parallel_loop3A_503 : vector<16xf32> to vector<1x1x16xf32>
        tpu.vector_store %arg12[%parallel_loop3A_602, %parallel_loop3A_603, %parallel_loop3A_604], %parallel_loop3A_607 {add = true, strides = array<i32>} : memref<4x16x768xf32, #tpu.memory_space<vmem>>, vector<1x1x16xf32>,
        %parallel_loop3A_608 = arith.constant 3 : i32
        %parallel_loop3A_609 = arith.index_cast %parallel_loop3A_608 : i32 to index
        %parallel_loop3A_610 = arith.index_cast %parallel_loop3A_455 : i32 to index
        %parallel_loop3A_611 = arith.constant 384 : index
        %parallel_loop3A_612 = tpu.vector_load %arg12[%parallel_loop3A_609, %parallel_loop3A_610, %parallel_loop3A_611] {strides = array<i32>} : memref<4x16x768xf32, #tpu.memory_space<vmem>>, vector<1x1x16xf32>,
        %parallel_loop3A_613 = vector.shape_cast %parallel_loop3A_612 : vector<1x1x16xf32> to vector<16xf32>
        %parallel_loop3A_614 = vector.shape_cast %parallel_loop3A_509 : vector<16xf32> to vector<1x1x16xf32>
        tpu.vector_store %arg12[%parallel_loop3A_609, %parallel_loop3A_610, %parallel_loop3A_611], %parallel_loop3A_614 {add = true, strides = array<i32>} : memref<4x16x768xf32, #tpu.memory_space<vmem>>, vector<1x1x16xf32>,
        %parallel_loop3A_615 = arith.constant 3 : i32
        %parallel_loop3A_616 = arith.index_cast %parallel_loop3A_615 : i32 to index
        %parallel_loop3A_617 = arith.index_cast %parallel_loop3A_455 : i32 to index
        %parallel_loop3A_618 = arith.constant 400 : index
        %parallel_loop3A_619 = tpu.vector_load %arg12[%parallel_loop3A_616, %parallel_loop3A_617, %parallel_loop3A_618] {strides = array<i32>} : memref<4x16x768xf32, #tpu.memory_space<vmem>>, vector<1x1x16xf32>,
        %parallel_loop3A_620 = vector.shape_cast %parallel_loop3A_619 : vector<1x1x16xf32> to vector<16xf32>
        %parallel_loop3A_621 = vector.shape_cast %parallel_loop3A_515 : vector<16xf32> to vector<1x1x16xf32>
        tpu.vector_store %arg12[%parallel_loop3A_616, %parallel_loop3A_617, %parallel_loop3A_618], %parallel_loop3A_621 {add = true, strides = array<i32>} : memref<4x16x768xf32, #tpu.memory_space<vmem>>, vector<1x1x16xf32>,
        %parallel_loop3A_622 = arith.constant 3 : i32
        %parallel_loop3A_623 = arith.index_cast %parallel_loop3A_622 : i32 to index
        %parallel_loop3A_624 = arith.index_cast %parallel_loop3A_455 : i32 to index
        %parallel_loop3A_625 = arith.constant 416 : index
        %parallel_loop3A_626 = tpu.vector_load %arg12[%parallel_loop3A_623, %parallel_loop3A_624, %parallel_loop3A_625] {strides = array<i32>} : memref<4x16x768xf32, #tpu.memory_space<vmem>>, vector<1x1x16xf32>,
        %parallel_loop3A_627 = vector.shape_cast %parallel_loop3A_626 : vector<1x1x16xf32> to vector<16xf32>
        %parallel_loop3A_628 = vector.shape_cast %parallel_loop3A_521 : vector<16xf32> to vector<1x1x16xf32>
        tpu.vector_store %arg12[%parallel_loop3A_623, %parallel_loop3A_624, %parallel_loop3A_625], %parallel_loop3A_628 {add = true, strides = array<i32>} : memref<4x16x768xf32, #tpu.memory_space<vmem>>, vector<1x1x16xf32>,
        %parallel_loop3A_629 = arith.constant 3 : i32
        %parallel_loop3A_630 = arith.index_cast %parallel_loop3A_629 : i32 to index
        %parallel_loop3A_631 = arith.index_cast %parallel_loop3A_455 : i32 to index
        %parallel_loop3A_632 = arith.constant 432 : index
        %parallel_loop3A_633 = tpu.vector_load %arg12[%parallel_loop3A_630, %parallel_loop3A_631, %parallel_loop3A_632] {strides = array<i32>} : memref<4x16x768xf32, #tpu.memory_space<vmem>>, vector<1x1x16xf32>,
        %parallel_loop3A_634 = vector.shape_cast %parallel_loop3A_633 : vector<1x1x16xf32> to vector<16xf32>
        %parallel_loop3A_635 = vector.shape_cast %parallel_loop3A_527 : vector<16xf32> to vector<1x1x16xf32>
        tpu.vector_store %arg12[%parallel_loop3A_630, %parallel_loop3A_631, %parallel_loop3A_632], %parallel_loop3A_635 {add = true, strides = array<i32>} : memref<4x16x768xf32, #tpu.memory_space<vmem>>, vector<1x1x16xf32>,
        %parallel_loop3A_636 = arith.constant 3 : i32
        %parallel_loop3A_637 = arith.index_cast %parallel_loop3A_636 : i32 to index
        %parallel_loop3A_638 = arith.index_cast %parallel_loop3A_455 : i32 to index
        %parallel_loop3A_639 = arith.constant 448 : index
        %parallel_loop3A_640 = tpu.vector_load %arg12[%parallel_loop3A_637, %parallel_loop3A_638, %parallel_loop3A_639] {strides = array<i32>} : memref<4x16x768xf32, #tpu.memory_space<vmem>>, vector<1x1x16xf32>,
        %parallel_loop3A_641 = vector.shape_cast %parallel_loop3A_640 : vector<1x1x16xf32> to vector<16xf32>
        %parallel_loop3A_642 = vector.shape_cast %parallel_loop3A_533 : vector<16xf32> to vector<1x1x16xf32>
        tpu.vector_store %arg12[%parallel_loop3A_637, %parallel_loop3A_638, %parallel_loop3A_639], %parallel_loop3A_642 {add = true, strides = array<i32>} : memref<4x16x768xf32, #tpu.memory_space<vmem>>, vector<1x1x16xf32>,
        %parallel_loop3A_643 = arith.constant 3 : i32
        %parallel_loop3A_644 = arith.index_cast %parallel_loop3A_643 : i32 to index
        %parallel_loop3A_645 = arith.index_cast %parallel_loop3A_455 : i32 to index
        %parallel_loop3A_646 = arith.constant 464 : index
        %parallel_loop3A_647 = tpu.vector_load %arg12[%parallel_loop3A_644, %parallel_loop3A_645, %parallel_loop3A_646] {strides = array<i32>} : memref<4x16x768xf32, #tpu.memory_space<vmem>>, vector<1x1x16xf32>,
        %parallel_loop3A_648 = vector.shape_cast %parallel_loop3A_647 : vector<1x1x16xf32> to vector<16xf32>
        %parallel_loop3A_649 = vector.shape_cast %parallel_loop3A_539 : vector<16xf32> to vector<1x1x16xf32>
        tpu.vector_store %arg12[%parallel_loop3A_644, %parallel_loop3A_645, %parallel_loop3A_646], %parallel_loop3A_649 {add = true, strides = array<i32>} : memref<4x16x768xf32, #tpu.memory_space<vmem>>, vector<1x1x16xf32>,
        %parallel_loop3A_650 = arith.constant 3 : i32
        %parallel_loop3A_651 = arith.index_cast %parallel_loop3A_650 : i32 to index
        %parallel_loop3A_652 = arith.index_cast %parallel_loop3A_455 : i32 to index
        %parallel_loop3A_653 = arith.constant 480 : index
        %parallel_loop3A_654 = tpu.vector_load %arg12[%parallel_loop3A_651, %parallel_loop3A_652, %parallel_loop3A_653] {strides = array<i32>} : memref<4x16x768xf32, #tpu.memory_space<vmem>>, vector<1x1x16xf32>,
        %parallel_loop3A_655 = vector.shape_cast %parallel_loop3A_654 : vector<1x1x16xf32> to vector<16xf32>
        %parallel_loop3A_656 = vector.shape_cast %parallel_loop3A_545 : vector<16xf32> to vector<1x1x16xf32>
        tpu.vector_store %arg12[%parallel_loop3A_651, %parallel_loop3A_652, %parallel_loop3A_653], %parallel_loop3A_656 {add = true, strides = array<i32>} : memref<4x16x768xf32, #tpu.memory_space<vmem>>, vector<1x1x16xf32>,
        %parallel_loop3A_657 = arith.constant 3 : i32
        %parallel_loop3A_658 = arith.index_cast %parallel_loop3A_657 : i32 to index
        %parallel_loop3A_659 = arith.index_cast %parallel_loop3A_455 : i32 to index
        %parallel_loop3A_660 = arith.constant 496 : index
        %parallel_loop3A_661 = tpu.vector_load %arg12[%parallel_loop3A_658, %parallel_loop3A_659, %parallel_loop3A_660] {strides = array<i32>} : memref<4x16x768xf32, #tpu.memory_space<vmem>>, vector<1x1x16xf32>,
        %parallel_loop3A_662 = vector.shape_cast %parallel_loop3A_661 : vector<1x1x16xf32> to vector<16xf32>
        %parallel_loop3A_663 = vector.shape_cast %parallel_loop3A_551 : vector<16xf32> to vector<1x1x16xf32>
        tpu.vector_store %arg12[%parallel_loop3A_658, %parallel_loop3A_659, %parallel_loop3A_660], %parallel_loop3A_663 {add = true, strides = array<i32>} : memref<4x16x768xf32, #tpu.memory_space<vmem>>, vector<1x1x16xf32>,
        %parallel_loop3A_664 = arith.constant 3 : i32
        %parallel_loop3A_665 = arith.index_cast %parallel_loop3A_664 : i32 to index
        %parallel_loop3A_666 = arith.index_cast %parallel_loop3A_455 : i32 to index
        %parallel_loop3A_667 = arith.constant 128 : index
        %parallel_loop3A_668 = tpu.vector_load %arg10[%parallel_loop3A_665, %parallel_loop3A_666, %parallel_loop3A_667] {strides = array<i32>} : memref<4x16x384xf32, #tpu.memory_space<vmem>>, vector<1x1x16xf32>,
        %parallel_loop3A_669 = vector.shape_cast %parallel_loop3A_668 : vector<1x1x16xf32> to vector<16xf32>
        %parallel_loop3A_670 = arith.constant 3 : i32
        %parallel_loop3A_671 = arith.index_cast %parallel_loop3A_670 : i32 to index
        %parallel_loop3A_672 = arith.index_cast %parallel_loop3A_455 : i32 to index
        %parallel_loop3A_673 = arith.constant 144 : index
        %parallel_loop3A_674 = tpu.vector_load %arg10[%parallel_loop3A_671, %parallel_loop3A_672, %parallel_loop3A_673] {strides = array<i32>} : memref<4x16x384xf32, #tpu.memory_space<vmem>>, vector<1x1x16xf32>,
        %parallel_loop3A_675 = vector.shape_cast %parallel_loop3A_674 : vector<1x1x16xf32> to vector<16xf32>
        %parallel_loop3A_676 = arith.constant 3 : i32
        %parallel_loop3A_677 = arith.index_cast %parallel_loop3A_676 : i32 to index
        %parallel_loop3A_678 = arith.index_cast %parallel_loop3A_455 : i32 to index
        %parallel_loop3A_679 = arith.constant 160 : index
        %parallel_loop3A_680 = tpu.vector_load %arg10[%parallel_loop3A_677, %parallel_loop3A_678, %parallel_loop3A_679] {strides = array<i32>} : memref<4x16x384xf32, #tpu.memory_space<vmem>>, vector<1x1x16xf32>,
        %parallel_loop3A_681 = vector.shape_cast %parallel_loop3A_680 : vector<1x1x16xf32> to vector<16xf32>
        %parallel_loop3A_682 = arith.constant 3 : i32
        %parallel_loop3A_683 = arith.index_cast %parallel_loop3A_682 : i32 to index
        %parallel_loop3A_684 = arith.index_cast %parallel_loop3A_455 : i32 to index
        %parallel_loop3A_685 = arith.constant 176 : index
        %parallel_loop3A_686 = tpu.vector_load %arg10[%parallel_loop3A_683, %parallel_loop3A_684, %parallel_loop3A_685] {strides = array<i32>} : memref<4x16x384xf32, #tpu.memory_space<vmem>>, vector<1x1x16xf32>,
        %parallel_loop3A_687 = vector.shape_cast %parallel_loop3A_686 : vector<1x1x16xf32> to vector<16xf32>
        %parallel_loop3A_688 = arith.constant 3 : i32
        %parallel_loop3A_689 = arith.index_cast %parallel_loop3A_688 : i32 to index
        %parallel_loop3A_690 = arith.index_cast %parallel_loop3A_455 : i32 to index
        %parallel_loop3A_691 = arith.constant 192 : index
        %parallel_loop3A_692 = tpu.vector_load %arg10[%parallel_loop3A_689, %parallel_loop3A_690, %parallel_loop3A_691] {strides = array<i32>} : memref<4x16x384xf32, #tpu.memory_space<vmem>>, vector<1x1x16xf32>,
        %parallel_loop3A_693 = vector.shape_cast %parallel_loop3A_692 : vector<1x1x16xf32> to vector<16xf32>
        %parallel_loop3A_694 = arith.constant 3 : i32
        %parallel_loop3A_695 = arith.index_cast %parallel_loop3A_694 : i32 to index
        %parallel_loop3A_696 = arith.index_cast %parallel_loop3A_455 : i32 to index
        %parallel_loop3A_697 = arith.constant 208 : index
        %parallel_loop3A_698 = tpu.vector_load %arg10[%parallel_loop3A_695, %parallel_loop3A_696, %parallel_loop3A_697] {strides = array<i32>} : memref<4x16x384xf32, #tpu.memory_space<vmem>>, vector<1x1x16xf32>,
        %parallel_loop3A_699 = vector.shape_cast %parallel_loop3A_698 : vector<1x1x16xf32> to vector<16xf32>
        %parallel_loop3A_700 = arith.constant 3 : i32
        %parallel_loop3A_701 = arith.index_cast %parallel_loop3A_700 : i32 to index
        %parallel_loop3A_702 = arith.index_cast %parallel_loop3A_455 : i32 to index
        %parallel_loop3A_703 = arith.constant 224 : index
        %parallel_loop3A_704 = tpu.vector_load %arg10[%parallel_loop3A_701, %parallel_loop3A_702, %parallel_loop3A_703] {strides = array<i32>} : memref<4x16x384xf32, #tpu.memory_space<vmem>>, vector<1x1x16xf32>,
        %parallel_loop3A_705 = vector.shape_cast %parallel_loop3A_704 : vector<1x1x16xf32> to vector<16xf32>
        %parallel_loop3A_706 = arith.constant 3 : i32
        %parallel_loop3A_707 = arith.index_cast %parallel_loop3A_706 : i32 to index
        %parallel_loop3A_708 = arith.index_cast %parallel_loop3A_455 : i32 to index
        %parallel_loop3A_709 = arith.constant 240 : index
        %parallel_loop3A_710 = tpu.vector_load %arg10[%parallel_loop3A_707, %parallel_loop3A_708, %parallel_loop3A_709] {strides = array<i32>} : memref<4x16x384xf32, #tpu.memory_space<vmem>>, vector<1x1x16xf32>,
        %parallel_loop3A_711 = vector.shape_cast %parallel_loop3A_710 : vector<1x1x16xf32> to vector<16xf32>
        %parallel_loop3A_712 = arith.constant 3 : i32
        %parallel_loop3A_713 = arith.index_cast %parallel_loop3A_712 : i32 to index
        %parallel_loop3A_714 = arith.index_cast %parallel_loop3A_455 : i32 to index
        %parallel_loop3A_715 = arith.constant 128 : index
        %parallel_loop3A_716 = tpu.vector_load %arg11[%parallel_loop3A_713, %parallel_loop3A_714, %parallel_loop3A_715] {strides = array<i32>} : memref<4x16x384xf32, #tpu.memory_space<vmem>>, vector<1x1x16xf32>,
        %parallel_loop3A_717 = vector.shape_cast %parallel_loop3A_716 : vector<1x1x16xf32> to vector<16xf32>
        %parallel_loop3A_718 = arith.constant 3 : i32
        %parallel_loop3A_719 = arith.index_cast %parallel_loop3A_718 : i32 to index
        %parallel_loop3A_720 = arith.index_cast %parallel_loop3A_455 : i32 to index
        %parallel_loop3A_721 = arith.constant 144 : index
        %parallel_loop3A_722 = tpu.vector_load %arg11[%parallel_loop3A_719, %parallel_loop3A_720, %parallel_loop3A_721] {strides = array<i32>} : memref<4x16x384xf32, #tpu.memory_space<vmem>>, vector<1x1x16xf32>,
        %parallel_loop3A_723 = vector.shape_cast %parallel_loop3A_722 : vector<1x1x16xf32> to vector<16xf32>
        %parallel_loop3A_724 = arith.constant 3 : i32
        %parallel_loop3A_725 = arith.index_cast %parallel_loop3A_724 : i32 to index
        %parallel_loop3A_726 = arith.index_cast %parallel_loop3A_455 : i32 to index
        %parallel_loop3A_727 = arith.constant 160 : index
        %parallel_loop3A_728 = tpu.vector_load %arg11[%parallel_loop3A_725, %parallel_loop3A_726, %parallel_loop3A_727] {strides = array<i32>} : memref<4x16x384xf32, #tpu.memory_space<vmem>>, vector<1x1x16xf32>,
        %parallel_loop3A_729 = vector.shape_cast %parallel_loop3A_728 : vector<1x1x16xf32> to vector<16xf32>
        %parallel_loop3A_730 = arith.constant 3 : i32
        %parallel_loop3A_731 = arith.index_cast %parallel_loop3A_730 : i32 to index
        %parallel_loop3A_732 = arith.index_cast %parallel_loop3A_455 : i32 to index
        %parallel_loop3A_733 = arith.constant 176 : index
        %parallel_loop3A_734 = tpu.vector_load %arg11[%parallel_loop3A_731, %parallel_loop3A_732, %parallel_loop3A_733] {strides = array<i32>} : memref<4x16x384xf32, #tpu.memory_space<vmem>>, vector<1x1x16xf32>,
        %parallel_loop3A_735 = vector.shape_cast %parallel_loop3A_734 : vector<1x1x16xf32> to vector<16xf32>
        %parallel_loop3A_736 = arith.constant 3 : i32
        %parallel_loop3A_737 = arith.index_cast %parallel_loop3A_736 : i32 to index
        %parallel_loop3A_738 = arith.index_cast %parallel_loop3A_455 : i32 to index
        %parallel_loop3A_739 = arith.constant 192 : index
        %parallel_loop3A_740 = tpu.vector_load %arg11[%parallel_loop3A_737, %parallel_loop3A_738, %parallel_loop3A_739] {strides = array<i32>} : memref<4x16x384xf32, #tpu.memory_space<vmem>>, vector<1x1x16xf32>,
        %parallel_loop3A_741 = vector.shape_cast %parallel_loop3A_740 : vector<1x1x16xf32> to vector<16xf32>
        %parallel_loop3A_742 = arith.constant 3 : i32
        %parallel_loop3A_743 = arith.index_cast %parallel_loop3A_742 : i32 to index
        %parallel_loop3A_744 = arith.index_cast %parallel_loop3A_455 : i32 to index
        %parallel_loop3A_745 = arith.constant 208 : index
        %parallel_loop3A_746 = tpu.vector_load %arg11[%parallel_loop3A_743, %parallel_loop3A_744, %parallel_loop3A_745] {strides = array<i32>} : memref<4x16x384xf32, #tpu.memory_space<vmem>>, vector<1x1x16xf32>,
        %parallel_loop3A_747 = vector.shape_cast %parallel_loop3A_746 : vector<1x1x16xf32> to vector<16xf32>
        %parallel_loop3A_748 = arith.constant 3 : i32
        %parallel_loop3A_749 = arith.index_cast %parallel_loop3A_748 : i32 to index
        %parallel_loop3A_750 = arith.index_cast %parallel_loop3A_455 : i32 to index
        %parallel_loop3A_751 = arith.constant 224 : index
        %parallel_loop3A_752 = tpu.vector_load %arg11[%parallel_loop3A_749, %parallel_loop3A_750, %parallel_loop3A_751] {strides = array<i32>} : memref<4x16x384xf32, #tpu.memory_space<vmem>>, vector<1x1x16xf32>,
        %parallel_loop3A_753 = vector.shape_cast %parallel_loop3A_752 : vector<1x1x16xf32> to vector<16xf32>
        %parallel_loop3A_754 = arith.constant 3 : i32
        %parallel_loop3A_755 = arith.index_cast %parallel_loop3A_754 : i32 to index
        %parallel_loop3A_756 = arith.index_cast %parallel_loop3A_455 : i32 to index
        %parallel_loop3A_757 = arith.constant 240 : index
        %parallel_loop3A_758 = tpu.vector_load %arg11[%parallel_loop3A_755, %parallel_loop3A_756, %parallel_loop3A_757] {strides = array<i32>} : memref<4x16x384xf32, #tpu.memory_space<vmem>>, vector<1x1x16xf32>,
        %parallel_loop3A_759 = vector.shape_cast %parallel_loop3A_758 : vector<1x1x16xf32> to vector<16xf32>
        %parallel_loop3A_760 = arith.constant 3 : i32
        %parallel_loop3A_761 = arith.index_cast %parallel_loop3A_760 : i32 to index
        %parallel_loop3A_762 = arith.index_cast %parallel_loop3A_455 : i32 to index
        %parallel_loop3A_763 = arith.constant 128 : index
        %parallel_loop3A_764 = tpu.vector_load %arg12[%parallel_loop3A_761, %parallel_loop3A_762, %parallel_loop3A_763] {strides = array<i32>} : memref<4x16x768xf32, #tpu.memory_space<vmem>>, vector<1x1x16xf32>,
        %parallel_loop3A_765 = vector.shape_cast %parallel_loop3A_764 : vector<1x1x16xf32> to vector<16xf32>
        %parallel_loop3A_766 = vector.shape_cast %parallel_loop3A_669 : vector<16xf32> to vector<1x1x16xf32>
        tpu.vector_store %arg12[%parallel_loop3A_761, %parallel_loop3A_762, %parallel_loop3A_763], %parallel_loop3A_766 {add = true, strides = array<i32>} : memref<4x16x768xf32, #tpu.memory_space<vmem>>, vector<1x1x16xf32>,
        %parallel_loop3A_767 = arith.constant 3 : i32
        %parallel_loop3A_768 = arith.index_cast %parallel_loop3A_767 : i32 to index
        %parallel_loop3A_769 = arith.index_cast %parallel_loop3A_455 : i32 to index
        %parallel_loop3A_770 = arith.constant 144 : index
        %parallel_loop3A_771 = tpu.vector_load %arg12[%parallel_loop3A_768, %parallel_loop3A_769, %parallel_loop3A_770] {strides = array<i32>} : memref<4x16x768xf32, #tpu.memory_space<vmem>>, vector<1x1x16xf32>,
        %parallel_loop3A_772 = vector.shape_cast %parallel_loop3A_771 : vector<1x1x16xf32> to vector<16xf32>
        %parallel_loop3A_773 = vector.shape_cast %parallel_loop3A_675 : vector<16xf32> to vector<1x1x16xf32>
        tpu.vector_store %arg12[%parallel_loop3A_768, %parallel_loop3A_769, %parallel_loop3A_770], %parallel_loop3A_773 {add = true, strides = array<i32>} : memref<4x16x768xf32, #tpu.memory_space<vmem>>, vector<1x1x16xf32>,
        %parallel_loop3A_774 = arith.constant 3 : i32
        %parallel_loop3A_775 = arith.index_cast %parallel_loop3A_774 : i32 to index
        %parallel_loop3A_776 = arith.index_cast %parallel_loop3A_455 : i32 to index
        %parallel_loop3A_777 = arith.constant 160 : index
        %parallel_loop3A_778 = tpu.vector_load %arg12[%parallel_loop3A_775, %parallel_loop3A_776, %parallel_loop3A_777] {strides = array<i32>} : memref<4x16x768xf32, #tpu.memory_space<vmem>>, vector<1x1x16xf32>,
        %parallel_loop3A_779 = vector.shape_cast %parallel_loop3A_778 : vector<1x1x16xf32> to vector<16xf32>
        %parallel_loop3A_780 = vector.shape_cast %parallel_loop3A_681 : vector<16xf32> to vector<1x1x16xf32>
        tpu.vector_store %arg12[%parallel_loop3A_775, %parallel_loop3A_776, %parallel_loop3A_777], %parallel_loop3A_780 {add = true, strides = array<i32>} : memref<4x16x768xf32, #tpu.memory_space<vmem>>, vector<1x1x16xf32>,
        %parallel_loop3A_781 = arith.constant 3 : i32
        %parallel_loop3A_782 = arith.index_cast %parallel_loop3A_781 : i32 to index
        %parallel_loop3A_783 = arith.index_cast %parallel_loop3A_455 : i32 to index
        %parallel_loop3A_784 = arith.constant 176 : index
        %parallel_loop3A_785 = tpu.vector_load %arg12[%parallel_loop3A_782, %parallel_loop3A_783, %parallel_loop3A_784] {strides = array<i32>} : memref<4x16x768xf32, #tpu.memory_space<vmem>>, vector<1x1x16xf32>,
        %parallel_loop3A_786 = vector.shape_cast %parallel_loop3A_785 : vector<1x1x16xf32> to vector<16xf32>
        %parallel_loop3A_787 = vector.shape_cast %parallel_loop3A_687 : vector<16xf32> to vector<1x1x16xf32>
        tpu.vector_store %arg12[%parallel_loop3A_782, %parallel_loop3A_783, %parallel_loop3A_784], %parallel_loop3A_787 {add = true, strides = array<i32>} : memref<4x16x768xf32, #tpu.memory_space<vmem>>, vector<1x1x16xf32>,
        %parallel_loop3A_788 = arith.constant 3 : i32
        %parallel_loop3A_789 = arith.index_cast %parallel_loop3A_788 : i32 to index
        %parallel_loop3A_790 = arith.index_cast %parallel_loop3A_455 : i32 to index
        %parallel_loop3A_791 = arith.constant 192 : index
        %parallel_loop3A_792 = tpu.vector_load %arg12[%parallel_loop3A_789, %parallel_loop3A_790, %parallel_loop3A_791] {strides = array<i32>} : memref<4x16x768xf32, #tpu.memory_space<vmem>>, vector<1x1x16xf32>,
        %parallel_loop3A_793 = vector.shape_cast %parallel_loop3A_792 : vector<1x1x16xf32> to vector<16xf32>
        %parallel_loop3A_794 = vector.shape_cast %parallel_loop3A_693 : vector<16xf32> to vector<1x1x16xf32>
        tpu.vector_store %arg12[%parallel_loop3A_789, %parallel_loop3A_790, %parallel_loop3A_791], %parallel_loop3A_794 {add = true, strides = array<i32>} : memref<4x16x768xf32, #tpu.memory_space<vmem>>, vector<1x1x16xf32>,
        %parallel_loop3A_795 = arith.constant 3 : i32
        %parallel_loop3A_796 = arith.index_cast %parallel_loop3A_795 : i32 to index
        %parallel_loop3A_797 = arith.index_cast %parallel_loop3A_455 : i32 to index
        %parallel_loop3A_798 = arith.constant 208 : index
        %parallel_loop3A_799 = tpu.vector_load %arg12[%parallel_loop3A_796, %parallel_loop3A_797, %parallel_loop3A_798] {strides = array<i32>} : memref<4x16x768xf32, #tpu.memory_space<vmem>>, vector<1x1x16xf32>,
        %parallel_loop3A_800 = vector.shape_cast %parallel_loop3A_799 : vector<1x1x16xf32> to vector<16xf32>
        %parallel_loop3A_801 = vector.shape_cast %parallel_loop3A_699 : vector<16xf32> to vector<1x1x16xf32>
        tpu.vector_store %arg12[%parallel_loop3A_796, %parallel_loop3A_797, %parallel_loop3A_798], %parallel_loop3A_801 {add = true, strides = array<i32>} : memref<4x16x768xf32, #tpu.memory_space<vmem>>, vector<1x1x16xf32>,
        %parallel_loop3A_802 = arith.constant 3 : i32
        %parallel_loop3A_803 = arith.index_cast %parallel_loop3A_802 : i32 to index
        %parallel_loop3A_804 = arith.index_cast %parallel_loop3A_455 : i32 to index
        %parallel_loop3A_805 = arith.constant 224 : index
        %parallel_loop3A_806 = tpu.vector_load %arg12[%parallel_loop3A_803, %parallel_loop3A_804, %parallel_loop3A_805] {strides = array<i32>} : memref<4x16x768xf32, #tpu.memory_space<vmem>>, vector<1x1x16xf32>,
        %parallel_loop3A_807 = vector.shape_cast %parallel_loop3A_806 : vector<1x1x16xf32> to vector<16xf32>
        %parallel_loop3A_808 = vector.shape_cast %parallel_loop3A_705 : vector<16xf32> to vector<1x1x16xf32>
        tpu.vector_store %arg12[%parallel_loop3A_803, %parallel_loop3A_804, %parallel_loop3A_805], %parallel_loop3A_808 {add = true, strides = array<i32>} : memref<4x16x768xf32, #tpu.memory_space<vmem>>, vector<1x1x16xf32>,
        %parallel_loop3A_809 = arith.constant 3 : i32
        %parallel_loop3A_810 = arith.index_cast %parallel_loop3A_809 : i32 to index
        %parallel_loop3A_811 = arith.index_cast %parallel_loop3A_455 : i32 to index
        %parallel_loop3A_812 = arith.constant 240 : index
        %parallel_loop3A_813 = tpu.vector_load %arg12[%parallel_loop3A_810, %parallel_loop3A_811, %parallel_loop3A_812] {strides = array<i32>} : memref<4x16x768xf32, #tpu.memory_space<vmem>>, vector<1x1x16xf32>,
        %parallel_loop3A_814 = vector.shape_cast %parallel_loop3A_813 : vector<1x1x16xf32> to vector<16xf32>
        %parallel_loop3A_815 = vector.shape_cast %parallel_loop3A_711 : vector<16xf32> to vector<1x1x16xf32>
        tpu.vector_store %arg12[%parallel_loop3A_810, %parallel_loop3A_811, %parallel_loop3A_812], %parallel_loop3A_815 {add = true, strides = array<i32>} : memref<4x16x768xf32, #tpu.memory_space<vmem>>, vector<1x1x16xf32>,
        %parallel_loop3A_816 = arith.constant 3 : i32
        %parallel_loop3A_817 = arith.index_cast %parallel_loop3A_816 : i32 to index
        %parallel_loop3A_818 = arith.index_cast %parallel_loop3A_455 : i32 to index
        %parallel_loop3A_819 = arith.constant 512 : index
        %parallel_loop3A_820 = tpu.vector_load %arg12[%parallel_loop3A_817, %parallel_loop3A_818, %parallel_loop3A_819] {strides = array<i32>} : memref<4x16x768xf32, #tpu.memory_space<vmem>>, vector<1x1x16xf32>,
        %parallel_loop3A_821 = vector.shape_cast %parallel_loop3A_820 : vector<1x1x16xf32> to vector<16xf32>
        %parallel_loop3A_822 = vector.shape_cast %parallel_loop3A_717 : vector<16xf32> to vector<1x1x16xf32>
        tpu.vector_store %arg12[%parallel_loop3A_817, %parallel_loop3A_818, %parallel_loop3A_819], %parallel_loop3A_822 {add = true, strides = array<i32>} : memref<4x16x768xf32, #tpu.memory_space<vmem>>, vector<1x1x16xf32>,
        %parallel_loop3A_823 = arith.constant 3 : i32
        %parallel_loop3A_824 = arith.index_cast %parallel_loop3A_823 : i32 to index
        %parallel_loop3A_825 = arith.index_cast %parallel_loop3A_455 : i32 to index
        %parallel_loop3A_826 = arith.constant 528 : index
        %parallel_loop3A_827 = tpu.vector_load %arg12[%parallel_loop3A_824, %parallel_loop3A_825, %parallel_loop3A_826] {strides = array<i32>} : memref<4x16x768xf32, #tpu.memory_space<vmem>>, vector<1x1x16xf32>,
        %parallel_loop3A_828 = vector.shape_cast %parallel_loop3A_827 : vector<1x1x16xf32> to vector<16xf32>
        %parallel_loop3A_829 = vector.shape_cast %parallel_loop3A_723 : vector<16xf32> to vector<1x1x16xf32>
        tpu.vector_store %arg12[%parallel_loop3A_824, %parallel_loop3A_825, %parallel_loop3A_826], %parallel_loop3A_829 {add = true, strides = array<i32>} : memref<4x16x768xf32, #tpu.memory_space<vmem>>, vector<1x1x16xf32>,
        %parallel_loop3A_830 = arith.constant 3 : i32
        %parallel_loop3A_831 = arith.index_cast %parallel_loop3A_830 : i32 to index
        %parallel_loop3A_832 = arith.index_cast %parallel_loop3A_455 : i32 to index
        %parallel_loop3A_833 = arith.constant 544 : index
        %parallel_loop3A_834 = tpu.vector_load %arg12[%parallel_loop3A_831, %parallel_loop3A_832, %parallel_loop3A_833] {strides = array<i32>} : memref<4x16x768xf32, #tpu.memory_space<vmem>>, vector<1x1x16xf32>,
        %parallel_loop3A_835 = vector.shape_cast %parallel_loop3A_834 : vector<1x1x16xf32> to vector<16xf32>
        %parallel_loop3A_836 = vector.shape_cast %parallel_loop3A_729 : vector<16xf32> to vector<1x1x16xf32>
        tpu.vector_store %arg12[%parallel_loop3A_831, %parallel_loop3A_832, %parallel_loop3A_833], %parallel_loop3A_836 {add = true, strides = array<i32>} : memref<4x16x768xf32, #tpu.memory_space<vmem>>, vector<1x1x16xf32>,
        %parallel_loop3A_837 = arith.constant 3 : i32
        %parallel_loop3A_838 = arith.index_cast %parallel_loop3A_837 : i32 to index
        %parallel_loop3A_839 = arith.index_cast %parallel_loop3A_455 : i32 to index
        %parallel_loop3A_840 = arith.constant 560 : index
        %parallel_loop3A_841 = tpu.vector_load %arg12[%parallel_loop3A_838, %parallel_loop3A_839, %parallel_loop3A_840] {strides = array<i32>} : memref<4x16x768xf32, #tpu.memory_space<vmem>>, vector<1x1x16xf32>,
        %parallel_loop3A_842 = vector.shape_cast %parallel_loop3A_841 : vector<1x1x16xf32> to vector<16xf32>
        %parallel_loop3A_843 = vector.shape_cast %parallel_loop3A_735 : vector<16xf32> to vector<1x1x16xf32>
        tpu.vector_store %arg12[%parallel_loop3A_838, %parallel_loop3A_839, %parallel_loop3A_840], %parallel_loop3A_843 {add = true, strides = array<i32>} : memref<4x16x768xf32, #tpu.memory_space<vmem>>, vector<1x1x16xf32>,
        %parallel_loop3A_844 = arith.constant 3 : i32
        %parallel_loop3A_845 = arith.index_cast %parallel_loop3A_844 : i32 to index
        %parallel_loop3A_846 = arith.index_cast %parallel_loop3A_455 : i32 to index
        %parallel_loop3A_847 = arith.constant 576 : index
        %parallel_loop3A_848 = tpu.vector_load %arg12[%parallel_loop3A_845, %parallel_loop3A_846, %parallel_loop3A_847] {strides = array<i32>} : memref<4x16x768xf32, #tpu.memory_space<vmem>>, vector<1x1x16xf32>,
        %parallel_loop3A_849 = vector.shape_cast %parallel_loop3A_848 : vector<1x1x16xf32> to vector<16xf32>
        %parallel_loop3A_850 = vector.shape_cast %parallel_loop3A_741 : vector<16xf32> to vector<1x1x16xf32>
        tpu.vector_store %arg12[%parallel_loop3A_845, %parallel_loop3A_846, %parallel_loop3A_847], %parallel_loop3A_850 {add = true, strides = array<i32>} : memref<4x16x768xf32, #tpu.memory_space<vmem>>, vector<1x1x16xf32>,
        %parallel_loop3A_851 = arith.constant 3 : i32
        %parallel_loop3A_852 = arith.index_cast %parallel_loop3A_851 : i32 to index
        %parallel_loop3A_853 = arith.index_cast %parallel_loop3A_455 : i32 to index
        %parallel_loop3A_854 = arith.constant 592 : index
        %parallel_loop3A_855 = tpu.vector_load %arg12[%parallel_loop3A_852, %parallel_loop3A_853, %parallel_loop3A_854] {strides = array<i32>} : memref<4x16x768xf32, #tpu.memory_space<vmem>>, vector<1x1x16xf32>,
        %parallel_loop3A_856 = vector.shape_cast %parallel_loop3A_855 : vector<1x1x16xf32> to vector<16xf32>
        %parallel_loop3A_857 = vector.shape_cast %parallel_loop3A_747 : vector<16xf32> to vector<1x1x16xf32>
        tpu.vector_store %arg12[%parallel_loop3A_852, %parallel_loop3A_853, %parallel_loop3A_854], %parallel_loop3A_857 {add = true, strides = array<i32>} : memref<4x16x768xf32, #tpu.memory_space<vmem>>, vector<1x1x16xf32>,
        %parallel_loop3A_858 = arith.constant 3 : i32
        %parallel_loop3A_859 = arith.index_cast %parallel_loop3A_858 : i32 to index
        %parallel_loop3A_860 = arith.index_cast %parallel_loop3A_455 : i32 to index
        %parallel_loop3A_861 = arith.constant 608 : index
        %parallel_loop3A_862 = tpu.vector_load %arg12[%parallel_loop3A_859, %parallel_loop3A_860, %parallel_loop3A_861] {strides = array<i32>} : memref<4x16x768xf32, #tpu.memory_space<vmem>>, vector<1x1x16xf32>,
        %parallel_loop3A_863 = vector.shape_cast %parallel_loop3A_862 : vector<1x1x16xf32> to vector<16xf32>
        %parallel_loop3A_864 = vector.shape_cast %parallel_loop3A_753 : vector<16xf32> to vector<1x1x16xf32>
        tpu.vector_store %arg12[%parallel_loop3A_859, %parallel_loop3A_860, %parallel_loop3A_861], %parallel_loop3A_864 {add = true, strides = array<i32>} : memref<4x16x768xf32, #tpu.memory_space<vmem>>, vector<1x1x16xf32>,
        %parallel_loop3A_865 = arith.constant 3 : i32
        %parallel_loop3A_866 = arith.index_cast %parallel_loop3A_865 : i32 to index
        %parallel_loop3A_867 = arith.index_cast %parallel_loop3A_455 : i32 to index
        %parallel_loop3A_868 = arith.constant 624 : index
        %parallel_loop3A_869 = tpu.vector_load %arg12[%parallel_loop3A_866, %parallel_loop3A_867, %parallel_loop3A_868] {strides = array<i32>} : memref<4x16x768xf32, #tpu.memory_space<vmem>>, vector<1x1x16xf32>,
        %parallel_loop3A_870 = vector.shape_cast %parallel_loop3A_869 : vector<1x1x16xf32> to vector<16xf32>
        %parallel_loop3A_871 = vector.shape_cast %parallel_loop3A_759 : vector<16xf32> to vector<1x1x16xf32>
        tpu.vector_store %arg12[%parallel_loop3A_866, %parallel_loop3A_867, %parallel_loop3A_868], %parallel_loop3A_871 {add = true, strides = array<i32>} : memref<4x16x768xf32, #tpu.memory_space<vmem>>, vector<1x1x16xf32>,
        %parallel_loop3A_872 = arith.constant 3 : i32
        %parallel_loop3A_873 = arith.index_cast %parallel_loop3A_872 : i32 to index
        %parallel_loop3A_874 = arith.index_cast %parallel_loop3A_455 : i32 to index
        %parallel_loop3A_875 = arith.constant 256 : index
        %parallel_loop3A_876 = tpu.vector_load %arg10[%parallel_loop3A_873, %parallel_loop3A_874, %parallel_loop3A_875] {strides = array<i32>} : memref<4x16x384xf32, #tpu.memory_space<vmem>>, vector<1x1x16xf32>,
        %parallel_loop3A_877 = vector.shape_cast %parallel_loop3A_876 : vector<1x1x16xf32> to vector<16xf32>
        %parallel_loop3A_878 = arith.constant 3 : i32
        %parallel_loop3A_879 = arith.index_cast %parallel_loop3A_878 : i32 to index
        %parallel_loop3A_880 = arith.index_cast %parallel_loop3A_455 : i32 to index
        %parallel_loop3A_881 = arith.constant 272 : index
        %parallel_loop3A_882 = tpu.vector_load %arg10[%parallel_loop3A_879, %parallel_loop3A_880, %parallel_loop3A_881] {strides = array<i32>} : memref<4x16x384xf32, #tpu.memory_space<vmem>>, vector<1x1x16xf32>,
        %parallel_loop3A_883 = vector.shape_cast %parallel_loop3A_882 : vector<1x1x16xf32> to vector<16xf32>
        %parallel_loop3A_884 = arith.constant 3 : i32
        %parallel_loop3A_885 = arith.index_cast %parallel_loop3A_884 : i32 to index
        %parallel_loop3A_886 = arith.index_cast %parallel_loop3A_455 : i32 to index
        %parallel_loop3A_887 = arith.constant 288 : index
        %parallel_loop3A_888 = tpu.vector_load %arg10[%parallel_loop3A_885, %parallel_loop3A_886, %parallel_loop3A_887] {strides = array<i32>} : memref<4x16x384xf32, #tpu.memory_space<vmem>>, vector<1x1x16xf32>,
        %parallel_loop3A_889 = vector.shape_cast %parallel_loop3A_888 : vector<1x1x16xf32> to vector<16xf32>
        %parallel_loop3A_890 = arith.constant 3 : i32
        %parallel_loop3A_891 = arith.index_cast %parallel_loop3A_890 : i32 to index
        %parallel_loop3A_892 = arith.index_cast %parallel_loop3A_455 : i32 to index
        %parallel_loop3A_893 = arith.constant 304 : index
        %parallel_loop3A_894 = tpu.vector_load %arg10[%parallel_loop3A_891, %parallel_loop3A_892, %parallel_loop3A_893] {strides = array<i32>} : memref<4x16x384xf32, #tpu.memory_space<vmem>>, vector<1x1x16xf32>,
        %parallel_loop3A_895 = vector.shape_cast %parallel_loop3A_894 : vector<1x1x16xf32> to vector<16xf32>
        %parallel_loop3A_896 = arith.constant 3 : i32
        %parallel_loop3A_897 = arith.index_cast %parallel_loop3A_896 : i32 to index
        %parallel_loop3A_898 = arith.index_cast %parallel_loop3A_455 : i32 to index
        %parallel_loop3A_899 = arith.constant 320 : index
        %parallel_loop3A_900 = tpu.vector_load %arg10[%parallel_loop3A_897, %parallel_loop3A_898, %parallel_loop3A_899] {strides = array<i32>} : memref<4x16x384xf32, #tpu.memory_space<vmem>>, vector<1x1x16xf32>,
        %parallel_loop3A_901 = vector.shape_cast %parallel_loop3A_900 : vector<1x1x16xf32> to vector<16xf32>
        %parallel_loop3A_902 = arith.constant 3 : i32
        %parallel_loop3A_903 = arith.index_cast %parallel_loop3A_902 : i32 to index
        %parallel_loop3A_904 = arith.index_cast %parallel_loop3A_455 : i32 to index
        %parallel_loop3A_905 = arith.constant 336 : index
        %parallel_loop3A_906 = tpu.vector_load %arg10[%parallel_loop3A_903, %parallel_loop3A_904, %parallel_loop3A_905] {strides = array<i32>} : memref<4x16x384xf32, #tpu.memory_space<vmem>>, vector<1x1x16xf32>,
        %parallel_loop3A_907 = vector.shape_cast %parallel_loop3A_906 : vector<1x1x16xf32> to vector<16xf32>
        %parallel_loop3A_908 = arith.constant 3 : i32
        %parallel_loop3A_909 = arith.index_cast %parallel_loop3A_908 : i32 to index
        %parallel_loop3A_910 = arith.index_cast %parallel_loop3A_455 : i32 to index
        %parallel_loop3A_911 = arith.constant 352 : index
        %parallel_loop3A_912 = tpu.vector_load %arg10[%parallel_loop3A_909, %parallel_loop3A_910, %parallel_loop3A_911] {strides = array<i32>} : memref<4x16x384xf32, #tpu.memory_space<vmem>>, vector<1x1x16xf32>,
        %parallel_loop3A_913 = vector.shape_cast %parallel_loop3A_912 : vector<1x1x16xf32> to vector<16xf32>
        %parallel_loop3A_914 = arith.constant 3 : i32
        %parallel_loop3A_915 = arith.index_cast %parallel_loop3A_914 : i32 to index
        %parallel_loop3A_916 = arith.index_cast %parallel_loop3A_455 : i32 to index
        %parallel_loop3A_917 = arith.constant 368 : index
        %parallel_loop3A_918 = tpu.vector_load %arg10[%parallel_loop3A_915, %parallel_loop3A_916, %parallel_loop3A_917] {strides = array<i32>} : memref<4x16x384xf32, #tpu.memory_space<vmem>>, vector<1x1x16xf32>,
        %parallel_loop3A_919 = vector.shape_cast %parallel_loop3A_918 : vector<1x1x16xf32> to vector<16xf32>
        %parallel_loop3A_920 = arith.constant 3 : i32
        %parallel_loop3A_921 = arith.index_cast %parallel_loop3A_920 : i32 to index
        %parallel_loop3A_922 = arith.index_cast %parallel_loop3A_455 : i32 to index
        %parallel_loop3A_923 = arith.constant 256 : index
        %parallel_loop3A_924 = tpu.vector_load %arg11[%parallel_loop3A_921, %parallel_loop3A_922, %parallel_loop3A_923] {strides = array<i32>} : memref<4x16x384xf32, #tpu.memory_space<vmem>>, vector<1x1x16xf32>,
        %parallel_loop3A_925 = vector.shape_cast %parallel_loop3A_924 : vector<1x1x16xf32> to vector<16xf32>
        %parallel_loop3A_926 = arith.constant 3 : i32
        %parallel_loop3A_927 = arith.index_cast %parallel_loop3A_926 : i32 to index
        %parallel_loop3A_928 = arith.index_cast %parallel_loop3A_455 : i32 to index
        %parallel_loop3A_929 = arith.constant 272 : index
        %parallel_loop3A_930 = tpu.vector_load %arg11[%parallel_loop3A_927, %parallel_loop3A_928, %parallel_loop3A_929] {strides = array<i32>} : memref<4x16x384xf32, #tpu.memory_space<vmem>>, vector<1x1x16xf32>,
        %parallel_loop3A_931 = vector.shape_cast %parallel_loop3A_930 : vector<1x1x16xf32> to vector<16xf32>
        %parallel_loop3A_932 = arith.constant 3 : i32
        %parallel_loop3A_933 = arith.index_cast %parallel_loop3A_932 : i32 to index
        %parallel_loop3A_934 = arith.index_cast %parallel_loop3A_455 : i32 to index
        %parallel_loop3A_935 = arith.constant 288 : index
        %parallel_loop3A_936 = tpu.vector_load %arg11[%parallel_loop3A_933, %parallel_loop3A_934, %parallel_loop3A_935] {strides = array<i32>} : memref<4x16x384xf32, #tpu.memory_space<vmem>>, vector<1x1x16xf32>,
        %parallel_loop3A_937 = vector.shape_cast %parallel_loop3A_936 : vector<1x1x16xf32> to vector<16xf32>
        %parallel_loop3A_938 = arith.constant 3 : i32
        %parallel_loop3A_939 = arith.index_cast %parallel_loop3A_938 : i32 to index
        %parallel_loop3A_940 = arith.index_cast %parallel_loop3A_455 : i32 to index
        %parallel_loop3A_941 = arith.constant 304 : index
        %parallel_loop3A_942 = tpu.vector_load %arg11[%parallel_loop3A_939, %parallel_loop3A_940, %parallel_loop3A_941] {strides = array<i32>} : memref<4x16x384xf32, #tpu.memory_space<vmem>>, vector<1x1x16xf32>,
        %parallel_loop3A_943 = vector.shape_cast %parallel_loop3A_942 : vector<1x1x16xf32> to vector<16xf32>
        %parallel_loop3A_944 = arith.constant 3 : i32
        %parallel_loop3A_945 = arith.index_cast %parallel_loop3A_944 : i32 to index
        %parallel_loop3A_946 = arith.index_cast %parallel_loop3A_455 : i32 to index
        %parallel_loop3A_947 = arith.constant 320 : index
        %parallel_loop3A_948 = tpu.vector_load %arg11[%parallel_loop3A_945, %parallel_loop3A_946, %parallel_loop3A_947] {strides = array<i32>} : memref<4x16x384xf32, #tpu.memory_space<vmem>>, vector<1x1x16xf32>,
        %parallel_loop3A_949 = vector.shape_cast %parallel_loop3A_948 : vector<1x1x16xf32> to vector<16xf32>
        %parallel_loop3A_950 = arith.constant 3 : i32
        %parallel_loop3A_951 = arith.index_cast %parallel_loop3A_950 : i32 to index
        %parallel_loop3A_952 = arith.index_cast %parallel_loop3A_455 : i32 to index
        %parallel_loop3A_953 = arith.constant 336 : index
        %parallel_loop3A_954 = tpu.vector_load %arg11[%parallel_loop3A_951, %parallel_loop3A_952, %parallel_loop3A_953] {strides = array<i32>} : memref<4x16x384xf32, #tpu.memory_space<vmem>>, vector<1x1x16xf32>,
        %parallel_loop3A_955 = vector.shape_cast %parallel_loop3A_954 : vector<1x1x16xf32> to vector<16xf32>
        %parallel_loop3A_956 = arith.constant 3 : i32
        %parallel_loop3A_957 = arith.index_cast %parallel_loop3A_956 : i32 to index
        %parallel_loop3A_958 = arith.index_cast %parallel_loop3A_455 : i32 to index
        %parallel_loop3A_959 = arith.constant 352 : index
        %parallel_loop3A_960 = tpu.vector_load %arg11[%parallel_loop3A_957, %parallel_loop3A_958, %parallel_loop3A_959] {strides = array<i32>} : memref<4x16x384xf32, #tpu.memory_space<vmem>>, vector<1x1x16xf32>,
        %parallel_loop3A_961 = vector.shape_cast %parallel_loop3A_960 : vector<1x1x16xf32> to vector<16xf32>
        %parallel_loop3A_962 = arith.constant 3 : i32
        %parallel_loop3A_963 = arith.index_cast %parallel_loop3A_962 : i32 to index
        %parallel_loop3A_964 = arith.index_cast %parallel_loop3A_455 : i32 to index
        %parallel_loop3A_965 = arith.constant 368 : index
        %parallel_loop3A_966 = tpu.vector_load %arg11[%parallel_loop3A_963, %parallel_loop3A_964, %parallel_loop3A_965] {strides = array<i32>} : memref<4x16x384xf32, #tpu.memory_space<vmem>>, vector<1x1x16xf32>,
        %parallel_loop3A_967 = vector.shape_cast %parallel_loop3A_966 : vector<1x1x16xf32> to vector<16xf32>
        %parallel_loop3A_968 = arith.constant 3 : i32
        %parallel_loop3A_969 = arith.index_cast %parallel_loop3A_968 : i32 to index
        %parallel_loop3A_970 = arith.index_cast %parallel_loop3A_455 : i32 to index
        %parallel_loop3A_971 = arith.constant 256 : index
        %parallel_loop3A_972 = tpu.vector_load %arg12[%parallel_loop3A_969, %parallel_loop3A_970, %parallel_loop3A_971] {strides = array<i32>} : memref<4x16x768xf32, #tpu.memory_space<vmem>>, vector<1x1x16xf32>,
        %parallel_loop3A_973 = vector.shape_cast %parallel_loop3A_972 : vector<1x1x16xf32> to vector<16xf32>
        %parallel_loop3A_974 = vector.shape_cast %parallel_loop3A_877 : vector<16xf32> to vector<1x1x16xf32>
        tpu.vector_store %arg12[%parallel_loop3A_969, %parallel_loop3A_970, %parallel_loop3A_971], %parallel_loop3A_974 {add = true, strides = array<i32>} : memref<4x16x768xf32, #tpu.memory_space<vmem>>, vector<1x1x16xf32>,
        %parallel_loop3A_975 = arith.constant 3 : i32
        %parallel_loop3A_976 = arith.index_cast %parallel_loop3A_975 : i32 to index
        %parallel_loop3A_977 = arith.index_cast %parallel_loop3A_455 : i32 to index
        %parallel_loop3A_978 = arith.constant 272 : index
        %parallel_loop3A_979 = tpu.vector_load %arg12[%parallel_loop3A_976, %parallel_loop3A_977, %parallel_loop3A_978] {strides = array<i32>} : memref<4x16x768xf32, #tpu.memory_space<vmem>>, vector<1x1x16xf32>,
        %parallel_loop3A_980 = vector.shape_cast %parallel_loop3A_979 : vector<1x1x16xf32> to vector<16xf32>
        %parallel_loop3A_981 = vector.shape_cast %parallel_loop3A_883 : vector<16xf32> to vector<1x1x16xf32>
        tpu.vector_store %arg12[%parallel_loop3A_976, %parallel_loop3A_977, %parallel_loop3A_978], %parallel_loop3A_981 {add = true, strides = array<i32>} : memref<4x16x768xf32, #tpu.memory_space<vmem>>, vector<1x1x16xf32>,
        %parallel_loop3A_982 = arith.constant 3 : i32
        %parallel_loop3A_983 = arith.index_cast %parallel_loop3A_982 : i32 to index
        %parallel_loop3A_984 = arith.index_cast %parallel_loop3A_455 : i32 to index
        %parallel_loop3A_985 = arith.constant 288 : index
        %parallel_loop3A_986 = tpu.vector_load %arg12[%parallel_loop3A_983, %parallel_loop3A_984, %parallel_loop3A_985] {strides = array<i32>} : memref<4x16x768xf32, #tpu.memory_space<vmem>>, vector<1x1x16xf32>,
        %parallel_loop3A_987 = vector.shape_cast %parallel_loop3A_986 : vector<1x1x16xf32> to vector<16xf32>
        %parallel_loop3A_988 = vector.shape_cast %parallel_loop3A_889 : vector<16xf32> to vector<1x1x16xf32>
        tpu.vector_store %arg12[%parallel_loop3A_983, %parallel_loop3A_984, %parallel_loop3A_985], %parallel_loop3A_988 {add = true, strides = array<i32>} : memref<4x16x768xf32, #tpu.memory_space<vmem>>, vector<1x1x16xf32>,
        %parallel_loop3A_989 = arith.constant 3 : i32
        %parallel_loop3A_990 = arith.index_cast %parallel_loop3A_989 : i32 to index
        %parallel_loop3A_991 = arith.index_cast %parallel_loop3A_455 : i32 to index
        %parallel_loop3A_992 = arith.constant 304 : index
        %parallel_loop3A_993 = tpu.vector_load %arg12[%parallel_loop3A_990, %parallel_loop3A_991, %parallel_loop3A_992] {strides = array<i32>} : memref<4x16x768xf32, #tpu.memory_space<vmem>>, vector<1x1x16xf32>,
        %parallel_loop3A_994 = vector.shape_cast %parallel_loop3A_993 : vector<1x1x16xf32> to vector<16xf32>
        %parallel_loop3A_995 = vector.shape_cast %parallel_loop3A_895 : vector<16xf32> to vector<1x1x16xf32>
        tpu.vector_store %arg12[%parallel_loop3A_990, %parallel_loop3A_991, %parallel_loop3A_992], %parallel_loop3A_995 {add = true, strides = array<i32>} : memref<4x16x768xf32, #tpu.memory_space<vmem>>, vector<1x1x16xf32>,
        %parallel_loop3A_996 = arith.constant 3 : i32
        %parallel_loop3A_997 = arith.index_cast %parallel_loop3A_996 : i32 to index
        %parallel_loop3A_998 = arith.index_cast %parallel_loop3A_455 : i32 to index
        %parallel_loop3A_999 = arith.constant 320 : index
        %parallel_loop3A_1000 = tpu.vector_load %arg12[%parallel_loop3A_997, %parallel_loop3A_998, %parallel_loop3A_999] {strides = array<i32>} : memref<4x16x768xf32, #tpu.memory_space<vmem>>, vector<1x1x16xf32>,
        %parallel_loop3A_1001 = vector.shape_cast %parallel_loop3A_1000 : vector<1x1x16xf32> to vector<16xf32>
        %parallel_loop3A_1002 = vector.shape_cast %parallel_loop3A_901 : vector<16xf32> to vector<1x1x16xf32>
        tpu.vector_store %arg12[%parallel_loop3A_997, %parallel_loop3A_998, %parallel_loop3A_999], %parallel_loop3A_1002 {add = true, strides = array<i32>} : memref<4x16x768xf32, #tpu.memory_space<vmem>>, vector<1x1x16xf32>,
        %parallel_loop3A_1003 = arith.constant 3 : i32
        %parallel_loop3A_1004 = arith.index_cast %parallel_loop3A_1003 : i32 to index
        %parallel_loop3A_1005 = arith.index_cast %parallel_loop3A_455 : i32 to index
        %parallel_loop3A_1006 = arith.constant 336 : index
        %parallel_loop3A_1007 = tpu.vector_load %arg12[%parallel_loop3A_1004, %parallel_loop3A_1005, %parallel_loop3A_1006] {strides = array<i32>} : memref<4x16x768xf32, #tpu.memory_space<vmem>>, vector<1x1x16xf32>,
        %parallel_loop3A_1008 = vector.shape_cast %parallel_loop3A_1007 : vector<1x1x16xf32> to vector<16xf32>
        %parallel_loop3A_1009 = vector.shape_cast %parallel_loop3A_907 : vector<16xf32> to vector<1x1x16xf32>
        tpu.vector_store %arg12[%parallel_loop3A_1004, %parallel_loop3A_1005, %parallel_loop3A_1006], %parallel_loop3A_1009 {add = true, strides = array<i32>} : memref<4x16x768xf32, #tpu.memory_space<vmem>>, vector<1x1x16xf32>,
        %parallel_loop3A_1010 = arith.constant 3 : i32
        %parallel_loop3A_1011 = arith.index_cast %parallel_loop3A_1010 : i32 to index
        %parallel_loop3A_1012 = arith.index_cast %parallel_loop3A_455 : i32 to index
        %parallel_loop3A_1013 = arith.constant 352 : index
        %parallel_loop3A_1014 = tpu.vector_load %arg12[%parallel_loop3A_1011, %parallel_loop3A_1012, %parallel_loop3A_1013] {strides = array<i32>} : memref<4x16x768xf32, #tpu.memory_space<vmem>>, vector<1x1x16xf32>,
        %parallel_loop3A_1015 = vector.shape_cast %parallel_loop3A_1014 : vector<1x1x16xf32> to vector<16xf32>
        %parallel_loop3A_1016 = vector.shape_cast %parallel_loop3A_913 : vector<16xf32> to vector<1x1x16xf32>
        tpu.vector_store %arg12[%parallel_loop3A_1011, %parallel_loop3A_1012, %parallel_loop3A_1013], %parallel_loop3A_1016 {add = true, strides = array<i32>} : memref<4x16x768xf32, #tpu.memory_space<vmem>>, vector<1x1x16xf32>,
        %parallel_loop3A_1017 = arith.constant 3 : i32
        %parallel_loop3A_1018 = arith.index_cast %parallel_loop3A_1017 : i32 to index
        %parallel_loop3A_1019 = arith.index_cast %parallel_loop3A_455 : i32 to index
        %parallel_loop3A_1020 = arith.constant 368 : index
        %parallel_loop3A_1021 = tpu.vector_load %arg12[%parallel_loop3A_1018, %parallel_loop3A_1019, %parallel_loop3A_1020] {strides = array<i32>} : memref<4x16x768xf32, #tpu.memory_space<vmem>>, vector<1x1x16xf32>,
        %parallel_loop3A_1022 = vector.shape_cast %parallel_loop3A_1021 : vector<1x1x16xf32> to vector<16xf32>
        %parallel_loop3A_1023 = vector.shape_cast %parallel_loop3A_919 : vector<16xf32> to vector<1x1x16xf32>
        tpu.vector_store %arg12[%parallel_loop3A_1018, %parallel_loop3A_1019, %parallel_loop3A_1020], %parallel_loop3A_1023 {add = true, strides = array<i32>} : memref<4x16x768xf32, #tpu.memory_space<vmem>>, vector<1x1x16xf32>,
        %parallel_loop3A_1024 = arith.constant 3 : i32
        %parallel_loop3A_1025 = arith.index_cast %parallel_loop3A_1024 : i32 to index
        %parallel_loop3A_1026 = arith.index_cast %parallel_loop3A_455 : i32 to index
        %parallel_loop3A_1027 = arith.constant 640 : index
        %parallel_loop3A_1028 = tpu.vector_load %arg12[%parallel_loop3A_1025, %parallel_loop3A_1026, %parallel_loop3A_1027] {strides = array<i32>} : memref<4x16x768xf32, #tpu.memory_space<vmem>>, vector<1x1x16xf32>,
        %parallel_loop3A_1029 = vector.shape_cast %parallel_loop3A_1028 : vector<1x1x16xf32> to vector<16xf32>
        %parallel_loop3A_1030 = vector.shape_cast %parallel_loop3A_925 : vector<16xf32> to vector<1x1x16xf32>
        tpu.vector_store %arg12[%parallel_loop3A_1025, %parallel_loop3A_1026, %parallel_loop3A_1027], %parallel_loop3A_1030 {add = true, strides = array<i32>} : memref<4x16x768xf32, #tpu.memory_space<vmem>>, vector<1x1x16xf32>,
        %parallel_loop3A_1031 = arith.constant 3 : i32
        %parallel_loop3A_1032 = arith.index_cast %parallel_loop3A_1031 : i32 to index
        %parallel_loop3A_1033 = arith.index_cast %parallel_loop3A_455 : i32 to index
        %parallel_loop3A_1034 = arith.constant 656 : index
        %parallel_loop3A_1035 = tpu.vector_load %arg12[%parallel_loop3A_1032, %parallel_loop3A_1033, %parallel_loop3A_1034] {strides = array<i32>} : memref<4x16x768xf32, #tpu.memory_space<vmem>>, vector<1x1x16xf32>,
        %parallel_loop3A_1036 = vector.shape_cast %parallel_loop3A_1035 : vector<1x1x16xf32> to vector<16xf32>
        %parallel_loop3A_1037 = vector.shape_cast %parallel_loop3A_931 : vector<16xf32> to vector<1x1x16xf32>
        tpu.vector_store %arg12[%parallel_loop3A_1032, %parallel_loop3A_1033, %parallel_loop3A_1034], %parallel_loop3A_1037 {add = true, strides = array<i32>} : memref<4x16x768xf32, #tpu.memory_space<vmem>>, vector<1x1x16xf32>,
        %parallel_loop3A_1038 = arith.constant 3 : i32
        %parallel_loop3A_1039 = arith.index_cast %parallel_loop3A_1038 : i32 to index
        %parallel_loop3A_1040 = arith.index_cast %parallel_loop3A_455 : i32 to index
        %parallel_loop3A_1041 = arith.constant 672 : index
        %parallel_loop3A_1042 = tpu.vector_load %arg12[%parallel_loop3A_1039, %parallel_loop3A_1040, %parallel_loop3A_1041] {strides = array<i32>} : memref<4x16x768xf32, #tpu.memory_space<vmem>>, vector<1x1x16xf32>,
        %parallel_loop3A_1043 = vector.shape_cast %parallel_loop3A_1042 : vector<1x1x16xf32> to vector<16xf32>
        %parallel_loop3A_1044 = vector.shape_cast %parallel_loop3A_937 : vector<16xf32> to vector<1x1x16xf32>
        tpu.vector_store %arg12[%parallel_loop3A_1039, %parallel_loop3A_1040, %parallel_loop3A_1041], %parallel_loop3A_1044 {add = true, strides = array<i32>} : memref<4x16x768xf32, #tpu.memory_space<vmem>>, vector<1x1x16xf32>,
        %parallel_loop3A_1045 = arith.constant 3 : i32
        %parallel_loop3A_1046 = arith.index_cast %parallel_loop3A_1045 : i32 to index
        %parallel_loop3A_1047 = arith.index_cast %parallel_loop3A_455 : i32 to index
        %parallel_loop3A_1048 = arith.constant 688 : index
        %parallel_loop3A_1049 = tpu.vector_load %arg12[%parallel_loop3A_1046, %parallel_loop3A_1047, %parallel_loop3A_1048] {strides = array<i32>} : memref<4x16x768xf32, #tpu.memory_space<vmem>>, vector<1x1x16xf32>,
        %parallel_loop3A_1050 = vector.shape_cast %parallel_loop3A_1049 : vector<1x1x16xf32> to vector<16xf32>
        %parallel_loop3A_1051 = vector.shape_cast %parallel_loop3A_943 : vector<16xf32> to vector<1x1x16xf32>
        tpu.vector_store %arg12[%parallel_loop3A_1046, %parallel_loop3A_1047, %parallel_loop3A_1048], %parallel_loop3A_1051 {add = true, strides = array<i32>} : memref<4x16x768xf32, #tpu.memory_space<vmem>>, vector<1x1x16xf32>,
        %parallel_loop3A_1052 = arith.constant 3 : i32
        %parallel_loop3A_1053 = arith.index_cast %parallel_loop3A_1052 : i32 to index
        %parallel_loop3A_1054 = arith.index_cast %parallel_loop3A_455 : i32 to index
        %parallel_loop3A_1055 = arith.constant 704 : index
        %parallel_loop3A_1056 = tpu.vector_load %arg12[%parallel_loop3A_1053, %parallel_loop3A_1054, %parallel_loop3A_1055] {strides = array<i32>} : memref<4x16x768xf32, #tpu.memory_space<vmem>>, vector<1x1x16xf32>,
        %parallel_loop3A_1057 = vector.shape_cast %parallel_loop3A_1056 : vector<1x1x16xf32> to vector<16xf32>
        %parallel_loop3A_1058 = vector.shape_cast %parallel_loop3A_949 : vector<16xf32> to vector<1x1x16xf32>
        tpu.vector_store %arg12[%parallel_loop3A_1053, %parallel_loop3A_1054, %parallel_loop3A_1055], %parallel_loop3A_1058 {add = true, strides = array<i32>} : memref<4x16x768xf32, #tpu.memory_space<vmem>>, vector<1x1x16xf32>,
        %parallel_loop3A_1059 = arith.constant 3 : i32
        %parallel_loop3A_1060 = arith.index_cast %parallel_loop3A_1059 : i32 to index
        %parallel_loop3A_1061 = arith.index_cast %parallel_loop3A_455 : i32 to index
        %parallel_loop3A_1062 = arith.constant 720 : index
        %parallel_loop3A_1063 = tpu.vector_load %arg12[%parallel_loop3A_1060, %parallel_loop3A_1061, %parallel_loop3A_1062] {strides = array<i32>} : memref<4x16x768xf32, #tpu.memory_space<vmem>>, vector<1x1x16xf32>,
        %parallel_loop3A_1064 = vector.shape_cast %parallel_loop3A_1063 : vector<1x1x16xf32> to vector<16xf32>
        %parallel_loop3A_1065 = vector.shape_cast %parallel_loop3A_955 : vector<16xf32> to vector<1x1x16xf32>
        tpu.vector_store %arg12[%parallel_loop3A_1060, %parallel_loop3A_1061, %parallel_loop3A_1062], %parallel_loop3A_1065 {add = true, strides = array<i32>} : memref<4x16x768xf32, #tpu.memory_space<vmem>>, vector<1x1x16xf32>,
        %parallel_loop3A_1066 = arith.constant 3 : i32
        %parallel_loop3A_1067 = arith.index_cast %parallel_loop3A_1066 : i32 to index
        %parallel_loop3A_1068 = arith.index_cast %parallel_loop3A_455 : i32 to index
        %parallel_loop3A_1069 = arith.constant 736 : index
        %parallel_loop3A_1070 = tpu.vector_load %arg12[%parallel_loop3A_1067, %parallel_loop3A_1068, %parallel_loop3A_1069] {strides = array<i32>} : memref<4x16x768xf32, #tpu.memory_space<vmem>>, vector<1x1x16xf32>,
        %parallel_loop3A_1071 = vector.shape_cast %parallel_loop3A_1070 : vector<1x1x16xf32> to vector<16xf32>
        %parallel_loop3A_1072 = vector.shape_cast %parallel_loop3A_961 : vector<16xf32> to vector<1x1x16xf32>
        tpu.vector_store %arg12[%parallel_loop3A_1067, %parallel_loop3A_1068, %parallel_loop3A_1069], %parallel_loop3A_1072 {add = true, strides = array<i32>} : memref<4x16x768xf32, #tpu.memory_space<vmem>>, vector<1x1x16xf32>,
        %parallel_loop3A_1073 = arith.constant 3 : i32
        %parallel_loop3A_1074 = arith.index_cast %parallel_loop3A_1073 : i32 to index
        %parallel_loop3A_1075 = arith.index_cast %parallel_loop3A_455 : i32 to index
        %parallel_loop3A_1076 = arith.constant 752 : index
        %parallel_loop3A_1077 = tpu.vector_load %arg12[%parallel_loop3A_1074, %parallel_loop3A_1075, %parallel_loop3A_1076] {strides = array<i32>} : memref<4x16x768xf32, #tpu.memory_space<vmem>>, vector<1x1x16xf32>,
        %parallel_loop3A_1078 = vector.shape_cast %parallel_loop3A_1077 : vector<1x1x16xf32> to vector<16xf32>
        %parallel_loop3A_1079 = vector.shape_cast %parallel_loop3A_967 : vector<16xf32> to vector<1x1x16xf32>
        tpu.vector_store %arg12[%parallel_loop3A_1074, %parallel_loop3A_1075, %parallel_loop3A_1076], %parallel_loop3A_1079 {add = true, strides = array<i32>} : memref<4x16x768xf32, #tpu.memory_space<vmem>>, vector<1x1x16xf32>,
      } {sc.loop_unroll_factor = 1 : i64, sc.parallel_access}
      %mul3A_436 = arith.constant 16 : i32
      %mul3A_437 = arith.muli %add3A_383, %mul3A_436 : i32
      %add3A_438 = arith.addi %mul3A_2, %mul3A_437 : i32
      %dma_start3A_439 = arith.constant 3 : i32
      %dma_start3A_440 = arith.constant 3 : i32
      %dma_start3A_441 = arith.constant 0 : i32
      %dma_start3A_442 = arith.constant 0 : i32
      %dma_start3A_443 = tpu.memref_slice %arg12[%dma_start3A_439, %dma_start3A_441, %dma_start3A_442] : memref<4x16x768xf32, #tpu.memory_space<vmem>> -> memref<1x16x768xf32, #tpu.memory_space<vmem>>
      %dma_start3A_444 = tpu.memref_squeeze %dma_start3A_443 : memref<1x16x768xf32, #tpu.memory_space<vmem>> -> memref<16x768xf32, #tpu.memory_space<vmem>>
      %dma_start3A_445 = arith.constant 0 : i32
      %dma_start3A_446 = tpu.memref_slice %arg7[%add3A_438, %dma_start3A_445] : memref<32768x768xf32, #tpu.memory_space<hbm>> -> memref<16x768xf32, #tpu.memory_space<hbm>>
      %dma_start3A_447 = tpu.memref_slice %arg14[%dma_start3A_440] : memref<4x!tpu.dma_semaphore, #tpu.memory_space<semaphore_mem>> -> memref<1x!tpu.dma_semaphore, #tpu.memory_space<semaphore_mem>>
      %dma_start3A_448 = tpu.memref_squeeze %dma_start3A_447 : memref<1x!tpu.dma_semaphore, #tpu.memory_space<semaphore_mem>> -> memref<!tpu.dma_semaphore, #tpu.memory_space<semaphore_mem>>
      %dma_start3A_449 = arith.constant 0 : i32
      %dma_start3A_450 = tpu.memref_slice %arg7[%add3A_438, %dma_start3A_449] : memref<32768x768xf32, #tpu.memory_space<hbm>> -> memref<16x768xf32, #tpu.memory_space<hbm>>
      %dma_start3A_451 = arith.constant 0 : i32
      %dma_start3A_452 = arith.constant 0 : i32
      %dma_start3A_453 = tpu.memref_slice %arg12[%dma_start3A_439, %dma_start3A_451, %dma_start3A_452] : memref<4x16x768xf32, #tpu.memory_space<vmem>> -> memref<1x16x768xf32, #tpu.memory_space<vmem>>
      %dma_start3A_454 = tpu.memref_squeeze %dma_start3A_453 : memref<1x16x768xf32, #tpu.memory_space<vmem>> -> memref<16x768xf32, #tpu.memory_space<vmem>>
      tpu.enqueue_dma source(%dma_start3A_454 : memref<16x768xf32, #tpu.memory_space<vmem>>) target(%dma_start3A_450 : memref<16x768xf32, #tpu.memory_space<hbm>>) target_semaphore(%dma_start3A_448 : memref<!tpu.dma_semaphore, #tpu.memory_space<semaphore_mem>>)
    }
    %scan3A_94 = arith.constant 16 : i32
    %dma_wait3A = arith.constant 0 : i32
    %dma_wait3A_95 = arith.constant 0 : i32
    %dma_wait3A_96 = arith.constant 0 : i32
    %dma_wait3A_97 = arith.constant 0 : i32
    %dma_wait3A_98 = tpu.memref_slice %arg12[%dma_wait3A, %dma_wait3A_96, %dma_wait3A_97] : memref<4x16x768xf32, #tpu.memory_space<vmem>> -> memref<1x16x768xf32, #tpu.memory_space<vmem>>
    %dma_wait3A_99 = tpu.memref_squeeze %dma_wait3A_98 : memref<1x16x768xf32, #tpu.memory_space<vmem>> -> memref<16x768xf32, #tpu.memory_space<vmem>>
    %dma_wait3A_100 = arith.constant 0 : i32
    %dma_wait3A_101 = tpu.memref_slice %arg7[%mul3A_2, %dma_wait3A_100] : memref<32768x768xf32, #tpu.memory_space<hbm>> -> memref<16x768xf32, #tpu.memory_space<hbm>>
    %dma_wait3A_102 = tpu.memref_slice %arg14[%dma_wait3A_95] : memref<4x!tpu.dma_semaphore, #tpu.memory_space<semaphore_mem>> -> memref<1x!tpu.dma_semaphore, #tpu.memory_space<semaphore_mem>>
    %dma_wait3A_103 = tpu.memref_squeeze %dma_wait3A_102 : memref<1x!tpu.dma_semaphore, #tpu.memory_space<semaphore_mem>> -> memref<!tpu.dma_semaphore, #tpu.memory_space<semaphore_mem>>
    %dma_wait3A_104 = arith.constant 0 : i32
    %dma_wait3A_105 = tpu.memref_slice %arg7[%mul3A_2, %dma_wait3A_104] : memref<32768x768xf32, #tpu.memory_space<hbm>> -> memref<16x768xf32, #tpu.memory_space<hbm>>
    %dma_wait3A_106 = arith.constant 0 : i32
    %dma_wait3A_107 = arith.constant 0 : i32
    %dma_wait3A_108 = tpu.memref_slice %arg12[%dma_wait3A, %dma_wait3A_106, %dma_wait3A_107] : memref<4x16x768xf32, #tpu.memory_space<vmem>> -> memref<1x16x768xf32, #tpu.memory_space<vmem>>
    %dma_wait3A_109 = tpu.memref_squeeze %dma_wait3A_108 : memref<1x16x768xf32, #tpu.memory_space<vmem>> -> memref<16x768xf32, #tpu.memory_space<vmem>>
    tpu.wait_dma2 semaphore(%dma_wait3A_103 : memref<!tpu.dma_semaphore, #tpu.memory_space<semaphore_mem>>) src(%dma_wait3A_109 : memref<16x768xf32, #tpu.memory_space<vmem>>) dst(%dma_wait3A_105 : memref<16x768xf32, #tpu.memory_space<hbm>>)
    %dma_wait3A_110 = arith.constant 1 : i32
    %dma_wait3A_111 = arith.constant 1 : i32
    %dma_wait3A_112 = arith.constant 0 : i32
    %dma_wait3A_113 = arith.constant 0 : i32
    %dma_wait3A_114 = tpu.memref_slice %arg12[%dma_wait3A_110, %dma_wait3A_112, %dma_wait3A_113] : memref<4x16x768xf32, #tpu.memory_space<vmem>> -> memref<1x16x768xf32, #tpu.memory_space<vmem>>
    %dma_wait3A_115 = tpu.memref_squeeze %dma_wait3A_114 : memref<1x16x768xf32, #tpu.memory_space<vmem>> -> memref<16x768xf32, #tpu.memory_space<vmem>>
    %dma_wait3A_116 = arith.constant 0 : i32
    %dma_wait3A_117 = tpu.memref_slice %arg7[%mul3A_2, %dma_wait3A_116] : memref<32768x768xf32, #tpu.memory_space<hbm>> -> memref<16x768xf32, #tpu.memory_space<hbm>>
    %dma_wait3A_118 = tpu.memref_slice %arg14[%dma_wait3A_111] : memref<4x!tpu.dma_semaphore, #tpu.memory_space<semaphore_mem>> -> memref<1x!tpu.dma_semaphore, #tpu.memory_space<semaphore_mem>>
    %dma_wait3A_119 = tpu.memref_squeeze %dma_wait3A_118 : memref<1x!tpu.dma_semaphore, #tpu.memory_space<semaphore_mem>> -> memref<!tpu.dma_semaphore, #tpu.memory_space<semaphore_mem>>
    %dma_wait3A_120 = arith.constant 0 : i32
    %dma_wait3A_121 = tpu.memref_slice %arg7[%mul3A_2, %dma_wait3A_120] : memref<32768x768xf32, #tpu.memory_space<hbm>> -> memref<16x768xf32, #tpu.memory_space<hbm>>
    %dma_wait3A_122 = arith.constant 0 : i32
    %dma_wait3A_123 = arith.constant 0 : i32
    %dma_wait3A_124 = tpu.memref_slice %arg12[%dma_wait3A_110, %dma_wait3A_122, %dma_wait3A_123] : memref<4x16x768xf32, #tpu.memory_space<vmem>> -> memref<1x16x768xf32, #tpu.memory_space<vmem>>
    %dma_wait3A_125 = tpu.memref_squeeze %dma_wait3A_124 : memref<1x16x768xf32, #tpu.memory_space<vmem>> -> memref<16x768xf32, #tpu.memory_space<vmem>>
    tpu.wait_dma2 semaphore(%dma_wait3A_119 : memref<!tpu.dma_semaphore, #tpu.memory_space<semaphore_mem>>) src(%dma_wait3A_125 : memref<16x768xf32, #tpu.memory_space<vmem>>) dst(%dma_wait3A_121 : memref<16x768xf32, #tpu.memory_space<hbm>>)
    %dma_wait3A_126 = arith.constant 2 : i32
    %dma_wait3A_127 = arith.constant 2 : i32
    %dma_wait3A_128 = arith.constant 0 : i32
    %dma_wait3A_129 = arith.constant 0 : i32
    %dma_wait3A_130 = tpu.memref_slice %arg12[%dma_wait3A_126, %dma_wait3A_128, %dma_wait3A_129] : memref<4x16x768xf32, #tpu.memory_space<vmem>> -> memref<1x16x768xf32, #tpu.memory_space<vmem>>
    %dma_wait3A_131 = tpu.memref_squeeze %dma_wait3A_130 : memref<1x16x768xf32, #tpu.memory_space<vmem>> -> memref<16x768xf32, #tpu.memory_space<vmem>>
    %dma_wait3A_132 = arith.constant 0 : i32
    %dma_wait3A_133 = tpu.memref_slice %arg7[%mul3A_2, %dma_wait3A_132] : memref<32768x768xf32, #tpu.memory_space<hbm>> -> memref<16x768xf32, #tpu.memory_space<hbm>>
    %dma_wait3A_134 = tpu.memref_slice %arg14[%dma_wait3A_127] : memref<4x!tpu.dma_semaphore, #tpu.memory_space<semaphore_mem>> -> memref<1x!tpu.dma_semaphore, #tpu.memory_space<semaphore_mem>>
    %dma_wait3A_135 = tpu.memref_squeeze %dma_wait3A_134 : memref<1x!tpu.dma_semaphore, #tpu.memory_space<semaphore_mem>> -> memref<!tpu.dma_semaphore, #tpu.memory_space<semaphore_mem>>
    %dma_wait3A_136 = arith.constant 0 : i32
    %dma_wait3A_137 = tpu.memref_slice %arg7[%mul3A_2, %dma_wait3A_136] : memref<32768x768xf32, #tpu.memory_space<hbm>> -> memref<16x768xf32, #tpu.memory_space<hbm>>
    %dma_wait3A_138 = arith.constant 0 : i32
    %dma_wait3A_139 = arith.constant 0 : i32
    %dma_wait3A_140 = tpu.memref_slice %arg12[%dma_wait3A_126, %dma_wait3A_138, %dma_wait3A_139] : memref<4x16x768xf32, #tpu.memory_space<vmem>> -> memref<1x16x768xf32, #tpu.memory_space<vmem>>
    %dma_wait3A_141 = tpu.memref_squeeze %dma_wait3A_140 : memref<1x16x768xf32, #tpu.memory_space<vmem>> -> memref<16x768xf32, #tpu.memory_space<vmem>>
    tpu.wait_dma2 semaphore(%dma_wait3A_135 : memref<!tpu.dma_semaphore, #tpu.memory_space<semaphore_mem>>) src(%dma_wait3A_141 : memref<16x768xf32, #tpu.memory_space<vmem>>) dst(%dma_wait3A_137 : memref<16x768xf32, #tpu.memory_space<hbm>>)
    %dma_wait3A_142 = arith.constant 3 : i32
    %dma_wait3A_143 = arith.constant 3 : i32
    %dma_wait3A_144 = arith.constant 0 : i32
    %dma_wait3A_145 = arith.constant 0 : i32
    %dma_wait3A_146 = tpu.memref_slice %arg12[%dma_wait3A_142, %dma_wait3A_144, %dma_wait3A_145] : memref<4x16x768xf32, #tpu.memory_space<vmem>> -> memref<1x16x768xf32, #tpu.memory_space<vmem>>
    %dma_wait3A_147 = tpu.memref_squeeze %dma_wait3A_146 : memref<1x16x768xf32, #tpu.memory_space<vmem>> -> memref<16x768xf32, #tpu.memory_space<vmem>>
    %dma_wait3A_148 = arith.constant 0 : i32
    %dma_wait3A_149 = tpu.memref_slice %arg7[%mul3A_2, %dma_wait3A_148] : memref<32768x768xf32, #tpu.memory_space<hbm>> -> memref<16x768xf32, #tpu.memory_space<hbm>>
    %dma_wait3A_150 = tpu.memref_slice %arg14[%dma_wait3A_143] : memref<4x!tpu.dma_semaphore, #tpu.memory_space<semaphore_mem>> -> memref<1x!tpu.dma_semaphore, #tpu.memory_space<semaphore_mem>>
    %dma_wait3A_151 = tpu.memref_squeeze %dma_wait3A_150 : memref<1x!tpu.dma_semaphore, #tpu.memory_space<semaphore_mem>> -> memref<!tpu.dma_semaphore, #tpu.memory_space<semaphore_mem>>
    %dma_wait3A_152 = arith.constant 0 : i32
    %dma_wait3A_153 = tpu.memref_slice %arg7[%mul3A_2, %dma_wait3A_152] : memref<32768x768xf32, #tpu.memory_space<hbm>> -> memref<16x768xf32, #tpu.memory_space<hbm>>
    %dma_wait3A_154 = arith.constant 0 : i32
    %dma_wait3A_155 = arith.constant 0 : i32
    %dma_wait3A_156 = tpu.memref_slice %arg12[%dma_wait3A_142, %dma_wait3A_154, %dma_wait3A_155] : memref<4x16x768xf32, #tpu.memory_space<vmem>> -> memref<1x16x768xf32, #tpu.memory_space<vmem>>
    %dma_wait3A_157 = tpu.memref_squeeze %dma_wait3A_156 : memref<1x16x768xf32, #tpu.memory_space<vmem>> -> memref<16x768xf32, #tpu.memory_space<vmem>>
    tpu.wait_dma2 semaphore(%dma_wait3A_151 : memref<!tpu.dma_semaphore, #tpu.memory_space<semaphore_mem>>) src(%dma_wait3A_157 : memref<16x768xf32, #tpu.memory_space<vmem>>) dst(%dma_wait3A_153 : memref<16x768xf32, #tpu.memory_space<hbm>>)
    return
  }
}

</mosaic_0001>

<sc_bundles>
// kernel: _sc_lookup_add.3.cloned.1.call-start
scs
__scs_entry_jumppad:
0x0: {  	(pc) =	sbr.rel $0x88, $3  }
0x1: {  	(tag) =	ssettag $0x0;
	lr =	simm.s32 $0x1  }
0x2: {  	[smem:$0x3F9C] =	sst lr;
	_ =	strace $0xD0000000  }
0x3: {  	_ = 	snop  }
0x4: {  	_ = 	snop  }
0x5: {  	_ = 	snop  }
0x6: {  	_ = 	snop  }
0x7: {  	_ = 	snop  }
__scs_overlays_trampoline_lowered:
0x8: {  	[smem:$0x3FAB] =	sst s0  }
0x9: {  	[smem:$0x3FAC] =	sst s1  }
0xa: {  	[smem:$0x3FAD] =	sst s2  }
0xb: {  	[smem:$0x3FAE] =	sst s3  }
0xc: {  	[smem:$0x3FAF] =	sst s4  }
0xd: {  	[smem:$0x3FB0] =	sst s5  }
0xe: {  	[smem:$0x3FB1] =	sst s6  }
0xf: {  	[smem:$0x3FB2] =	sst s7  }
0x10: {  	[smem:$0x3FB3] =	sst s8  }
0x11: {  	[smem:$0x3FB4] =	sst s9;
	s0 =	simm.s32 @!p0 $0x0  }
0x12: {  	s1 =	sld [smem:$0x3F9A];
	s0 =	simm.s32 @p0 $0x1  }
0x13: {  	[smem:$0x3FB5] =	sst s0;
	s0 =	simm.s32 @!p1 $0x0  }
0x14: {  	s2 =	sld [smem:$0x3F99];
	s0 =	simm.s32 @p1 $0x1  }
0x15: {  	[smem:$0x3FB6] =	sst s0;
	s0 =	simm.s32 @!p2 $0x0  }
0x16: {  	s3 =	sld [smem:$0x3FDB];
	s0 =	simm.s32 @p2 $0x1  }
0x17: {  	s4 =	simm.s32 $0x1BF5;
	[smem:$0x3FB8] =	sst s0  }
0x18: {  	s0 =	sld [smem:$0x3F9B];
	_ =	swait.ge [sflag:s4], $0x0  }
0x19: {  	s7 =	sld [smem:$0x3F9C]  }
0x1a: {  	s8 =	sadd.s32 $0xFFFFE003, lr  }
0x1b: {  	s9 =	sadd.s32 $0xFFFFFEF7, lr;
	s5 =	simm.s32 $0xFFFFFFFF;
	p2 =	slt.u32 s8, $0xFFFFF086  }
0x1c: {  	p1 =	slt.u32 s9, $0xF7A;
	s5 =	simm.s32 @!p2 $0x0  }
0x1d: {  	s5 =	simm.s32 @p1 $0x1;
	p0 =	seq.s32 s7, s2  }
0x1e: {  	s7 =	smul.u32 @!p0 $0xF7A, s2;
	p2 =	seq.s32 @!p0 s5, $0x0  }
0x1f: {  	s9 =	smul.u32 $0xF7A, s1;
	s8 =	simm.s32 @!p0 $0x1BF5;
	p2 =	por !p2, p0  }
0x20: {  	[sflag:s8] =	ssyncset.s32 @!p0 $0xFFFFF086;
	s6 =	sadd.s32 @!p0 s3, s7;
	s7 =	simm.s32 @!p0 $0x108  }
0x21: {  	s3 =	sadd.s32 s3, s9;
	s6 =	sadd.s32 @!p0 $0x88, s6;
	s7 =	simm.s32 @p2 $0x1082  }
0x22: {  	[simem:s7], [sflag:s8] =	dma.local @!p0 [hbm:s6], $0xF7A  }
0x23: {  	s9 =	sor.u32 $0xD0000000, s2;
	s6 =	simm.s32 $0x108;
	_ =	swait.ge @!p0 [sflag:s8], $0x0  }
0x24: {  	s3 =	sadd.s32 $0x88, s3;
	s6 =	simm.s32 @!p1 $0x1082;
	[sflag:s4] =	ssyncset.s32 $0xFFFFF086  }
0x25: {  	[simem:s6], [sflag:s4] =	dma.local [hbm:s3], $0xF7A  }
0x26: {  	[smem:$0x3F9C] =	sst s1;
	(tag) =	ssettag s2;
	_ =	strace s9  }
0x27: {  	s1 =	sld [smem:$0x3FAC]  }
0x28: {  	s2 =	sld [smem:$0x3FAD]  }
0x29: {  	s4 =	sld [smem:$0x3FAF]  }
0x2a: {  	p0 =	seq.s32 s5, $0x0;
	s5 =	sld [smem:$0x3FB0]  }
0x2b: {  	s6 =	sld [smem:$0x3FB1]  }
0x2c: {  	s7 =	sld [smem:$0x3FB2]  }
0x2d: {  	s3 =	simm.s32 $0x108;
	s8 =	sld [smem:$0x3FB3]  }
0x2e: {  	s3 =	simm.s32 @!p0 $0x1082;
	s9 =	sld [smem:$0x3FB4]  }
0x2f: {  	lr =	sadd.s32 s0, s3;
	s0 =	sld [smem:$0x3FAB]  }
0x30: {  	s3 =	sld [smem:$0x3FAE]  }
0x31: {  	[smem:$0x3FB7] =	sst s10  }
0x32: {  	s10 =	sld [smem:$0x3FB5];
	_ =	sdelay $0x3  }
0x33: {  	p0 =	seq.s32 s10, $0x1;
	s10 =	sld [smem:$0x3FB7];
	_ =	sdelay $0x3  }
0x34: {  	[smem:$0x3FB7] =	sst s10  }
0x35: {  	s10 =	sld [smem:$0x3FB6];
	_ =	sdelay $0x3  }
0x36: {  	p1 =	seq.s32 s10, $0x1;
	s10 =	sld [smem:$0x3FB7];
	_ =	sdelay $0x3  }
0x37: {  	[smem:$0x3FB7] =	sst s10  }
0x38: {  	s10 =	sld [smem:$0x3FB8]  }
0x39: {  	_ = 	snop;
	(pc) =	sbr.ind lr, $3  }
0x3a: {  	_ = 	snop  }
0x3b: {  	_ = 	snop  }
0x3c: {  	p2 =	seq.s32 s10, $0x1;
	s10 =	sld [smem:$0x3FB7]  }
0x3d: {  	_ =	shalt  }
0x3e: {  	_ =	shalt  }
0x3f: {  	_ =	shalt  }
0x40: {  	_ =	shalt  }
0x41: {  	_ =	shalt  }
0x42: {  	_ =	shalt  }
0x43: {  	_ =	shalt  }
0x44: {  	_ =	shalt  }
0x45: {  	_ =	shalt  }
0x46: {  	_ =	shalt  }
0x47: {  	_ =	shalt  }
0x48: {  	_ =	shalt  }
0x49: {  	_ =	shalt  }
0x4a: {  	_ =	shalt  }
0x4b: {  	_ =	shalt  }
0x4c: {  	_ =	shalt  }
0x4d: {  	_ =	shalt  }
0x4e: {  	_ =	shalt  }
0x4f: {  	_ =	shalt  }
0x50: {  	_ =	shalt  }
0x51: {  	_ =	shalt  }
0x52: {  	_ =	shalt  }
0x53: {  	_ =	shalt  }
0x54: {  	_ =	shalt  }
0x55: {  	_ =	shalt  }
0x56: {  	_ =	shalt  }
0x57: {  	_ =	shalt  }
0x58: {  	_ =	shalt  }
0x59: {  	_ =	shalt  }
0x5a: {  	_ =	shalt  }
0x5b: {  	_ =	shalt  }
0x5c: {  	_ =	shalt  }
0x5d: {  	_ =	shalt  }
0x5e: {  	_ =	shalt  }
0x5f: {  	_ =	shalt  }
0x60: {  	_ =	shalt  }
0x61: {  	_ =	shalt  }
0x62: {  	_ =	shalt  }
0x63: {  	_ =	shalt  }
0x64: {  	_ =	shalt  }
0x65: {  	_ =	shalt  }
0x66: {  	_ =	shalt  }
0x67: {  	_ =	shalt  }
0x68: {  	_ =	shalt  }
0x69: {  	_ =	shalt  }
0x6a: {  	_ =	shalt  }
0x6b: {  	_ =	shalt  }
0x6c: {  	_ =	shalt  }
0x6d: {  	_ =	shalt  }
0x6e: {  	_ =	shalt  }
0x6f: {  	_ =	shalt  }
0x70: {  	_ =	shalt  }
0x71: {  	_ =	shalt  }
0x72: {  	_ =	shalt  }
0x73: {  	_ =	shalt  }
0x74: {  	_ =	shalt  }
0x75: {  	_ =	shalt  }
0x76: {  	_ =	shalt  }
0x77: {  	_ =	shalt  }
0x78: {  	_ =	shalt  }
0x79: {  	_ =	shalt  }
0x7a: {  	_ =	shalt  }
0x7b: {  	_ =	shalt  }
0x7c: {  	_ =	shalt  }
0x7d: {  	_ =	shalt  }
0x7e: {  	_ =	shalt  }
0x7f: {  	_ =	shalt  }
0x80: {  	_ =	shalt  }
0x81: {  	_ =	shalt  }
0x82: {  	_ =	shalt  }
0x83: {  	_ =	shalt  }
0x84: {  	_ =	shalt  }
0x85: {  	_ =	shalt  }
0x86: {  	_ =	shalt  }
0x87: {  	_ =	shalt  }
.Lfunc_end0:
.L_simem_size_0:
called_computation_lowered:
.L_overlay_start_0:
0x88: {  	s2 =	sld [smem:$0x3FD9]  }
0x89: {  	s3 =	sld [smem:$0x3FFE];
	_ =	sdelay $0x1  }
0x8a: {  	s1 =	srdreg.scid  }
0x8b: {  	s0 =	sand.u32 $0x1, s1  }
0x8c: {  	s18 =	sshll.u32 s0, $0xA;
	s2 =	sadd.s32 s3, s2  }
0x8d: {  	s2 =	sadd.s32 s2, s18  }
0x8e: {  	[smem:$0x3FC3] =	sst s2  }
0x8f: {  	_ = 	snop  }
0x90: {  	s2 =	sld [smem:$0x3FC9]  }
0x91: {  	s19 =	sld [smem:$0x3FC8]  }
0x92: {  	s4 =	sld [smem:$0x3FC7]  }
0x93: {  	s5 =	sld [smem:$0x3FC6]  }
0x94: {  	s6 =	sld [smem:$0x3FC5]  }
0x95: {  	s7 =	sld [smem:$0x3FD0];
	(tm) =	ssettm $0x1  }
0x96: {  	s8 =	sld [smem:$0x3FFB];
	_ =	sdelay $0x3  }
0x97: {  	_ =	strace s8  }
0x98: {  	s8 =	sld [smem:$0x3FFC];
	_ =	sdelay $0x3  }
0x99: {  	_ =	strace s8  }
0x9a: {  	s8 =	sld [smem:$0x3FFD];
	_ =	sdelay $0x3  }
0x9b: {  	_ =	strace s8  }
0x9c: {  	_ =	strace $0x8FFFFFFF  }
0x9d: {  	s20 =	sld [smem:$0x3FDB];
	_ =	sdelay $0x1  }
0x9e: {  	s9 =	simm.s32 $_scs_section_size  }
0x9f: {  	s10 =	simm.s32 $_size__tile_overlayer_lowered;
	s11 =	simm.s32 $_tile_overlayer_lowered  }
0xa0: {  	s23 =	simm.s32 $0x1BFF;
	s22 =	sshll.u32 s11, $0x1;
	s8 =	sadd.s32 s9, s20  }
0xa1: {  	s12 =	simm.s32 $0x0;
	s21 =	sshll.u32 s10, $0x1;
	s10 =	sadd.s32 s22, s8  }
0xa2: {  	[timem:s12], [sflag:s23] =	dma.local [hbm:s10], s21  }
0xa3: {  	_ =	swait.ge [sflag:s23], s21  }
0xa4: {  	s9 =	ssub.s32 $0x0, s21;
	[sflag:s23] =	ssyncset.done $0x0  }
0xa5: {  	[sflag:s23] =	ssyncadd.s32 s9;
	_ =	sdelay $0x1  }
0xa6: {  	s24 =	simm.s32 $0x1B8B  }
0xa7: {  	_ =	swait.ge [sflag:s24], $0x1  }
0xa8: {  	[sflag:s24] =	ssyncset.done $0x0  }
0xa9: {  	s25 =	simm.s32 $0x1B8E;
	[sflag:s24] =	ssyncadd.s32 $0xFFFFFFFF  }
0xaa: {  	s26 =	simm.s32 $execute0_lowered;
	[smem:$0x3FD2] =	sst s25  }
0xab: {  	s9 =	sshll.u32 s26, $0x1;
	_ =	strace $0x80000046;
	[dreg:$0x1] =	wrdreg $0xFFFFFFFF  }
0xac: {  	s28 =	simm.s32 $_size_execute0_lowered;
	s8 =	sadd.s32 s8, s9;
	[dreg:$0x0] =	wrdreg $0x0  }
0xad: {  	s9 =	sshll.u32 s28, $0x1;
	[dreg:$0x2] =	wrdreg s8  }
0xae: {  	[dreg:$0x3] =	wrdreg s9  }
0xaf: {  	[dreg:$0x4] =	wrdreg $0xC0  }
0xb0: {  	_ =	task [dreg:s12], $0x5FFFF  }
0xb1: {  	[dreg:$0x1] =	wrdreg $0xFFFFFFFF  }
0xb2: {  	[dreg:$0x0] =	wrdreg $0x60  }
0xb3: {  	[dreg:$0x2] =	wrdreg s2  }
0xb4: {  	[dreg:$0x3] =	wrdreg s19  }
0xb5: {  	[dreg:$0x4] =	wrdreg s4  }
0xb6: {  	[dreg:$0x5] =	wrdreg s5  }
0xb7: {  	[dreg:$0x6] =	wrdreg s6  }
0xb8: {  	[dreg:$0x7] =	wrdreg s7  }
0xb9: {  	[dreg:$0x8] =	wrdreg $0x9  }
0xba: {  	_ =	task.clear_ibuf [dreg:s12], $0x9FFFF;
	_ =	strace $0x90000046  }
0xbb: {  	s29 =	simm.s32 $0x9;
	_ =	strace $0x80000048  }
0xbc: {  	_ =	swait.ge [sflag:s29], $0x1  }
0xbd: {  	[sflag:s29] =	ssyncadd.s32 $0xFFFFFFFF  }
0xbe: {  	_ =	strace $0x90000048  }
0xbf: {  	_ =	sfence  }
0xc0: {  	s30 =	sld [smem:$0x0];
	_ =	sdelay $0x2  }
0xc1: {  	s31 =	sshll.u32 s1, $0xD;
	s1 =	sshrl.u32 s1, $0x2  }
0xc2: {  	s3 =	sand.u32 $0x4000, s31;
	s1 =	sadd.s32 s1, s30  }
0xc3: {  	s0 =	sor.u32 s3, s0;
	s1 =	sshll.u32 s1, $0x11  }
0xc4: {  	s0 =	sor.u32 s1, s0  }
0xc5: {  	s0 =	sadd.s32 $0x8F2B, s0  }
0xc6: {  	[sflag:s0] =	ssyncadd.remote.s32 $0x1  }
0xc7: {  	_ =	sfence.sel $0xFFFF  }
0xc8: {  	[dreg:$0x0] =	wrdreg $0xFFFFFFFF;
	(pc) =	sbr.abs _section_cstart, $3  }
0xc9: {  	[dreg:$0x1] =	wrdreg $0xFFFFFFFF  }
0xca: {  	_ =	task.clear_ibuf [dreg:s12], $0x2FFFF;
	_ =	strace $0x9FFFFFFF  }
0xcb: {  	(tm) =	ssettm $0x7FFFFFFF  }
tec
execute0_lowered:
.L_overlay_start_1:
0x0: {  	(tag) =	ssettag $0x1  }
0x1: {  	s0 =	rddreg [dreg:$0x0]  }
0x2: {  	s1 =	rddreg [dreg:$0x1]  }
0x3: {  	s3 =	rddreg [dreg:$0x2]  }
0x4: {  	s2 =	rddreg [dreg:$0x3];
	s5 =	srdreg.scid  }
0x5: {  	s4 =	rddreg [dreg:$0x4];
	s6 =	stileid.u32;
	s25 =	simm.s32 $0xC800  }
0x6: {  	s17 =	simm.s32 $0xF800;
	s28 =	simm.s32 $0x12800;
	s29 =	simm.s32 $0x1  }
0x7: {  	s13 =	simm.s32 $0xC400;
	s14 =	simm.s32 $0x15800;
	s15 =	simm.s32 $0x3  }
0x8: {  	s18 =	simm.s32 $0x4;
	s16 =	simm.s32 $0x0;
	s8 =	sand.u32 $0x1, s5  }
0x9: {  	s5 =	rddreg [dreg:$0x5];
	s6 =	sshll.u32 s6, $0xB;
	s7 =	sshll.u32 s8, $0xA  }
0xa: {  	s8 =	ssub.s32 $0x2, s8;
	s6 =	sor.u32 s7, s6;
	s7 =	simm.s32 $0x0  }
0xb: {  	s10 =	sshrl.u32 s8, $0x1;
	s9 =	sshrl.u32 s6, $0x3;
	[smem:$0x7FF] =	sst s7  }
0xc: {  	s8 =	ssub.s32 s8, s10;
	s11 =	smul.u32 $0x300, s9;
	s1 =	sadd.s32 s1, s9  }
0xd: {  	_ =	strace $0x80000047;
	s26 =	sadd.s32 s3, s9;
	[dreg:$0x7] =	wrdreg s1  }
0xe: {  	s12 =	sadd.s32 $0x100, s4;
	s31 =	smax.u32 s8, $0x1;
	[dreg:$0x8] =	wrdreg s26  }
0xf: {  	v2 =	vlaneseq.u32;
	s10 =	simm.s32 $0x2;
	[dreg:$0xb] =	wrdreg s31;
	s30 =	sadd.s32 s0, s11  }
0x10: {  	vm0 =	vmmov $0xffff;
	vm1 =	vmmov $0xff;
	v1 =	vshrl.u32 v2, $0x3;
	s8 =	simm.s32 $0xB800;
	[dreg:$0x9] =	wrdreg s30;
	s1 =	sadd.s32 $0x600, s30  }
0x11: {  	v0 =	vand.u32 $0x7, v2;
	v2 =	vor.u32 $0x8, v2;
	v1 =	vmul.u32 $0x8, v1;
	s9 =	simm.s32 $0xBC00;
	s11 =	sadd.s32 $0x100, s2;
	[dreg:$0xa] =	wrdreg s1  }
.LBB2_1:
0x12: {  	[dreg:$0xc] =	wrdreg s16  }
0x13: {  	s1 =	rddreg [dreg:$0x7];
	s3 =	simm.s32 $0x9  }
0x14: {  	[tilespmem:s7], [sflag:$0x9] =	stream.linear.gather [hbm4b:s1+s7], $0x400, $0x38;
	[tilespmem:$0x18800] =	vst v63  }
0x15: {  	_ =	swait.ge [sflag:s3], $0x400  }
0x16: {  	[sflag:s3] =	ssyncset.done $0x0  }
0x17: {  	s20 =	simm.s32 $0x400;
	s19 =	rddreg [dreg:$0x8];
	[sflag:s3] =	ssyncadd.s32 $0xFFFFFC00  }
0x18: {  	[tilespmem:s20], [sflag:$0x9] =	stream.linear.gather [hbm4b:s19+s7], $0x400, $0x38;
	[tilespmem:$0x18800] =	vst v63  }
0x19: {  	_ =	swait.ge [sflag:s3], $0x400  }
0x1a: {  	[sflag:s3] =	ssyncset.done $0x0  }
0x1b: {  	[sflag:s3] =	ssyncadd.s32 $0xFFFFFC00  }
0x1c: {  	v3 =	vld [tilespmem:$0x0];
	_ =	sdelay $0x4  }
0x1d: {  	v4 =	vshrl.u32 v3, $0x3  }
0x1e: {  	v4 =	vmul.u32 $0x18, v4  }
0x1f: {  	v3 =	vand.u32 $0x7, v3  }
0x20: {  	v3 =	vor.u32 v3, v4  }
0x21: {  	v4 =	vperm.xlane v3, v0;
	_ =	sdelay $0x1  }
0x22: {  	v4 =	vadd.s32 v1, v4;
	_ =	sdelay $0x1  }
0x23: {  	v3 =	vperm.xlane v3, v2;
	_ =	sdelay $0x1  }
0x24: {  	s21 =	simm.s32 $0x800;
	v3 =	vadd.s32 v1, v3  }
0x25: {  	[tilespmem:s21], [sflag:$0x1] =	stream.indirect_vreg.gather [hbm4b:s2+s7], $0x80, v4, vm0, $0xb8;
	[tilespmem:$0x18800] =	vst v63  }
0x26: {  	s22 =	simm.s32 $0x1000  }
0x27: {  	[tilespmem:s22], [sflag:$0x1] =	stream.indirect_vreg.gather [hbm4b:s11+s7], $0x80, v4, vm1, $0xb8;
	[tilespmem:$0x18800] =	vst v63  }
0x28: {  	s23 =	simm.s32 $0x1400  }
0x29: {  	[tilespmem:s23], [sflag:$0x1] =	stream.indirect_vreg.gather [hbm4b:s2+s7], $0x80, v3, vm0, $0xb8;
	[tilespmem:$0x18800] =	vst v63  }
0x2a: {  	s24 =	simm.s32 $0x1C00  }
0x2b: {  	[tilespmem:s24], [sflag:$0x1] =	stream.indirect_vreg.gather [hbm4b:s11+s7], $0x80, v3, vm1, $0xb8;
	[tilespmem:$0x18800] =	vst v63  }
0x2c: {  	v3 =	vld [tilespmem:$0x400];
	_ =	sdelay $0x4  }
0x2d: {  	v61 =	vshrl.u32 v3, $0x3  }
0x2e: {  	v4 =	vmul.u32 $0x18, v61  }
0x2f: {  	v3 =	vand.u32 $0x7, v3  }
0x30: {  	v3 =	vor.u32 v3, v4  }
0x31: {  	v4 =	vperm.xlane v3, v0;
	_ =	sdelay $0x1  }
0x32: {  	v4 =	vadd.s32 v1, v4;
	_ =	sdelay $0x1  }
0x33: {  	v3 =	vperm.xlane v3, v2;
	_ =	sdelay $0x1  }
0x34: {  	s26 =	simm.s32 $0x6800;
	v3 =	vadd.s32 v1, v3  }
0x35: {  	[tilespmem:s26], [sflag:$0x1] =	stream.indirect_vreg.gather [hbm4b:s4+s7], $0x80, v4, vm0, $0xb8;
	[tilespmem:$0x18800] =	vst v63  }
0x36: {  	s30 =	simm.s32 $0x7000  }
0x37: {  	[tilespmem:s30], [sflag:$0x1] =	stream.indirect_vreg.gather [hbm4b:s12+s7], $0x80, v4, vm1, $0xb8;
	[tilespmem:$0x18800] =	vst v63  }
0x38: {  	s31 =	simm.s32 $0x7400  }
0x39: {  	[tilespmem:s31], [sflag:$0x1] =	stream.indirect_vreg.gather [hbm4b:s4+s7], $0x80, v3, vm0, $0xb8;
	[tilespmem:$0x18800] =	vst v63  }
0x3a: {  	s3 =	simm.s32 $0x7C00  }
0x3b: {  	[tilespmem:s3], [sflag:$0x1] =	stream.indirect_vreg.gather [hbm4b:s12+s7], $0x80, v3, vm1, $0xb8;
	[tilespmem:$0x18800] =	vst v63  }
0x3c: {  	s16 =	rddreg [dreg:$0x9]  }
0x3d: {  	[tilespmem:s25], [sflag:$0x1] =	stream.linear.gather [hbm4b:s16+s7], $0x3000, $0x38;
	[tilespmem:$0x18800] =	vst v63  }
0x3e: {  	v3 =	vld [tilespmem:$0x10];
	_ =	sdelay $0x4  }
0x3f: {  	v62 =	vshrl.u32 v3, $0x3  }
0x40: {  	v4 =	vmul.u32 $0x18, v62  }
0x41: {  	v3 =	vand.u32 $0x7, v3  }
0x42: {  	v3 =	vor.u32 v3, v4  }
0x43: {  	v4 =	vperm.xlane v3, v0;
	_ =	sdelay $0x1  }
0x44: {  	v4 =	vadd.s32 v1, v4;
	_ =	sdelay $0x1  }
0x45: {  	v3 =	vperm.xlane v3, v2;
	_ =	sdelay $0x1  }
0x46: {  	s19 =	simm.s32 $0x2000;
	v3 =	vadd.s32 v1, v3  }
0x47: {  	[tilespmem:s19], [sflag:$0x2] =	stream.indirect_vreg.gather [hbm4b:s2+s7], $0x80, v4, vm0, $0xb8;
	[tilespmem:$0x18800] =	vst v63  }
0x48: {  	s20 =	simm.s32 $0x2800  }
0x49: {  	[tilespmem:s20], [sflag:$0x2] =	stream.indirect_vreg.gather [hbm4b:s11+s7], $0x80, v4, vm1, $0xb8;
	[tilespmem:$0x18800] =	vst v63  }
0x4a: {  	s21 =	simm.s32 $0x2C00  }
0x4b: {  	[tilespmem:s21], [sflag:$0x2] =	stream.indirect_vreg.gather [hbm4b:s2+s7], $0x80, v3, vm0, $0xb8;
	[tilespmem:$0x18800] =	vst v63  }
0x4c: {  	s22 =	simm.s32 $0x3400  }
0x4d: {  	[tilespmem:s22], [sflag:$0x2] =	stream.indirect_vreg.gather [hbm4b:s11+s7], $0x80, v3, vm1, $0xb8;
	[tilespmem:$0x18800] =	vst v63  }
0x4e: {  	v3 =	vld [tilespmem:$0x410];
	_ =	sdelay $0x4  }
0x4f: {  	v63 =	vshrl.u32 v3, $0x3  }
0x50: {  	v4 =	vmul.u32 $0x18, v63  }
0x51: {  	v3 =	vand.u32 $0x7, v3  }
0x52: {  	v3 =	vor.u32 v3, v4  }
0x53: {  	v4 =	vperm.xlane v3, v0;
	_ =	sdelay $0x1  }
0x54: {  	v4 =	vadd.s32 v1, v4;
	_ =	sdelay $0x1  }
0x55: {  	v3 =	vperm.xlane v3, v2;
	_ =	sdelay $0x1  }
0x56: {  	s23 =	simm.s32 $0x8000;
	v3 =	vadd.s32 v1, v3  }
0x57: {  	[tilespmem:s23], [sflag:$0x2] =	stream.indirect_vreg.gather [hbm4b:s4+s7], $0x80, v4, vm0, $0xb8;
	[tilespmem:$0x18800] =	vst v63  }
0x58: {  	s24 =	simm.s32 $0x8800  }
0x59: {  	[tilespmem:s24], [sflag:$0x2] =	stream.indirect_vreg.gather [hbm4b:s12+s7], $0x80, v4, vm1, $0xb8;
	[tilespmem:$0x18800] =	vst v63  }
0x5a: {  	s26 =	simm.s32 $0x8C00  }
0x5b: {  	[tilespmem:s26], [sflag:$0x2] =	stream.indirect_vreg.gather [hbm4b:s4+s7], $0x80, v3, vm0, $0xb8;
	[tilespmem:$0x18800] =	vst v63  }
0x5c: {  	s30 =	simm.s32 $0x9400  }
0x5d: {  	[tilespmem:s30], [sflag:$0x2] =	stream.indirect_vreg.gather [hbm4b:s12+s7], $0x80, v3, vm1, $0xb8;
	[tilespmem:$0x18800] =	vst v63  }
0x5e: {  	s31 =	rddreg [dreg:$0xa];
	s19 =	simm.s32 $0x0  }
0x5f: {  	[tilespmem:s17], [sflag:$0x2] =	stream.linear.gather [hbm4b:s31+s7], $0x3000, $0x38;
	[tilespmem:$0x18800] =	vst v63  }
.LBB2_2:
0x60: {  	p0 =	seq.s32 s19, $0x0  }
0x61: {  	s3 =	simm.s32 @!p0 $0x7  }
0x62: {  	_ =	swait.ge @!p0 [sflag:s3], $0x3000  }
0x63: {  	s21 =	sshll.u32 s19, $0x6;
	[sflag:s3] =	ssyncset.done @!p0 $0x0  }
0x64: {  	s30 =	sor.u32 $0x20, s21;
	[sflag:s3] =	ssyncadd.s32 @!p0 $0xFFFFD000  }
0x65: {  	v3 =	vld [tilespmem:s30+$0x0];
	_ =	sdelay $0x4  }
0x66: {  	v4 =	vshrl.u32 v3, $0x3  }
0x67: {  	v4 =	vmul.u32 $0x18, v4  }
0x68: {  	v3 =	vand.u32 $0x7, v3  }
0x69: {  	v3 =	vor.u32 v3, v4  }
0x6a: {  	v4 =	vperm.xlane v3, v0;
	_ =	sdelay $0x1  }
0x6b: {  	v4 =	vadd.s32 v1, v4;
	_ =	sdelay $0x1  }
0x6c: {  	v3 =	vperm.xlane v3, v2;
	_ =	sdelay $0x1  }
0x6d: {  	s20 =	simm.s32 $0x0;
	s1 =	simm.s32 $0x3800;
	v3 =	vadd.s32 v1, v3  }
0x6e: {  	[tilespmem:s1], [sflag:$0x3] =	stream.indirect_vreg.gather [hbm4b:s2+s20], $0x80, v4, vm0, $0xb8;
	[tilespmem:$0x18800] =	vst v63  }
0x6f: {  	s31 =	simm.s32 $0x4000  }
0x70: {  	[tilespmem:s31], [sflag:$0x3] =	stream.indirect_vreg.gather [hbm4b:s11+s20], $0x80, v4, vm1, $0xb8;
	[tilespmem:$0x18800] =	vst v63  }
0x71: {  	s16 =	simm.s32 $0x4400  }
0x72: {  	[tilespmem:s16], [sflag:$0x3] =	stream.indirect_vreg.gather [hbm4b:s2+s20], $0x80, v3, vm0, $0xb8;
	[tilespmem:$0x18800] =	vst v63  }
0x73: {  	s22 =	simm.s32 $0x4C00  }
0x74: {  	[tilespmem:s22], [sflag:$0x3] =	stream.indirect_vreg.gather [hbm4b:s11+s20], $0x80, v3, vm1, $0xb8;
	[tilespmem:$0x18800] =	vst v63  }
0x75: {  	v3 =	vld [tilespmem:s21+$0x420];
	_ =	sdelay $0x4  }
0x76: {  	v4 =	vshrl.u32 v3, $0x3  }
0x77: {  	v4 =	vmul.u32 $0x18, v4  }
0x78: {  	v3 =	vand.u32 $0x7, v3  }
0x79: {  	v3 =	vor.u32 v3, v4  }
0x7a: {  	v4 =	vperm.xlane v3, v0;
	_ =	sdelay $0x1  }
0x7b: {  	v4 =	vadd.s32 v1, v4;
	_ =	sdelay $0x1  }
0x7c: {  	v3 =	vperm.xlane v3, v2;
	_ =	sdelay $0x1  }
0x7d: {  	s23 =	simm.s32 $0x9800;
	v3 =	vadd.s32 v1, v3  }
0x7e: {  	[tilespmem:s23], [sflag:$0x3] =	stream.indirect_vreg.gather [hbm4b:s4+s20], $0x80, v4, vm0, $0xb8;
	[tilespmem:$0x18800] =	vst v63  }
0x7f: {  	s24 =	simm.s32 $0xA000;
	s3 =	sor.u32 s6, s30  }
0x80: {  	[tilespmem:s24], [sflag:$0x3] =	stream.indirect_vreg.gather [hbm4b:s12+s20], $0x80, v4, vm1, $0xb8;
	[tilespmem:$0x18800] =	vst v63  }
0x81: {  	s26 =	simm.s32 $0xA400;
	s3 =	sshrl.u32 s3, $0x3  }
0x82: {  	[tilespmem:s26], [sflag:$0x3] =	stream.indirect_vreg.gather [hbm4b:s4+s20], $0x80, v3, vm0, $0xb8;
	[tilespmem:$0x18800] =	vst v63  }
0x83: {  	s30 =	simm.s32 $0xAC00;
	s22 =	smul.u32 $0x300, s3  }
0x84: {  	[tilespmem:s30], [sflag:$0x3] =	stream.indirect_vreg.gather [hbm4b:s12+s20], $0x80, v3, vm1, $0xb8;
	[tilespmem:$0x18800] =	vst v63  }
0x85: {  	s3 =	sadd.s32 s0, s22  }
0x86: {  	[tilespmem:s28], [sflag:$0x3] =	stream.linear.gather [hbm4b:s3+s20], $0x3000, $0x38;
	[tilespmem:$0x18800] =	vst v63  }
0x87: {  	_ =	swait.ge [sflag:s29], $0x1800  }
0x88: {  	[sflag:s29] =	ssyncset.done $0x0  }
0x89: {  	[sflag:s29] =	ssyncadd.s32 $0xFFFFE800  }
0x8a: {  	_ =	swait.ge [sflag:s29], $0x1800  }
0x8b: {  	[sflag:s29] =	ssyncset.done $0x0  }
0x8c: {  	s31 =	simm.s32 $0x0;
	[sflag:s29] =	ssyncadd.s32 $0xFFFFE800  }
0x8d: {  	s23 =	smul.u32 $0xC00, s31;
	_ =	swait.ge [sflag:s29], $0x3000  }
0x8e: {  	s24 =	sand.u32 $0x380, s20;
	[sflag:s29] =	ssyncset.done $0x0  }
0x8f: {  	s23 =	sor.u32 s24, s23;
	[sflag:s29] =	ssyncadd.s32 $0xFFFFD000  }
0x90: {  	v3 =	vld [tilespmem:s23+$0x800]  }
0x91: {  	v4 =	vld [tilespmem:s23+$0x810]  }
0x92: {  	v5 =	vld [tilespmem:s23+$0x820]  }
0x93: {  	v6 =	vld [tilespmem:s23+$0x830]  }
0x94: {  	v7 =	vld [tilespmem:s23+$0x840]  }
0x95: {  	v8 =	vld [tilespmem:s23+$0x850]  }
0x96: {  	v9 =	vld [tilespmem:s23+$0x860]  }
0x97: {  	v10 =	vld [tilespmem:s23+$0x870]  }
0x98: {  	v11 =	vld [tilespmem:s23+$0x6800]  }
0x99: {  	v12 =	vld [tilespmem:s23+$0x6810]  }
0x9a: {  	v13 =	vld [tilespmem:s23+$0x6820]  }
0x9b: {  	v14 =	vld [tilespmem:s23+$0x6830]  }
0x9c: {  	s3 =	smul.u32 $0x6000, s31;
	v15 =	vld [tilespmem:s23+$0x6840]  }
0x9d: {  	v16 =	vld [tilespmem:s23+$0x6850]  }
0x9e: {  	s3 =	sshra.s32 s3, $0x2;
	v17 =	vld [tilespmem:s23+$0x6860]  }
0x9f: {  	s24 =	sor.u32 s24, s3;
	v18 =	vld [tilespmem:s23+$0x6870]  }
0xa0: {  	[tilespmem:s24+$0xC800] =	vst.add.f32.msk $0xffff, v3  }
0xa1: {  	[tilespmem:s24+$0xC810] =	vst.add.f32.msk $0xffff, v4  }
0xa2: {  	[tilespmem:s24+$0xC820] =	vst.add.f32.msk $0xffff, v5  }
0xa3: {  	[tilespmem:s24+$0xC830] =	vst.add.f32.msk $0xffff, v6  }
0xa4: {  	[tilespmem:s24+$0xC840] =	vst.add.f32.msk $0xffff, v7  }
0xa5: {  	[tilespmem:s24+$0xC850] =	vst.add.f32.msk $0xffff, v8  }
0xa6: {  	[tilespmem:s24+$0xC860] =	vst.add.f32.msk $0xffff, v9  }
0xa7: {  	[tilespmem:s24+$0xC870] =	vst.add.f32.msk $0xffff, v10  }
0xa8: {  	[tilespmem:s24+$0xD400] =	vst.add.f32.msk $0xffff, v11  }
0xa9: {  	[tilespmem:s24+$0xD410] =	vst.add.f32.msk $0xffff, v12  }
0xaa: {  	[tilespmem:s24+$0xD420] =	vst.add.f32.msk $0xffff, v13  }
0xab: {  	[tilespmem:s24+$0xD430] =	vst.add.f32.msk $0xffff, v14  }
0xac: {  	[tilespmem:s24+$0xD440] =	vst.add.f32.msk $0xffff, v15  }
0xad: {  	[tilespmem:s24+$0xD450] =	vst.add.f32.msk $0xffff, v16  }
0xae: {  	[tilespmem:s24+$0xD460] =	vst.add.f32.msk $0xffff, v17  }
0xaf: {  	[tilespmem:s24+$0xD470] =	vst.add.f32.msk $0xffff, v18  }
0xb0: {  	v7 =	vld [tilespmem:s23+$0xC00]  }
0xb1: {  	v8 =	vld [tilespmem:s23+$0xC10]  }
0xb2: {  	v9 =	vld [tilespmem:s23+$0xC20]  }
0xb3: {  	v10 =	vld [tilespmem:s23+$0xC30]  }
0xb4: {  	v11 =	vld [tilespmem:s23+$0xC40]  }
0xb5: {  	v12 =	vld [tilespmem:s23+$0xC50]  }
0xb6: {  	v13 =	vld [tilespmem:s23+$0xC60]  }
0xb7: {  	v14 =	vld [tilespmem:s23+$0xC70]  }
0xb8: {  	v15 =	vld [tilespmem:s23+$0x6C00]  }
0xb9: {  	v16 =	vld [tilespmem:s23+$0x6C10]  }
0xba: {  	v17 =	vld [tilespmem:s23+$0x6C20]  }
0xbb: {  	v18 =	vld [tilespmem:s23+$0x6C30]  }
0xbc: {  	v3 =	vld [tilespmem:s23+$0x6C40]  }
0xbd: {  	v4 =	vld [tilespmem:s23+$0x6C50]  }
0xbe: {  	v5 =	vld [tilespmem:s23+$0x6C60]  }
0xbf: {  	v6 =	vld [tilespmem:s23+$0x6C70]  }
0xc0: {  	[tilespmem:s24+$0xCC00] =	vst.add.f32.msk $0xffff, v7  }
0xc1: {  	[tilespmem:s24+$0xCC10] =	vst.add.f32.msk $0xffff, v8  }
0xc2: {  	[tilespmem:s24+$0xCC20] =	vst.add.f32.msk $0xffff, v9  }
0xc3: {  	[tilespmem:s24+$0xCC30] =	vst.add.f32.msk $0xffff, v10  }
0xc4: {  	[tilespmem:s24+$0xCC40] =	vst.add.f32.msk $0xffff, v11  }
0xc5: {  	[tilespmem:s24+$0xCC50] =	vst.add.f32.msk $0xffff, v12  }
0xc6: {  	[tilespmem:s24+$0xCC60] =	vst.add.f32.msk $0xffff, v13  }
0xc7: {  	[tilespmem:s24+$0xCC70] =	vst.add.f32.msk $0xffff, v14  }
0xc8: {  	[tilespmem:s24+$0xD800] =	vst.add.f32.msk $0xffff, v15  }
0xc9: {  	[tilespmem:s24+$0xD810] =	vst.add.f32.msk $0xffff, v16  }
0xca: {  	[tilespmem:s24+$0xD820] =	vst.add.f32.msk $0xffff, v17  }
0xcb: {  	s3 =	simm.s32 $0x1;
	[tilespmem:s24+$0xD830] =	vst.add.f32.msk $0xffff, v18  }
.LBB2_3:
0xcc: {  	p1 =	sne.s32 s3, $0xF;
	[tilespmem:s24+$0xD840] =	vst.add.f32.msk $0xffff, v3  }
0xcd: {  	[tilespmem:s24+$0xD850] =	vst.add.f32.msk $0xffff, v4  }
0xce: {  	[tilespmem:s24+$0xD860] =	vst.add.f32.msk $0xffff, v5  }
0xcf: {  	[tilespmem:s24+$0xD870] =	vst.add.f32.msk $0xffff, v6  }
0xd0: {  	v3 =	vld [tilespmem:s23+$0x1000]  }
0xd1: {  	v4 =	vld [tilespmem:s23+$0x1010]  }
0xd2: {  	v5 =	vld [tilespmem:s23+$0x1020]  }
0xd3: {  	v6 =	vld [tilespmem:s23+$0x1030]  }
0xd4: {  	v7 =	vld [tilespmem:s23+$0x1040]  }
0xd5: {  	v8 =	vld [tilespmem:s23+$0x1050]  }
0xd6: {  	v9 =	vld [tilespmem:s23+$0x1060]  }
0xd7: {  	v10 =	vld [tilespmem:s23+$0x1070]  }
0xd8: {  	v11 =	vld [tilespmem:s23+$0x7000]  }
0xd9: {  	v12 =	vld [tilespmem:s23+$0x7010]  }
0xda: {  	v13 =	vld [tilespmem:s23+$0x7020]  }
0xdb: {  	v14 =	vld [tilespmem:s23+$0x7070]  }
0xdc: {  	v15 =	vld [tilespmem:s23+$0x7030]  }
0xdd: {  	v16 =	vld [tilespmem:s23+$0x7040]  }
0xde: {  	v17 =	vld [tilespmem:s23+$0x7050]  }
0xdf: {  	v18 =	vld [tilespmem:s23+$0x7060]  }
0xe0: {  	[tilespmem:s24+$0xDC70] =	vst.add.f32.msk $0xffff, v14  }
0xe1: {  	[tilespmem:s24+$0xD000] =	vst.add.f32.msk $0xffff, v3  }
0xe2: {  	[tilespmem:s24+$0xD010] =	vst.add.f32.msk $0xffff, v4  }
0xe3: {  	[tilespmem:s24+$0xD020] =	vst.add.f32.msk $0xffff, v5  }
0xe4: {  	[tilespmem:s24+$0xD030] =	vst.add.f32.msk $0xffff, v6  }
0xe5: {  	[tilespmem:s24+$0xD040] =	vst.add.f32.msk $0xffff, v7  }
0xe6: {  	[tilespmem:s24+$0xD050] =	vst.add.f32.msk $0xffff, v8  }
0xe7: {  	[tilespmem:s24+$0xD060] =	vst.add.f32.msk $0xffff, v9  }
0xe8: {  	[tilespmem:s24+$0xD070] =	vst.add.f32.msk $0xffff, v10  }
0xe9: {  	[tilespmem:s24+$0xDC00] =	vst.add.f32.msk $0xffff, v11  }
0xea: {  	[tilespmem:s24+$0xDC10] =	vst.add.f32.msk $0xffff, v12  }
0xeb: {  	[tilespmem:s24+$0xDC20] =	vst.add.f32.msk $0xffff, v13  }
0xec: {  	s26 =	sshrl.u32 s3, $0x3;
	[tilespmem:s24+$0xDC30] =	vst.add.f32.msk $0xffff, v15  }
0xed: {  	s20 =	sadd.s32 $0x80, s20;
	s23 =	smul.u32 $0xC00, s26;
	[tilespmem:s24+$0xDC40] =	vst.add.f32.msk $0xffff, v16  }
0xee: {  	s30 =	sand.u32 $0x380, s20;
	[tilespmem:s24+$0xDC50] =	vst.add.f32.msk $0xffff, v17  }
0xef: {  	s23 =	sor.u32 s30, s23;
	[tilespmem:s24+$0xDC60] =	vst.add.f32.msk $0xffff, v18  }
0xf0: {  	v3 =	vld [tilespmem:s23+$0x800]  }
0xf1: {  	v4 =	vld [tilespmem:s23+$0x810]  }
0xf2: {  	v5 =	vld [tilespmem:s23+$0x820]  }
0xf3: {  	v6 =	vld [tilespmem:s23+$0x830]  }
0xf4: {  	v7 =	vld [tilespmem:s23+$0x840]  }
0xf5: {  	v8 =	vld [tilespmem:s23+$0x850]  }
0xf6: {  	v9 =	vld [tilespmem:s23+$0x860]  }
0xf7: {  	v10 =	vld [tilespmem:s23+$0x870]  }
0xf8: {  	v11 =	vld [tilespmem:s23+$0x6800]  }
0xf9: {  	v12 =	vld [tilespmem:s23+$0x6810]  }
0xfa: {  	v13 =	vld [tilespmem:s23+$0x6820]  }
0xfb: {  	v14 =	vld [tilespmem:s23+$0x6830]  }
0xfc: {  	s24 =	smul.u32 $0x6000, s26;
	v15 =	vld [tilespmem:s23+$0x6840]  }
0xfd: {  	v16 =	vld [tilespmem:s23+$0x6850]  }
0xfe: {  	s24 =	sshra.s32 s24, $0x2;
	v17 =	vld [tilespmem:s23+$0x6860]  }
0xff: {  	s24 =	sor.u32 s30, s24;
	v18 =	vld [tilespmem:s23+$0x6870]  }
0x100: {  	[tilespmem:s24+$0xC800] =	vst.add.f32.msk $0xffff, v3  }
0x101: {  	[tilespmem:s24+$0xC810] =	vst.add.f32.msk $0xffff, v4  }
0x102: {  	[tilespmem:s24+$0xC820] =	vst.add.f32.msk $0xffff, v5  }
0x103: {  	[tilespmem:s24+$0xC830] =	vst.add.f32.msk $0xffff, v6  }
0x104: {  	[tilespmem:s24+$0xC840] =	vst.add.f32.msk $0xffff, v7  }
0x105: {  	[tilespmem:s24+$0xC850] =	vst.add.f32.msk $0xffff, v8  }
0x106: {  	[tilespmem:s24+$0xC860] =	vst.add.f32.msk $0xffff, v9  }
0x107: {  	[tilespmem:s24+$0xC870] =	vst.add.f32.msk $0xffff, v10  }
0x108: {  	[tilespmem:s24+$0xD400] =	vst.add.f32.msk $0xffff, v11  }
0x109: {  	[tilespmem:s24+$0xD410] =	vst.add.f32.msk $0xffff, v12  }
0x10a: {  	[tilespmem:s24+$0xD420] =	vst.add.f32.msk $0xffff, v13  }
0x10b: {  	[tilespmem:s24+$0xD430] =	vst.add.f32.msk $0xffff, v14  }
0x10c: {  	[tilespmem:s24+$0xD440] =	vst.add.f32.msk $0xffff, v15  }
0x10d: {  	[tilespmem:s24+$0xD450] =	vst.add.f32.msk $0xffff, v16  }
0x10e: {  	[tilespmem:s24+$0xD460] =	vst.add.f32.msk $0xffff, v17  }
0x10f: {  	[tilespmem:s24+$0xD470] =	vst.add.f32.msk $0xffff, v18  }
0x110: {  	v7 =	vld [tilespmem:s23+$0xC00]  }
0x111: {  	v8 =	vld [tilespmem:s23+$0xC10]  }
0x112: {  	v9 =	vld [tilespmem:s23+$0xC20]  }
0x113: {  	v10 =	vld [tilespmem:s23+$0xC30]  }
0x114: {  	v11 =	vld [tilespmem:s23+$0xC40]  }
0x115: {  	v12 =	vld [tilespmem:s23+$0xC50]  }
0x116: {  	v13 =	vld [tilespmem:s23+$0xC60]  }
0x117: {  	v14 =	vld [tilespmem:s23+$0xC70]  }
0x118: {  	v15 =	vld [tilespmem:s23+$0x6C00]  }
0x119: {  	v16 =	vld [tilespmem:s23+$0x6C10]  }
0x11a: {  	v17 =	vld [tilespmem:s23+$0x6C20]  }
0x11b: {  	v18 =	vld [tilespmem:s23+$0x6C30]  }
0x11c: {  	v3 =	vld [tilespmem:s23+$0x6C40]  }
0x11d: {  	v4 =	vld [tilespmem:s23+$0x6C50]  }
0x11e: {  	v5 =	vld [tilespmem:s23+$0x6C60]  }
0x11f: {  	v6 =	vld [tilespmem:s23+$0x6C70]  }
0x120: {  	[tilespmem:s24+$0xCC00] =	vst.add.f32.msk $0xffff, v7  }
0x121: {  	[tilespmem:s24+$0xCC10] =	vst.add.f32.msk $0xffff, v8  }
0x122: {  	[tilespmem:s24+$0xCC20] =	vst.add.f32.msk $0xffff, v9  }
0x123: {  	[tilespmem:s24+$0xCC30] =	vst.add.f32.msk $0xffff, v10  }
0x124: {  	[tilespmem:s24+$0xCC40] =	vst.add.f32.msk $0xffff, v11  }
0x125: {  	[tilespmem:s24+$0xCC50] =	vst.add.f32.msk $0xffff, v12  }
0x126: {  	[tilespmem:s24+$0xCC60] =	vst.add.f32.msk $0xffff, v13  }
.Ltmp0:
0x127: {  	[tilespmem:s24+$0xCC70] =	vst.add.f32.msk $0xffff, v14;
	(pc) =	sbr.rel @p1 .LBB2_3-.Ltmp0, $4  }
0x128: {  	[tilespmem:s24+$0xD800] =	vst.add.f32.msk $0xffff, v15  }
0x129: {  	[tilespmem:s24+$0xD810] =	vst.add.f32.msk $0xffff, v16  }
0x12a: {  	[tilespmem:s24+$0xD820] =	vst.add.f32.msk $0xffff, v17  }
0x12b: {  	s3 =	sadd.s32 $0x1, s3;
	[tilespmem:s24+$0xD830] =	vst.add.f32.msk $0xffff, v18  }
0x12c: {  	[tilespmem:s24+$0xD840] =	vst.add.f32.msk $0xffff, v3  }
0x12d: {  	[tilespmem:s24+$0xD850] =	vst.add.f32.msk $0xffff, v4  }
0x12e: {  	[tilespmem:s24+$0xD860] =	vst.add.f32.msk $0xffff, v5  }
0x12f: {  	[tilespmem:s24+$0xD870] =	vst.add.f32.msk $0xffff, v6  }
0x130: {  	v3 =	vld [tilespmem:s23+$0x1000]  }
0x131: {  	v4 =	vld [tilespmem:s23+$0x1010]  }
0x132: {  	v5 =	vld [tilespmem:s23+$0x1020]  }
0x133: {  	v6 =	vld [tilespmem:s23+$0x1030]  }
0x134: {  	v7 =	vld [tilespmem:s23+$0x1040]  }
0x135: {  	v8 =	vld [tilespmem:s23+$0x1050]  }
0x136: {  	v9 =	vld [tilespmem:s23+$0x1060]  }
0x137: {  	v10 =	vld [tilespmem:s23+$0x1070]  }
0x138: {  	v11 =	vld [tilespmem:s23+$0x7000]  }
0x139: {  	v12 =	vld [tilespmem:s23+$0x7010]  }
0x13a: {  	v13 =	vld [tilespmem:s23+$0x7020]  }
0x13b: {  	v14 =	vld [tilespmem:s23+$0x7070]  }
0x13c: {  	v15 =	vld [tilespmem:s23+$0x7030]  }
0x13d: {  	v16 =	vld [tilespmem:s23+$0x7040]  }
0x13e: {  	v17 =	vld [tilespmem:s23+$0x7050]  }
0x13f: {  	v18 =	vld [tilespmem:s23+$0x7060]  }
0x140: {  	[tilespmem:s24+$0xDC70] =	vst.add.f32.msk $0xffff, v14  }
0x141: {  	[tilespmem:s24+$0xD000] =	vst.add.f32.msk $0xffff, v3  }
0x142: {  	[tilespmem:s24+$0xD010] =	vst.add.f32.msk $0xffff, v4  }
0x143: {  	[tilespmem:s24+$0xD020] =	vst.add.f32.msk $0xffff, v5  }
0x144: {  	[tilespmem:s24+$0xD030] =	vst.add.f32.msk $0xffff, v6  }
0x145: {  	[tilespmem:s24+$0xD040] =	vst.add.f32.msk $0xffff, v7  }
0x146: {  	[tilespmem:s24+$0xD050] =	vst.add.f32.msk $0xffff, v8  }
0x147: {  	[tilespmem:s24+$0xD060] =	vst.add.f32.msk $0xffff, v9  }
0x148: {  	[tilespmem:s24+$0xD070] =	vst.add.f32.msk $0xffff, v10  }
0x149: {  	[tilespmem:s24+$0xDC00] =	vst.add.f32.msk $0xffff, v11  }
0x14a: {  	[tilespmem:s24+$0xDC10] =	vst.add.f32.msk $0xffff, v12  }
0x14b: {  	s3 =	sor.u32 s6, s21;
	[tilespmem:s24+$0xDC20] =	vst.add.f32.msk $0xffff, v13  }
0x14c: {  	s3 =	sshrl.u32 s3, $0x3;
	[tilespmem:s24+$0xDC30] =	vst.add.f32.msk $0xffff, v15  }
0x14d: {  	s23 =	smul.u32 $0x300, s3;
	[tilespmem:s24+$0xDC40] =	vst.add.f32.msk $0xffff, v16  }
0x14e: {  	[tilespmem:s24+$0xDC50] =	vst.add.f32.msk $0xffff, v17  }
0x14f: {  	s3 =	sadd.s32 s5, s23;
	[tilespmem:s24+$0xDC60] =	vst.add.f32.msk $0xffff, v18  }
0x150: {  	[hbm4b:s3+s7] =	stream.linear.scatter [tilespmem:s25], [sflag:$0x5], $0x3000, $0x38;
	[tilespmem:$0x18800] =	vst v63  }
0x151: {  	s3 =	simm.s32 @!p0 $0x8  }
0x152: {  	_ =	swait.ge @!p0 [sflag:s3], $0x3000  }
0x153: {  	[sflag:s3] =	ssyncset.done @!p0 $0x0  }
0x154: {  	s20 =	sor.u32 $0x30, s21;
	[sflag:s3] =	ssyncadd.s32 @!p0 $0xFFFFD000  }
0x155: {  	v3 =	vld [tilespmem:s20+$0x0];
	_ =	sdelay $0x4  }
0x156: {  	v4 =	vshrl.u32 v3, $0x3  }
0x157: {  	v4 =	vmul.u32 $0x18, v4  }
0x158: {  	v3 =	vand.u32 $0x7, v3  }
0x159: {  	v3 =	vor.u32 v3, v4  }
0x15a: {  	v4 =	vperm.xlane v3, v0;
	_ =	sdelay $0x1  }
0x15b: {  	v4 =	vadd.s32 v1, v4;
	_ =	sdelay $0x1  }
0x15c: {  	v3 =	vperm.xlane v3, v2;
	_ =	sdelay $0x1  }
0x15d: {  	s1 =	simm.s32 $0x5000;
	s24 =	simm.s32 $0x0;
	v3 =	vadd.s32 v1, v3  }
0x15e: {  	[tilespmem:s1], [sflag:$0x4] =	stream.indirect_vreg.gather [hbm4b:s2+s24], $0x80, v4, vm0, $0xb8;
	[tilespmem:$0x18800] =	vst v63  }
0x15f: {  	s16 =	simm.s32 $0x5800  }
0x160: {  	[tilespmem:s16], [sflag:$0x4] =	stream.indirect_vreg.gather [hbm4b:s11+s24], $0x80, v4, vm1, $0xb8;
	[tilespmem:$0x18800] =	vst v63  }
0x161: {  	s26 =	simm.s32 $0x5C00  }
0x162: {  	[tilespmem:s26], [sflag:$0x4] =	stream.indirect_vreg.gather [hbm4b:s2+s24], $0x80, v3, vm0, $0xb8;
	[tilespmem:$0x18800] =	vst v63  }
0x163: {  	s3 =	simm.s32 $0x6400  }
0x164: {  	[tilespmem:s3], [sflag:$0x4] =	stream.indirect_vreg.gather [hbm4b:s11+s24], $0x80, v3, vm1, $0xb8;
	[tilespmem:$0x18800] =	vst v63  }
0x165: {  	v3 =	vld [tilespmem:s20+$0x400];
	_ =	sdelay $0x4  }
0x166: {  	v4 =	vshrl.u32 v3, $0x3  }
0x167: {  	v4 =	vmul.u32 $0x18, v4  }
0x168: {  	v3 =	vand.u32 $0x7, v3  }
0x169: {  	v3 =	vor.u32 v3, v4  }
0x16a: {  	v4 =	vperm.xlane v3, v0;
	_ =	sdelay $0x1  }
0x16b: {  	v4 =	vadd.s32 v1, v4;
	_ =	sdelay $0x1  }
0x16c: {  	v3 =	vperm.xlane v3, v2;
	_ =	sdelay $0x1  }
0x16d: {  	s16 =	simm.s32 $0xB000;
	v3 =	vadd.s32 v1, v3  }
0x16e: {  	[tilespmem:s16], [sflag:$0x4] =	stream.indirect_vreg.gather [hbm4b:s4+s24], $0x80, v4, vm0, $0xb8;
	[tilespmem:$0x18800] =	vst v63  }
0x16f: {  	s26 =	sor.u32 s6, s20  }
0x170: {  	[tilespmem:s8], [sflag:$0x4] =	stream.indirect_vreg.gather [hbm4b:s12+s24], $0x80, v4, vm1, $0xb8;
	[tilespmem:$0x18800] =	vst v63  }
0x171: {  	s3 =	sshrl.u32 s26, $0x3  }
0x172: {  	[tilespmem:s9], [sflag:$0x4] =	stream.indirect_vreg.gather [hbm4b:s4+s24], $0x80, v3, vm0, $0xb8;
	[tilespmem:$0x18800] =	vst v63  }
0x173: {  	s20 =	smul.u32 $0x300, s3  }
0x174: {  	[tilespmem:s13], [sflag:$0x4] =	stream.indirect_vreg.gather [hbm4b:s12+s24], $0x80, v3, vm1, $0xb8;
	[tilespmem:$0x18800] =	vst v63  }
0x175: {  	s3 =	sadd.s32 s0, s20  }
0x176: {  	[tilespmem:s14], [sflag:$0x4] =	stream.linear.gather [hbm4b:s3+s24], $0x3000, $0x38;
	[tilespmem:$0x18800] =	vst v63  }
0x177: {  	_ =	swait.ge [sflag:s10], $0x1800  }
0x178: {  	[sflag:s10] =	ssyncset.done $0x0  }
0x179: {  	[sflag:s10] =	ssyncadd.s32 $0xFFFFE800  }
0x17a: {  	_ =	swait.ge [sflag:s10], $0x1800  }
0x17b: {  	[sflag:s10] =	ssyncset.done $0x0  }
0x17c: {  	s1 =	simm.s32 $0x0;
	[sflag:s10] =	ssyncadd.s32 $0xFFFFE800  }
0x17d: {  	s26 =	smul.u32 $0xC00, s1;
	_ =	swait.ge [sflag:s10], $0x3000  }
0x17e: {  	s31 =	sand.u32 $0x380, s24;
	[sflag:s10] =	ssyncset.done $0x0  }
0x17f: {  	s26 =	sor.u32 s31, s26;
	[sflag:s10] =	ssyncadd.s32 $0xFFFFD000  }
0x180: {  	v3 =	vld [tilespmem:s26+$0x2000]  }
0x181: {  	v4 =	vld [tilespmem:s26+$0x2010]  }
0x182: {  	v5 =	vld [tilespmem:s26+$0x2020]  }
0x183: {  	v6 =	vld [tilespmem:s26+$0x2030]  }
0x184: {  	v7 =	vld [tilespmem:s26+$0x2040]  }
0x185: {  	v8 =	vld [tilespmem:s26+$0x2050]  }
0x186: {  	v54 =	vld [tilespmem:s26+$0x2060]  }
0x187: {  	v55 =	vld [tilespmem:s26+$0x2070]  }
0x188: {  	v56 =	vld [tilespmem:s26+$0x8000]  }
0x189: {  	v57 =	vld [tilespmem:s26+$0x8010]  }
0x18a: {  	v58 =	vld [tilespmem:s26+$0x8020]  }
0x18b: {  	v59 =	vld [tilespmem:s26+$0x8030]  }
0x18c: {  	v60 =	vld [tilespmem:s26+$0x8040]  }
0x18d: {  	s30 =	smul.u32 $0x1800, s1;
	v61 =	vld [tilespmem:s26+$0x8050]  }
0x18e: {  	v62 =	vld [tilespmem:s26+$0x8060]  }
0x18f: {  	s3 =	sor.u32 s31, s30;
	v63 =	vld [tilespmem:s26+$0x8070]  }
0x190: {  	[tilespmem:s3+$0xF800] =	vst.add.f32.msk $0xffff, v3  }
0x191: {  	[tilespmem:s3+$0xF810] =	vst.add.f32.msk $0xffff, v4  }
0x192: {  	[tilespmem:s3+$0xF820] =	vst.add.f32.msk $0xffff, v5  }
0x193: {  	[tilespmem:s3+$0xF830] =	vst.add.f32.msk $0xffff, v6  }
0x194: {  	[tilespmem:s3+$0xF840] =	vst.add.f32.msk $0xffff, v7  }
0x195: {  	[tilespmem:s3+$0xF850] =	vst.add.f32.msk $0xffff, v8  }
0x196: {  	[tilespmem:s3+$0xF860] =	vst.add.f32.msk $0xffff, v54  }
0x197: {  	s31 =	sadd.s32 $0x10400, s3;
	[tilespmem:s3+$0xF870] =	vst.add.f32.msk $0xffff, v55  }
0x198: {  	s16 =	sor.u32 $0x10, s31;
	[tilespmem:s3+$0x10400] =	vst.add.f32.msk $0xffff, v56  }
0x199: {  	[tilespmem:s16+$0x0] =	vst.add.f32.msk $0xffff, v57;
	s16 =	sor.u32 $0x20, s31  }
0x19a: {  	[tilespmem:s16+$0x0] =	vst.add.f32.msk $0xffff, v58;
	s16 =	sor.u32 $0x30, s31  }
0x19b: {  	[tilespmem:s16+$0x0] =	vst.add.f32.msk $0xffff, v59;
	s16 =	sor.u32 $0x40, s31  }
0x19c: {  	[tilespmem:s16+$0x0] =	vst.add.f32.msk $0xffff, v60;
	s16 =	sor.u32 $0x50, s31  }
0x19d: {  	[tilespmem:s16+$0x0] =	vst.add.f32.msk $0xffff, v61;
	s16 =	sor.u32 $0x60, s31  }
0x19e: {  	[tilespmem:s16+$0x0] =	vst.add.f32.msk $0xffff, v62;
	s16 =	sor.u32 $0x70, s31  }
0x19f: {  	[tilespmem:s16+$0x0] =	vst.add.f32.msk $0xffff, v63  }
0x1a0: {  	v3 =	vld [tilespmem:s26+$0x2400]  }
0x1a1: {  	v4 =	vld [tilespmem:s26+$0x2410]  }
0x1a2: {  	v5 =	vld [tilespmem:s26+$0x2420]  }
0x1a3: {  	v6 =	vld [tilespmem:s26+$0x2430]  }
0x1a4: {  	v7 =	vld [tilespmem:s26+$0x2440]  }
0x1a5: {  	v8 =	vld [tilespmem:s26+$0x2450]  }
0x1a6: {  	v9 =	vld [tilespmem:s26+$0x2460]  }
0x1a7: {  	v10 =	vld [tilespmem:s26+$0x2470]  }
0x1a8: {  	v11 =	vld [tilespmem:s26+$0x8400]  }
0x1a9: {  	v12 =	vld [tilespmem:s26+$0x8410]  }
0x1aa: {  	v13 =	vld [tilespmem:s26+$0x8420]  }
0x1ab: {  	v14 =	vld [tilespmem:s26+$0x8430]  }
0x1ac: {  	v15 =	vld [tilespmem:s26+$0x8440]  }
0x1ad: {  	v16 =	vld [tilespmem:s26+$0x8450]  }
0x1ae: {  	v17 =	vld [tilespmem:s26+$0x8460]  }
0x1af: {  	v18 =	vld [tilespmem:s26+$0x8470]  }
0x1b0: {  	[tilespmem:s3+$0xFC00] =	vst.add.f32.msk $0xffff, v3  }
0x1b1: {  	[tilespmem:s3+$0xFC10] =	vst.add.f32.msk $0xffff, v4  }
0x1b2: {  	[tilespmem:s3+$0xFC20] =	vst.add.f32.msk $0xffff, v5  }
0x1b3: {  	[tilespmem:s3+$0xFC30] =	vst.add.f32.msk $0xffff, v6  }
0x1b4: {  	[tilespmem:s3+$0xFC40] =	vst.add.f32.msk $0xffff, v7  }
0x1b5: {  	[tilespmem:s3+$0xFC50] =	vst.add.f32.msk $0xffff, v8  }
0x1b6: {  	[tilespmem:s3+$0xFC60] =	vst.add.f32.msk $0xffff, v9  }
0x1b7: {  	s16 =	sadd.s32 $0xC800, s3;
	[tilespmem:s3+$0xFC70] =	vst.add.f32.msk $0xffff, v10  }
0x1b8: {  	[tilespmem:s16+$0x4000] =	vst.add.f32.msk $0xffff, v11  }
0x1b9: {  	[tilespmem:s16+$0x4010] =	vst.add.f32.msk $0xffff, v12  }
0x1ba: {  	[tilespmem:s16+$0x4020] =	vst.add.f32.msk $0xffff, v13  }
0x1bb: {  	[tilespmem:s16+$0x4030] =	vst.add.f32.msk $0xffff, v14  }
0x1bc: {  	[tilespmem:s16+$0x4040] =	vst.add.f32.msk $0xffff, v15  }
0x1bd: {  	[tilespmem:s16+$0x4050] =	vst.add.f32.msk $0xffff, v16  }
0x1be: {  	[tilespmem:s16+$0x4060] =	vst.add.f32.msk $0xffff, v17  }
0x1bf: {  	[tilespmem:s16+$0x4070] =	vst.add.f32.msk $0xffff, v18  }
0x1c0: {  	v6 =	vld [tilespmem:s26+$0x2800]  }
0x1c1: {  	v5 =	vld [tilespmem:s26+$0x2810]  }
0x1c2: {  	v4 =	vld [tilespmem:s26+$0x2820]  }
0x1c3: {  	s31 =	simm.s32 $0x1;
	v3 =	vld [tilespmem:s26+$0x2830]  }
.LBB2_5:
0x1c4: {  	p0 =	sne.s32 s31, $0xF;
	v7 =	vld [tilespmem:s26+$0x2840]  }
0x1c5: {  	v8 =	vld [tilespmem:s26+$0x2850]  }
0x1c6: {  	v9 =	vld [tilespmem:s26+$0x2860]  }
0x1c7: {  	v10 =	vld [tilespmem:s26+$0x2870]  }
0x1c8: {  	v11 =	vld [tilespmem:s26+$0x8800]  }
0x1c9: {  	v12 =	vld [tilespmem:s26+$0x8810]  }
0x1ca: {  	v13 =	vld [tilespmem:s26+$0x8820]  }
0x1cb: {  	v14 =	vld [tilespmem:s26+$0x8830]  }
0x1cc: {  	v15 =	vld [tilespmem:s26+$0x8840]  }
0x1cd: {  	v16 =	vld [tilespmem:s26+$0x8850]  }
0x1ce: {  	v17 =	vld [tilespmem:s26+$0x8860]  }
0x1cf: {  	s1 =	sadd.s32 $0x10000, s3;
	v18 =	vld [tilespmem:s26+$0x8870]  }
0x1d0: {  	[tilespmem:s3+$0x10000] =	vst.add.f32.msk $0xffff, v6;
	s3 =	sor.u32 $0x10, s1  }
0x1d1: {  	[tilespmem:s3+$0x0] =	vst.add.f32.msk $0xffff, v5;
	s3 =	sor.u32 $0x20, s1  }
0x1d2: {  	[tilespmem:s3+$0x0] =	vst.add.f32.msk $0xffff, v4;
	s3 =	sor.u32 $0x30, s1  }
0x1d3: {  	[tilespmem:s3+$0x0] =	vst.add.f32.msk $0xffff, v3;
	s3 =	sor.u32 $0x40, s1  }
0x1d4: {  	[tilespmem:s3+$0x0] =	vst.add.f32.msk $0xffff, v7;
	s3 =	sor.u32 $0x50, s1  }
0x1d5: {  	[tilespmem:s3+$0x0] =	vst.add.f32.msk $0xffff, v8;
	s3 =	sor.u32 $0x60, s1  }
0x1d6: {  	s1 =	sor.u32 $0x70, s1;
	[tilespmem:s3+$0x0] =	vst.add.f32.msk $0xffff, v9;
	s3 =	sor.u32 s30, s24  }
0x1d7: {  	[tilespmem:s1+$0x0] =	vst.add.f32.msk $0xffff, v10;
	s1 =	sor.u32 $0x4400, s3  }
0x1d8: {  	[tilespmem:s1+$0xC870] =	vst.add.f32.msk $0xffff, v18  }
0x1d9: {  	[tilespmem:s1+$0xC800] =	vst.add.f32.msk $0xffff, v11  }
0x1da: {  	[tilespmem:s1+$0xC810] =	vst.add.f32.msk $0xffff, v12  }
0x1db: {  	[tilespmem:s1+$0xC820] =	vst.add.f32.msk $0xffff, v13  }
0x1dc: {  	s3 =	sshrl.u32 s31, $0x3;
	[tilespmem:s1+$0xC830] =	vst.add.f32.msk $0xffff, v14  }
0x1dd: {  	s24 =	sadd.s32 $0x80, s24;
	s26 =	smul.u32 $0xC00, s3;
	[tilespmem:s1+$0xC840] =	vst.add.f32.msk $0xffff, v15  }
0x1de: {  	s16 =	sand.u32 $0x380, s24;
	[tilespmem:s1+$0xC850] =	vst.add.f32.msk $0xffff, v16  }
0x1df: {  	s26 =	sor.u32 s16, s26;
	[tilespmem:s1+$0xC860] =	vst.add.f32.msk $0xffff, v17  }
0x1e0: {  	v3 =	vld [tilespmem:s26+$0x2000]  }
0x1e1: {  	v4 =	vld [tilespmem:s26+$0x2010]  }
0x1e2: {  	v5 =	vld [tilespmem:s26+$0x2020]  }
0x1e3: {  	v6 =	vld [tilespmem:s26+$0x2030]  }
0x1e4: {  	v7 =	vld [tilespmem:s26+$0x2040]  }
0x1e5: {  	v8 =	vld [tilespmem:s26+$0x2050]  }
0x1e6: {  	v9 =	vld [tilespmem:s26+$0x2060]  }
0x1e7: {  	v10 =	vld [tilespmem:s26+$0x2070]  }
0x1e8: {  	v11 =	vld [tilespmem:s26+$0x8000]  }
0x1e9: {  	v12 =	vld [tilespmem:s26+$0x8010]  }
0x1ea: {  	v13 =	vld [tilespmem:s26+$0x8020]  }
0x1eb: {  	v14 =	vld [tilespmem:s26+$0x8030]  }
0x1ec: {  	v15 =	vld [tilespmem:s26+$0x8040]  }
0x1ed: {  	s30 =	smul.u32 $0x1800, s3;
	v16 =	vld [tilespmem:s26+$0x8050]  }
0x1ee: {  	v17 =	vld [tilespmem:s26+$0x8060]  }
0x1ef: {  	s3 =	sor.u32 s16, s30;
	v18 =	vld [tilespmem:s26+$0x8070]  }
0x1f0: {  	[tilespmem:s3+$0xF800] =	vst.add.f32.msk $0xffff, v3  }
0x1f1: {  	[tilespmem:s3+$0xF810] =	vst.add.f32.msk $0xffff, v4  }
0x1f2: {  	[tilespmem:s3+$0xF820] =	vst.add.f32.msk $0xffff, v5  }
0x1f3: {  	[tilespmem:s3+$0xF830] =	vst.add.f32.msk $0xffff, v6  }
0x1f4: {  	[tilespmem:s3+$0xF840] =	vst.add.f32.msk $0xffff, v7  }
0x1f5: {  	[tilespmem:s3+$0xF850] =	vst.add.f32.msk $0xffff, v8  }
0x1f6: {  	[tilespmem:s3+$0xF860] =	vst.add.f32.msk $0xffff, v9  }
0x1f7: {  	s1 =	sadd.s32 $0x10400, s3;
	[tilespmem:s3+$0xF870] =	vst.add.f32.msk $0xffff, v10  }
0x1f8: {  	s16 =	sor.u32 $0x10, s1;
	[tilespmem:s3+$0x10400] =	vst.add.f32.msk $0xffff, v11  }
0x1f9: {  	[tilespmem:s16+$0x0] =	vst.add.f32.msk $0xffff, v12;
	s16 =	sor.u32 $0x20, s1  }
0x1fa: {  	[tilespmem:s16+$0x0] =	vst.add.f32.msk $0xffff, v13;
	s16 =	sor.u32 $0x30, s1  }
0x1fb: {  	[tilespmem:s16+$0x0] =	vst.add.f32.msk $0xffff, v14;
	s16 =	sor.u32 $0x40, s1  }
0x1fc: {  	[tilespmem:s16+$0x0] =	vst.add.f32.msk $0xffff, v15;
	s16 =	sor.u32 $0x50, s1  }
0x1fd: {  	[tilespmem:s16+$0x0] =	vst.add.f32.msk $0xffff, v16;
	s16 =	sor.u32 $0x60, s1  }
0x1fe: {  	s1 =	sor.u32 $0x70, s1;
	[tilespmem:s16+$0x0] =	vst.add.f32.msk $0xffff, v17  }
0x1ff: {  	[tilespmem:s1+$0x0] =	vst.add.f32.msk $0xffff, v18  }
0x200: {  	v3 =	vld [tilespmem:s26+$0x2400]  }
0x201: {  	v4 =	vld [tilespmem:s26+$0x2410]  }
0x202: {  	v5 =	vld [tilespmem:s26+$0x2420]  }
0x203: {  	v6 =	vld [tilespmem:s26+$0x2430]  }
0x204: {  	v7 =	vld [tilespmem:s26+$0x2440]  }
0x205: {  	v8 =	vld [tilespmem:s26+$0x2450]  }
0x206: {  	v9 =	vld [tilespmem:s26+$0x2460]  }
0x207: {  	v10 =	vld [tilespmem:s26+$0x2470]  }
0x208: {  	v11 =	vld [tilespmem:s26+$0x8400]  }
0x209: {  	v12 =	vld [tilespmem:s26+$0x8410]  }
0x20a: {  	v13 =	vld [tilespmem:s26+$0x8420]  }
0x20b: {  	v14 =	vld [tilespmem:s26+$0x8430]  }
0x20c: {  	v15 =	vld [tilespmem:s26+$0x8440]  }
0x20d: {  	v16 =	vld [tilespmem:s26+$0x8450]  }
0x20e: {  	v17 =	vld [tilespmem:s26+$0x8460]  }
0x20f: {  	v18 =	vld [tilespmem:s26+$0x8470]  }
0x210: {  	[tilespmem:s3+$0xFC00] =	vst.add.f32.msk $0xffff, v3  }
0x211: {  	[tilespmem:s3+$0xFC10] =	vst.add.f32.msk $0xffff, v4  }
0x212: {  	[tilespmem:s3+$0xFC20] =	vst.add.f32.msk $0xffff, v5  }
0x213: {  	[tilespmem:s3+$0xFC30] =	vst.add.f32.msk $0xffff, v6  }
0x214: {  	[tilespmem:s3+$0xFC40] =	vst.add.f32.msk $0xffff, v7  }
0x215: {  	[tilespmem:s3+$0xFC50] =	vst.add.f32.msk $0xffff, v8  }
0x216: {  	[tilespmem:s3+$0xFC60] =	vst.add.f32.msk $0xffff, v9  }
0x217: {  	s1 =	sadd.s32 $0xC800, s3;
	[tilespmem:s3+$0xFC70] =	vst.add.f32.msk $0xffff, v10  }
0x218: {  	[tilespmem:s1+$0x4000] =	vst.add.f32.msk $0xffff, v11  }
0x219: {  	[tilespmem:s1+$0x4010] =	vst.add.f32.msk $0xffff, v12  }
0x21a: {  	[tilespmem:s1+$0x4020] =	vst.add.f32.msk $0xffff, v13  }
0x21b: {  	[tilespmem:s1+$0x4030] =	vst.add.f32.msk $0xffff, v14  }
0x21c: {  	[tilespmem:s1+$0x4040] =	vst.add.f32.msk $0xffff, v15  }
0x21d: {  	[tilespmem:s1+$0x4050] =	vst.add.f32.msk $0xffff, v16  }
0x21e: {  	[tilespmem:s1+$0x4060] =	vst.add.f32.msk $0xffff, v17  }
.Ltmp1:
0x21f: {  	[tilespmem:s1+$0x4070] =	vst.add.f32.msk $0xffff, v18;
	(pc) =	sbr.rel @p0 .LBB2_5-.Ltmp1, $4  }
0x220: {  	v6 =	vld [tilespmem:s26+$0x2800]  }
0x221: {  	v5 =	vld [tilespmem:s26+$0x2810]  }
0x222: {  	v4 =	vld [tilespmem:s26+$0x2820]  }
0x223: {  	s31 =	sadd.s32 $0x1, s31;
	v3 =	vld [tilespmem:s26+$0x2830]  }
0x224: {  	v7 =	vld [tilespmem:s26+$0x2840]  }
0x225: {  	v8 =	vld [tilespmem:s26+$0x2850]  }
0x226: {  	v9 =	vld [tilespmem:s26+$0x2860]  }
0x227: {  	v10 =	vld [tilespmem:s26+$0x2870]  }
0x228: {  	v11 =	vld [tilespmem:s26+$0x8800]  }
0x229: {  	v12 =	vld [tilespmem:s26+$0x8810]  }
0x22a: {  	v13 =	vld [tilespmem:s26+$0x8820]  }
0x22b: {  	v14 =	vld [tilespmem:s26+$0x8830]  }
0x22c: {  	v15 =	vld [tilespmem:s26+$0x8840]  }
0x22d: {  	v16 =	vld [tilespmem:s26+$0x8850]  }
0x22e: {  	v17 =	vld [tilespmem:s26+$0x8860]  }
0x22f: {  	v18 =	vld [tilespmem:s26+$0x8870];
	s1 =	sadd.s32 $0x10000, s3  }
0x230: {  	[tilespmem:s3+$0x10000] =	vst.add.f32.msk $0xffff, v6;
	s26 =	sor.u32 $0x10, s1  }
0x231: {  	s31 =	sor.u32 $0x20, s1;
	[tilespmem:s26+$0x0] =	vst.add.f32.msk $0xffff, v5  }
0x232: {  	s16 =	sor.u32 $0x30, s1;
	[tilespmem:s31+$0x0] =	vst.add.f32.msk $0xffff, v4  }
0x233: {  	s26 =	sor.u32 $0x40, s1;
	[tilespmem:s16+$0x0] =	vst.add.f32.msk $0xffff, v3  }
0x234: {  	s31 =	sor.u32 $0x50, s1;
	[tilespmem:s26+$0x0] =	vst.add.f32.msk $0xffff, v7  }
0x235: {  	s16 =	sor.u32 $0x60, s1;
	[tilespmem:s31+$0x0] =	vst.add.f32.msk $0xffff, v8  }
0x236: {  	s24 =	sor.u32 s30, s24;
	s1 =	sor.u32 $0x70, s1;
	[tilespmem:s16+$0x0] =	vst.add.f32.msk $0xffff, v9  }
0x237: {  	s26 =	sor.u32 $0x4400, s24;
	[tilespmem:s1+$0x0] =	vst.add.f32.msk $0xffff, v10  }
0x238: {  	[tilespmem:s26+$0xC870] =	vst.add.f32.msk $0xffff, v18  }
0x239: {  	[tilespmem:s26+$0xC800] =	vst.add.f32.msk $0xffff, v11  }
0x23a: {  	[tilespmem:s26+$0xC810] =	vst.add.f32.msk $0xffff, v12  }
0x23b: {  	[tilespmem:s26+$0xC820] =	vst.add.f32.msk $0xffff, v13  }
0x23c: {  	[tilespmem:s26+$0xC830] =	vst.add.f32.msk $0xffff, v14  }
0x23d: {  	[tilespmem:s26+$0xC840] =	vst.add.f32.msk $0xffff, v15  }
0x23e: {  	p0 =	seq.s32 s19, $0xF;
	s31 =	sadd.s32 s23, s5;
	[tilespmem:s26+$0xC850] =	vst.add.f32.msk $0xffff, v16  }
0x23f: {  	s3 =	sadd.s32 $0x600, s31;
	s1 =	simm.s32 @!p0 $0x5;
	[tilespmem:s26+$0xC860] =	vst.add.f32.msk $0xffff, v17  }
0x240: {  	[hbm4b:s3+s7] =	stream.linear.scatter [tilespmem:s17], [sflag:$0x6], $0x3000, $0x38;
	[tilespmem:$0x18800] =	vst v63  }
0x241: {  	_ =	swait.ge @!p0 [sflag:s1], $0x3000  }
0x242: {  	[sflag:s1] =	ssyncset.done @!p0 $0x0  }
0x243: {  	[sflag:s1] =	ssyncadd.s32 @!p0 $0xFFFFD000  }
0x244: {  	v3 =	vld @!p0 [tilespmem:s21+$0x40];
	_ =	sdelay $0x4  }
0x245: {  	v4 =	vshrl.u32 @!p0 v3, $0x3  }
0x246: {  	v4 =	vmul.u32 @!p0 $0x18, v4  }
0x247: {  	v5 =	vlaneseq.u32 @!p0;
	v3 =	vand.u32 @!p0 $0x7, v3  }
0x248: {  	v6 =	vshrl.u32 @!p0 v5, $0x3;
	v3 =	vor.u32 @!p0 v3, v4;
	v4 =	vand.u32 @!p0 $0x7, v5  }
0x249: {  	v6 =	vmul.u32 @!p0 $0x8, v6;
	v7 =	vperm.xlane @!p0 v3, v4;
	_ =	sdelay $0x1  }
0x24a: {  	v7 =	vadd.s32 @!p0 v6, v7  }
0x24b: {  	v5 =	vor.u32 @!p0 $0x8, v5  }
0x24c: {  	v3 =	vperm.xlane @!p0 v3, v5;
	_ =	sdelay $0x1  }
0x24d: {  	vm2 =	vmmov @!p0 $0xffff;
	s3 =	simm.s32 @!p0 $0x800;
	s1 =	simm.s32 @!p0 $0x0;
	v3 =	vadd.s32 @!p0 v6, v3  }
0x24e: {  	[tilespmem:s3], [sflag:$0x1] =	stream.indirect_vreg.gather @!p0 [hbm4b:s2+s1], $0x80, v7, vm2, $0xb8;
	[tilespmem:$0x18800] =	vst v63  }
0x24f: {  	vm3 =	vmmov @!p0 $0xff;
	s3 =	simm.s32 @!p0 $0x1000  }
0x250: {  	[tilespmem:s3], [sflag:$0x1] =	stream.indirect_vreg.gather @!p0 [hbm4b:s11+s1], $0x80, v7, vm3, $0xb8;
	[tilespmem:$0x18800] =	vst v63  }
0x251: {  	s3 =	simm.s32 @!p0 $0x1400  }
0x252: {  	[tilespmem:s3], [sflag:$0x1] =	stream.indirect_vreg.gather @!p0 [hbm4b:s2+s1], $0x80, v3, vm2, $0xb8;
	[tilespmem:$0x18800] =	vst v63  }
0x253: {  	s3 =	simm.s32 @!p0 $0x1C00  }
0x254: {  	[tilespmem:s3], [sflag:$0x1] =	stream.indirect_vreg.gather @!p0 [hbm4b:s11+s1], $0x80, v3, vm3, $0xb8;
	[tilespmem:$0x18800] =	vst v63  }
0x255: {  	v3 =	vld @!p0 [tilespmem:s21+$0x440];
	_ =	sdelay $0x4  }
0x256: {  	v7 =	vshrl.u32 @!p0 v3, $0x3  }
0x257: {  	v7 =	vmul.u32 @!p0 $0x18, v7  }
0x258: {  	v3 =	vand.u32 @!p0 $0x7, v3  }
0x259: {  	v3 =	vor.u32 @!p0 v3, v7  }
0x25a: {  	v4 =	vperm.xlane @!p0 v3, v4;
	_ =	sdelay $0x1  }
0x25b: {  	v4 =	vadd.s32 @!p0 v6, v4;
	_ =	sdelay $0x2  }
0x25c: {  	v3 =	vperm.xlane @!p0 v3, v5  }
0x25d: {  	s3 =	simm.s32 @!p0 $0x6800  }
0x25e: {  	v3 =	vadd.s32 @!p0 v6, v3;
	[tilespmem:s3], [sflag:$0x1] =	stream.indirect_vreg.gather @!p0 [hbm4b:s4+s1], $0x80, v4, vm2, $0xb8;
	[tilespmem:$0x18800] =	vst v63  }
0x25f: {  	s3 =	simm.s32 @!p0 $0x7000  }
0x260: {  	[tilespmem:s3], [sflag:$0x1] =	stream.indirect_vreg.gather @!p0 [hbm4b:s12+s1], $0x80, v4, vm3, $0xb8;
	[tilespmem:$0x18800] =	vst v63  }
0x261: {  	s3 =	sadd.s32 @!p0 $0x40, s21  }
0x262: {  	s16 =	simm.s32 @!p0 $0x7400;
	s3 =	sadd.s32 @!p0 s6, s3  }
0x263: {  	[tilespmem:s16], [sflag:$0x1] =	stream.indirect_vreg.gather @!p0 [hbm4b:s4+s1], $0x80, v3, vm2, $0xb8;
	[tilespmem:$0x18800] =	vst v63  }
0x264: {  	s3 =	sshrl.u32 @!p0 s3, $0x3  }
0x265: {  	s16 =	simm.s32 @!p0 $0x7C00;
	s3 =	smul.u32 @!p0 $0x300, s3  }
0x266: {  	[tilespmem:s16], [sflag:$0x1] =	stream.indirect_vreg.gather @!p0 [hbm4b:s12+s1], $0x80, v3, vm3, $0xb8;
	[tilespmem:$0x18800] =	vst v63  }
0x267: {  	s16 =	simm.s32 @!p0 $0xC800;
	s3 =	sadd.s32 @!p0 s0, s3  }
0x268: {  	[tilespmem:s16], [sflag:$0x1] =	stream.linear.gather @!p0 [hbm4b:s3+s1], $0x3000, $0x38;
	[tilespmem:$0x18800] =	vst v63  }
0x269: {  	_ =	swait.ge [sflag:s15], $0x1800  }
0x26a: {  	[sflag:s15] =	ssyncset.done $0x0  }
0x26b: {  	[sflag:s15] =	ssyncadd.s32 $0xFFFFE800  }
0x26c: {  	_ =	swait.ge [sflag:s15], $0x1800  }
0x26d: {  	[sflag:s15] =	ssyncset.done $0x0  }
0x26e: {  	s16 =	simm.s32 $0x0;
	[sflag:s15] =	ssyncadd.s32 $0xFFFFE800  }
0x26f: {  	s23 =	simm.s32 $0x0;
	s26 =	smul.u32 $0xC00, s16;
	_ =	swait.ge [sflag:s15], $0x3000  }
0x270: {  	s31 =	sand.u32 $0x380, s23;
	[sflag:s15] =	ssyncset.done $0x0  }
0x271: {  	s24 =	sor.u32 s31, s26;
	[sflag:s15] =	ssyncadd.s32 $0xFFFFD000  }
0x272: {  	v3 =	vld [tilespmem:s24+$0x3800]  }
0x273: {  	v4 =	vld [tilespmem:s24+$0x3810]  }
0x274: {  	v5 =	vld [tilespmem:s24+$0x3820]  }
0x275: {  	v6 =	vld [tilespmem:s24+$0x3830]  }
0x276: {  	v7 =	vld [tilespmem:s24+$0x3840]  }
0x277: {  	v8 =	vld [tilespmem:s24+$0x3850]  }
0x278: {  	v9 =	vld [tilespmem:s24+$0x3860]  }
0x279: {  	v10 =	vld [tilespmem:s24+$0x3870]  }
0x27a: {  	v11 =	vld [tilespmem:s24+$0x9800]  }
0x27b: {  	v12 =	vld [tilespmem:s24+$0x9810]  }
0x27c: {  	v13 =	vld [tilespmem:s24+$0x9820]  }
0x27d: {  	v14 =	vld [tilespmem:s24+$0x9830]  }
0x27e: {  	s1 =	smul.u32 $0x1800, s16;
	v15 =	vld [tilespmem:s24+$0x9840]  }
0x27f: {  	v61 =	vld [tilespmem:s24+$0x9850]  }
0x280: {  	s26 =	sor.u32 s31, s1;
	v62 =	vld [tilespmem:s24+$0x9860]  }
0x281: {  	s16 =	sadd.s32 $0xC800, s26;
	v63 =	vld [tilespmem:s24+$0x9870]  }
0x282: {  	[tilespmem:s16+$0x6000] =	vst.add.f32.msk $0xffff, v3  }
0x283: {  	[tilespmem:s16+$0x6010] =	vst.add.f32.msk $0xffff, v4  }
0x284: {  	[tilespmem:s16+$0x6020] =	vst.add.f32.msk $0xffff, v5  }
0x285: {  	[tilespmem:s16+$0x6030] =	vst.add.f32.msk $0xffff, v6  }
0x286: {  	[tilespmem:s16+$0x6040] =	vst.add.f32.msk $0xffff, v7  }
0x287: {  	[tilespmem:s16+$0x6050] =	vst.add.f32.msk $0xffff, v8  }
0x288: {  	[tilespmem:s16+$0x6060] =	vst.add.f32.msk $0xffff, v9  }
0x289: {  	s3 =	sadd.s32 $0x13400, s26;
	[tilespmem:s16+$0x6070] =	vst.add.f32.msk $0xffff, v10  }
0x28a: {  	s31 =	sor.u32 $0x10, s3;
	[tilespmem:s26+$0x13400] =	vst.add.f32.msk $0xffff, v11  }
0x28b: {  	[tilespmem:s31+$0x0] =	vst.add.f32.msk $0xffff, v12;
	s31 =	sor.u32 $0x20, s3  }
0x28c: {  	[tilespmem:s31+$0x0] =	vst.add.f32.msk $0xffff, v13;
	s31 =	sor.u32 $0x30, s3  }
0x28d: {  	[tilespmem:s31+$0x0] =	vst.add.f32.msk $0xffff, v14;
	s31 =	sor.u32 $0x40, s3  }
0x28e: {  	[tilespmem:s31+$0x0] =	vst.add.f32.msk $0xffff, v15;
	s31 =	sor.u32 $0x50, s3  }
0x28f: {  	[tilespmem:s31+$0x0] =	vst.add.f32.msk $0xffff, v61;
	s31 =	sor.u32 $0x60, s3  }
0x290: {  	s3 =	sor.u32 $0x70, s3;
	[tilespmem:s31+$0x0] =	vst.add.f32.msk $0xffff, v62  }
0x291: {  	[tilespmem:s3+$0x0] =	vst.add.f32.msk $0xffff, v63  }
0x292: {  	v3 =	vld [tilespmem:s24+$0x3C00]  }
0x293: {  	v4 =	vld [tilespmem:s24+$0x3C10]  }
0x294: {  	v5 =	vld [tilespmem:s24+$0x3C20]  }
0x295: {  	v6 =	vld [tilespmem:s24+$0x3C30]  }
0x296: {  	v7 =	vld [tilespmem:s24+$0x3C40]  }
0x297: {  	v8 =	vld [tilespmem:s24+$0x3C50]  }
0x298: {  	v9 =	vld [tilespmem:s24+$0x3C60]  }
0x299: {  	v10 =	vld [tilespmem:s24+$0x3C70]  }
0x29a: {  	v11 =	vld [tilespmem:s24+$0x9C00]  }
0x29b: {  	v12 =	vld [tilespmem:s24+$0x9C10]  }
0x29c: {  	v13 =	vld [tilespmem:s24+$0x9C20]  }
0x29d: {  	v14 =	vld [tilespmem:s24+$0x9C30]  }
0x29e: {  	v15 =	vld [tilespmem:s24+$0x9C40]  }
0x29f: {  	v16 =	vld [tilespmem:s24+$0x9C50]  }
0x2a0: {  	s1 =	sor.u32 s1, s23;
	v17 =	vld [tilespmem:s24+$0x9C60]  }
0x2a1: {  	s1 =	sor.u32 $0x6400, s1;
	v18 =	vld [tilespmem:s24+$0x9C70]  }
0x2a2: {  	[tilespmem:s1+$0xC800] =	vst.add.f32.msk $0xffff, v3  }
0x2a3: {  	[tilespmem:s1+$0xC810] =	vst.add.f32.msk $0xffff, v4  }
0x2a4: {  	[tilespmem:s1+$0xC820] =	vst.add.f32.msk $0xffff, v5  }
0x2a5: {  	[tilespmem:s1+$0xC830] =	vst.add.f32.msk $0xffff, v6  }
0x2a6: {  	[tilespmem:s1+$0xC840] =	vst.add.f32.msk $0xffff, v7  }
0x2a7: {  	[tilespmem:s1+$0xC850] =	vst.add.f32.msk $0xffff, v8  }
0x2a8: {  	[tilespmem:s1+$0xC860] =	vst.add.f32.msk $0xffff, v9  }
0x2a9: {  	[tilespmem:s1+$0xC870] =	vst.add.f32.msk $0xffff, v10;
	s1 =	sadd.s32 $0x13800, s26  }
0x2aa: {  	[tilespmem:s26+$0x13800] =	vst.add.f32.msk $0xffff, v11;
	s16 =	sor.u32 $0x10, s1  }
0x2ab: {  	s31 =	sor.u32 $0x20, s1;
	[tilespmem:s16+$0x0] =	vst.add.f32.msk $0xffff, v12  }
0x2ac: {  	s16 =	sor.u32 $0x30, s1;
	[tilespmem:s31+$0x0] =	vst.add.f32.msk $0xffff, v13  }
0x2ad: {  	s31 =	sor.u32 $0x40, s1;
	[tilespmem:s16+$0x0] =	vst.add.f32.msk $0xffff, v14  }
0x2ae: {  	s16 =	sor.u32 $0x50, s1;
	[tilespmem:s31+$0x0] =	vst.add.f32.msk $0xffff, v15  }
0x2af: {  	s31 =	sor.u32 $0x60, s1;
	[tilespmem:s16+$0x0] =	vst.add.f32.msk $0xffff, v16  }
0x2b0: {  	s1 =	sor.u32 $0x70, s1;
	[tilespmem:s31+$0x0] =	vst.add.f32.msk $0xffff, v17  }
0x2b1: {  	[tilespmem:s1+$0x0] =	vst.add.f32.msk $0xffff, v18  }
0x2b2: {  	v13 =	vld [tilespmem:s24+$0x4000]  }
0x2b3: {  	v12 =	vld [tilespmem:s24+$0x4010]  }
0x2b4: {  	v11 =	vld [tilespmem:s24+$0x4020]  }
0x2b5: {  	v10 =	vld [tilespmem:s24+$0x4030]  }
0x2b6: {  	v9 =	vld [tilespmem:s24+$0x4040]  }
0x2b7: {  	v8 =	vld [tilespmem:s24+$0x4050]  }
0x2b8: {  	v7 =	vld [tilespmem:s24+$0x4060]  }
0x2b9: {  	v6 =	vld [tilespmem:s24+$0x4070]  }
0x2ba: {  	v5 =	vld [tilespmem:s24+$0xA000]  }
0x2bb: {  	v4 =	vld [tilespmem:s24+$0xA010]  }
0x2bc: {  	s30 =	simm.s32 $0x1;
	v3 =	vld [tilespmem:s24+$0xA020]  }
.LBB2_7:
0x2bd: {  	p1 =	sne.s32 s30, $0xF;
	v14 =	vld [tilespmem:s24+$0xA030]  }
0x2be: {  	v15 =	vld [tilespmem:s24+$0xA040]  }
0x2bf: {  	v16 =	vld [tilespmem:s24+$0xA050]  }
0x2c0: {  	v17 =	vld [tilespmem:s24+$0xA060]  }
0x2c1: {  	s1 =	sadd.s32 $0x13000, s26;
	v18 =	vld [tilespmem:s24+$0xA070]  }
0x2c2: {  	s3 =	sor.u32 $0x10, s1;
	[tilespmem:s26+$0x13000] =	vst.add.f32.msk $0xffff, v13  }
0x2c3: {  	[tilespmem:s3+$0x0] =	vst.add.f32.msk $0xffff, v12;
	s3 =	sor.u32 $0x20, s1  }
0x2c4: {  	[tilespmem:s3+$0x0] =	vst.add.f32.msk $0xffff, v11;
	s3 =	sor.u32 $0x30, s1  }
0x2c5: {  	[tilespmem:s3+$0x0] =	vst.add.f32.msk $0xffff, v10;
	s3 =	sor.u32 $0x40, s1  }
0x2c6: {  	[tilespmem:s3+$0x0] =	vst.add.f32.msk $0xffff, v9;
	s3 =	sor.u32 $0x50, s1  }
0x2c7: {  	[tilespmem:s3+$0x0] =	vst.add.f32.msk $0xffff, v8;
	s3 =	sor.u32 $0x60, s1  }
0x2c8: {  	s1 =	sor.u32 $0x70, s1;
	[tilespmem:s3+$0x0] =	vst.add.f32.msk $0xffff, v7  }
0x2c9: {  	[tilespmem:s1+$0x0] =	vst.add.f32.msk $0xffff, v6;
	s1 =	sadd.s32 $0x13C00, s26  }
0x2ca: {  	[tilespmem:s26+$0x13C00] =	vst.add.f32.msk $0xffff, v5;
	s3 =	sor.u32 $0x10, s1  }
0x2cb: {  	[tilespmem:s3+$0x0] =	vst.add.f32.msk $0xffff, v4;
	s3 =	sor.u32 $0x20, s1  }
0x2cc: {  	[tilespmem:s3+$0x0] =	vst.add.f32.msk $0xffff, v3;
	s3 =	sor.u32 $0x30, s1  }
0x2cd: {  	[tilespmem:s3+$0x0] =	vst.add.f32.msk $0xffff, v14;
	s3 =	sor.u32 $0x40, s1  }
0x2ce: {  	s16 =	sshrl.u32 s30, $0x3;
	[tilespmem:s3+$0x0] =	vst.add.f32.msk $0xffff, v15;
	s3 =	sor.u32 $0x50, s1  }
0x2cf: {  	s23 =	sadd.s32 $0x80, s23;
	s24 =	smul.u32 $0xC00, s16;
	[tilespmem:s3+$0x0] =	vst.add.f32.msk $0xffff, v16;
	s3 =	sor.u32 $0x60, s1  }
0x2d0: {  	s26 =	sand.u32 $0x380, s23;
	s1 =	sor.u32 $0x70, s1;
	[tilespmem:s3+$0x0] =	vst.add.f32.msk $0xffff, v17  }
0x2d1: {  	s24 =	sor.u32 s26, s24;
	[tilespmem:s1+$0x0] =	vst.add.f32.msk $0xffff, v18  }
0x2d2: {  	v3 =	vld [tilespmem:s24+$0x3800]  }
0x2d3: {  	v4 =	vld [tilespmem:s24+$0x3810]  }
0x2d4: {  	v5 =	vld [tilespmem:s24+$0x3820]  }
0x2d5: {  	v6 =	vld [tilespmem:s24+$0x3830]  }
0x2d6: {  	v7 =	vld [tilespmem:s24+$0x3840]  }
0x2d7: {  	v8 =	vld [tilespmem:s24+$0x3850]  }
0x2d8: {  	v9 =	vld [tilespmem:s24+$0x3860]  }
0x2d9: {  	v10 =	vld [tilespmem:s24+$0x3870]  }
0x2da: {  	v11 =	vld [tilespmem:s24+$0x9800]  }
0x2db: {  	v12 =	vld [tilespmem:s24+$0x9810]  }
0x2dc: {  	v13 =	vld [tilespmem:s24+$0x9820]  }
0x2dd: {  	v14 =	vld [tilespmem:s24+$0x9830]  }
0x2de: {  	s3 =	smul.u32 $0x1800, s16;
	v15 =	vld [tilespmem:s24+$0x9840]  }
0x2df: {  	v16 =	vld [tilespmem:s24+$0x9850]  }
0x2e0: {  	s26 =	sor.u32 s26, s3;
	v17 =	vld [tilespmem:s24+$0x9860]  }
0x2e1: {  	s1 =	sadd.s32 $0xC800, s26;
	v18 =	vld [tilespmem:s24+$0x9870]  }
0x2e2: {  	[tilespmem:s1+$0x6000] =	vst.add.f32.msk $0xffff, v3  }
0x2e3: {  	[tilespmem:s1+$0x6010] =	vst.add.f32.msk $0xffff, v4  }
0x2e4: {  	[tilespmem:s1+$0x6020] =	vst.add.f32.msk $0xffff, v5  }
0x2e5: {  	[tilespmem:s1+$0x6030] =	vst.add.f32.msk $0xffff, v6  }
0x2e6: {  	[tilespmem:s1+$0x6040] =	vst.add.f32.msk $0xffff, v7  }
0x2e7: {  	[tilespmem:s1+$0x6050] =	vst.add.f32.msk $0xffff, v8  }
0x2e8: {  	[tilespmem:s1+$0x6060] =	vst.add.f32.msk $0xffff, v9  }
0x2e9: {  	[tilespmem:s1+$0x6070] =	vst.add.f32.msk $0xffff, v10;
	s1 =	sadd.s32 $0x13400, s26  }
0x2ea: {  	[tilespmem:s26+$0x13400] =	vst.add.f32.msk $0xffff, v11;
	s16 =	sor.u32 $0x10, s1  }
0x2eb: {  	[tilespmem:s16+$0x0] =	vst.add.f32.msk $0xffff, v12;
	s16 =	sor.u32 $0x20, s1  }
0x2ec: {  	[tilespmem:s16+$0x0] =	vst.add.f32.msk $0xffff, v13;
	s16 =	sor.u32 $0x30, s1  }
0x2ed: {  	[tilespmem:s16+$0x0] =	vst.add.f32.msk $0xffff, v14;
	s16 =	sor.u32 $0x40, s1  }
0x2ee: {  	[tilespmem:s16+$0x0] =	vst.add.f32.msk $0xffff, v15;
	s16 =	sor.u32 $0x50, s1  }
0x2ef: {  	[tilespmem:s16+$0x0] =	vst.add.f32.msk $0xffff, v16;
	s16 =	sor.u32 $0x60, s1  }
0x2f0: {  	s1 =	sor.u32 $0x70, s1;
	[tilespmem:s16+$0x0] =	vst.add.f32.msk $0xffff, v17  }
0x2f1: {  	[tilespmem:s1+$0x0] =	vst.add.f32.msk $0xffff, v18  }
0x2f2: {  	v3 =	vld [tilespmem:s24+$0x3C00]  }
0x2f3: {  	v4 =	vld [tilespmem:s24+$0x3C10]  }
0x2f4: {  	v5 =	vld [tilespmem:s24+$0x3C20]  }
0x2f5: {  	v6 =	vld [tilespmem:s24+$0x3C30]  }
0x2f6: {  	v7 =	vld [tilespmem:s24+$0x3C40]  }
0x2f7: {  	v8 =	vld [tilespmem:s24+$0x3C50]  }
0x2f8: {  	v9 =	vld [tilespmem:s24+$0x3C60]  }
0x2f9: {  	v10 =	vld [tilespmem:s24+$0x3C70]  }
0x2fa: {  	v11 =	vld [tilespmem:s24+$0x9C00]  }
0x2fb: {  	v12 =	vld [tilespmem:s24+$0x9C10]  }
0x2fc: {  	v13 =	vld [tilespmem:s24+$0x9C20]  }
0x2fd: {  	v14 =	vld [tilespmem:s24+$0x9C30]  }
0x2fe: {  	v15 =	vld [tilespmem:s24+$0x9C40]  }
0x2ff: {  	v16 =	vld [tilespmem:s24+$0x9C50]  }
0x300: {  	s1 =	sor.u32 s3, s23;
	v17 =	vld [tilespmem:s24+$0x9C60]  }
0x301: {  	s1 =	sor.u32 $0x6400, s1;
	v18 =	vld [tilespmem:s24+$0x9C70]  }
0x302: {  	[tilespmem:s1+$0xC800] =	vst.add.f32.msk $0xffff, v3  }
0x303: {  	[tilespmem:s1+$0xC810] =	vst.add.f32.msk $0xffff, v4  }
0x304: {  	[tilespmem:s1+$0xC820] =	vst.add.f32.msk $0xffff, v5  }
0x305: {  	[tilespmem:s1+$0xC830] =	vst.add.f32.msk $0xffff, v6  }
0x306: {  	[tilespmem:s1+$0xC840] =	vst.add.f32.msk $0xffff, v7  }
0x307: {  	[tilespmem:s1+$0xC850] =	vst.add.f32.msk $0xffff, v8  }
0x308: {  	[tilespmem:s1+$0xC860] =	vst.add.f32.msk $0xffff, v9  }
0x309: {  	[tilespmem:s1+$0xC870] =	vst.add.f32.msk $0xffff, v10;
	s1 =	sadd.s32 $0x13800, s26  }
0x30a: {  	[tilespmem:s26+$0x13800] =	vst.add.f32.msk $0xffff, v11;
	s3 =	sor.u32 $0x10, s1  }
0x30b: {  	[tilespmem:s3+$0x0] =	vst.add.f32.msk $0xffff, v12;
	s3 =	sor.u32 $0x20, s1  }
0x30c: {  	[tilespmem:s3+$0x0] =	vst.add.f32.msk $0xffff, v13;
	s3 =	sor.u32 $0x30, s1  }
0x30d: {  	[tilespmem:s3+$0x0] =	vst.add.f32.msk $0xffff, v14;
	s3 =	sor.u32 $0x40, s1  }
0x30e: {  	[tilespmem:s3+$0x0] =	vst.add.f32.msk $0xffff, v15;
	s3 =	sor.u32 $0x50, s1  }
0x30f: {  	[tilespmem:s3+$0x0] =	vst.add.f32.msk $0xffff, v16;
	s3 =	sor.u32 $0x60, s1  }
0x310: {  	s1 =	sor.u32 $0x70, s1;
	[tilespmem:s3+$0x0] =	vst.add.f32.msk $0xffff, v17  }
0x311: {  	[tilespmem:s1+$0x0] =	vst.add.f32.msk $0xffff, v18  }
0x312: {  	v13 =	vld [tilespmem:s24+$0x4000]  }
0x313: {  	v12 =	vld [tilespmem:s24+$0x4010]  }
0x314: {  	v11 =	vld [tilespmem:s24+$0x4020]  }
0x315: {  	v10 =	vld [tilespmem:s24+$0x4030]  }
0x316: {  	v9 =	vld [tilespmem:s24+$0x4040]  }
0x317: {  	v8 =	vld [tilespmem:s24+$0x4050]  }
.Ltmp2:
0x318: {  	v7 =	vld [tilespmem:s24+$0x4060];
	(pc) =	sbr.rel @p1 .LBB2_7-.Ltmp2, $4  }
0x319: {  	v6 =	vld [tilespmem:s24+$0x4070]  }
0x31a: {  	v5 =	vld [tilespmem:s24+$0xA000]  }
0x31b: {  	v4 =	vld [tilespmem:s24+$0xA010]  }
0x31c: {  	s30 =	sadd.s32 $0x1, s30;
	v3 =	vld [tilespmem:s24+$0xA020]  }
0x31d: {  	v14 =	vld [tilespmem:s24+$0xA030]  }
0x31e: {  	v15 =	vld [tilespmem:s24+$0xA040]  }
0x31f: {  	v16 =	vld [tilespmem:s24+$0xA050]  }
0x320: {  	v17 =	vld [tilespmem:s24+$0xA060]  }
0x321: {  	v18 =	vld [tilespmem:s24+$0xA070];
	s1 =	sadd.s32 $0x13000, s26  }
0x322: {  	[tilespmem:s26+$0x13000] =	vst.add.f32.msk $0xffff, v13;
	s3 =	sor.u32 $0x10, s1  }
0x323: {  	s16 =	sor.u32 $0x20, s1;
	[tilespmem:s3+$0x0] =	vst.add.f32.msk $0xffff, v12  }
0x324: {  	s23 =	sor.u32 $0x30, s1;
	[tilespmem:s16+$0x0] =	vst.add.f32.msk $0xffff, v11  }
0x325: {  	s24 =	sor.u32 $0x40, s1;
	[tilespmem:s23+$0x0] =	vst.add.f32.msk $0xffff, v10  }
0x326: {  	s30 =	sor.u32 $0x50, s1;
	[tilespmem:s24+$0x0] =	vst.add.f32.msk $0xffff, v9  }
0x327: {  	s31 =	sor.u32 $0x60, s1;
	[tilespmem:s30+$0x0] =	vst.add.f32.msk $0xffff, v8  }
0x328: {  	s1 =	sor.u32 $0x70, s1;
	[tilespmem:s31+$0x0] =	vst.add.f32.msk $0xffff, v7  }
0x329: {  	[tilespmem:s1+$0x0] =	vst.add.f32.msk $0xffff, v6;
	s1 =	sadd.s32 $0x13C00, s26  }
0x32a: {  	[tilespmem:s26+$0x13C00] =	vst.add.f32.msk $0xffff, v5;
	s16 =	sor.u32 $0x10, s1  }
0x32b: {  	s23 =	sor.u32 $0x20, s1;
	[tilespmem:s16+$0x0] =	vst.add.f32.msk $0xffff, v4  }
0x32c: {  	s24 =	sor.u32 $0x30, s1;
	[tilespmem:s23+$0x0] =	vst.add.f32.msk $0xffff, v3  }
0x32d: {  	s26 =	sor.u32 $0x40, s1;
	[tilespmem:s24+$0x0] =	vst.add.f32.msk $0xffff, v14  }
0x32e: {  	s30 =	sor.u32 $0x50, s1;
	[tilespmem:s26+$0x0] =	vst.add.f32.msk $0xffff, v15  }
0x32f: {  	s31 =	sor.u32 $0x60, s1;
	[tilespmem:s30+$0x0] =	vst.add.f32.msk $0xffff, v16  }
0x330: {  	s1 =	sor.u32 $0x70, s1;
	[tilespmem:s31+$0x0] =	vst.add.f32.msk $0xffff, v17  }
0x331: {  	s3 =	sadd.s32 s5, s22;
	[tilespmem:s1+$0x0] =	vst.add.f32.msk $0xffff, v18;
	s1 =	simm.s32 @!p0 $0x6  }
0x332: {  	[hbm4b:s3+s7] =	stream.linear.scatter [tilespmem:s28], [sflag:$0x7], $0x3000, $0x38;
	[tilespmem:$0x18800] =	vst v63  }
0x333: {  	_ =	swait.ge @!p0 [sflag:s1], $0x3000  }
0x334: {  	[sflag:s1] =	ssyncset.done @!p0 $0x0  }
0x335: {  	[sflag:s1] =	ssyncadd.s32 @!p0 $0xFFFFD000  }
0x336: {  	v3 =	vld @!p0 [tilespmem:s21+$0x50];
	_ =	sdelay $0x4  }
0x337: {  	v4 =	vshrl.u32 @!p0 v3, $0x3  }
0x338: {  	v4 =	vmul.u32 @!p0 $0x18, v4  }
0x339: {  	v5 =	vlaneseq.u32 @!p0;
	v3 =	vand.u32 @!p0 $0x7, v3  }
0x33a: {  	v6 =	vshrl.u32 @!p0 v5, $0x3;
	v3 =	vor.u32 @!p0 v3, v4;
	v4 =	vand.u32 @!p0 $0x7, v5  }
0x33b: {  	v6 =	vmul.u32 @!p0 $0x8, v6;
	v7 =	vperm.xlane @!p0 v3, v4;
	_ =	sdelay $0x1  }
0x33c: {  	v7 =	vadd.s32 @!p0 v6, v7  }
0x33d: {  	v5 =	vor.u32 @!p0 $0x8, v5  }
0x33e: {  	v3 =	vperm.xlane @!p0 v3, v5;
	_ =	sdelay $0x1  }
0x33f: {  	s3 =	simm.s32 @!p0 $0x2000;
	s1 =	simm.s32 @!p0 $0x0;
	v3 =	vadd.s32 @!p0 v6, v3  }
0x340: {  	[tilespmem:s3], [sflag:$0x2] =	stream.indirect_vreg.gather @!p0 [hbm4b:s2+s1], $0x80, v7, vm2, $0xb8;
	[tilespmem:$0x18800] =	vst v63  }
0x341: {  	s3 =	simm.s32 @!p0 $0x2800  }
0x342: {  	[tilespmem:s3], [sflag:$0x2] =	stream.indirect_vreg.gather @!p0 [hbm4b:s11+s1], $0x80, v7, vm3, $0xb8;
	[tilespmem:$0x18800] =	vst v63  }
0x343: {  	s3 =	simm.s32 @!p0 $0x2C00  }
0x344: {  	[tilespmem:s3], [sflag:$0x2] =	stream.indirect_vreg.gather @!p0 [hbm4b:s2+s1], $0x80, v3, vm2, $0xb8;
	[tilespmem:$0x18800] =	vst v63  }
0x345: {  	s3 =	simm.s32 @!p0 $0x3400  }
0x346: {  	[tilespmem:s3], [sflag:$0x2] =	stream.indirect_vreg.gather @!p0 [hbm4b:s11+s1], $0x80, v3, vm3, $0xb8;
	[tilespmem:$0x18800] =	vst v63  }
0x347: {  	v3 =	vld @!p0 [tilespmem:s21+$0x450];
	_ =	sdelay $0x4  }
0x348: {  	v7 =	vshrl.u32 @!p0 v3, $0x3  }
0x349: {  	v7 =	vmul.u32 @!p0 $0x18, v7  }
0x34a: {  	v3 =	vand.u32 @!p0 $0x7, v3  }
0x34b: {  	v3 =	vor.u32 @!p0 v3, v7  }
0x34c: {  	v4 =	vperm.xlane @!p0 v3, v4;
	_ =	sdelay $0x1  }
0x34d: {  	v4 =	vadd.s32 @!p0 v6, v4;
	_ =	sdelay $0x2  }
0x34e: {  	v3 =	vperm.xlane @!p0 v3, v5  }
0x34f: {  	s3 =	simm.s32 @!p0 $0x8000  }
0x350: {  	v3 =	vadd.s32 @!p0 v6, v3;
	[tilespmem:s3], [sflag:$0x2] =	stream.indirect_vreg.gather @!p0 [hbm4b:s4+s1], $0x80, v4, vm2, $0xb8;
	[tilespmem:$0x18800] =	vst v63  }
0x351: {  	s3 =	simm.s32 @!p0 $0x8800  }
0x352: {  	[tilespmem:s3], [sflag:$0x2] =	stream.indirect_vreg.gather @!p0 [hbm4b:s12+s1], $0x80, v4, vm3, $0xb8;
	[tilespmem:$0x18800] =	vst v63  }
0x353: {  	s3 =	sadd.s32 @!p0 $0x50, s21  }
0x354: {  	s16 =	simm.s32 @!p0 $0x8C00;
	s3 =	sadd.s32 @!p0 s6, s3  }
0x355: {  	[tilespmem:s16], [sflag:$0x2] =	stream.indirect_vreg.gather @!p0 [hbm4b:s4+s1], $0x80, v3, vm2, $0xb8;
	[tilespmem:$0x18800] =	vst v63  }
0x356: {  	s3 =	sshrl.u32 @!p0 s3, $0x3  }
0x357: {  	s16 =	simm.s32 @!p0 $0x9400;
	s3 =	smul.u32 @!p0 $0x300, s3  }
0x358: {  	[tilespmem:s16], [sflag:$0x2] =	stream.indirect_vreg.gather @!p0 [hbm4b:s12+s1], $0x80, v3, vm3, $0xb8;
	[tilespmem:$0x18800] =	vst v63  }
0x359: {  	s16 =	simm.s32 @!p0 $0xF800;
	s3 =	sadd.s32 @!p0 s0, s3  }
0x35a: {  	[tilespmem:s16], [sflag:$0x2] =	stream.linear.gather @!p0 [hbm4b:s3+s1], $0x3000, $0x38;
	[tilespmem:$0x18800] =	vst v63  }
0x35b: {  	_ =	swait.ge [sflag:s18], $0x1800  }
0x35c: {  	[sflag:s18] =	ssyncset.done $0x0  }
0x35d: {  	[sflag:s18] =	ssyncadd.s32 $0xFFFFE800  }
0x35e: {  	_ =	swait.ge [sflag:s18], $0x1800  }
0x35f: {  	[sflag:s18] =	ssyncset.done $0x0  }
0x360: {  	s16 =	simm.s32 $0x0;
	[sflag:s18] =	ssyncadd.s32 $0xFFFFE800  }
0x361: {  	s21 =	simm.s32 $0x0;
	s23 =	smul.u32 $0xC00, s16;
	_ =	swait.ge [sflag:s18], $0x3000  }
0x362: {  	s24 =	sand.u32 $0x380, s21;
	[sflag:s18] =	ssyncset.done $0x0  }
0x363: {  	s22 =	sor.u32 s24, s23;
	[sflag:s18] =	ssyncadd.s32 $0xFFFFD000  }
0x364: {  	v3 =	vld [tilespmem:s22+$0x5000]  }
0x365: {  	v4 =	vld [tilespmem:s22+$0x5010]  }
0x366: {  	v5 =	vld [tilespmem:s22+$0x5020]  }
0x367: {  	v6 =	vld [tilespmem:s22+$0x5030]  }
0x368: {  	v7 =	vld [tilespmem:s22+$0x5040]  }
0x369: {  	v8 =	vld [tilespmem:s22+$0x5050]  }
0x36a: {  	v54 =	vld [tilespmem:s22+$0x5060]  }
0x36b: {  	v55 =	vld [tilespmem:s22+$0x5070]  }
0x36c: {  	v56 =	vld [tilespmem:s22+$0xB000]  }
0x36d: {  	v57 =	vld [tilespmem:s22+$0xB010]  }
0x36e: {  	v58 =	vld [tilespmem:s22+$0xB020]  }
0x36f: {  	v59 =	vld [tilespmem:s22+$0xB030]  }
0x370: {  	s23 =	smul.u32 $0x1800, s16;
	v60 =	vld [tilespmem:s22+$0xB040]  }
0x371: {  	v61 =	vld [tilespmem:s22+$0xB050]  }
0x372: {  	s24 =	sor.u32 s24, s23;
	v62 =	vld [tilespmem:s22+$0xB060]  }
0x373: {  	s1 =	sadd.s32 $0x15800, s24;
	v63 =	vld [tilespmem:s22+$0xB070]  }
0x374: {  	s26 =	sor.u32 $0x10, s1;
	[tilespmem:s24+$0x15800] =	vst.add.f32.msk $0xffff, v3  }
0x375: {  	s30 =	sor.u32 $0x20, s1;
	[tilespmem:s26+$0x0] =	vst.add.f32.msk $0xffff, v4  }
0x376: {  	s31 =	sor.u32 $0x30, s1;
	[tilespmem:s30+$0x0] =	vst.add.f32.msk $0xffff, v5  }
0x377: {  	s16 =	sor.u32 $0x40, s1;
	[tilespmem:s31+$0x0] =	vst.add.f32.msk $0xffff, v6  }
0x378: {  	s26 =	sor.u32 $0x50, s1;
	[tilespmem:s16+$0x0] =	vst.add.f32.msk $0xffff, v7  }
0x379: {  	s30 =	sor.u32 $0x60, s1;
	[tilespmem:s26+$0x0] =	vst.add.f32.msk $0xffff, v8  }
0x37a: {  	s1 =	sor.u32 $0x70, s1;
	[tilespmem:s30+$0x0] =	vst.add.f32.msk $0xffff, v54  }
0x37b: {  	[tilespmem:s1+$0x0] =	vst.add.f32.msk $0xffff, v55;
	s1 =	sadd.s32 $0x16400, s24  }
0x37c: {  	[tilespmem:s24+$0x16400] =	vst.add.f32.msk $0xffff, v56;
	s31 =	sor.u32 $0x10, s1  }
0x37d: {  	s16 =	sor.u32 $0x20, s1;
	[tilespmem:s31+$0x0] =	vst.add.f32.msk $0xffff, v57  }
0x37e: {  	s26 =	sor.u32 $0x30, s1;
	[tilespmem:s16+$0x0] =	vst.add.f32.msk $0xffff, v58  }
0x37f: {  	s30 =	sor.u32 $0x40, s1;
	[tilespmem:s26+$0x0] =	vst.add.f32.msk $0xffff, v59  }
0x380: {  	s31 =	sor.u32 $0x50, s1;
	[tilespmem:s30+$0x0] =	vst.add.f32.msk $0xffff, v60  }
0x381: {  	s16 =	sor.u32 $0x60, s1;
	[tilespmem:s31+$0x0] =	vst.add.f32.msk $0xffff, v61  }
0x382: {  	s1 =	sor.u32 $0x70, s1;
	[tilespmem:s16+$0x0] =	vst.add.f32.msk $0xffff, v62  }
0x383: {  	[tilespmem:s1+$0x0] =	vst.add.f32.msk $0xffff, v63  }
0x384: {  	v3 =	vld [tilespmem:s22+$0x5400]  }
0x385: {  	v4 =	vld [tilespmem:s22+$0x5410]  }
0x386: {  	v5 =	vld [tilespmem:s22+$0x5420]  }
0x387: {  	v6 =	vld [tilespmem:s22+$0x5430]  }
0x388: {  	v7 =	vld [tilespmem:s22+$0x5440]  }
0x389: {  	v8 =	vld [tilespmem:s22+$0x5450]  }
0x38a: {  	v9 =	vld [tilespmem:s22+$0x5460]  }
0x38b: {  	v10 =	vld [tilespmem:s22+$0x5470]  }
0x38c: {  	v11 =	vld [tilespmem:s22+$0xB400]  }
0x38d: {  	v12 =	vld [tilespmem:s22+$0xB410]  }
0x38e: {  	v13 =	vld [tilespmem:s22+$0xB420]  }
0x38f: {  	v14 =	vld [tilespmem:s22+$0xB430]  }
0x390: {  	v15 =	vld [tilespmem:s22+$0xB440]  }
0x391: {  	v16 =	vld [tilespmem:s22+$0xB450]  }
0x392: {  	v17 =	vld [tilespmem:s22+$0xB460]  }
0x393: {  	s1 =	sadd.s32 $0x15C00, s24;
	v18 =	vld [tilespmem:s22+$0xB470]  }
0x394: {  	s26 =	sor.u32 $0x10, s1;
	[tilespmem:s24+$0x15C00] =	vst.add.f32.msk $0xffff, v3  }
0x395: {  	s30 =	sor.u32 $0x20, s1;
	[tilespmem:s26+$0x0] =	vst.add.f32.msk $0xffff, v4  }
0x396: {  	s31 =	sor.u32 $0x30, s1;
	[tilespmem:s30+$0x0] =	vst.add.f32.msk $0xffff, v5  }
0x397: {  	s16 =	sor.u32 $0x40, s1;
	[tilespmem:s31+$0x0] =	vst.add.f32.msk $0xffff, v6  }
0x398: {  	s26 =	sor.u32 $0x50, s1;
	[tilespmem:s16+$0x0] =	vst.add.f32.msk $0xffff, v7  }
0x399: {  	s30 =	sor.u32 $0x60, s1;
	[tilespmem:s26+$0x0] =	vst.add.f32.msk $0xffff, v8  }
0x39a: {  	s1 =	sor.u32 $0x70, s1;
	[tilespmem:s30+$0x0] =	vst.add.f32.msk $0xffff, v9  }
0x39b: {  	s31 =	sadd.s32 $0xC800, s24;
	[tilespmem:s1+$0x0] =	vst.add.f32.msk $0xffff, v10  }
0x39c: {  	[tilespmem:s31+$0xA000] =	vst.add.f32.msk $0xffff, v11  }
0x39d: {  	[tilespmem:s31+$0xA010] =	vst.add.f32.msk $0xffff, v12  }
0x39e: {  	[tilespmem:s31+$0xA020] =	vst.add.f32.msk $0xffff, v13  }
0x39f: {  	[tilespmem:s31+$0xA030] =	vst.add.f32.msk $0xffff, v14  }
0x3a0: {  	[tilespmem:s31+$0xA040] =	vst.add.f32.msk $0xffff, v15  }
0x3a1: {  	[tilespmem:s31+$0xA050] =	vst.add.f32.msk $0xffff, v16  }
0x3a2: {  	[tilespmem:s31+$0xA060] =	vst.add.f32.msk $0xffff, v17  }
0x3a3: {  	[tilespmem:s31+$0xA070] =	vst.add.f32.msk $0xffff, v18  }
0x3a4: {  	v6 =	vld [tilespmem:s22+$0x5800]  }
0x3a5: {  	v5 =	vld [tilespmem:s22+$0x5810]  }
0x3a6: {  	v4 =	vld [tilespmem:s22+$0x5820]  }
0x3a7: {  	s26 =	simm.s32 $0x1;
	v3 =	vld [tilespmem:s22+$0x5830]  }
.LBB2_9:
0x3a8: {  	p0 =	sne.s32 s26, $0xF;
	v7 =	vld [tilespmem:s22+$0x5840]  }
0x3a9: {  	v8 =	vld [tilespmem:s22+$0x5850]  }
0x3aa: {  	v9 =	vld [tilespmem:s22+$0x5860]  }
0x3ab: {  	v10 =	vld [tilespmem:s22+$0x5870]  }
0x3ac: {  	v11 =	vld [tilespmem:s22+$0xB800]  }
0x3ad: {  	v12 =	vld [tilespmem:s22+$0xB810]  }
0x3ae: {  	v13 =	vld [tilespmem:s22+$0xB820]  }
0x3af: {  	v14 =	vld [tilespmem:s22+$0xB830]  }
0x3b0: {  	v15 =	vld [tilespmem:s22+$0xB840]  }
0x3b1: {  	v16 =	vld [tilespmem:s22+$0xB850]  }
0x3b2: {  	v17 =	vld [tilespmem:s22+$0xB860]  }
0x3b3: {  	s1 =	sadd.s32 $0x16000, s24;
	v18 =	vld [tilespmem:s22+$0xB870]  }
0x3b4: {  	s3 =	sor.u32 $0x10, s1;
	[tilespmem:s24+$0x16000] =	vst.add.f32.msk $0xffff, v6  }
0x3b5: {  	[tilespmem:s3+$0x0] =	vst.add.f32.msk $0xffff, v5;
	s3 =	sor.u32 $0x20, s1  }
0x3b6: {  	[tilespmem:s3+$0x0] =	vst.add.f32.msk $0xffff, v4;
	s3 =	sor.u32 $0x30, s1  }
0x3b7: {  	[tilespmem:s3+$0x0] =	vst.add.f32.msk $0xffff, v3;
	s3 =	sor.u32 $0x40, s1  }
0x3b8: {  	[tilespmem:s3+$0x0] =	vst.add.f32.msk $0xffff, v7;
	s3 =	sor.u32 $0x50, s1  }
0x3b9: {  	[tilespmem:s3+$0x0] =	vst.add.f32.msk $0xffff, v8;
	s3 =	sor.u32 $0x60, s1  }
0x3ba: {  	s1 =	sor.u32 $0x70, s1;
	[tilespmem:s3+$0x0] =	vst.add.f32.msk $0xffff, v9;
	s3 =	sor.u32 s23, s21  }
0x3bb: {  	[tilespmem:s1+$0x0] =	vst.add.f32.msk $0xffff, v10;
	s1 =	sor.u32 $0xA400, s3  }
0x3bc: {  	[tilespmem:s1+$0xC870] =	vst.add.f32.msk $0xffff, v18  }
0x3bd: {  	[tilespmem:s1+$0xC800] =	vst.add.f32.msk $0xffff, v11  }
0x3be: {  	[tilespmem:s1+$0xC810] =	vst.add.f32.msk $0xffff, v12  }
0x3bf: {  	[tilespmem:s1+$0xC820] =	vst.add.f32.msk $0xffff, v13  }
0x3c0: {  	s3 =	sshrl.u32 s26, $0x3;
	[tilespmem:s1+$0xC830] =	vst.add.f32.msk $0xffff, v14  }
0x3c1: {  	s21 =	sadd.s32 $0x80, s21;
	s16 =	smul.u32 $0xC00, s3;
	[tilespmem:s1+$0xC840] =	vst.add.f32.msk $0xffff, v15  }
0x3c2: {  	s24 =	sand.u32 $0x380, s21;
	[tilespmem:s1+$0xC850] =	vst.add.f32.msk $0xffff, v16  }
0x3c3: {  	s22 =	sor.u32 s24, s16;
	[tilespmem:s1+$0xC860] =	vst.add.f32.msk $0xffff, v17  }
0x3c4: {  	v3 =	vld [tilespmem:s22+$0x5000]  }
0x3c5: {  	v4 =	vld [tilespmem:s22+$0x5010]  }
0x3c6: {  	v5 =	vld [tilespmem:s22+$0x5020]  }
0x3c7: {  	v6 =	vld [tilespmem:s22+$0x5030]  }
0x3c8: {  	v7 =	vld [tilespmem:s22+$0x5040]  }
0x3c9: {  	v8 =	vld [tilespmem:s22+$0x5050]  }
0x3ca: {  	v9 =	vld [tilespmem:s22+$0x5060]  }
0x3cb: {  	v10 =	vld [tilespmem:s22+$0x5070]  }
0x3cc: {  	v11 =	vld [tilespmem:s22+$0xB000]  }
0x3cd: {  	v12 =	vld [tilespmem:s22+$0xB010]  }
0x3ce: {  	v13 =	vld [tilespmem:s22+$0xB020]  }
0x3cf: {  	v14 =	vld [tilespmem:s22+$0xB030]  }
0x3d0: {  	s23 =	smul.u32 $0x1800, s3;
	v15 =	vld [tilespmem:s22+$0xB040]  }
0x3d1: {  	v16 =	vld [tilespmem:s22+$0xB050]  }
0x3d2: {  	s24 =	sor.u32 s24, s23;
	v17 =	vld [tilespmem:s22+$0xB060]  }
0x3d3: {  	s1 =	sadd.s32 $0x15800, s24;
	v18 =	vld [tilespmem:s22+$0xB070]  }
0x3d4: {  	s3 =	sor.u32 $0x10, s1;
	[tilespmem:s24+$0x15800] =	vst.add.f32.msk $0xffff, v3  }
0x3d5: {  	[tilespmem:s3+$0x0] =	vst.add.f32.msk $0xffff, v4;
	s3 =	sor.u32 $0x20, s1  }
0x3d6: {  	[tilespmem:s3+$0x0] =	vst.add.f32.msk $0xffff, v5;
	s3 =	sor.u32 $0x30, s1  }
0x3d7: {  	[tilespmem:s3+$0x0] =	vst.add.f32.msk $0xffff, v6;
	s3 =	sor.u32 $0x40, s1  }
0x3d8: {  	[tilespmem:s3+$0x0] =	vst.add.f32.msk $0xffff, v7;
	s3 =	sor.u32 $0x50, s1  }
0x3d9: {  	[tilespmem:s3+$0x0] =	vst.add.f32.msk $0xffff, v8;
	s3 =	sor.u32 $0x60, s1  }
0x3da: {  	s1 =	sor.u32 $0x70, s1;
	[tilespmem:s3+$0x0] =	vst.add.f32.msk $0xffff, v9  }
0x3db: {  	[tilespmem:s1+$0x0] =	vst.add.f32.msk $0xffff, v10;
	s1 =	sadd.s32 $0x16400, s24  }
0x3dc: {  	[tilespmem:s24+$0x16400] =	vst.add.f32.msk $0xffff, v11;
	s3 =	sor.u32 $0x10, s1  }
0x3dd: {  	[tilespmem:s3+$0x0] =	vst.add.f32.msk $0xffff, v12;
	s3 =	sor.u32 $0x20, s1  }
0x3de: {  	[tilespmem:s3+$0x0] =	vst.add.f32.msk $0xffff, v13;
	s3 =	sor.u32 $0x30, s1  }
0x3df: {  	[tilespmem:s3+$0x0] =	vst.add.f32.msk $0xffff, v14;
	s3 =	sor.u32 $0x40, s1  }
0x3e0: {  	[tilespmem:s3+$0x0] =	vst.add.f32.msk $0xffff, v15;
	s3 =	sor.u32 $0x50, s1  }
0x3e1: {  	[tilespmem:s3+$0x0] =	vst.add.f32.msk $0xffff, v16;
	s3 =	sor.u32 $0x60, s1  }
0x3e2: {  	s1 =	sor.u32 $0x70, s1;
	[tilespmem:s3+$0x0] =	vst.add.f32.msk $0xffff, v17  }
0x3e3: {  	[tilespmem:s1+$0x0] =	vst.add.f32.msk $0xffff, v18  }
0x3e4: {  	v3 =	vld [tilespmem:s22+$0x5400]  }
0x3e5: {  	v4 =	vld [tilespmem:s22+$0x5410]  }
0x3e6: {  	v5 =	vld [tilespmem:s22+$0x5420]  }
0x3e7: {  	v6 =	vld [tilespmem:s22+$0x5430]  }
0x3e8: {  	v7 =	vld [tilespmem:s22+$0x5440]  }
0x3e9: {  	v8 =	vld [tilespmem:s22+$0x5450]  }
0x3ea: {  	v9 =	vld [tilespmem:s22+$0x5460]  }
0x3eb: {  	v10 =	vld [tilespmem:s22+$0x5470]  }
0x3ec: {  	v11 =	vld [tilespmem:s22+$0xB400]  }
0x3ed: {  	v12 =	vld [tilespmem:s22+$0xB410]  }
0x3ee: {  	v13 =	vld [tilespmem:s22+$0xB420]  }
0x3ef: {  	v14 =	vld [tilespmem:s22+$0xB430]  }
0x3f0: {  	v15 =	vld [tilespmem:s22+$0xB440]  }
0x3f1: {  	v16 =	vld [tilespmem:s22+$0xB450]  }
0x3f2: {  	v17 =	vld [tilespmem:s22+$0xB460]  }
0x3f3: {  	s1 =	sadd.s32 $0x15C00, s24;
	v18 =	vld [tilespmem:s22+$0xB470]  }
0x3f4: {  	s3 =	sor.u32 $0x10, s1;
	[tilespmem:s24+$0x15C00] =	vst.add.f32.msk $0xffff, v3  }
0x3f5: {  	[tilespmem:s3+$0x0] =	vst.add.f32.msk $0xffff, v4;
	s3 =	sor.u32 $0x20, s1  }
0x3f6: {  	[tilespmem:s3+$0x0] =	vst.add.f32.msk $0xffff, v5;
	s3 =	sor.u32 $0x30, s1  }
0x3f7: {  	[tilespmem:s3+$0x0] =	vst.add.f32.msk $0xffff, v6;
	s3 =	sor.u32 $0x40, s1  }
0x3f8: {  	[tilespmem:s3+$0x0] =	vst.add.f32.msk $0xffff, v7;
	s3 =	sor.u32 $0x50, s1  }
0x3f9: {  	[tilespmem:s3+$0x0] =	vst.add.f32.msk $0xffff, v8;
	s3 =	sor.u32 $0x60, s1  }
0x3fa: {  	s1 =	sor.u32 $0x70, s1;
	[tilespmem:s3+$0x0] =	vst.add.f32.msk $0xffff, v9  }
0x3fb: {  	[tilespmem:s1+$0x0] =	vst.add.f32.msk $0xffff, v10;
	s1 =	sadd.s32 $0xC800, s24  }
0x3fc: {  	[tilespmem:s1+$0xA000] =	vst.add.f32.msk $0xffff, v11  }
0x3fd: {  	[tilespmem:s1+$0xA010] =	vst.add.f32.msk $0xffff, v12  }
0x3fe: {  	[tilespmem:s1+$0xA020] =	vst.add.f32.msk $0xffff, v13  }
0x3ff: {  	[tilespmem:s1+$0xA030] =	vst.add.f32.msk $0xffff, v14  }
0x400: {  	[tilespmem:s1+$0xA040] =	vst.add.f32.msk $0xffff, v15  }
0x401: {  	[tilespmem:s1+$0xA050] =	vst.add.f32.msk $0xffff, v16  }
0x402: {  	[tilespmem:s1+$0xA060] =	vst.add.f32.msk $0xffff, v17  }
.Ltmp3:
0x403: {  	[tilespmem:s1+$0xA070] =	vst.add.f32.msk $0xffff, v18;
	(pc) =	sbr.rel @p0 .LBB2_9-.Ltmp3, $4  }
0x404: {  	v6 =	vld [tilespmem:s22+$0x5800]  }
0x405: {  	v5 =	vld [tilespmem:s22+$0x5810]  }
0x406: {  	v4 =	vld [tilespmem:s22+$0x5820]  }
0x407: {  	s26 =	sadd.s32 $0x1, s26;
	v3 =	vld [tilespmem:s22+$0x5830]  }
0x408: {  	v7 =	vld [tilespmem:s22+$0x5840]  }
0x409: {  	v8 =	vld [tilespmem:s22+$0x5850]  }
0x40a: {  	v9 =	vld [tilespmem:s22+$0x5860]  }
0x40b: {  	v10 =	vld [tilespmem:s22+$0x5870]  }
0x40c: {  	v11 =	vld [tilespmem:s22+$0xB800]  }
0x40d: {  	v12 =	vld [tilespmem:s22+$0xB810]  }
0x40e: {  	v13 =	vld [tilespmem:s22+$0xB820]  }
0x40f: {  	v14 =	vld [tilespmem:s22+$0xB830]  }
0x410: {  	v15 =	vld [tilespmem:s22+$0xB840]  }
0x411: {  	v16 =	vld [tilespmem:s22+$0xB850]  }
0x412: {  	v17 =	vld [tilespmem:s22+$0xB860]  }
0x413: {  	v18 =	vld [tilespmem:s22+$0xB870];
	s1 =	sadd.s32 $0x16000, s24  }
0x414: {  	[tilespmem:s24+$0x16000] =	vst.add.f32.msk $0xffff, v6;
	s3 =	sor.u32 $0x10, s1  }
0x415: {  	s30 =	sor.u32 $0x20, s1;
	[tilespmem:s3+$0x0] =	vst.add.f32.msk $0xffff, v5  }
0x416: {  	s31 =	sor.u32 $0x30, s1;
	[tilespmem:s30+$0x0] =	vst.add.f32.msk $0xffff, v4  }
0x417: {  	s16 =	sor.u32 $0x40, s1;
	[tilespmem:s31+$0x0] =	vst.add.f32.msk $0xffff, v3  }
0x418: {  	s22 =	sor.u32 $0x50, s1;
	[tilespmem:s16+$0x0] =	vst.add.f32.msk $0xffff, v7  }
0x419: {  	s24 =	sor.u32 $0x60, s1;
	[tilespmem:s22+$0x0] =	vst.add.f32.msk $0xffff, v8  }
0x41a: {  	s26 =	sor.u32 s23, s21;
	s1 =	sor.u32 $0x70, s1;
	[tilespmem:s24+$0x0] =	vst.add.f32.msk $0xffff, v9  }
0x41b: {  	s30 =	sor.u32 $0xA400, s26;
	[tilespmem:s1+$0x0] =	vst.add.f32.msk $0xffff, v10  }
0x41c: {  	[tilespmem:s30+$0xC870] =	vst.add.f32.msk $0xffff, v18  }
0x41d: {  	[tilespmem:s30+$0xC800] =	vst.add.f32.msk $0xffff, v11  }
0x41e: {  	s19 =	sadd.s32 $0x1, s19;
	[tilespmem:s30+$0xC810] =	vst.add.f32.msk $0xffff, v12  }
0x41f: {  	p0 =	sne.s32 s19, $0x10;
	[tilespmem:s30+$0xC820] =	vst.add.f32.msk $0xffff, v13  }
.Ltmp4:
0x420: {  	[tilespmem:s30+$0xC830] =	vst.add.f32.msk $0xffff, v14;
	(pc) =	sbr.rel @p0 .LBB2_2-.Ltmp4, $4  }
0x421: {  	[tilespmem:s30+$0xC840] =	vst.add.f32.msk $0xffff, v15  }
0x422: {  	[tilespmem:s30+$0xC850] =	vst.add.f32.msk $0xffff, v16  }
0x423: {  	s31 =	sadd.s32 s5, s20;
	[tilespmem:s30+$0xC860] =	vst.add.f32.msk $0xffff, v17  }
0x424: {  	[hbm4b:s31+s7] =	stream.linear.scatter [tilespmem:s14], [sflag:$0x8], $0x3000, $0x38;
	[tilespmem:$0x18800] =	vst v63  }
0x425: {  	s1 =	simm.s32 $0x5  }
0x426: {  	_ =	swait.ge [sflag:s1], $0x3000  }
0x427: {  	[sflag:s1] =	ssyncset.done $0x0  }
0x428: {  	s26 =	simm.s32 $0x6;
	[sflag:s1] =	ssyncadd.s32 $0xFFFFD000  }
0x429: {  	_ =	swait.ge [sflag:s26], $0x3000  }
0x42a: {  	[sflag:s26] =	ssyncset.done $0x0  }
0x42b: {  	s30 =	simm.s32 $0x7;
	[sflag:s26] =	ssyncadd.s32 $0xFFFFD000  }
0x42c: {  	_ =	swait.ge [sflag:s30], $0x3000  }
0x42d: {  	[sflag:s30] =	ssyncset.done $0x0  }
0x42e: {  	s3 =	simm.s32 $0x8;
	[sflag:s30] =	ssyncadd.s32 $0xFFFFD000  }
0x42f: {  	_ =	swait.ge [sflag:s3], $0x3000  }
0x430: {  	s16 =	rddreg [dreg:$0xc]  }
0x431: {  	s31 =	rddreg [dreg:$0xb];
	s16 =	sadd.s32 $0x1, s16  }
0x432: {  	p0 =	sne.s32 s16, s31  }
.Ltmp5:
0x433: {  	_ = 	snop;
	(pc) =	sbr.rel @p0 .LBB2_1-.Ltmp5, $3  }
0x434: {  	_ =	sdelay $0x1  }
0x435: {  	[sflag:s3] =	ssyncset.done $0x0  }
0x436: {  	[sflag:s3] =	ssyncadd.s32 $0xFFFFD000  }
0x437: {  	_ =	sfence.sel $0x180000  }
0x438: {  	[bflag:$0x0] =	sbarrier.arrive $0xFFFF  }
0x439: {  	_ =	strace $0x90000047  }
0x43a: {  	s0 =	stileid.u32;
	[bflag:$0x2] =	sbarrier.arrive $0xFFFF  }
0x43b: {  	p0 =	sne.s32 s0, $0x0;
	s0 =	rddreg [dreg:$0x6]  }
0x43c: {  	s0 =	sadd.s32 @!p0 $0x100000, s0  }
0x43d: {  	[sflag:s0] =	ssyncadd.tile.s32 @!p0 $0x1;
	_ =	shalt  }
.Lfunc_end2:
_tile_overlayer_lowered:
.L_overlay_start_2:
0x43e: {  	(tag) =	ssettag $0x2  }
0x43f: {  	s0 =	rddreg [dreg:$0x0];
	s2 =	stileid.u32  }
0x440: {  	s1 =	rddreg [dreg:$0x1];
	p0 =	sne.s32 s2, $0x0  }
0x441: {  	s3 =	rddreg [dreg:$0x2];
	[bflag:$0x3] =	sbarrier.arrive $0xFFFF;
	s2 =	simm.s32 @!p0 $0x1C09  }
0x442: {  	[timem:s3], [sflag:s2] =	dma.local @!p0 [hbm:s0], s1  }
0x443: {  	s0 =	simm.s32 @!p0 $0x9  }
0x444: {  	_ =	swait.ge @!p0 [sflag:s0], s1  }
0x445: {  	s1 =	ssub.s32 @!p0 $0x0, s1;
	[sflag:s0] =	ssyncset.done @!p0 $0x0  }
0x446: {  	[sflag:s0] =	ssyncadd.s32 @!p0 s1  }
0x447: {  	[bflag:$0x3] =	sbarrier.arrive $0xFFFF  }
0x448: {  	_ =	shalt  }

</sc_bundles>
